<compile_context>
chip_gen: v7x
topology: tpu7x:2x2x1
jax: 0.10.2.dev20260603
libtpu: 0.0.44.dev20260713+nightly
codegen_flags: <defaults>
</compile_context>

<pallas_src>
import dataclasses
import functools

import jax
import jax.numpy as jnp
from jax import lax
from jax.experimental import pallas as pl
from jax.experimental.pallas import tpu as pltpu
from jax.experimental.pallas import tpu_sc as plsc

N = 10000
E = 320000
D = 128
NC = 2
NS = 16
NW = NC * NS
CHUNK = 80
EPT = E // NW
CPT = EPT // CHUNK
ACH = 125
ACP = EPT // ACH
APR = ACP // 2
RPT = N // NS

_vmesh = plsc.VectorSubcoreMesh(core_axis_name="c", subcore_axis_name="s")

_sc_cp = pltpu.CompilerParams()
if "needs_layout_passes" in pltpu.CompilerParams.__dataclass_fields__:
    _sc_cp = dataclasses.replace(_sc_cp, needs_layout_passes=False)


@functools.partial(
    pl.kernel,
    out_type=(jax.ShapeDtypeStruct((NW, 1, N), jnp.float32),
              jax.ShapeDtypeStruct((NW, 1, N), jnp.float32)),
    mesh=_vmesh,
    scratch_types=[
        pltpu.VMEM((1, N), jnp.float32),
        pltpu.VMEM((1, N), jnp.float32),
        pltpu.VMEM((CPT, CHUNK), jnp.int32),
    ],
    compiler_params=_sc_cp,
)
def _sc_degree(src_hbm, dst_hbm, osrc_hbm, odst_hbm, cs_v, cd_v, idx_v):
    c = lax.axis_index("c")
    s = lax.axis_index("s")
    w = c * NS + s
    zero16 = jnp.zeros((16,), jnp.float32)

    @pl.loop(0, N // 16)
    def _(g):
        cs_v[0, pl.ds(g * 16, 16)] = zero16
        cd_v[0, pl.ds(g * 16, 16)] = zero16

    ones = jnp.ones((16,), jnp.float32)
    zidx = jnp.zeros((16,), jnp.int32)

    pltpu.sync_copy(src_hbm.at[w], idx_v)

    @pl.loop(0, CPT)
    def _(r):
        for g in range(CHUNK // 16):
            plsc.addupdate_scatter(
                cs_v, [zidx, idx_v[r, pl.ds(g * 16, 16)]], ones)

    pltpu.sync_copy(dst_hbm.at[w], idx_v)

    @pl.loop(0, CPT)
    def _(r):
        for g in range(CHUNK // 16):
            plsc.addupdate_scatter(
                cd_v, [zidx, idx_v[r, pl.ds(g * 16, 16)]], ones)

    pltpu.sync_copy(cs_v, osrc_hbm.at[w])
    pltpu.sync_copy(cd_v, odst_hbm.at[w])


@functools.partial(
    pl.kernel,
    out_type=jax.ShapeDtypeStruct((NC, N, D), jnp.float32),
    mesh=_vmesh,
    scratch_types=[
        [pltpu.VMEM((ACH, D), jnp.float32) for _ in range(2)],
        pltpu.VMEM((ACP, ACH), jnp.int32),
        [pltpu.VMEM((2, ACH), jnp.int32) for _ in range(2)],
        [pltpu.VMEM((2, ACH), jnp.float32) for _ in range(2)],
        pltpu.VMEM_SHARED((N, D), jnp.float32),
        [pltpu.SemaphoreType.DMA for _ in range(2)],
        [pltpu.SemaphoreType.DMA for _ in range(2)],
        [pltpu.SemaphoreType.DMA for _ in range(2)],
    ],
    compiler_params=_sc_cp,
)
def _sc_aggregate(feat_hbm, src_hbm, dst_hbm, ew_hbm, out_hbm,
                  rows, src_v, dstp, ewp, acc_sh, sg, ss, sa):
    c = lax.axis_index("c")
    s = lax.axis_index("s")
    w = c * NS + s

    zero16 = jnp.zeros((16,), jnp.float32)

    @pl.loop(0, ACH)
    def _(r):
        for v in range(D // 16):
            rows[0][r, pl.ds(v * 16, 16)] = zero16

    @pl.loop(s, N // 80, step=NS)
    def _(k):
        pltpu.async_copy(rows[0].at[pl.ds(0, 80)],
                         acc_sh.at[pl.ds(k * 80, 80)], sg[0])

    @pl.loop(s, N // 80, step=NS)
    def _(k):
        pltpu.make_async_copy(rows[0].at[pl.ds(0, 80)],
                              acc_sh.at[pl.ds(k * 80, 80)], sg[0]).wait()

    plsc.subcore_barrier()

    pltpu.sync_copy(src_hbm.at[w], src_v)

    def _aux_start(p, a):
        pltpu.async_copy(dst_hbm.at[w].at[p], dstp[a], sa[a])
        pltpu.async_copy(ew_hbm.at[w].at[p], ewp[a], sa[a])

    def _aux_wait(a):
        pltpu.make_async_copy(dst_hbm.at[w].at[0], dstp[a], sa[a]).wait()
        pltpu.make_async_copy(ew_hbm.at[w].at[0], ewp[a], sa[a]).wait()

    def _gather_start(k, j):
        pltpu.async_copy(feat_hbm.at[src_v.at[k]], rows[j], sg[j])

    def _gather_wait(j):
        pltpu.make_async_copy(feat_hbm.at[src_v.at[0]], rows[j],
                              sg[j]).wait()

    def _scatter_start(j, a, i):
        pltpu.async_copy(rows[j], acc_sh.at[dstp[a].at[i]], ss[j], add=True)

    def _scatter_wait(j, a, i):
        pltpu.make_async_copy(rows[j], acc_sh.at[dstp[a].at[i]],
                              ss[j]).wait()

    def _scale(j, a, i):
        ii = jnp.broadcast_to(i, (16,)).astype(jnp.int32)

        @pl.loop(0, ACH, unroll=5)
        def _(r):
            ewb = plsc.load_gather(
                ewp[a], [ii, jnp.broadcast_to(r, (16,)).astype(jnp.int32)])
            for v in range(D // 16):
                sl = pl.ds(v * 16, 16)
                rows[j][r, sl] = rows[j][r, sl] * ewb

    _aux_start(0, 0)
    _aux_start(1, 1)
    _gather_start(0, 0)
    _gather_start(1, 1)

    @pl.loop(0, ACP // 4)
    def _(u):
        k0 = 4 * u
        p0 = 2 * u
        _aux_wait(0)
        _gather_wait(0)
        _scale(0, 0, 0)
        _scatter_start(0, 0, 0)
        _gather_wait(1)
        _scale(1, 0, 1)
        _scatter_start(1, 0, 1)
        _scatter_wait(0, 0, 0)
        _gather_start(k0 + 2, 0)
        _scatter_wait(1, 0, 1)
        _gather_start(k0 + 3, 1)
        _aux_start(jnp.minimum(p0 + 2, APR - 2), 0)
        _aux_wait(1)
        _gather_wait(0)
        _scale(0, 1, 0)
        _scatter_start(0, 1, 0)
        _gather_wait(1)
        _scale(1, 1, 1)
        _scatter_start(1, 1, 1)
        _scatter_wait(0, 1, 0)
        _gather_start(jnp.minimum(k0 + 4, ACP - 4), 0)
        _scatter_wait(1, 1, 1)
        _gather_start(jnp.minimum(k0 + 5, ACP - 3), 1)
        _aux_start(jnp.minimum(p0 + 3, APR - 1), 1)

    _gather_wait(0)
    _gather_wait(1)
    _aux_wait(0)
    _aux_wait(1)

    plsc.subcore_barrier()

    @pl.loop(s, N // 80, step=NS)
    def _(k):
        pltpu.async_copy(acc_sh.at[pl.ds(k * 80, 80)],
                         out_hbm.at[c].at[pl.ds(k * 80, 80)], sg[0])

    @pl.loop(s, N // 80, step=NS)
    def _(k):
        pltpu.make_async_copy(acc_sh.at[pl.ds(k * 80, 80)],
                              out_hbm.at[c].at[pl.ds(k * 80, 80)],
                              sg[0]).wait()


def _tc_prep_body(cs_ref, cd_ref, x_ref, wself_ref, feat_ref, hs_ref, nin_ref):
    deg_s = jnp.maximum(jnp.sum(cs_ref[...], axis=0), 1.0)
    deg_d = jnp.maximum(jnp.sum(cd_ref[...], axis=0), 1.0)
    x = x_ref[...]
    feat_ref[...] = x * lax.rsqrt(deg_s)[:, None]
    hs_ref[...] = lax.dot_general(
        x, wself_ref[...], (((1,), (1,)), ((), ())),
        preferred_element_type=jnp.float32,
        precision=lax.Precision.HIGHEST)
    nin_ref[...] = lax.rsqrt(deg_d)[:, None]


def _tc_final_body(hs_ref, agg_ref, w_ref, b_ref, nin_ref, out_ref):
    agg = agg_ref[0] + agg_ref[1]
    h = lax.dot_general(
        agg, w_ref[...], (((1,), (1,)), ((), ())),
        preferred_element_type=jnp.float32,
        precision=lax.Precision.HIGHEST) + b_ref[...]
    out_ref[...] = hs_ref[...] + h * nin_ref[...]


RBLK = 2000


def kernel(feature, edge_index, e_w, snorm_n, snorm_e, W_self, W, b):
    ei = edge_index.astype(jnp.int32)
    src_h = ei[0].reshape(NW, CPT, CHUNK)
    dst_h = ei[1].reshape(NW, CPT, CHUNK)
    src_a = ei[0].reshape(NW, ACP, ACH)
    dst_a = ei[1].reshape(NW, APR, 2, ACH)
    ew_a = e_w[:, 0].reshape(NW, APR, 2, ACH)

    cnt_src, cnt_dst = _sc_degree(src_h, dst_h)
    cnt_src = cnt_src.reshape(NW, N)
    cnt_dst = cnt_dst.reshape(NW, N)

    feat, hs, nin = pl.pallas_call(
        _tc_prep_body,
        out_shape=[
            jax.ShapeDtypeStruct((N, D), jnp.float32),
            jax.ShapeDtypeStruct((N, D), jnp.float32),
            jax.ShapeDtypeStruct((N, 1), jnp.float32),
        ],
    )(cnt_src, cnt_dst, feature, W_self)

    aggp = _sc_aggregate(feat, src_a, dst_a, ew_a)

    h = pl.pallas_call(
        _tc_final_body,
        out_shape=jax.ShapeDtypeStruct((N, D), jnp.float32),
    )(hs, aggp, W, b.reshape(1, D), nin)

    return h, e_w

# --- scband reference (transcript-rebuilt; emitter-appended) ---
"""Pipeline reference for scband-gcnlayer-15960098472700 (READ-ONLY COPY).

The authoritative reference and input builder live on the scoring server;
editing this copy changes nothing except your own understanding.
"""

import jax, jax.numpy as jnp
import numpy as np

N = 10000
E = 320000
D = 128

def setup_inputs(seed: int = 0) -> dict:
    key = jax.random.key(seed)
    ks = jax.random.split(key, 8)
    feature = jax.random.normal(ks[0], (N, D), dtype=jnp.float32)
    edge_index = jax.random.randint(ks[1], (2, E), 0, N, dtype=jnp.int64 if jax.config.jax_enable_x64 else jnp.int32)
    e_w = jax.random.uniform(ks[2], (E, 1), dtype=jnp.float32)
    snorm_n = jax.random.uniform(ks[3], (N, 1), dtype=jnp.float32)
    snorm_e = jax.random.uniform(ks[4], (E, 1), dtype=jnp.float32)
    W_self = jax.random.normal(ks[5], (D, D), dtype=jnp.float32) * 0.05
    W = jax.random.normal(ks[6], (D, D), dtype=jnp.float32) * 0.05
    b = jax.random.normal(ks[7], (D,), dtype=jnp.float32) * 0.05
    return {"feature": feature, "edge_index": edge_index, "e_w": e_w,
            "snorm_n": snorm_n, "snorm_e": snorm_e,
            "W_self": W_self, "W": W, "b": b}

def reference(feature, edge_index, e_w, snorm_n, snorm_e, W_self, W, b):
    # dropout p=0.0 -> identity; bn=False -> skipped
    src = edge_index[0]
    dst = edge_index[1]
    n = feature.shape[0]
    # h_s = linear_self(feature), no bias
    h_s = feature @ W_self.T
    # out-degree normalization of source features
    deg_out = jnp.maximum(jnp.bincount(src, length=n).astype(jnp.float32), 1.0)
    norm_out = deg_out ** -0.5
    feat = feature * norm_out[:, None]
    # message: m = h_src * w_edge  (u_mul_e), reduce: sum at dst
    m = jnp.take(feat, src, axis=0) * e_w
    agg = jax.ops.segment_sum(m, dst, num_segments=n)
    # h = linear(agg)
    h = agg @ W.T + b
    # in-degree normalization
    deg_in = jnp.maximum(jnp.bincount(dst, length=n).astype(jnp.float32), 1.0)
    norm_in = deg_in ** -0.5
    h = h * norm_in[:, None]
    h = h_s + h
    return (h, e_w)

if __name__ == "__main__":
    import jax
    _d = setup_inputs()
    print(jax.jit(kernel)(*tuple(_d.values())))

</pallas_src>

<mosaic_0001>
#map = affine_map<(d0, d1) -> (0, 0, 0)>
module attributes {stable_mosaic.version = 14 : i64} {
  func.func @_sc_degree(%arg0: i32, %arg1: i32, %arg2: memref<32x125x80xi32, #tpu.memory_space<hbm>>, %arg3: memref<32x125x80xi32, #tpu.memory_space<hbm>>, %arg4: memref<32x1x10000xf32, #tpu.memory_space<hbm>>, %arg5: memref<32x1x10000xf32, #tpu.memory_space<hbm>>, %arg6: memref<1x10000xf32, #tpu.memory_space<vmem>>, %arg7: memref<1x10000xf32, #tpu.memory_space<vmem>>, %arg8: memref<125x80xi32, #tpu.memory_space<vmem>>) attributes {dimension_semantics = [#tpu.dimension_semantics<core_parallel>, #tpu.dimension_semantics<subcore_parallel>], iteration_bounds = array<i64: 2, 16>, scalar_prefetch = 0 : i64, scratch_operands = 3 : i64, tpu.core_type = #tpu.core_type<sc_vector_subcore>, window_params = [{transform_indices = #map}, {transform_indices = #map}, {transform_indices = #map}, {transform_indices = #map}]} {
    %mul3A = arith.constant 16 : i32
    %mul3A_0 = arith.muli %arg0, %mul3A : i32
    %add3A = arith.addi %mul3A_0, %arg1 : i32
    %broadcast_in_dim3A = arith.constant 0.000000e+00 : f32
    %broadcast_in_dim3A_1 = vector.broadcast %broadcast_in_dim3A : f32 to vector<16xf32>
    %scan3A = arith.constant 0 : i32
    %scan3A_2 = arith.constant 625 : i32
    %scan3A_3 = arith.addi %scan3A, %scan3A_2 : i32
    %scan3A_4 = arith.constant 1 : i32
    scf.for %scan3A_20 = %scan3A to %scan3A_3 step %scan3A_4  : i32 {
      %mul3A_21 = arith.constant 1 : i32
      %mul3A_22 = arith.muli %scan3A_20, %mul3A_21 : i32
      %add3A_23 = arith.constant 0 : i32
      %add3A_24 = arith.addi %add3A_23, %mul3A_22 : i32
      %mul3A_25 = arith.constant 16 : i32
      %mul3A_26 = arith.muli %add3A_24, %mul3A_25 : i32
      %swap3A = arith.constant 0 : i32
      %swap3A_27 = arith.index_cast %swap3A : i32 to index
      %swap3A_28 = arith.index_cast %mul3A_26 : i32 to index
      %swap3A_29 = tpu.vector_load %arg6[%swap3A_27, %swap3A_28] {strides = array<i32>} : memref<1x10000xf32, #tpu.memory_space<vmem>>, vector<16xf32>,
      tpu.vector_store %arg6[%swap3A_27, %swap3A_28], %broadcast_in_dim3A_1 {strides = array<i32>} : memref<1x10000xf32, #tpu.memory_space<vmem>>, vector<16xf32>,
      %mul3A_30 = arith.constant 16 : i32
      %mul3A_31 = arith.muli %add3A_24, %mul3A_30 : i32
      %swap3A_32 = arith.constant 0 : i32
      %swap3A_33 = arith.index_cast %swap3A_32 : i32 to index
      %swap3A_34 = arith.index_cast %mul3A_31 : i32 to index
      %swap3A_35 = tpu.vector_load %arg7[%swap3A_33, %swap3A_34] {strides = array<i32>} : memref<1x10000xf32, #tpu.memory_space<vmem>>, vector<16xf32>,
      tpu.vector_store %arg7[%swap3A_33, %swap3A_34], %broadcast_in_dim3A_1 {strides = array<i32>} : memref<1x10000xf32, #tpu.memory_space<vmem>>, vector<16xf32>,
    }
    %scan3A_5 = arith.constant 625 : i32
    %broadcast_in_dim3A_6 = arith.constant 1.000000e+00 : f32
    %broadcast_in_dim3A_7 = vector.broadcast %broadcast_in_dim3A_6 : f32 to vector<16xf32>
    %broadcast_in_dim3A_8 = arith.constant 0 : i32
    %broadcast_in_dim3A_9 = vector.broadcast %broadcast_in_dim3A_8 : i32 to vector<16xi32>
    "tpu.region"() ({
      %run_scoped3A = tpu.sem_alloc : memref<!tpu.dma_semaphore, #tpu.memory_space<semaphore_mem>>
      %dma_start3A = arith.constant 0 : i32
      %dma_start3A_20 = arith.constant 0 : i32
      %dma_start3A_21 = tpu.memref_slice %arg2[%add3A, %dma_start3A, %dma_start3A_20] : memref<32x125x80xi32, #tpu.memory_space<hbm>> -> memref<1x125x80xi32, #tpu.memory_space<hbm>>
      %dma_start3A_22 = tpu.memref_squeeze %dma_start3A_21 : memref<1x125x80xi32, #tpu.memory_space<hbm>> -> memref<125x80xi32, #tpu.memory_space<hbm>>
      %dma_start3A_23 = arith.constant 0 : i32
      %dma_start3A_24 = arith.constant 0 : i32
      %dma_start3A_25 = tpu.memref_slice %arg2[%add3A, %dma_start3A_23, %dma_start3A_24] : memref<32x125x80xi32, #tpu.memory_space<hbm>> -> memref<1x125x80xi32, #tpu.memory_space<hbm>>
      %dma_start3A_26 = tpu.memref_squeeze %dma_start3A_25 : memref<1x125x80xi32, #tpu.memory_space<hbm>> -> memref<125x80xi32, #tpu.memory_space<hbm>>
      tpu.enqueue_dma source(%dma_start3A_26 : memref<125x80xi32, #tpu.memory_space<hbm>>) target(%arg8 : memref<125x80xi32, #tpu.memory_space<vmem>>) target_semaphore(%run_scoped3A : memref<!tpu.dma_semaphore, #tpu.memory_space<semaphore_mem>>)
      %dma_wait3A = arith.constant 0 : i32
      %dma_wait3A_27 = arith.constant 0 : i32
      %dma_wait3A_28 = tpu.memref_slice %arg2[%add3A, %dma_wait3A, %dma_wait3A_27] : memref<32x125x80xi32, #tpu.memory_space<hbm>> -> memref<1x125x80xi32, #tpu.memory_space<hbm>>
      %dma_wait3A_29 = tpu.memref_squeeze %dma_wait3A_28 : memref<1x125x80xi32, #tpu.memory_space<hbm>> -> memref<125x80xi32, #tpu.memory_space<hbm>>
      %dma_wait3A_30 = arith.constant 0 : i32
      %dma_wait3A_31 = arith.constant 0 : i32
      %dma_wait3A_32 = tpu.memref_slice %arg2[%add3A, %dma_wait3A_30, %dma_wait3A_31] : memref<32x125x80xi32, #tpu.memory_space<hbm>> -> memref<1x125x80xi32, #tpu.memory_space<hbm>>
      %dma_wait3A_33 = tpu.memref_squeeze %dma_wait3A_32 : memref<1x125x80xi32, #tpu.memory_space<hbm>> -> memref<125x80xi32, #tpu.memory_space<hbm>>
      tpu.wait_dma2 semaphore(%run_scoped3A : memref<!tpu.dma_semaphore, #tpu.memory_space<semaphore_mem>>) src(%dma_wait3A_33 : memref<125x80xi32, #tpu.memory_space<hbm>>) dst(%arg8 : memref<125x80xi32, #tpu.memory_space<vmem>>)
      tpu.yield
    }) : () -> ()
    %scan3A_10 = arith.constant 0 : i32
    %scan3A_11 = arith.constant 125 : i32
    %scan3A_12 = arith.addi %scan3A_10, %scan3A_11 : i32
    %scan3A_13 = arith.constant 1 : i32
    scf.for %scan3A_20 = %scan3A_10 to %scan3A_12 step %scan3A_13  : i32 {
      %mul3A_21 = arith.constant 1 : i32
      %mul3A_22 = arith.muli %scan3A_20, %mul3A_21 : i32
      %add3A_23 = arith.constant 0 : i32
      %add3A_24 = arith.addi %add3A_23, %mul3A_22 : i32
      %get3A = arith.index_cast %add3A_24 : i32 to index
      %get3A_25 = arith.constant 0 : index
      %get3A_26 = tpu.vector_load %arg8[%get3A, %get3A_25] {strides = array<i32>} : memref<125x80xi32, #tpu.memory_space<vmem>>, vector<16xi32>,
      tpu.vector_store_idx %arg6[%broadcast_in_dim3A_9, %get3A_26], %broadcast_in_dim3A_7 {add = true} : memref<1x10000xf32, #tpu.memory_space<vmem>>[vector<16xi32>, vector<16xi32>], vector<16xf32>,
      %get3A_27 = arith.index_cast %add3A_24 : i32 to index
      %get3A_28 = arith.constant 16 : index
      %get3A_29 = tpu.vector_load %arg8[%get3A_27, %get3A_28] {strides = array<i32>} : memref<125x80xi32, #tpu.memory_space<vmem>>, vector<16xi32>,
      tpu.vector_store_idx %arg6[%broadcast_in_dim3A_9, %get3A_29], %broadcast_in_dim3A_7 {add = true} : memref<1x10000xf32, #tpu.memory_space<vmem>>[vector<16xi32>, vector<16xi32>], vector<16xf32>,
      %get3A_30 = arith.index_cast %add3A_24 : i32 to index
      %get3A_31 = arith.constant 32 : index
      %get3A_32 = tpu.vector_load %arg8[%get3A_30, %get3A_31] {strides = array<i32>} : memref<125x80xi32, #tpu.memory_space<vmem>>, vector<16xi32>,
      tpu.vector_store_idx %arg6[%broadcast_in_dim3A_9, %get3A_32], %broadcast_in_dim3A_7 {add = true} : memref<1x10000xf32, #tpu.memory_space<vmem>>[vector<16xi32>, vector<16xi32>], vector<16xf32>,
      %get3A_33 = arith.index_cast %add3A_24 : i32 to index
      %get3A_34 = arith.constant 48 : index
      %get3A_35 = tpu.vector_load %arg8[%get3A_33, %get3A_34] {strides = array<i32>} : memref<125x80xi32, #tpu.memory_space<vmem>>, vector<16xi32>,
      tpu.vector_store_idx %arg6[%broadcast_in_dim3A_9, %get3A_35], %broadcast_in_dim3A_7 {add = true} : memref<1x10000xf32, #tpu.memory_space<vmem>>[vector<16xi32>, vector<16xi32>], vector<16xf32>,
      %get3A_36 = arith.index_cast %add3A_24 : i32 to index
      %get3A_37 = arith.constant 64 : index
      %get3A_38 = tpu.vector_load %arg8[%get3A_36, %get3A_37] {strides = array<i32>} : memref<125x80xi32, #tpu.memory_space<vmem>>, vector<16xi32>,
      tpu.vector_store_idx %arg6[%broadcast_in_dim3A_9, %get3A_38], %broadcast_in_dim3A_7 {add = true} : memref<1x10000xf32, #tpu.memory_space<vmem>>[vector<16xi32>, vector<16xi32>], vector<16xf32>,
    }
    %scan3A_14 = arith.constant 125 : i32
    "tpu.region"() ({
      %run_scoped3A = tpu.sem_alloc : memref<!tpu.dma_semaphore, #tpu.memory_space<semaphore_mem>>
      %dma_start3A = arith.constant 0 : i32
      %dma_start3A_20 = arith.constant 0 : i32
      %dma_start3A_21 = tpu.memref_slice %arg3[%add3A, %dma_start3A, %dma_start3A_20] : memref<32x125x80xi32, #tpu.memory_space<hbm>> -> memref<1x125x80xi32, #tpu.memory_space<hbm>>
      %dma_start3A_22 = tpu.memref_squeeze %dma_start3A_21 : memref<1x125x80xi32, #tpu.memory_space<hbm>> -> memref<125x80xi32, #tpu.memory_space<hbm>>
      %dma_start3A_23 = arith.constant 0 : i32
      %dma_start3A_24 = arith.constant 0 : i32
      %dma_start3A_25 = tpu.memref_slice %arg3[%add3A, %dma_start3A_23, %dma_start3A_24] : memref<32x125x80xi32, #tpu.memory_space<hbm>> -> memref<1x125x80xi32, #tpu.memory_space<hbm>>
      %dma_start3A_26 = tpu.memref_squeeze %dma_start3A_25 : memref<1x125x80xi32, #tpu.memory_space<hbm>> -> memref<125x80xi32, #tpu.memory_space<hbm>>
      tpu.enqueue_dma source(%dma_start3A_26 : memref<125x80xi32, #tpu.memory_space<hbm>>) target(%arg8 : memref<125x80xi32, #tpu.memory_space<vmem>>) target_semaphore(%run_scoped3A : memref<!tpu.dma_semaphore, #tpu.memory_space<semaphore_mem>>)
      %dma_wait3A = arith.constant 0 : i32
      %dma_wait3A_27 = arith.constant 0 : i32
      %dma_wait3A_28 = tpu.memref_slice %arg3[%add3A, %dma_wait3A, %dma_wait3A_27] : memref<32x125x80xi32, #tpu.memory_space<hbm>> -> memref<1x125x80xi32, #tpu.memory_space<hbm>>
      %dma_wait3A_29 = tpu.memref_squeeze %dma_wait3A_28 : memref<1x125x80xi32, #tpu.memory_space<hbm>> -> memref<125x80xi32, #tpu.memory_space<hbm>>
      %dma_wait3A_30 = arith.constant 0 : i32
      %dma_wait3A_31 = arith.constant 0 : i32
      %dma_wait3A_32 = tpu.memref_slice %arg3[%add3A, %dma_wait3A_30, %dma_wait3A_31] : memref<32x125x80xi32, #tpu.memory_space<hbm>> -> memref<1x125x80xi32, #tpu.memory_space<hbm>>
      %dma_wait3A_33 = tpu.memref_squeeze %dma_wait3A_32 : memref<1x125x80xi32, #tpu.memory_space<hbm>> -> memref<125x80xi32, #tpu.memory_space<hbm>>
      tpu.wait_dma2 semaphore(%run_scoped3A : memref<!tpu.dma_semaphore, #tpu.memory_space<semaphore_mem>>) src(%dma_wait3A_33 : memref<125x80xi32, #tpu.memory_space<hbm>>) dst(%arg8 : memref<125x80xi32, #tpu.memory_space<vmem>>)
      tpu.yield
    }) : () -> ()
    %scan3A_15 = arith.constant 0 : i32
    %scan3A_16 = arith.constant 125 : i32
    %scan3A_17 = arith.addi %scan3A_15, %scan3A_16 : i32
    %scan3A_18 = arith.constant 1 : i32
    scf.for %scan3A_20 = %scan3A_15 to %scan3A_17 step %scan3A_18  : i32 {
      %mul3A_21 = arith.constant 1 : i32
      %mul3A_22 = arith.muli %scan3A_20, %mul3A_21 : i32
      %add3A_23 = arith.constant 0 : i32
      %add3A_24 = arith.addi %add3A_23, %mul3A_22 : i32
      %get3A = arith.index_cast %add3A_24 : i32 to index
      %get3A_25 = arith.constant 0 : index
      %get3A_26 = tpu.vector_load %arg8[%get3A, %get3A_25] {strides = array<i32>} : memref<125x80xi32, #tpu.memory_space<vmem>>, vector<16xi32>,
      tpu.vector_store_idx %arg7[%broadcast_in_dim3A_9, %get3A_26], %broadcast_in_dim3A_7 {add = true} : memref<1x10000xf32, #tpu.memory_space<vmem>>[vector<16xi32>, vector<16xi32>], vector<16xf32>,
      %get3A_27 = arith.index_cast %add3A_24 : i32 to index
      %get3A_28 = arith.constant 16 : index
      %get3A_29 = tpu.vector_load %arg8[%get3A_27, %get3A_28] {strides = array<i32>} : memref<125x80xi32, #tpu.memory_space<vmem>>, vector<16xi32>,
      tpu.vector_store_idx %arg7[%broadcast_in_dim3A_9, %get3A_29], %broadcast_in_dim3A_7 {add = true} : memref<1x10000xf32, #tpu.memory_space<vmem>>[vector<16xi32>, vector<16xi32>], vector<16xf32>,
      %get3A_30 = arith.index_cast %add3A_24 : i32 to index
      %get3A_31 = arith.constant 32 : index
      %get3A_32 = tpu.vector_load %arg8[%get3A_30, %get3A_31] {strides = array<i32>} : memref<125x80xi32, #tpu.memory_space<vmem>>, vector<16xi32>,
      tpu.vector_store_idx %arg7[%broadcast_in_dim3A_9, %get3A_32], %broadcast_in_dim3A_7 {add = true} : memref<1x10000xf32, #tpu.memory_space<vmem>>[vector<16xi32>, vector<16xi32>], vector<16xf32>,
      %get3A_33 = arith.index_cast %add3A_24 : i32 to index
      %get3A_34 = arith.constant 48 : index
      %get3A_35 = tpu.vector_load %arg8[%get3A_33, %get3A_34] {strides = array<i32>} : memref<125x80xi32, #tpu.memory_space<vmem>>, vector<16xi32>,
      tpu.vector_store_idx %arg7[%broadcast_in_dim3A_9, %get3A_35], %broadcast_in_dim3A_7 {add = true} : memref<1x10000xf32, #tpu.memory_space<vmem>>[vector<16xi32>, vector<16xi32>], vector<16xf32>,
      %get3A_36 = arith.index_cast %add3A_24 : i32 to index
      %get3A_37 = arith.constant 64 : index
      %get3A_38 = tpu.vector_load %arg8[%get3A_36, %get3A_37] {strides = array<i32>} : memref<125x80xi32, #tpu.memory_space<vmem>>, vector<16xi32>,
      tpu.vector_store_idx %arg7[%broadcast_in_dim3A_9, %get3A_38], %broadcast_in_dim3A_7 {add = true} : memref<1x10000xf32, #tpu.memory_space<vmem>>[vector<16xi32>, vector<16xi32>], vector<16xf32>,
    }
    %scan3A_19 = arith.constant 125 : i32
    "tpu.region"() ({
      %run_scoped3A = tpu.sem_alloc : memref<!tpu.dma_semaphore, #tpu.memory_space<semaphore_mem>>
      %dma_start3A = arith.constant 0 : i32
      %dma_start3A_20 = arith.constant 0 : i32
      %dma_start3A_21 = tpu.memref_slice %arg4[%add3A, %dma_start3A, %dma_start3A_20] : memref<32x1x10000xf32, #tpu.memory_space<hbm>> -> memref<1x1x10000xf32, #tpu.memory_space<hbm>>
      %dma_start3A_22 = tpu.memref_squeeze %dma_start3A_21 : memref<1x1x10000xf32, #tpu.memory_space<hbm>> -> memref<1x10000xf32, #tpu.memory_space<hbm>>
      %dma_start3A_23 = arith.constant 0 : i32
      %dma_start3A_24 = arith.constant 0 : i32
      %dma_start3A_25 = tpu.memref_slice %arg4[%add3A, %dma_start3A_23, %dma_start3A_24] : memref<32x1x10000xf32, #tpu.memory_space<hbm>> -> memref<1x1x10000xf32, #tpu.memory_space<hbm>>
      %dma_start3A_26 = tpu.memref_squeeze %dma_start3A_25 : memref<1x1x10000xf32, #tpu.memory_space<hbm>> -> memref<1x10000xf32, #tpu.memory_space<hbm>>
      tpu.enqueue_dma source(%arg6 : memref<1x10000xf32, #tpu.memory_space<vmem>>) target(%dma_start3A_26 : memref<1x10000xf32, #tpu.memory_space<hbm>>) target_semaphore(%run_scoped3A : memref<!tpu.dma_semaphore, #tpu.memory_space<semaphore_mem>>)
      %dma_wait3A = arith.constant 0 : i32
      %dma_wait3A_27 = arith.constant 0 : i32
      %dma_wait3A_28 = tpu.memref_slice %arg4[%add3A, %dma_wait3A, %dma_wait3A_27] : memref<32x1x10000xf32, #tpu.memory_space<hbm>> -> memref<1x1x10000xf32, #tpu.memory_space<hbm>>
      %dma_wait3A_29 = tpu.memref_squeeze %dma_wait3A_28 : memref<1x1x10000xf32, #tpu.memory_space<hbm>> -> memref<1x10000xf32, #tpu.memory_space<hbm>>
      %dma_wait3A_30 = arith.constant 0 : i32
      %dma_wait3A_31 = arith.constant 0 : i32
      %dma_wait3A_32 = tpu.memref_slice %arg4[%add3A, %dma_wait3A_30, %dma_wait3A_31] : memref<32x1x10000xf32, #tpu.memory_space<hbm>> -> memref<1x1x10000xf32, #tpu.memory_space<hbm>>
      %dma_wait3A_33 = tpu.memref_squeeze %dma_wait3A_32 : memref<1x1x10000xf32, #tpu.memory_space<hbm>> -> memref<1x10000xf32, #tpu.memory_space<hbm>>
      tpu.wait_dma2 semaphore(%run_scoped3A : memref<!tpu.dma_semaphore, #tpu.memory_space<semaphore_mem>>) src(%arg6 : memref<1x10000xf32, #tpu.memory_space<vmem>>) dst(%dma_wait3A_33 : memref<1x10000xf32, #tpu.memory_space<hbm>>)
      tpu.yield
    }) : () -> ()
    "tpu.region"() ({
      %run_scoped3A = tpu.sem_alloc : memref<!tpu.dma_semaphore, #tpu.memory_space<semaphore_mem>>
      %dma_start3A = arith.constant 0 : i32
      %dma_start3A_20 = arith.constant 0 : i32
      %dma_start3A_21 = tpu.memref_slice %arg5[%add3A, %dma_start3A, %dma_start3A_20] : memref<32x1x10000xf32, #tpu.memory_space<hbm>> -> memref<1x1x10000xf32, #tpu.memory_space<hbm>>
      %dma_start3A_22 = tpu.memref_squeeze %dma_start3A_21 : memref<1x1x10000xf32, #tpu.memory_space<hbm>> -> memref<1x10000xf32, #tpu.memory_space<hbm>>
      %dma_start3A_23 = arith.constant 0 : i32
      %dma_start3A_24 = arith.constant 0 : i32
      %dma_start3A_25 = tpu.memref_slice %arg5[%add3A, %dma_start3A_23, %dma_start3A_24] : memref<32x1x10000xf32, #tpu.memory_space<hbm>> -> memref<1x1x10000xf32, #tpu.memory_space<hbm>>
      %dma_start3A_26 = tpu.memref_squeeze %dma_start3A_25 : memref<1x1x10000xf32, #tpu.memory_space<hbm>> -> memref<1x10000xf32, #tpu.memory_space<hbm>>
      tpu.enqueue_dma source(%arg7 : memref<1x10000xf32, #tpu.memory_space<vmem>>) target(%dma_start3A_26 : memref<1x10000xf32, #tpu.memory_space<hbm>>) target_semaphore(%run_scoped3A : memref<!tpu.dma_semaphore, #tpu.memory_space<semaphore_mem>>)
      %dma_wait3A = arith.constant 0 : i32
      %dma_wait3A_27 = arith.constant 0 : i32
      %dma_wait3A_28 = tpu.memref_slice %arg5[%add3A, %dma_wait3A, %dma_wait3A_27] : memref<32x1x10000xf32, #tpu.memory_space<hbm>> -> memref<1x1x10000xf32, #tpu.memory_space<hbm>>
      %dma_wait3A_29 = tpu.memref_squeeze %dma_wait3A_28 : memref<1x1x10000xf32, #tpu.memory_space<hbm>> -> memref<1x10000xf32, #tpu.memory_space<hbm>>
      %dma_wait3A_30 = arith.constant 0 : i32
      %dma_wait3A_31 = arith.constant 0 : i32
      %dma_wait3A_32 = tpu.memref_slice %arg5[%add3A, %dma_wait3A_30, %dma_wait3A_31] : memref<32x1x10000xf32, #tpu.memory_space<hbm>> -> memref<1x1x10000xf32, #tpu.memory_space<hbm>>
      %dma_wait3A_33 = tpu.memref_squeeze %dma_wait3A_32 : memref<1x1x10000xf32, #tpu.memory_space<hbm>> -> memref<1x10000xf32, #tpu.memory_space<hbm>>
      tpu.wait_dma2 semaphore(%run_scoped3A : memref<!tpu.dma_semaphore, #tpu.memory_space<semaphore_mem>>) src(%arg7 : memref<1x10000xf32, #tpu.memory_space<vmem>>) dst(%dma_wait3A_33 : memref<1x10000xf32, #tpu.memory_space<hbm>>)
      tpu.yield
    }) : () -> ()
    return
  }
}

#map = affine_map<(d0, d1) -> (0, 0)>
#map1 = affine_map<(d0, d1) -> (0, 0, 0)>
#map2 = affine_map<(d0, d1) -> (0, 0, 0, 0)>
module attributes {stable_mosaic.version = 14 : i64} {
  func.func @_sc_aggregate(%arg0: i32, %arg1: i32, %arg2: memref<10000x128xf32, #tpu.memory_space<hbm>>, %arg3: memref<32x80x125xi32, #tpu.memory_space<hbm>>, %arg4: memref<32x40x2x125xi32, #tpu.memory_space<hbm>>, %arg5: memref<32x40x2x125xf32, #tpu.memory_space<hbm>>, %arg6: memref<2x10000x128xf32, #tpu.memory_space<hbm>>, %arg7: memref<125x128xf32, #tpu.memory_space<vmem>>, %arg8: memref<125x128xf32, #tpu.memory_space<vmem>>, %arg9: memref<80x125xi32, #tpu.memory_space<vmem>>, %arg10: memref<2x125xi32, #tpu.memory_space<vmem>>, %arg11: memref<2x125xi32, #tpu.memory_space<vmem>>, %arg12: memref<2x125xf32, #tpu.memory_space<vmem>>, %arg13: memref<2x125xf32, #tpu.memory_space<vmem>>, %arg14: memref<10000x128xf32, #tpu.memory_space<vmem_shared>>, %arg15: memref<!tpu.dma_semaphore, #tpu.memory_space<semaphore_mem>>, %arg16: memref<!tpu.dma_semaphore, #tpu.memory_space<semaphore_mem>>, %arg17: memref<!tpu.dma_semaphore, #tpu.memory_space<semaphore_mem>>, %arg18: memref<!tpu.dma_semaphore, #tpu.memory_space<semaphore_mem>>, %arg19: memref<!tpu.dma_semaphore, #tpu.memory_space<semaphore_mem>>, %arg20: memref<!tpu.dma_semaphore, #tpu.memory_space<semaphore_mem>>) attributes {dimension_semantics = [#tpu.dimension_semantics<core_parallel>, #tpu.dimension_semantics<subcore_parallel>], iteration_bounds = array<i64: 2, 16>, scalar_prefetch = 0 : i64, scratch_operands = 14 : i64, tpu.core_type = #tpu.core_type<sc_vector_subcore>, window_params = [{transform_indices = #map}, {transform_indices = #map1}, {transform_indices = #map2}, {transform_indices = #map2}, {transform_indices = #map1}]} {
    %mul3A = arith.constant 16 : i32
    %mul3A_0 = arith.muli %arg0, %mul3A : i32
    %add3A = arith.addi %mul3A_0, %arg1 : i32
    %broadcast_in_dim3A = arith.constant 0.000000e+00 : f32
    %broadcast_in_dim3A_1 = vector.broadcast %broadcast_in_dim3A : f32 to vector<16xf32>
    %scan3A = arith.constant 0 : i32
    %scan3A_2 = arith.constant 125 : i32
    %scan3A_3 = arith.addi %scan3A, %scan3A_2 : i32
    %scan3A_4 = arith.constant 1 : i32
    scf.for %scan3A_259 = %scan3A to %scan3A_3 step %scan3A_4  : i32 {
      %mul3A_260 = arith.constant 1 : i32
      %mul3A_261 = arith.muli %scan3A_259, %mul3A_260 : i32
      %add3A_262 = arith.constant 0 : i32
      %add3A_263 = arith.addi %add3A_262, %mul3A_261 : i32
      %swap3A = arith.index_cast %add3A_263 : i32 to index
      %swap3A_264 = arith.constant 0 : index
      %swap3A_265 = tpu.vector_load %arg7[%swap3A, %swap3A_264] {strides = array<i32>} : memref<125x128xf32, #tpu.memory_space<vmem>>, vector<16xf32>,
      tpu.vector_store %arg7[%swap3A, %swap3A_264], %broadcast_in_dim3A_1 {strides = array<i32>} : memref<125x128xf32, #tpu.memory_space<vmem>>, vector<16xf32>,
      %swap3A_266 = arith.index_cast %add3A_263 : i32 to index
      %swap3A_267 = arith.constant 16 : index
      %swap3A_268 = tpu.vector_load %arg7[%swap3A_266, %swap3A_267] {strides = array<i32>} : memref<125x128xf32, #tpu.memory_space<vmem>>, vector<16xf32>,
      tpu.vector_store %arg7[%swap3A_266, %swap3A_267], %broadcast_in_dim3A_1 {strides = array<i32>} : memref<125x128xf32, #tpu.memory_space<vmem>>, vector<16xf32>,
      %swap3A_269 = arith.index_cast %add3A_263 : i32 to index
      %swap3A_270 = arith.constant 32 : index
      %swap3A_271 = tpu.vector_load %arg7[%swap3A_269, %swap3A_270] {strides = array<i32>} : memref<125x128xf32, #tpu.memory_space<vmem>>, vector<16xf32>,
      tpu.vector_store %arg7[%swap3A_269, %swap3A_270], %broadcast_in_dim3A_1 {strides = array<i32>} : memref<125x128xf32, #tpu.memory_space<vmem>>, vector<16xf32>,
      %swap3A_272 = arith.index_cast %add3A_263 : i32 to index
      %swap3A_273 = arith.constant 48 : index
      %swap3A_274 = tpu.vector_load %arg7[%swap3A_272, %swap3A_273] {strides = array<i32>} : memref<125x128xf32, #tpu.memory_space<vmem>>, vector<16xf32>,
      tpu.vector_store %arg7[%swap3A_272, %swap3A_273], %broadcast_in_dim3A_1 {strides = array<i32>} : memref<125x128xf32, #tpu.memory_space<vmem>>, vector<16xf32>,
      %swap3A_275 = arith.index_cast %add3A_263 : i32 to index
      %swap3A_276 = arith.constant 64 : index
      %swap3A_277 = tpu.vector_load %arg7[%swap3A_275, %swap3A_276] {strides = array<i32>} : memref<125x128xf32, #tpu.memory_space<vmem>>, vector<16xf32>,
      tpu.vector_store %arg7[%swap3A_275, %swap3A_276], %broadcast_in_dim3A_1 {strides = array<i32>} : memref<125x128xf32, #tpu.memory_space<vmem>>, vector<16xf32>,
      %swap3A_278 = arith.index_cast %add3A_263 : i32 to index
      %swap3A_279 = arith.constant 80 : index
      %swap3A_280 = tpu.vector_load %arg7[%swap3A_278, %swap3A_279] {strides = array<i32>} : memref<125x128xf32, #tpu.memory_space<vmem>>, vector<16xf32>,
      tpu.vector_store %arg7[%swap3A_278, %swap3A_279], %broadcast_in_dim3A_1 {strides = array<i32>} : memref<125x128xf32, #tpu.memory_space<vmem>>, vector<16xf32>,
      %swap3A_281 = arith.index_cast %add3A_263 : i32 to index
      %swap3A_282 = arith.constant 96 : index
      %swap3A_283 = tpu.vector_load %arg7[%swap3A_281, %swap3A_282] {strides = array<i32>} : memref<125x128xf32, #tpu.memory_space<vmem>>, vector<16xf32>,
      tpu.vector_store %arg7[%swap3A_281, %swap3A_282], %broadcast_in_dim3A_1 {strides = array<i32>} : memref<125x128xf32, #tpu.memory_space<vmem>>, vector<16xf32>,
      %swap3A_284 = arith.index_cast %add3A_263 : i32 to index
      %swap3A_285 = arith.constant 112 : index
      %swap3A_286 = tpu.vector_load %arg7[%swap3A_284, %swap3A_285] {strides = array<i32>} : memref<125x128xf32, #tpu.memory_space<vmem>>, vector<16xf32>,
      tpu.vector_store %arg7[%swap3A_284, %swap3A_285], %broadcast_in_dim3A_1 {strides = array<i32>} : memref<125x128xf32, #tpu.memory_space<vmem>>, vector<16xf32>,
    }
    %scan3A_5 = arith.constant 125 : i32
    %sub3A = arith.constant 125 : i32
    %sub3A_6 = arith.subi %sub3A, %arg1 : i32
    %sub3A_7 = arith.constant 16 : i32
    %sub3A_8 = arith.constant 1 : i32
    %sub3A_9 = arith.subi %sub3A_7, %sub3A_8 : i32
    %add3A_10 = arith.addi %sub3A_6, %sub3A_9 : i32
    %div3A = arith.constant 16 : i32
    %div3A_11 = arith.divsi %add3A_10, %div3A : i32
    %while3A = arith.constant 16 : i32
    %while3A_12 = arith.constant 0 : i32
    %while3A_13 = arith.subi %div3A_11, %while3A_12 : i32
    %while3A_14 = arith.addi %while3A_12, %while3A_13 : i32
    %while3A_15 = arith.constant 1 : i32
    %while3A_16 = arith.divsi %while3A_13, %while3A_15 : i32
    %while3A_17 = arith.muli %while3A_16, %while3A_15 : i32
    %while3A_18 = arith.addi %while3A_12, %while3A_17 : i32
    %while3A_19 = arith.constant 1 : i32
    scf.for %while3A_259 = %while3A_12 to %while3A_18 step %while3A_19  : i32 {
      %mul3A_260 = arith.muli %while3A_259, %while3A : i32
      %add3A_261 = arith.addi %arg1, %mul3A_260 : i32
      %mul3A_262 = arith.constant 80 : i32
      %mul3A_263 = arith.muli %add3A_261, %mul3A_262 : i32
      %dma_start3A_264 = arith.constant 0 : i32
      %dma_start3A_265 = arith.constant 0 : i32
      %dma_start3A_266 = tpu.memref_slice %arg7[%dma_start3A_264, %dma_start3A_265] : memref<125x128xf32, #tpu.memory_space<vmem>> -> memref<80x128xf32, #tpu.memory_space<vmem>>
      %dma_start3A_267 = arith.constant 0 : i32
      %dma_start3A_268 = tpu.memref_slice %arg14[%mul3A_263, %dma_start3A_267] : memref<10000x128xf32, #tpu.memory_space<vmem_shared>> -> memref<80x128xf32, #tpu.memory_space<vmem_shared>>
      %dma_start3A_269 = arith.constant 0 : i32
      %dma_start3A_270 = tpu.memref_slice %arg14[%mul3A_263, %dma_start3A_269] : memref<10000x128xf32, #tpu.memory_space<vmem_shared>> -> memref<80x128xf32, #tpu.memory_space<vmem_shared>>
      %dma_start3A_271 = arith.constant 0 : i32
      %dma_start3A_272 = arith.constant 0 : i32
      %dma_start3A_273 = tpu.memref_slice %arg7[%dma_start3A_271, %dma_start3A_272] : memref<125x128xf32, #tpu.memory_space<vmem>> -> memref<80x128xf32, #tpu.memory_space<vmem>>
      tpu.enqueue_dma source(%dma_start3A_273 : memref<80x128xf32, #tpu.memory_space<vmem>>) target(%dma_start3A_270 : memref<80x128xf32, #tpu.memory_space<vmem_shared>>) target_semaphore(%arg15 : memref<!tpu.dma_semaphore, #tpu.memory_space<semaphore_mem>>)
    }
    %while3A_20 = arith.constant 1 : i32
    scf.for %while3A_259 = %while3A_18 to %while3A_14 step %while3A_20  : i32 {
      %mul3A_260 = arith.muli %while3A_259, %while3A : i32
      %add3A_261 = arith.addi %arg1, %mul3A_260 : i32
      %mul3A_262 = arith.constant 80 : i32
      %mul3A_263 = arith.muli %add3A_261, %mul3A_262 : i32
      %dma_start3A_264 = arith.constant 0 : i32
      %dma_start3A_265 = arith.constant 0 : i32
      %dma_start3A_266 = tpu.memref_slice %arg7[%dma_start3A_264, %dma_start3A_265] : memref<125x128xf32, #tpu.memory_space<vmem>> -> memref<80x128xf32, #tpu.memory_space<vmem>>
      %dma_start3A_267 = arith.constant 0 : i32
      %dma_start3A_268 = tpu.memref_slice %arg14[%mul3A_263, %dma_start3A_267] : memref<10000x128xf32, #tpu.memory_space<vmem_shared>> -> memref<80x128xf32, #tpu.memory_space<vmem_shared>>
      %dma_start3A_269 = arith.constant 0 : i32
      %dma_start3A_270 = tpu.memref_slice %arg14[%mul3A_263, %dma_start3A_269] : memref<10000x128xf32, #tpu.memory_space<vmem_shared>> -> memref<80x128xf32, #tpu.memory_space<vmem_shared>>
      %dma_start3A_271 = arith.constant 0 : i32
      %dma_start3A_272 = arith.constant 0 : i32
      %dma_start3A_273 = tpu.memref_slice %arg7[%dma_start3A_271, %dma_start3A_272] : memref<125x128xf32, #tpu.memory_space<vmem>> -> memref<80x128xf32, #tpu.memory_space<vmem>>
      tpu.enqueue_dma source(%dma_start3A_273 : memref<80x128xf32, #tpu.memory_space<vmem>>) target(%dma_start3A_270 : memref<80x128xf32, #tpu.memory_space<vmem_shared>>) target_semaphore(%arg15 : memref<!tpu.dma_semaphore, #tpu.memory_space<semaphore_mem>>)
    }
    %sub3A_21 = arith.constant 125 : i32
    %sub3A_22 = arith.subi %sub3A_21, %arg1 : i32
    %sub3A_23 = arith.constant 16 : i32
    %sub3A_24 = arith.constant 1 : i32
    %sub3A_25 = arith.subi %sub3A_23, %sub3A_24 : i32
    %add3A_26 = arith.addi %sub3A_22, %sub3A_25 : i32
    %div3A_27 = arith.constant 16 : i32
    %div3A_28 = arith.divsi %add3A_26, %div3A_27 : i32
    %while3A_29 = arith.constant 16 : i32
    %while3A_30 = arith.constant 0 : i32
    %while3A_31 = arith.subi %div3A_28, %while3A_30 : i32
    %while3A_32 = arith.addi %while3A_30, %while3A_31 : i32
    %while3A_33 = arith.constant 1 : i32
    %while3A_34 = arith.divsi %while3A_31, %while3A_33 : i32
    %while3A_35 = arith.muli %while3A_34, %while3A_33 : i32
    %while3A_36 = arith.addi %while3A_30, %while3A_35 : i32
    %while3A_37 = arith.constant 1 : i32
    scf.for %while3A_259 = %while3A_30 to %while3A_36 step %while3A_37  : i32 {
      %mul3A_260 = arith.muli %while3A_259, %while3A_29 : i32
      %add3A_261 = arith.addi %arg1, %mul3A_260 : i32
      %mul3A_262 = arith.constant 80 : i32
      %mul3A_263 = arith.muli %add3A_261, %mul3A_262 : i32
      %dma_wait3A_264 = arith.constant 0 : i32
      %dma_wait3A_265 = arith.constant 0 : i32
      %dma_wait3A_266 = tpu.memref_slice %arg7[%dma_wait3A_264, %dma_wait3A_265] : memref<125x128xf32, #tpu.memory_space<vmem>> -> memref<80x128xf32, #tpu.memory_space<vmem>>
      %dma_wait3A_267 = arith.constant 0 : i32
      %dma_wait3A_268 = tpu.memref_slice %arg14[%mul3A_263, %dma_wait3A_267] : memref<10000x128xf32, #tpu.memory_space<vmem_shared>> -> memref<80x128xf32, #tpu.memory_space<vmem_shared>>
      %dma_wait3A_269 = arith.constant 0 : i32
      %dma_wait3A_270 = tpu.memref_slice %arg14[%mul3A_263, %dma_wait3A_269] : memref<10000x128xf32, #tpu.memory_space<vmem_shared>> -> memref<80x128xf32, #tpu.memory_space<vmem_shared>>
      %dma_wait3A_271 = arith.constant 0 : i32
      %dma_wait3A_272 = arith.constant 0 : i32
      %dma_wait3A_273 = tpu.memref_slice %arg7[%dma_wait3A_271, %dma_wait3A_272] : memref<125x128xf32, #tpu.memory_space<vmem>> -> memref<80x128xf32, #tpu.memory_space<vmem>>
      tpu.wait_dma2 semaphore(%arg15 : memref<!tpu.dma_semaphore, #tpu.memory_space<semaphore_mem>>) src(%dma_wait3A_273 : memref<80x128xf32, #tpu.memory_space<vmem>>) dst(%dma_wait3A_270 : memref<80x128xf32, #tpu.memory_space<vmem_shared>>)
    }
    %while3A_38 = arith.constant 1 : i32
    scf.for %while3A_259 = %while3A_36 to %while3A_32 step %while3A_38  : i32 {
      %mul3A_260 = arith.muli %while3A_259, %while3A_29 : i32
      %add3A_261 = arith.addi %arg1, %mul3A_260 : i32
      %mul3A_262 = arith.constant 80 : i32
      %mul3A_263 = arith.muli %add3A_261, %mul3A_262 : i32
      %dma_wait3A_264 = arith.constant 0 : i32
      %dma_wait3A_265 = arith.constant 0 : i32
      %dma_wait3A_266 = tpu.memref_slice %arg7[%dma_wait3A_264, %dma_wait3A_265] : memref<125x128xf32, #tpu.memory_space<vmem>> -> memref<80x128xf32, #tpu.memory_space<vmem>>
      %dma_wait3A_267 = arith.constant 0 : i32
      %dma_wait3A_268 = tpu.memref_slice %arg14[%mul3A_263, %dma_wait3A_267] : memref<10000x128xf32, #tpu.memory_space<vmem_shared>> -> memref<80x128xf32, #tpu.memory_space<vmem_shared>>
      %dma_wait3A_269 = arith.constant 0 : i32
      %dma_wait3A_270 = tpu.memref_slice %arg14[%mul3A_263, %dma_wait3A_269] : memref<10000x128xf32, #tpu.memory_space<vmem_shared>> -> memref<80x128xf32, #tpu.memory_space<vmem_shared>>
      %dma_wait3A_271 = arith.constant 0 : i32
      %dma_wait3A_272 = arith.constant 0 : i32
      %dma_wait3A_273 = tpu.memref_slice %arg7[%dma_wait3A_271, %dma_wait3A_272] : memref<125x128xf32, #tpu.memory_space<vmem>> -> memref<80x128xf32, #tpu.memory_space<vmem>>
      tpu.wait_dma2 semaphore(%arg15 : memref<!tpu.dma_semaphore, #tpu.memory_space<semaphore_mem>>) src(%dma_wait3A_273 : memref<80x128xf32, #tpu.memory_space<vmem>>) dst(%dma_wait3A_270 : memref<80x128xf32, #tpu.memory_space<vmem_shared>>)
    }
    %barrier3A = arith.constant 0 : index
    tpu.barrier barrier_id(%barrier3A)
    "tpu.region"() ({
      %run_scoped3A = tpu.sem_alloc : memref<!tpu.dma_semaphore, #tpu.memory_space<semaphore_mem>>
      %dma_start3A_259 = arith.constant 0 : i32
      %dma_start3A_260 = arith.constant 0 : i32
      %dma_start3A_261 = tpu.memref_slice %arg3[%add3A, %dma_start3A_259, %dma_start3A_260] : memref<32x80x125xi32, #tpu.memory_space<hbm>> -> memref<1x80x125xi32, #tpu.memory_space<hbm>>
      %dma_start3A_262 = tpu.memref_squeeze %dma_start3A_261 : memref<1x80x125xi32, #tpu.memory_space<hbm>> -> memref<80x125xi32, #tpu.memory_space<hbm>>
      %dma_start3A_263 = arith.constant 0 : i32
      %dma_start3A_264 = arith.constant 0 : i32
      %dma_start3A_265 = tpu.memref_slice %arg3[%add3A, %dma_start3A_263, %dma_start3A_264] : memref<32x80x125xi32, #tpu.memory_space<hbm>> -> memref<1x80x125xi32, #tpu.memory_space<hbm>>
      %dma_start3A_266 = tpu.memref_squeeze %dma_start3A_265 : memref<1x80x125xi32, #tpu.memory_space<hbm>> -> memref<80x125xi32, #tpu.memory_space<hbm>>
      tpu.enqueue_dma source(%dma_start3A_266 : memref<80x125xi32, #tpu.memory_space<hbm>>) target(%arg9 : memref<80x125xi32, #tpu.memory_space<vmem>>) target_semaphore(%run_scoped3A : memref<!tpu.dma_semaphore, #tpu.memory_space<semaphore_mem>>)
      %dma_wait3A_267 = arith.constant 0 : i32
      %dma_wait3A_268 = arith.constant 0 : i32
      %dma_wait3A_269 = tpu.memref_slice %arg3[%add3A, %dma_wait3A_267, %dma_wait3A_268] : memref<32x80x125xi32, #tpu.memory_space<hbm>> -> memref<1x80x125xi32, #tpu.memory_space<hbm>>
      %dma_wait3A_270 = tpu.memref_squeeze %dma_wait3A_269 : memref<1x80x125xi32, #tpu.memory_space<hbm>> -> memref<80x125xi32, #tpu.memory_space<hbm>>
      %dma_wait3A_271 = arith.constant 0 : i32
      %dma_wait3A_272 = arith.constant 0 : i32
      %dma_wait3A_273 = tpu.memref_slice %arg3[%add3A, %dma_wait3A_271, %dma_wait3A_272] : memref<32x80x125xi32, #tpu.memory_space<hbm>> -> memref<1x80x125xi32, #tpu.memory_space<hbm>>
      %dma_wait3A_274 = tpu.memref_squeeze %dma_wait3A_273 : memref<1x80x125xi32, #tpu.memory_space<hbm>> -> memref<80x125xi32, #tpu.memory_space<hbm>>
      tpu.wait_dma2 semaphore(%run_scoped3A : memref<!tpu.dma_semaphore, #tpu.memory_space<semaphore_mem>>) src(%dma_wait3A_274 : memref<80x125xi32, #tpu.memory_space<hbm>>) dst(%arg9 : memref<80x125xi32, #tpu.memory_space<vmem>>)
      tpu.yield
    }) : () -> ()
    %dma_start3A = arith.constant 0 : i32
    %dma_start3A_39 = arith.constant 0 : i32
    %dma_start3A_40 = arith.constant 0 : i32
    %dma_start3A_41 = arith.constant 0 : i32
    %dma_start3A_42 = tpu.memref_slice %arg4[%add3A, %dma_start3A_39, %dma_start3A_40, %dma_start3A_41] : memref<32x40x2x125xi32, #tpu.memory_space<hbm>> -> memref<1x40x2x125xi32, #tpu.memory_space<hbm>>
    %dma_start3A_43 = tpu.memref_squeeze %dma_start3A_42 : memref<1x40x2x125xi32, #tpu.memory_space<hbm>> -> memref<40x2x125xi32, #tpu.memory_space<hbm>>
    %dma_start3A_44 = arith.constant 0 : i32
    %dma_start3A_45 = arith.constant 0 : i32
    %dma_start3A_46 = tpu.memref_slice %dma_start3A_43[%dma_start3A, %dma_start3A_44, %dma_start3A_45] : memref<40x2x125xi32, #tpu.memory_space<hbm>> -> memref<1x2x125xi32, #tpu.memory_space<hbm>>
    %dma_start3A_47 = tpu.memref_squeeze %dma_start3A_46 : memref<1x2x125xi32, #tpu.memory_space<hbm>> -> memref<2x125xi32, #tpu.memory_space<hbm>>
    %dma_start3A_48 = arith.constant 0 : i32
    %dma_start3A_49 = arith.constant 0 : i32
    %dma_start3A_50 = arith.constant 0 : i32
    %dma_start3A_51 = tpu.memref_slice %arg4[%add3A, %dma_start3A_48, %dma_start3A_49, %dma_start3A_50] : memref<32x40x2x125xi32, #tpu.memory_space<hbm>> -> memref<1x40x2x125xi32, #tpu.memory_space<hbm>>
    %dma_start3A_52 = tpu.memref_squeeze %dma_start3A_51 : memref<1x40x2x125xi32, #tpu.memory_space<hbm>> -> memref<40x2x125xi32, #tpu.memory_space<hbm>>
    %dma_start3A_53 = arith.constant 0 : i32
    %dma_start3A_54 = arith.constant 0 : i32
    %dma_start3A_55 = tpu.memref_slice %dma_start3A_52[%dma_start3A, %dma_start3A_53, %dma_start3A_54] : memref<40x2x125xi32, #tpu.memory_space<hbm>> -> memref<1x2x125xi32, #tpu.memory_space<hbm>>
    %dma_start3A_56 = tpu.memref_squeeze %dma_start3A_55 : memref<1x2x125xi32, #tpu.memory_space<hbm>> -> memref<2x125xi32, #tpu.memory_space<hbm>>
    tpu.enqueue_dma source(%dma_start3A_56 : memref<2x125xi32, #tpu.memory_space<hbm>>) target(%arg10 : memref<2x125xi32, #tpu.memory_space<vmem>>) target_semaphore(%arg19 : memref<!tpu.dma_semaphore, #tpu.memory_space<semaphore_mem>>)
    %dma_start3A_57 = arith.constant 0 : i32
    %dma_start3A_58 = arith.constant 0 : i32
    %dma_start3A_59 = arith.constant 0 : i32
    %dma_start3A_60 = arith.constant 0 : i32
    %dma_start3A_61 = tpu.memref_slice %arg5[%add3A, %dma_start3A_58, %dma_start3A_59, %dma_start3A_60] : memref<32x40x2x125xf32, #tpu.memory_space<hbm>> -> memref<1x40x2x125xf32, #tpu.memory_space<hbm>>
    %dma_start3A_62 = tpu.memref_squeeze %dma_start3A_61 : memref<1x40x2x125xf32, #tpu.memory_space<hbm>> -> memref<40x2x125xf32, #tpu.memory_space<hbm>>
    %dma_start3A_63 = arith.constant 0 : i32
    %dma_start3A_64 = arith.constant 0 : i32
    %dma_start3A_65 = tpu.memref_slice %dma_start3A_62[%dma_start3A_57, %dma_start3A_63, %dma_start3A_64] : memref<40x2x125xf32, #tpu.memory_space<hbm>> -> memref<1x2x125xf32, #tpu.memory_space<hbm>>
    %dma_start3A_66 = tpu.memref_squeeze %dma_start3A_65 : memref<1x2x125xf32, #tpu.memory_space<hbm>> -> memref<2x125xf32, #tpu.memory_space<hbm>>
    %dma_start3A_67 = arith.constant 0 : i32
    %dma_start3A_68 = arith.constant 0 : i32
    %dma_start3A_69 = arith.constant 0 : i32
    %dma_start3A_70 = tpu.memref_slice %arg5[%add3A, %dma_start3A_67, %dma_start3A_68, %dma_start3A_69] : memref<32x40x2x125xf32, #tpu.memory_space<hbm>> -> memref<1x40x2x125xf32, #tpu.memory_space<hbm>>
    %dma_start3A_71 = tpu.memref_squeeze %dma_start3A_70 : memref<1x40x2x125xf32, #tpu.memory_space<hbm>> -> memref<40x2x125xf32, #tpu.memory_space<hbm>>
    %dma_start3A_72 = arith.constant 0 : i32
    %dma_start3A_73 = arith.constant 0 : i32
    %dma_start3A_74 = tpu.memref_slice %dma_start3A_71[%dma_start3A_57, %dma_start3A_72, %dma_start3A_73] : memref<40x2x125xf32, #tpu.memory_space<hbm>> -> memref<1x2x125xf32, #tpu.memory_space<hbm>>
    %dma_start3A_75 = tpu.memref_squeeze %dma_start3A_74 : memref<1x2x125xf32, #tpu.memory_space<hbm>> -> memref<2x125xf32, #tpu.memory_space<hbm>>
    tpu.enqueue_dma source(%dma_start3A_75 : memref<2x125xf32, #tpu.memory_space<hbm>>) target(%arg12 : memref<2x125xf32, #tpu.memory_space<vmem>>) target_semaphore(%arg19 : memref<!tpu.dma_semaphore, #tpu.memory_space<semaphore_mem>>)
    %dma_start3A_76 = arith.constant 1 : i32
    %dma_start3A_77 = arith.constant 0 : i32
    %dma_start3A_78 = arith.constant 0 : i32
    %dma_start3A_79 = arith.constant 0 : i32
    %dma_start3A_80 = tpu.memref_slice %arg4[%add3A, %dma_start3A_77, %dma_start3A_78, %dma_start3A_79] : memref<32x40x2x125xi32, #tpu.memory_space<hbm>> -> memref<1x40x2x125xi32, #tpu.memory_space<hbm>>
    %dma_start3A_81 = tpu.memref_squeeze %dma_start3A_80 : memref<1x40x2x125xi32, #tpu.memory_space<hbm>> -> memref<40x2x125xi32, #tpu.memory_space<hbm>>
    %dma_start3A_82 = arith.constant 0 : i32
    %dma_start3A_83 = arith.constant 0 : i32
    %dma_start3A_84 = tpu.memref_slice %dma_start3A_81[%dma_start3A_76, %dma_start3A_82, %dma_start3A_83] : memref<40x2x125xi32, #tpu.memory_space<hbm>> -> memref<1x2x125xi32, #tpu.memory_space<hbm>>
    %dma_start3A_85 = tpu.memref_squeeze %dma_start3A_84 : memref<1x2x125xi32, #tpu.memory_space<hbm>> -> memref<2x125xi32, #tpu.memory_space<hbm>>
    %dma_start3A_86 = arith.constant 0 : i32
    %dma_start3A_87 = arith.constant 0 : i32
    %dma_start3A_88 = arith.constant 0 : i32
    %dma_start3A_89 = tpu.memref_slice %arg4[%add3A, %dma_start3A_86, %dma_start3A_87, %dma_start3A_88] : memref<32x40x2x125xi32, #tpu.memory_space<hbm>> -> memref<1x40x2x125xi32, #tpu.memory_space<hbm>>
    %dma_start3A_90 = tpu.memref_squeeze %dma_start3A_89 : memref<1x40x2x125xi32, #tpu.memory_space<hbm>> -> memref<40x2x125xi32, #tpu.memory_space<hbm>>
    %dma_start3A_91 = arith.constant 0 : i32
    %dma_start3A_92 = arith.constant 0 : i32
    %dma_start3A_93 = tpu.memref_slice %dma_start3A_90[%dma_start3A_76, %dma_start3A_91, %dma_start3A_92] : memref<40x2x125xi32, #tpu.memory_space<hbm>> -> memref<1x2x125xi32, #tpu.memory_space<hbm>>
    %dma_start3A_94 = tpu.memref_squeeze %dma_start3A_93 : memref<1x2x125xi32, #tpu.memory_space<hbm>> -> memref<2x125xi32, #tpu.memory_space<hbm>>
    tpu.enqueue_dma source(%dma_start3A_94 : memref<2x125xi32, #tpu.memory_space<hbm>>) target(%arg11 : memref<2x125xi32, #tpu.memory_space<vmem>>) target_semaphore(%arg20 : memref<!tpu.dma_semaphore, #tpu.memory_space<semaphore_mem>>)
    %dma_start3A_95 = arith.constant 1 : i32
    %dma_start3A_96 = arith.constant 0 : i32
    %dma_start3A_97 = arith.constant 0 : i32
    %dma_start3A_98 = arith.constant 0 : i32
    %dma_start3A_99 = tpu.memref_slice %arg5[%add3A, %dma_start3A_96, %dma_start3A_97, %dma_start3A_98] : memref<32x40x2x125xf32, #tpu.memory_space<hbm>> -> memref<1x40x2x125xf32, #tpu.memory_space<hbm>>
    %dma_start3A_100 = tpu.memref_squeeze %dma_start3A_99 : memref<1x40x2x125xf32, #tpu.memory_space<hbm>> -> memref<40x2x125xf32, #tpu.memory_space<hbm>>
    %dma_start3A_101 = arith.constant 0 : i32
    %dma_start3A_102 = arith.constant 0 : i32
    %dma_start3A_103 = tpu.memref_slice %dma_start3A_100[%dma_start3A_95, %dma_start3A_101, %dma_start3A_102] : memref<40x2x125xf32, #tpu.memory_space<hbm>> -> memref<1x2x125xf32, #tpu.memory_space<hbm>>
    %dma_start3A_104 = tpu.memref_squeeze %dma_start3A_103 : memref<1x2x125xf32, #tpu.memory_space<hbm>> -> memref<2x125xf32, #tpu.memory_space<hbm>>
    %dma_start3A_105 = arith.constant 0 : i32
    %dma_start3A_106 = arith.constant 0 : i32
    %dma_start3A_107 = arith.constant 0 : i32
    %dma_start3A_108 = tpu.memref_slice %arg5[%add3A, %dma_start3A_105, %dma_start3A_106, %dma_start3A_107] : memref<32x40x2x125xf32, #tpu.memory_space<hbm>> -> memref<1x40x2x125xf32, #tpu.memory_space<hbm>>
    %dma_start3A_109 = tpu.memref_squeeze %dma_start3A_108 : memref<1x40x2x125xf32, #tpu.memory_space<hbm>> -> memref<40x2x125xf32, #tpu.memory_space<hbm>>
    %dma_start3A_110 = arith.constant 0 : i32
    %dma_start3A_111 = arith.constant 0 : i32
    %dma_start3A_112 = tpu.memref_slice %dma_start3A_109[%dma_start3A_95, %dma_start3A_110, %dma_start3A_111] : memref<40x2x125xf32, #tpu.memory_space<hbm>> -> memref<1x2x125xf32, #tpu.memory_space<hbm>>
    %dma_start3A_113 = tpu.memref_squeeze %dma_start3A_112 : memref<1x2x125xf32, #tpu.memory_space<hbm>> -> memref<2x125xf32, #tpu.memory_space<hbm>>
    tpu.enqueue_dma source(%dma_start3A_113 : memref<2x125xf32, #tpu.memory_space<hbm>>) target(%arg13 : memref<2x125xf32, #tpu.memory_space<vmem>>) target_semaphore(%arg20 : memref<!tpu.dma_semaphore, #tpu.memory_space<semaphore_mem>>)
    %dma_start3A_114 = arith.constant 0 : i32
    %dma_start3A_115 = arith.constant 0 : i32
    %dma_start3A_116 = tpu.memref_slice %arg9[%dma_start3A_114, %dma_start3A_115] : memref<80x125xi32, #tpu.memory_space<vmem>> -> memref<1x125xi32, #tpu.memory_space<vmem>>
    %dma_start3A_117 = tpu.memref_squeeze %dma_start3A_116 : memref<1x125xi32, #tpu.memory_space<vmem>> -> memref<125xi32, #tpu.memory_space<vmem>>
    %dma_start3A_118 = arith.constant 0 : i32
    %dma_start3A_119 = arith.constant 0 : i32
    %dma_start3A_120 = tpu.memref_slice %arg2[%dma_start3A_118, %dma_start3A_119] : memref<10000x128xf32, #tpu.memory_space<hbm>> -> memref<10000x128xf32, #tpu.memory_space<hbm>>
    tpu.enqueue_indirect_dma source(%dma_start3A_120 : memref<10000x128xf32, #tpu.memory_space<hbm>>) target(%arg7 : memref<125x128xf32, #tpu.memory_space<vmem>>) offsets(%dma_start3A_117 : memref<125xi32, #tpu.memory_space<vmem>>) semaphore(%arg15 : memref<!tpu.dma_semaphore, #tpu.memory_space<semaphore_mem>>)
    %dma_start3A_121 = arith.constant 1 : i32
    %dma_start3A_122 = arith.constant 0 : i32
    %dma_start3A_123 = tpu.memref_slice %arg9[%dma_start3A_121, %dma_start3A_122] : memref<80x125xi32, #tpu.memory_space<vmem>> -> memref<1x125xi32, #tpu.memory_space<vmem>>
    %dma_start3A_124 = tpu.memref_squeeze %dma_start3A_123 : memref<1x125xi32, #tpu.memory_space<vmem>> -> memref<125xi32, #tpu.memory_space<vmem>>
    %dma_start3A_125 = arith.constant 0 : i32
    %dma_start3A_126 = arith.constant 0 : i32
    %dma_start3A_127 = tpu.memref_slice %arg2[%dma_start3A_125, %dma_start3A_126] : memref<10000x128xf32, #tpu.memory_space<hbm>> -> memref<10000x128xf32, #tpu.memory_space<hbm>>
    tpu.enqueue_indirect_dma source(%dma_start3A_127 : memref<10000x128xf32, #tpu.memory_space<hbm>>) target(%arg8 : memref<125x128xf32, #tpu.memory_space<vmem>>) offsets(%dma_start3A_124 : memref<125xi32, #tpu.memory_space<vmem>>) semaphore(%arg16 : memref<!tpu.dma_semaphore, #tpu.memory_space<semaphore_mem>>)
    %scan3A_128 = arith.constant 0 : i32
    %scan3A_129 = arith.constant 20 : i32
    %scan3A_130 = arith.addi %scan3A_128, %scan3A_129 : i32
    %scan3A_131 = arith.constant 1 : i32
    scf.for %scan3A_259 = %scan3A_128 to %scan3A_130 step %scan3A_131  : i32 {
      %mul3A_260 = arith.constant 1 : i32
      %mul3A_261 = arith.muli %scan3A_259, %mul3A_260 : i32
      %add3A_262 = arith.constant 0 : i32
      %add3A_263 = arith.addi %add3A_262, %mul3A_261 : i32
      %mul3A_264 = arith.constant 4 : i32
      %mul3A_265 = arith.muli %mul3A_264, %add3A_263 : i32
      %mul3A_266 = arith.constant 2 : i32
      %mul3A_267 = arith.muli %mul3A_266, %add3A_263 : i32
      %dma_wait3A_268 = arith.constant 0 : i32
      %dma_wait3A_269 = arith.constant 0 : i32
      %dma_wait3A_270 = arith.constant 0 : i32
      %dma_wait3A_271 = arith.constant 0 : i32
      %dma_wait3A_272 = tpu.memref_slice %arg4[%add3A, %dma_wait3A_269, %dma_wait3A_270, %dma_wait3A_271] : memref<32x40x2x125xi32, #tpu.memory_space<hbm>> -> memref<1x40x2x125xi32, #tpu.memory_space<hbm>>
      %dma_wait3A_273 = tpu.memref_squeeze %dma_wait3A_272 : memref<1x40x2x125xi32, #tpu.memory_space<hbm>> -> memref<40x2x125xi32, #tpu.memory_space<hbm>>
      %dma_wait3A_274 = arith.constant 0 : i32
      %dma_wait3A_275 = arith.constant 0 : i32
      %dma_wait3A_276 = tpu.memref_slice %dma_wait3A_273[%dma_wait3A_268, %dma_wait3A_274, %dma_wait3A_275] : memref<40x2x125xi32, #tpu.memory_space<hbm>> -> memref<1x2x125xi32, #tpu.memory_space<hbm>>
      %dma_wait3A_277 = tpu.memref_squeeze %dma_wait3A_276 : memref<1x2x125xi32, #tpu.memory_space<hbm>> -> memref<2x125xi32, #tpu.memory_space<hbm>>
      %dma_wait3A_278 = arith.constant 0 : i32
      %dma_wait3A_279 = arith.constant 0 : i32
      %dma_wait3A_280 = arith.constant 0 : i32
      %dma_wait3A_281 = tpu.memref_slice %arg4[%add3A, %dma_wait3A_278, %dma_wait3A_279, %dma_wait3A_280] : memref<32x40x2x125xi32, #tpu.memory_space<hbm>> -> memref<1x40x2x125xi32, #tpu.memory_space<hbm>>
      %dma_wait3A_282 = tpu.memref_squeeze %dma_wait3A_281 : memref<1x40x2x125xi32, #tpu.memory_space<hbm>> -> memref<40x2x125xi32, #tpu.memory_space<hbm>>
      %dma_wait3A_283 = arith.constant 0 : i32
      %dma_wait3A_284 = arith.constant 0 : i32
      %dma_wait3A_285 = tpu.memref_slice %dma_wait3A_282[%dma_wait3A_268, %dma_wait3A_283, %dma_wait3A_284] : memref<40x2x125xi32, #tpu.memory_space<hbm>> -> memref<1x2x125xi32, #tpu.memory_space<hbm>>
      %dma_wait3A_286 = tpu.memref_squeeze %dma_wait3A_285 : memref<1x2x125xi32, #tpu.memory_space<hbm>> -> memref<2x125xi32, #tpu.memory_space<hbm>>
      tpu.wait_dma2 semaphore(%arg19 : memref<!tpu.dma_semaphore, #tpu.memory_space<semaphore_mem>>) src(%dma_wait3A_286 : memref<2x125xi32, #tpu.memory_space<hbm>>) dst(%arg10 : memref<2x125xi32, #tpu.memory_space<vmem>>)
      %dma_wait3A_287 = arith.constant 0 : i32
      %dma_wait3A_288 = arith.constant 0 : i32
      %dma_wait3A_289 = arith.constant 0 : i32
      %dma_wait3A_290 = arith.constant 0 : i32
      %dma_wait3A_291 = tpu.memref_slice %arg5[%add3A, %dma_wait3A_288, %dma_wait3A_289, %dma_wait3A_290] : memref<32x40x2x125xf32, #tpu.memory_space<hbm>> -> memref<1x40x2x125xf32, #tpu.memory_space<hbm>>
      %dma_wait3A_292 = tpu.memref_squeeze %dma_wait3A_291 : memref<1x40x2x125xf32, #tpu.memory_space<hbm>> -> memref<40x2x125xf32, #tpu.memory_space<hbm>>
      %dma_wait3A_293 = arith.constant 0 : i32
      %dma_wait3A_294 = arith.constant 0 : i32
      %dma_wait3A_295 = tpu.memref_slice %dma_wait3A_292[%dma_wait3A_287, %dma_wait3A_293, %dma_wait3A_294] : memref<40x2x125xf32, #tpu.memory_space<hbm>> -> memref<1x2x125xf32, #tpu.memory_space<hbm>>
      %dma_wait3A_296 = tpu.memref_squeeze %dma_wait3A_295 : memref<1x2x125xf32, #tpu.memory_space<hbm>> -> memref<2x125xf32, #tpu.memory_space<hbm>>
      %dma_wait3A_297 = arith.constant 0 : i32
      %dma_wait3A_298 = arith.constant 0 : i32
      %dma_wait3A_299 = arith.constant 0 : i32
      %dma_wait3A_300 = tpu.memref_slice %arg5[%add3A, %dma_wait3A_297, %dma_wait3A_298, %dma_wait3A_299] : memref<32x40x2x125xf32, #tpu.memory_space<hbm>> -> memref<1x40x2x125xf32, #tpu.memory_space<hbm>>
      %dma_wait3A_301 = tpu.memref_squeeze %dma_wait3A_300 : memref<1x40x2x125xf32, #tpu.memory_space<hbm>> -> memref<40x2x125xf32, #tpu.memory_space<hbm>>
      %dma_wait3A_302 = arith.constant 0 : i32
      %dma_wait3A_303 = arith.constant 0 : i32
      %dma_wait3A_304 = tpu.memref_slice %dma_wait3A_301[%dma_wait3A_287, %dma_wait3A_302, %dma_wait3A_303] : memref<40x2x125xf32, #tpu.memory_space<hbm>> -> memref<1x2x125xf32, #tpu.memory_space<hbm>>
      %dma_wait3A_305 = tpu.memref_squeeze %dma_wait3A_304 : memref<1x2x125xf32, #tpu.memory_space<hbm>> -> memref<2x125xf32, #tpu.memory_space<hbm>>
      tpu.wait_dma2 semaphore(%arg19 : memref<!tpu.dma_semaphore, #tpu.memory_space<semaphore_mem>>) src(%dma_wait3A_305 : memref<2x125xf32, #tpu.memory_space<hbm>>) dst(%arg12 : memref<2x125xf32, #tpu.memory_space<vmem>>)
      %dma_wait3A_306 = arith.constant 0 : i32
      %dma_wait3A_307 = arith.constant 0 : i32
      %dma_wait3A_308 = tpu.memref_slice %arg9[%dma_wait3A_306, %dma_wait3A_307] : memref<80x125xi32, #tpu.memory_space<vmem>> -> memref<1x125xi32, #tpu.memory_space<vmem>>
      %dma_wait3A_309 = tpu.memref_squeeze %dma_wait3A_308 : memref<1x125xi32, #tpu.memory_space<vmem>> -> memref<125xi32, #tpu.memory_space<vmem>>
      %dma_wait3A_310 = arith.constant 0 : i32
      %dma_wait3A_311 = arith.constant 0 : i32
      %dma_wait3A_312 = tpu.memref_slice %arg2[%dma_wait3A_310, %dma_wait3A_311] : memref<10000x128xf32, #tpu.memory_space<hbm>> -> memref<10000x128xf32, #tpu.memory_space<hbm>>
      tpu.wait_indirect_dma semaphore(%arg15 : memref<!tpu.dma_semaphore, #tpu.memory_space<semaphore_mem>>) src(%dma_wait3A_312 : memref<10000x128xf32, #tpu.memory_space<hbm>>) dst(%arg7 : memref<125x128xf32, #tpu.memory_space<vmem>>)
      %broadcast_in_dim3A_313 = arith.constant 0 : i32
      %broadcast_in_dim3A_314 = vector.broadcast %broadcast_in_dim3A_313 : i32 to vector<16xi32>
      %scan3A_315 = arith.constant 0 : i32
      %scan3A_316 = arith.constant 125 : i32
      %scan3A_317 = arith.addi %scan3A_315, %scan3A_316 : i32
      %scan3A_318 = arith.constant 5 : i32
      scf.for %scan3A_571 = %scan3A_315 to %scan3A_317 step %scan3A_318  : i32 {
        %mul3A_572 = arith.constant 1 : i32
        %mul3A_573 = arith.muli %scan3A_571, %mul3A_572 : i32
        %add3A_574 = arith.constant 0 : i32
        %add3A_575 = arith.addi %add3A_574, %mul3A_573 : i32
        %broadcast_in_dim3A_576 = vector.broadcast %add3A_575 : i32 to vector<16xi32>
        %gather3A = tpu.vector_load_idx %arg12[%broadcast_in_dim3A_314, %broadcast_in_dim3A_576] : memref<2x125xf32, #tpu.memory_space<vmem>>[vector<16xi32>, vector<16xi32>], vector<16xf32>,
        %get3A = arith.index_cast %add3A_575 : i32 to index
        %get3A_577 = arith.constant 0 : index
        %get3A_578 = tpu.vector_load %arg7[%get3A, %get3A_577] {strides = array<i32>} : memref<125x128xf32, #tpu.memory_space<vmem>>, vector<16xf32>,
        %mul3A_579 = arith.mulf %get3A_578, %gather3A : vector<16xf32>
        %swap3A = arith.index_cast %add3A_575 : i32 to index
        %swap3A_580 = arith.constant 0 : index
        %swap3A_581 = tpu.vector_load %arg7[%swap3A, %swap3A_580] {strides = array<i32>} : memref<125x128xf32, #tpu.memory_space<vmem>>, vector<16xf32>,
        tpu.vector_store %arg7[%swap3A, %swap3A_580], %mul3A_579 {strides = array<i32>} : memref<125x128xf32, #tpu.memory_space<vmem>>, vector<16xf32>,
        %get3A_582 = arith.index_cast %add3A_575 : i32 to index
        %get3A_583 = arith.constant 16 : index
        %get3A_584 = tpu.vector_load %arg7[%get3A_582, %get3A_583] {strides = array<i32>} : memref<125x128xf32, #tpu.memory_space<vmem>>, vector<16xf32>,
        %mul3A_585 = arith.mulf %get3A_584, %gather3A : vector<16xf32>
        %swap3A_586 = arith.index_cast %add3A_575 : i32 to index
        %swap3A_587 = arith.constant 16 : index
        %swap3A_588 = tpu.vector_load %arg7[%swap3A_586, %swap3A_587] {strides = array<i32>} : memref<125x128xf32, #tpu.memory_space<vmem>>, vector<16xf32>,
        tpu.vector_store %arg7[%swap3A_586, %swap3A_587], %mul3A_585 {strides = array<i32>} : memref<125x128xf32, #tpu.memory_space<vmem>>, vector<16xf32>,
        %get3A_589 = arith.index_cast %add3A_575 : i32 to index
        %get3A_590 = arith.constant 32 : index
        %get3A_591 = tpu.vector_load %arg7[%get3A_589, %get3A_590] {strides = array<i32>} : memref<125x128xf32, #tpu.memory_space<vmem>>, vector<16xf32>,
        %mul3A_592 = arith.mulf %get3A_591, %gather3A : vector<16xf32>
        %swap3A_593 = arith.index_cast %add3A_575 : i32 to index
        %swap3A_594 = arith.constant 32 : index
        %swap3A_595 = tpu.vector_load %arg7[%swap3A_593, %swap3A_594] {strides = array<i32>} : memref<125x128xf32, #tpu.memory_space<vmem>>, vector<16xf32>,
        tpu.vector_store %arg7[%swap3A_593, %swap3A_594], %mul3A_592 {strides = array<i32>} : memref<125x128xf32, #tpu.memory_space<vmem>>, vector<16xf32>,
        %get3A_596 = arith.index_cast %add3A_575 : i32 to index
        %get3A_597 = arith.constant 48 : index
        %get3A_598 = tpu.vector_load %arg7[%get3A_596, %get3A_597] {strides = array<i32>} : memref<125x128xf32, #tpu.memory_space<vmem>>, vector<16xf32>,
        %mul3A_599 = arith.mulf %get3A_598, %gather3A : vector<16xf32>
        %swap3A_600 = arith.index_cast %add3A_575 : i32 to index
        %swap3A_601 = arith.constant 48 : index
        %swap3A_602 = tpu.vector_load %arg7[%swap3A_600, %swap3A_601] {strides = array<i32>} : memref<125x128xf32, #tpu.memory_space<vmem>>, vector<16xf32>,
        tpu.vector_store %arg7[%swap3A_600, %swap3A_601], %mul3A_599 {strides = array<i32>} : memref<125x128xf32, #tpu.memory_space<vmem>>, vector<16xf32>,
        %get3A_603 = arith.index_cast %add3A_575 : i32 to index
        %get3A_604 = arith.constant 64 : index
        %get3A_605 = tpu.vector_load %arg7[%get3A_603, %get3A_604] {strides = array<i32>} : memref<125x128xf32, #tpu.memory_space<vmem>>, vector<16xf32>,
        %mul3A_606 = arith.mulf %get3A_605, %gather3A : vector<16xf32>
        %swap3A_607 = arith.index_cast %add3A_575 : i32 to index
        %swap3A_608 = arith.constant 64 : index
        %swap3A_609 = tpu.vector_load %arg7[%swap3A_607, %swap3A_608] {strides = array<i32>} : memref<125x128xf32, #tpu.memory_space<vmem>>, vector<16xf32>,
        tpu.vector_store %arg7[%swap3A_607, %swap3A_608], %mul3A_606 {strides = array<i32>} : memref<125x128xf32, #tpu.memory_space<vmem>>, vector<16xf32>,
        %get3A_610 = arith.index_cast %add3A_575 : i32 to index
        %get3A_611 = arith.constant 80 : index
        %get3A_612 = tpu.vector_load %arg7[%get3A_610, %get3A_611] {strides = array<i32>} : memref<125x128xf32, #tpu.memory_space<vmem>>, vector<16xf32>,
        %mul3A_613 = arith.mulf %get3A_612, %gather3A : vector<16xf32>
        %swap3A_614 = arith.index_cast %add3A_575 : i32 to index
        %swap3A_615 = arith.constant 80 : index
        %swap3A_616 = tpu.vector_load %arg7[%swap3A_614, %swap3A_615] {strides = array<i32>} : memref<125x128xf32, #tpu.memory_space<vmem>>, vector<16xf32>,
        tpu.vector_store %arg7[%swap3A_614, %swap3A_615], %mul3A_613 {strides = array<i32>} : memref<125x128xf32, #tpu.memory_space<vmem>>, vector<16xf32>,
        %get3A_617 = arith.index_cast %add3A_575 : i32 to index
        %get3A_618 = arith.constant 96 : index
        %get3A_619 = tpu.vector_load %arg7[%get3A_617, %get3A_618] {strides = array<i32>} : memref<125x128xf32, #tpu.memory_space<vmem>>, vector<16xf32>,
        %mul3A_620 = arith.mulf %get3A_619, %gather3A : vector<16xf32>
        %swap3A_621 = arith.index_cast %add3A_575 : i32 to index
        %swap3A_622 = arith.constant 96 : index
        %swap3A_623 = tpu.vector_load %arg7[%swap3A_621, %swap3A_622] {strides = array<i32>} : memref<125x128xf32, #tpu.memory_space<vmem>>, vector<16xf32>,
        tpu.vector_store %arg7[%swap3A_621, %swap3A_622], %mul3A_620 {strides = array<i32>} : memref<125x128xf32, #tpu.memory_space<vmem>>, vector<16xf32>,
        %get3A_624 = arith.index_cast %add3A_575 : i32 to index
        %get3A_625 = arith.constant 112 : index
        %get3A_626 = tpu.vector_load %arg7[%get3A_624, %get3A_625] {strides = array<i32>} : memref<125x128xf32, #tpu.memory_space<vmem>>, vector<16xf32>,
        %mul3A_627 = arith.mulf %get3A_626, %gather3A : vector<16xf32>
        %swap3A_628 = arith.index_cast %add3A_575 : i32 to index
        %swap3A_629 = arith.constant 112 : index
        %swap3A_630 = tpu.vector_load %arg7[%swap3A_628, %swap3A_629] {strides = array<i32>} : memref<125x128xf32, #tpu.memory_space<vmem>>, vector<16xf32>,
        tpu.vector_store %arg7[%swap3A_628, %swap3A_629], %mul3A_627 {strides = array<i32>} : memref<125x128xf32, #tpu.memory_space<vmem>>, vector<16xf32>,
        %scan3A_631 = arith.constant 1 : i32
        %scan3A_632 = arith.addi %scan3A_571, %scan3A_631 : i32
        %mul3A_633 = arith.constant 1 : i32
        %mul3A_634 = arith.muli %scan3A_632, %mul3A_633 : i32
        %add3A_635 = arith.constant 0 : i32
        %add3A_636 = arith.addi %add3A_635, %mul3A_634 : i32
        %broadcast_in_dim3A_637 = vector.broadcast %add3A_636 : i32 to vector<16xi32>
        %gather3A_638 = tpu.vector_load_idx %arg12[%broadcast_in_dim3A_314, %broadcast_in_dim3A_637] : memref<2x125xf32, #tpu.memory_space<vmem>>[vector<16xi32>, vector<16xi32>], vector<16xf32>,
        %get3A_639 = arith.index_cast %add3A_636 : i32 to index
        %get3A_640 = arith.constant 0 : index
        %get3A_641 = tpu.vector_load %arg7[%get3A_639, %get3A_640] {strides = array<i32>} : memref<125x128xf32, #tpu.memory_space<vmem>>, vector<16xf32>,
        %mul3A_642 = arith.mulf %get3A_641, %gather3A_638 : vector<16xf32>
        %swap3A_643 = arith.index_cast %add3A_636 : i32 to index
        %swap3A_644 = arith.constant 0 : index
        %swap3A_645 = tpu.vector_load %arg7[%swap3A_643, %swap3A_644] {strides = array<i32>} : memref<125x128xf32, #tpu.memory_space<vmem>>, vector<16xf32>,
        tpu.vector_store %arg7[%swap3A_643, %swap3A_644], %mul3A_642 {strides = array<i32>} : memref<125x128xf32, #tpu.memory_space<vmem>>, vector<16xf32>,
        %get3A_646 = arith.index_cast %add3A_636 : i32 to index
        %get3A_647 = arith.constant 16 : index
        %get3A_648 = tpu.vector_load %arg7[%get3A_646, %get3A_647] {strides = array<i32>} : memref<125x128xf32, #tpu.memory_space<vmem>>, vector<16xf32>,
        %mul3A_649 = arith.mulf %get3A_648, %gather3A_638 : vector<16xf32>
        %swap3A_650 = arith.index_cast %add3A_636 : i32 to index
        %swap3A_651 = arith.constant 16 : index
        %swap3A_652 = tpu.vector_load %arg7[%swap3A_650, %swap3A_651] {strides = array<i32>} : memref<125x128xf32, #tpu.memory_space<vmem>>, vector<16xf32>,
        tpu.vector_store %arg7[%swap3A_650, %swap3A_651], %mul3A_649 {strides = array<i32>} : memref<125x128xf32, #tpu.memory_space<vmem>>, vector<16xf32>,
        %get3A_653 = arith.index_cast %add3A_636 : i32 to index
        %get3A_654 = arith.constant 32 : index
        %get3A_655 = tpu.vector_load %arg7[%get3A_653, %get3A_654] {strides = array<i32>} : memref<125x128xf32, #tpu.memory_space<vmem>>, vector<16xf32>,
        %mul3A_656 = arith.mulf %get3A_655, %gather3A_638 : vector<16xf32>
        %swap3A_657 = arith.index_cast %add3A_636 : i32 to index
        %swap3A_658 = arith.constant 32 : index
        %swap3A_659 = tpu.vector_load %arg7[%swap3A_657, %swap3A_658] {strides = array<i32>} : memref<125x128xf32, #tpu.memory_space<vmem>>, vector<16xf32>,
        tpu.vector_store %arg7[%swap3A_657, %swap3A_658], %mul3A_656 {strides = array<i32>} : memref<125x128xf32, #tpu.memory_space<vmem>>, vector<16xf32>,
        %get3A_660 = arith.index_cast %add3A_636 : i32 to index
        %get3A_661 = arith.constant 48 : index
        %get3A_662 = tpu.vector_load %arg7[%get3A_660, %get3A_661] {strides = array<i32>} : memref<125x128xf32, #tpu.memory_space<vmem>>, vector<16xf32>,
        %mul3A_663 = arith.mulf %get3A_662, %gather3A_638 : vector<16xf32>
        %swap3A_664 = arith.index_cast %add3A_636 : i32 to index
        %swap3A_665 = arith.constant 48 : index
        %swap3A_666 = tpu.vector_load %arg7[%swap3A_664, %swap3A_665] {strides = array<i32>} : memref<125x128xf32, #tpu.memory_space<vmem>>, vector<16xf32>,
        tpu.vector_store %arg7[%swap3A_664, %swap3A_665], %mul3A_663 {strides = array<i32>} : memref<125x128xf32, #tpu.memory_space<vmem>>, vector<16xf32>,
        %get3A_667 = arith.index_cast %add3A_636 : i32 to index
        %get3A_668 = arith.constant 64 : index
        %get3A_669 = tpu.vector_load %arg7[%get3A_667, %get3A_668] {strides = array<i32>} : memref<125x128xf32, #tpu.memory_space<vmem>>, vector<16xf32>,
        %mul3A_670 = arith.mulf %get3A_669, %gather3A_638 : vector<16xf32>
        %swap3A_671 = arith.index_cast %add3A_636 : i32 to index
        %swap3A_672 = arith.constant 64 : index
        %swap3A_673 = tpu.vector_load %arg7[%swap3A_671, %swap3A_672] {strides = array<i32>} : memref<125x128xf32, #tpu.memory_space<vmem>>, vector<16xf32>,
        tpu.vector_store %arg7[%swap3A_671, %swap3A_672], %mul3A_670 {strides = array<i32>} : memref<125x128xf32, #tpu.memory_space<vmem>>, vector<16xf32>,
        %get3A_674 = arith.index_cast %add3A_636 : i32 to index
        %get3A_675 = arith.constant 80 : index
        %get3A_676 = tpu.vector_load %arg7[%get3A_674, %get3A_675] {strides = array<i32>} : memref<125x128xf32, #tpu.memory_space<vmem>>, vector<16xf32>,
        %mul3A_677 = arith.mulf %get3A_676, %gather3A_638 : vector<16xf32>
        %swap3A_678 = arith.index_cast %add3A_636 : i32 to index
        %swap3A_679 = arith.constant 80 : index
        %swap3A_680 = tpu.vector_load %arg7[%swap3A_678, %swap3A_679] {strides = array<i32>} : memref<125x128xf32, #tpu.memory_space<vmem>>, vector<16xf32>,
        tpu.vector_store %arg7[%swap3A_678, %swap3A_679], %mul3A_677 {strides = array<i32>} : memref<125x128xf32, #tpu.memory_space<vmem>>, vector<16xf32>,
        %get3A_681 = arith.index_cast %add3A_636 : i32 to index
        %get3A_682 = arith.constant 96 : index
        %get3A_683 = tpu.vector_load %arg7[%get3A_681, %get3A_682] {strides = array<i32>} : memref<125x128xf32, #tpu.memory_space<vmem>>, vector<16xf32>,
        %mul3A_684 = arith.mulf %get3A_683, %gather3A_638 : vector<16xf32>
        %swap3A_685 = arith.index_cast %add3A_636 : i32 to index
        %swap3A_686 = arith.constant 96 : index
        %swap3A_687 = tpu.vector_load %arg7[%swap3A_685, %swap3A_686] {strides = array<i32>} : memref<125x128xf32, #tpu.memory_space<vmem>>, vector<16xf32>,
        tpu.vector_store %arg7[%swap3A_685, %swap3A_686], %mul3A_684 {strides = array<i32>} : memref<125x128xf32, #tpu.memory_space<vmem>>, vector<16xf32>,
        %get3A_688 = arith.index_cast %add3A_636 : i32 to index
        %get3A_689 = arith.constant 112 : index
        %get3A_690 = tpu.vector_load %arg7[%get3A_688, %get3A_689] {strides = array<i32>} : memref<125x128xf32, #tpu.memory_space<vmem>>, vector<16xf32>,
        %mul3A_691 = arith.mulf %get3A_690, %gather3A_638 : vector<16xf32>
        %swap3A_692 = arith.index_cast %add3A_636 : i32 to index
        %swap3A_693 = arith.constant 112 : index
        %swap3A_694 = tpu.vector_load %arg7[%swap3A_692, %swap3A_693] {strides = array<i32>} : memref<125x128xf32, #tpu.memory_space<vmem>>, vector<16xf32>,
        tpu.vector_store %arg7[%swap3A_692, %swap3A_693], %mul3A_691 {strides = array<i32>} : memref<125x128xf32, #tpu.memory_space<vmem>>, vector<16xf32>,
        %scan3A_695 = arith.constant 2 : i32
        %scan3A_696 = arith.addi %scan3A_571, %scan3A_695 : i32
        %mul3A_697 = arith.constant 1 : i32
        %mul3A_698 = arith.muli %scan3A_696, %mul3A_697 : i32
        %add3A_699 = arith.constant 0 : i32
        %add3A_700 = arith.addi %add3A_699, %mul3A_698 : i32
        %broadcast_in_dim3A_701 = vector.broadcast %add3A_700 : i32 to vector<16xi32>
        %gather3A_702 = tpu.vector_load_idx %arg12[%broadcast_in_dim3A_314, %broadcast_in_dim3A_701] : memref<2x125xf32, #tpu.memory_space<vmem>>[vector<16xi32>, vector<16xi32>], vector<16xf32>,
        %get3A_703 = arith.index_cast %add3A_700 : i32 to index
        %get3A_704 = arith.constant 0 : index
        %get3A_705 = tpu.vector_load %arg7[%get3A_703, %get3A_704] {strides = array<i32>} : memref<125x128xf32, #tpu.memory_space<vmem>>, vector<16xf32>,
        %mul3A_706 = arith.mulf %get3A_705, %gather3A_702 : vector<16xf32>
        %swap3A_707 = arith.index_cast %add3A_700 : i32 to index
        %swap3A_708 = arith.constant 0 : index
        %swap3A_709 = tpu.vector_load %arg7[%swap3A_707, %swap3A_708] {strides = array<i32>} : memref<125x128xf32, #tpu.memory_space<vmem>>, vector<16xf32>,
        tpu.vector_store %arg7[%swap3A_707, %swap3A_708], %mul3A_706 {strides = array<i32>} : memref<125x128xf32, #tpu.memory_space<vmem>>, vector<16xf32>,
        %get3A_710 = arith.index_cast %add3A_700 : i32 to index
        %get3A_711 = arith.constant 16 : index
        %get3A_712 = tpu.vector_load %arg7[%get3A_710, %get3A_711] {strides = array<i32>} : memref<125x128xf32, #tpu.memory_space<vmem>>, vector<16xf32>,
        %mul3A_713 = arith.mulf %get3A_712, %gather3A_702 : vector<16xf32>
        %swap3A_714 = arith.index_cast %add3A_700 : i32 to index
        %swap3A_715 = arith.constant 16 : index
        %swap3A_716 = tpu.vector_load %arg7[%swap3A_714, %swap3A_715] {strides = array<i32>} : memref<125x128xf32, #tpu.memory_space<vmem>>, vector<16xf32>,
        tpu.vector_store %arg7[%swap3A_714, %swap3A_715], %mul3A_713 {strides = array<i32>} : memref<125x128xf32, #tpu.memory_space<vmem>>, vector<16xf32>,
        %get3A_717 = arith.index_cast %add3A_700 : i32 to index
        %get3A_718 = arith.constant 32 : index
        %get3A_719 = tpu.vector_load %arg7[%get3A_717, %get3A_718] {strides = array<i32>} : memref<125x128xf32, #tpu.memory_space<vmem>>, vector<16xf32>,
        %mul3A_720 = arith.mulf %get3A_719, %gather3A_702 : vector<16xf32>
        %swap3A_721 = arith.index_cast %add3A_700 : i32 to index
        %swap3A_722 = arith.constant 32 : index
        %swap3A_723 = tpu.vector_load %arg7[%swap3A_721, %swap3A_722] {strides = array<i32>} : memref<125x128xf32, #tpu.memory_space<vmem>>, vector<16xf32>,
        tpu.vector_store %arg7[%swap3A_721, %swap3A_722], %mul3A_720 {strides = array<i32>} : memref<125x128xf32, #tpu.memory_space<vmem>>, vector<16xf32>,
        %get3A_724 = arith.index_cast %add3A_700 : i32 to index
        %get3A_725 = arith.constant 48 : index
        %get3A_726 = tpu.vector_load %arg7[%get3A_724, %get3A_725] {strides = array<i32>} : memref<125x128xf32, #tpu.memory_space<vmem>>, vector<16xf32>,
        %mul3A_727 = arith.mulf %get3A_726, %gather3A_702 : vector<16xf32>
        %swap3A_728 = arith.index_cast %add3A_700 : i32 to index
        %swap3A_729 = arith.constant 48 : index
        %swap3A_730 = tpu.vector_load %arg7[%swap3A_728, %swap3A_729] {strides = array<i32>} : memref<125x128xf32, #tpu.memory_space<vmem>>, vector<16xf32>,
        tpu.vector_store %arg7[%swap3A_728, %swap3A_729], %mul3A_727 {strides = array<i32>} : memref<125x128xf32, #tpu.memory_space<vmem>>, vector<16xf32>,
        %get3A_731 = arith.index_cast %add3A_700 : i32 to index
        %get3A_732 = arith.constant 64 : index
        %get3A_733 = tpu.vector_load %arg7[%get3A_731, %get3A_732] {strides = array<i32>} : memref<125x128xf32, #tpu.memory_space<vmem>>, vector<16xf32>,
        %mul3A_734 = arith.mulf %get3A_733, %gather3A_702 : vector<16xf32>
        %swap3A_735 = arith.index_cast %add3A_700 : i32 to index
        %swap3A_736 = arith.constant 64 : index
        %swap3A_737 = tpu.vector_load %arg7[%swap3A_735, %swap3A_736] {strides = array<i32>} : memref<125x128xf32, #tpu.memory_space<vmem>>, vector<16xf32>,
        tpu.vector_store %arg7[%swap3A_735, %swap3A_736], %mul3A_734 {strides = array<i32>} : memref<125x128xf32, #tpu.memory_space<vmem>>, vector<16xf32>,
        %get3A_738 = arith.index_cast %add3A_700 : i32 to index
        %get3A_739 = arith.constant 80 : index
        %get3A_740 = tpu.vector_load %arg7[%get3A_738, %get3A_739] {strides = array<i32>} : memref<125x128xf32, #tpu.memory_space<vmem>>, vector<16xf32>,
        %mul3A_741 = arith.mulf %get3A_740, %gather3A_702 : vector<16xf32>
        %swap3A_742 = arith.index_cast %add3A_700 : i32 to index
        %swap3A_743 = arith.constant 80 : index
        %swap3A_744 = tpu.vector_load %arg7[%swap3A_742, %swap3A_743] {strides = array<i32>} : memref<125x128xf32, #tpu.memory_space<vmem>>, vector<16xf32>,
        tpu.vector_store %arg7[%swap3A_742, %swap3A_743], %mul3A_741 {strides = array<i32>} : memref<125x128xf32, #tpu.memory_space<vmem>>, vector<16xf32>,
        %get3A_745 = arith.index_cast %add3A_700 : i32 to index
        %get3A_746 = arith.constant 96 : index
        %get3A_747 = tpu.vector_load %arg7[%get3A_745, %get3A_746] {strides = array<i32>} : memref<125x128xf32, #tpu.memory_space<vmem>>, vector<16xf32>,
        %mul3A_748 = arith.mulf %get3A_747, %gather3A_702 : vector<16xf32>
        %swap3A_749 = arith.index_cast %add3A_700 : i32 to index
        %swap3A_750 = arith.constant 96 : index
        %swap3A_751 = tpu.vector_load %arg7[%swap3A_749, %swap3A_750] {strides = array<i32>} : memref<125x128xf32, #tpu.memory_space<vmem>>, vector<16xf32>,
        tpu.vector_store %arg7[%swap3A_749, %swap3A_750], %mul3A_748 {strides = array<i32>} : memref<125x128xf32, #tpu.memory_space<vmem>>, vector<16xf32>,
        %get3A_752 = arith.index_cast %add3A_700 : i32 to index
        %get3A_753 = arith.constant 112 : index
        %get3A_754 = tpu.vector_load %arg7[%get3A_752, %get3A_753] {strides = array<i32>} : memref<125x128xf32, #tpu.memory_space<vmem>>, vector<16xf32>,
        %mul3A_755 = arith.mulf %get3A_754, %gather3A_702 : vector<16xf32>
        %swap3A_756 = arith.index_cast %add3A_700 : i32 to index
        %swap3A_757 = arith.constant 112 : index
        %swap3A_758 = tpu.vector_load %arg7[%swap3A_756, %swap3A_757] {strides = array<i32>} : memref<125x128xf32, #tpu.memory_space<vmem>>, vector<16xf32>,
        tpu.vector_store %arg7[%swap3A_756, %swap3A_757], %mul3A_755 {strides = array<i32>} : memref<125x128xf32, #tpu.memory_space<vmem>>, vector<16xf32>,
        %scan3A_759 = arith.constant 3 : i32
        %scan3A_760 = arith.addi %scan3A_571, %scan3A_759 : i32
        %mul3A_761 = arith.constant 1 : i32
        %mul3A_762 = arith.muli %scan3A_760, %mul3A_761 : i32
        %add3A_763 = arith.constant 0 : i32
        %add3A_764 = arith.addi %add3A_763, %mul3A_762 : i32
        %broadcast_in_dim3A_765 = vector.broadcast %add3A_764 : i32 to vector<16xi32>
        %gather3A_766 = tpu.vector_load_idx %arg12[%broadcast_in_dim3A_314, %broadcast_in_dim3A_765] : memref<2x125xf32, #tpu.memory_space<vmem>>[vector<16xi32>, vector<16xi32>], vector<16xf32>,
        %get3A_767 = arith.index_cast %add3A_764 : i32 to index
        %get3A_768 = arith.constant 0 : index
        %get3A_769 = tpu.vector_load %arg7[%get3A_767, %get3A_768] {strides = array<i32>} : memref<125x128xf32, #tpu.memory_space<vmem>>, vector<16xf32>,
        %mul3A_770 = arith.mulf %get3A_769, %gather3A_766 : vector<16xf32>
        %swap3A_771 = arith.index_cast %add3A_764 : i32 to index
        %swap3A_772 = arith.constant 0 : index
        %swap3A_773 = tpu.vector_load %arg7[%swap3A_771, %swap3A_772] {strides = array<i32>} : memref<125x128xf32, #tpu.memory_space<vmem>>, vector<16xf32>,
        tpu.vector_store %arg7[%swap3A_771, %swap3A_772], %mul3A_770 {strides = array<i32>} : memref<125x128xf32, #tpu.memory_space<vmem>>, vector<16xf32>,
        %get3A_774 = arith.index_cast %add3A_764 : i32 to index
        %get3A_775 = arith.constant 16 : index
        %get3A_776 = tpu.vector_load %arg7[%get3A_774, %get3A_775] {strides = array<i32>} : memref<125x128xf32, #tpu.memory_space<vmem>>, vector<16xf32>,
        %mul3A_777 = arith.mulf %get3A_776, %gather3A_766 : vector<16xf32>
        %swap3A_778 = arith.index_cast %add3A_764 : i32 to index
        %swap3A_779 = arith.constant 16 : index
        %swap3A_780 = tpu.vector_load %arg7[%swap3A_778, %swap3A_779] {strides = array<i32>} : memref<125x128xf32, #tpu.memory_space<vmem>>, vector<16xf32>,
        tpu.vector_store %arg7[%swap3A_778, %swap3A_779], %mul3A_777 {strides = array<i32>} : memref<125x128xf32, #tpu.memory_space<vmem>>, vector<16xf32>,
        %get3A_781 = arith.index_cast %add3A_764 : i32 to index
        %get3A_782 = arith.constant 32 : index
        %get3A_783 = tpu.vector_load %arg7[%get3A_781, %get3A_782] {strides = array<i32>} : memref<125x128xf32, #tpu.memory_space<vmem>>, vector<16xf32>,
        %mul3A_784 = arith.mulf %get3A_783, %gather3A_766 : vector<16xf32>
        %swap3A_785 = arith.index_cast %add3A_764 : i32 to index
        %swap3A_786 = arith.constant 32 : index
        %swap3A_787 = tpu.vector_load %arg7[%swap3A_785, %swap3A_786] {strides = array<i32>} : memref<125x128xf32, #tpu.memory_space<vmem>>, vector<16xf32>,
        tpu.vector_store %arg7[%swap3A_785, %swap3A_786], %mul3A_784 {strides = array<i32>} : memref<125x128xf32, #tpu.memory_space<vmem>>, vector<16xf32>,
        %get3A_788 = arith.index_cast %add3A_764 : i32 to index
        %get3A_789 = arith.constant 48 : index
        %get3A_790 = tpu.vector_load %arg7[%get3A_788, %get3A_789] {strides = array<i32>} : memref<125x128xf32, #tpu.memory_space<vmem>>, vector<16xf32>,
        %mul3A_791 = arith.mulf %get3A_790, %gather3A_766 : vector<16xf32>
        %swap3A_792 = arith.index_cast %add3A_764 : i32 to index
        %swap3A_793 = arith.constant 48 : index
        %swap3A_794 = tpu.vector_load %arg7[%swap3A_792, %swap3A_793] {strides = array<i32>} : memref<125x128xf32, #tpu.memory_space<vmem>>, vector<16xf32>,
        tpu.vector_store %arg7[%swap3A_792, %swap3A_793], %mul3A_791 {strides = array<i32>} : memref<125x128xf32, #tpu.memory_space<vmem>>, vector<16xf32>,
        %get3A_795 = arith.index_cast %add3A_764 : i32 to index
        %get3A_796 = arith.constant 64 : index
        %get3A_797 = tpu.vector_load %arg7[%get3A_795, %get3A_796] {strides = array<i32>} : memref<125x128xf32, #tpu.memory_space<vmem>>, vector<16xf32>,
        %mul3A_798 = arith.mulf %get3A_797, %gather3A_766 : vector<16xf32>
        %swap3A_799 = arith.index_cast %add3A_764 : i32 to index
        %swap3A_800 = arith.constant 64 : index
        %swap3A_801 = tpu.vector_load %arg7[%swap3A_799, %swap3A_800] {strides = array<i32>} : memref<125x128xf32, #tpu.memory_space<vmem>>, vector<16xf32>,
        tpu.vector_store %arg7[%swap3A_799, %swap3A_800], %mul3A_798 {strides = array<i32>} : memref<125x128xf32, #tpu.memory_space<vmem>>, vector<16xf32>,
        %get3A_802 = arith.index_cast %add3A_764 : i32 to index
        %get3A_803 = arith.constant 80 : index
        %get3A_804 = tpu.vector_load %arg7[%get3A_802, %get3A_803] {strides = array<i32>} : memref<125x128xf32, #tpu.memory_space<vmem>>, vector<16xf32>,
        %mul3A_805 = arith.mulf %get3A_804, %gather3A_766 : vector<16xf32>
        %swap3A_806 = arith.index_cast %add3A_764 : i32 to index
        %swap3A_807 = arith.constant 80 : index
        %swap3A_808 = tpu.vector_load %arg7[%swap3A_806, %swap3A_807] {strides = array<i32>} : memref<125x128xf32, #tpu.memory_space<vmem>>, vector<16xf32>,
        tpu.vector_store %arg7[%swap3A_806, %swap3A_807], %mul3A_805 {strides = array<i32>} : memref<125x128xf32, #tpu.memory_space<vmem>>, vector<16xf32>,
        %get3A_809 = arith.index_cast %add3A_764 : i32 to index
        %get3A_810 = arith.constant 96 : index
        %get3A_811 = tpu.vector_load %arg7[%get3A_809, %get3A_810] {strides = array<i32>} : memref<125x128xf32, #tpu.memory_space<vmem>>, vector<16xf32>,
        %mul3A_812 = arith.mulf %get3A_811, %gather3A_766 : vector<16xf32>
        %swap3A_813 = arith.index_cast %add3A_764 : i32 to index
        %swap3A_814 = arith.constant 96 : index
        %swap3A_815 = tpu.vector_load %arg7[%swap3A_813, %swap3A_814] {strides = array<i32>} : memref<125x128xf32, #tpu.memory_space<vmem>>, vector<16xf32>,
        tpu.vector_store %arg7[%swap3A_813, %swap3A_814], %mul3A_812 {strides = array<i32>} : memref<125x128xf32, #tpu.memory_space<vmem>>, vector<16xf32>,
        %get3A_816 = arith.index_cast %add3A_764 : i32 to index
        %get3A_817 = arith.constant 112 : index
        %get3A_818 = tpu.vector_load %arg7[%get3A_816, %get3A_817] {strides = array<i32>} : memref<125x128xf32, #tpu.memory_space<vmem>>, vector<16xf32>,
        %mul3A_819 = arith.mulf %get3A_818, %gather3A_766 : vector<16xf32>
        %swap3A_820 = arith.index_cast %add3A_764 : i32 to index
        %swap3A_821 = arith.constant 112 : index
        %swap3A_822 = tpu.vector_load %arg7[%swap3A_820, %swap3A_821] {strides = array<i32>} : memref<125x128xf32, #tpu.memory_space<vmem>>, vector<16xf32>,
        tpu.vector_store %arg7[%swap3A_820, %swap3A_821], %mul3A_819 {strides = array<i32>} : memref<125x128xf32, #tpu.memory_space<vmem>>, vector<16xf32>,
        %scan3A_823 = arith.constant 4 : i32
        %scan3A_824 = arith.addi %scan3A_571, %scan3A_823 : i32
        %mul3A_825 = arith.constant 1 : i32
        %mul3A_826 = arith.muli %scan3A_824, %mul3A_825 : i32
        %add3A_827 = arith.constant 0 : i32
        %add3A_828 = arith.addi %add3A_827, %mul3A_826 : i32
        %broadcast_in_dim3A_829 = vector.broadcast %add3A_828 : i32 to vector<16xi32>
        %gather3A_830 = tpu.vector_load_idx %arg12[%broadcast_in_dim3A_314, %broadcast_in_dim3A_829] : memref<2x125xf32, #tpu.memory_space<vmem>>[vector<16xi32>, vector<16xi32>], vector<16xf32>,
        %get3A_831 = arith.index_cast %add3A_828 : i32 to index
        %get3A_832 = arith.constant 0 : index
        %get3A_833 = tpu.vector_load %arg7[%get3A_831, %get3A_832] {strides = array<i32>} : memref<125x128xf32, #tpu.memory_space<vmem>>, vector<16xf32>,
        %mul3A_834 = arith.mulf %get3A_833, %gather3A_830 : vector<16xf32>
        %swap3A_835 = arith.index_cast %add3A_828 : i32 to index
        %swap3A_836 = arith.constant 0 : index
        %swap3A_837 = tpu.vector_load %arg7[%swap3A_835, %swap3A_836] {strides = array<i32>} : memref<125x128xf32, #tpu.memory_space<vmem>>, vector<16xf32>,
        tpu.vector_store %arg7[%swap3A_835, %swap3A_836], %mul3A_834 {strides = array<i32>} : memref<125x128xf32, #tpu.memory_space<vmem>>, vector<16xf32>,
        %get3A_838 = arith.index_cast %add3A_828 : i32 to index
        %get3A_839 = arith.constant 16 : index
        %get3A_840 = tpu.vector_load %arg7[%get3A_838, %get3A_839] {strides = array<i32>} : memref<125x128xf32, #tpu.memory_space<vmem>>, vector<16xf32>,
        %mul3A_841 = arith.mulf %get3A_840, %gather3A_830 : vector<16xf32>
        %swap3A_842 = arith.index_cast %add3A_828 : i32 to index
        %swap3A_843 = arith.constant 16 : index
        %swap3A_844 = tpu.vector_load %arg7[%swap3A_842, %swap3A_843] {strides = array<i32>} : memref<125x128xf32, #tpu.memory_space<vmem>>, vector<16xf32>,
        tpu.vector_store %arg7[%swap3A_842, %swap3A_843], %mul3A_841 {strides = array<i32>} : memref<125x128xf32, #tpu.memory_space<vmem>>, vector<16xf32>,
        %get3A_845 = arith.index_cast %add3A_828 : i32 to index
        %get3A_846 = arith.constant 32 : index
        %get3A_847 = tpu.vector_load %arg7[%get3A_845, %get3A_846] {strides = array<i32>} : memref<125x128xf32, #tpu.memory_space<vmem>>, vector<16xf32>,
        %mul3A_848 = arith.mulf %get3A_847, %gather3A_830 : vector<16xf32>
        %swap3A_849 = arith.index_cast %add3A_828 : i32 to index
        %swap3A_850 = arith.constant 32 : index
        %swap3A_851 = tpu.vector_load %arg7[%swap3A_849, %swap3A_850] {strides = array<i32>} : memref<125x128xf32, #tpu.memory_space<vmem>>, vector<16xf32>,
        tpu.vector_store %arg7[%swap3A_849, %swap3A_850], %mul3A_848 {strides = array<i32>} : memref<125x128xf32, #tpu.memory_space<vmem>>, vector<16xf32>,
        %get3A_852 = arith.index_cast %add3A_828 : i32 to index
        %get3A_853 = arith.constant 48 : index
        %get3A_854 = tpu.vector_load %arg7[%get3A_852, %get3A_853] {strides = array<i32>} : memref<125x128xf32, #tpu.memory_space<vmem>>, vector<16xf32>,
        %mul3A_855 = arith.mulf %get3A_854, %gather3A_830 : vector<16xf32>
        %swap3A_856 = arith.index_cast %add3A_828 : i32 to index
        %swap3A_857 = arith.constant 48 : index
        %swap3A_858 = tpu.vector_load %arg7[%swap3A_856, %swap3A_857] {strides = array<i32>} : memref<125x128xf32, #tpu.memory_space<vmem>>, vector<16xf32>,
        tpu.vector_store %arg7[%swap3A_856, %swap3A_857], %mul3A_855 {strides = array<i32>} : memref<125x128xf32, #tpu.memory_space<vmem>>, vector<16xf32>,
        %get3A_859 = arith.index_cast %add3A_828 : i32 to index
        %get3A_860 = arith.constant 64 : index
        %get3A_861 = tpu.vector_load %arg7[%get3A_859, %get3A_860] {strides = array<i32>} : memref<125x128xf32, #tpu.memory_space<vmem>>, vector<16xf32>,
        %mul3A_862 = arith.mulf %get3A_861, %gather3A_830 : vector<16xf32>
        %swap3A_863 = arith.index_cast %add3A_828 : i32 to index
        %swap3A_864 = arith.constant 64 : index
        %swap3A_865 = tpu.vector_load %arg7[%swap3A_863, %swap3A_864] {strides = array<i32>} : memref<125x128xf32, #tpu.memory_space<vmem>>, vector<16xf32>,
        tpu.vector_store %arg7[%swap3A_863, %swap3A_864], %mul3A_862 {strides = array<i32>} : memref<125x128xf32, #tpu.memory_space<vmem>>, vector<16xf32>,
        %get3A_866 = arith.index_cast %add3A_828 : i32 to index
        %get3A_867 = arith.constant 80 : index
        %get3A_868 = tpu.vector_load %arg7[%get3A_866, %get3A_867] {strides = array<i32>} : memref<125x128xf32, #tpu.memory_space<vmem>>, vector<16xf32>,
        %mul3A_869 = arith.mulf %get3A_868, %gather3A_830 : vector<16xf32>
        %swap3A_870 = arith.index_cast %add3A_828 : i32 to index
        %swap3A_871 = arith.constant 80 : index
        %swap3A_872 = tpu.vector_load %arg7[%swap3A_870, %swap3A_871] {strides = array<i32>} : memref<125x128xf32, #tpu.memory_space<vmem>>, vector<16xf32>,
        tpu.vector_store %arg7[%swap3A_870, %swap3A_871], %mul3A_869 {strides = array<i32>} : memref<125x128xf32, #tpu.memory_space<vmem>>, vector<16xf32>,
        %get3A_873 = arith.index_cast %add3A_828 : i32 to index
        %get3A_874 = arith.constant 96 : index
        %get3A_875 = tpu.vector_load %arg7[%get3A_873, %get3A_874] {strides = array<i32>} : memref<125x128xf32, #tpu.memory_space<vmem>>, vector<16xf32>,
        %mul3A_876 = arith.mulf %get3A_875, %gather3A_830 : vector<16xf32>
        %swap3A_877 = arith.index_cast %add3A_828 : i32 to index
        %swap3A_878 = arith.constant 96 : index
        %swap3A_879 = tpu.vector_load %arg7[%swap3A_877, %swap3A_878] {strides = array<i32>} : memref<125x128xf32, #tpu.memory_space<vmem>>, vector<16xf32>,
        tpu.vector_store %arg7[%swap3A_877, %swap3A_878], %mul3A_876 {strides = array<i32>} : memref<125x128xf32, #tpu.memory_space<vmem>>, vector<16xf32>,
        %get3A_880 = arith.index_cast %add3A_828 : i32 to index
        %get3A_881 = arith.constant 112 : index
        %get3A_882 = tpu.vector_load %arg7[%get3A_880, %get3A_881] {strides = array<i32>} : memref<125x128xf32, #tpu.memory_space<vmem>>, vector<16xf32>,
        %mul3A_883 = arith.mulf %get3A_882, %gather3A_830 : vector<16xf32>
        %swap3A_884 = arith.index_cast %add3A_828 : i32 to index
        %swap3A_885 = arith.constant 112 : index
        %swap3A_886 = tpu.vector_load %arg7[%swap3A_884, %swap3A_885] {strides = array<i32>} : memref<125x128xf32, #tpu.memory_space<vmem>>, vector<16xf32>,
        tpu.vector_store %arg7[%swap3A_884, %swap3A_885], %mul3A_883 {strides = array<i32>} : memref<125x128xf32, #tpu.memory_space<vmem>>, vector<16xf32>,
      }
      %scan3A_319 = arith.constant 125 : i32
      %dma_start3A_320 = arith.constant 0 : i32
      %dma_start3A_321 = arith.constant 0 : i32
      %dma_start3A_322 = tpu.memref_slice %arg10[%dma_start3A_320, %dma_start3A_321] : memref<2x125xi32, #tpu.memory_space<vmem>> -> memref<1x125xi32, #tpu.memory_space<vmem>>
      %dma_start3A_323 = tpu.memref_squeeze %dma_start3A_322 : memref<1x125xi32, #tpu.memory_space<vmem>> -> memref<125xi32, #tpu.memory_space<vmem>>
      %dma_start3A_324 = arith.constant 0 : i32
      %dma_start3A_325 = arith.constant 0 : i32
      %dma_start3A_326 = tpu.memref_slice %arg14[%dma_start3A_324, %dma_start3A_325] : memref<10000x128xf32, #tpu.memory_space<vmem_shared>> -> memref<10000x128xf32, #tpu.memory_space<vmem_shared>>
      tpu.enqueue_indirect_dma source(%arg7 : memref<125x128xf32, #tpu.memory_space<vmem>>) target(%dma_start3A_326 : memref<10000x128xf32, #tpu.memory_space<vmem_shared>>) offsets(%dma_start3A_323 : memref<125xi32, #tpu.memory_space<vmem>>) semaphore(%arg17 : memref<!tpu.dma_semaphore, #tpu.memory_space<semaphore_mem>>) {add = true}
      %dma_wait3A_327 = arith.constant 0 : i32
      %dma_wait3A_328 = arith.constant 0 : i32
      %dma_wait3A_329 = tpu.memref_slice %arg9[%dma_wait3A_327, %dma_wait3A_328] : memref<80x125xi32, #tpu.memory_space<vmem>> -> memref<1x125xi32, #tpu.memory_space<vmem>>
      %dma_wait3A_330 = tpu.memref_squeeze %dma_wait3A_329 : memref<1x125xi32, #tpu.memory_space<vmem>> -> memref<125xi32, #tpu.memory_space<vmem>>
      %dma_wait3A_331 = arith.constant 0 : i32
      %dma_wait3A_332 = arith.constant 0 : i32
      %dma_wait3A_333 = tpu.memref_slice %arg2[%dma_wait3A_331, %dma_wait3A_332] : memref<10000x128xf32, #tpu.memory_space<hbm>> -> memref<10000x128xf32, #tpu.memory_space<hbm>>
      tpu.wait_indirect_dma semaphore(%arg16 : memref<!tpu.dma_semaphore, #tpu.memory_space<semaphore_mem>>) src(%dma_wait3A_333 : memref<10000x128xf32, #tpu.memory_space<hbm>>) dst(%arg8 : memref<125x128xf32, #tpu.memory_space<vmem>>)
      %broadcast_in_dim3A_334 = arith.constant 1 : i32
      %broadcast_in_dim3A_335 = vector.broadcast %broadcast_in_dim3A_334 : i32 to vector<16xi32>
      %scan3A_336 = arith.constant 0 : i32
      %scan3A_337 = arith.constant 125 : i32
      %scan3A_338 = arith.addi %scan3A_336, %scan3A_337 : i32
      %scan3A_339 = arith.constant 5 : i32
      scf.for %scan3A_571 = %scan3A_336 to %scan3A_338 step %scan3A_339  : i32 {
        %mul3A_572 = arith.constant 1 : i32
        %mul3A_573 = arith.muli %scan3A_571, %mul3A_572 : i32
        %add3A_574 = arith.constant 0 : i32
        %add3A_575 = arith.addi %add3A_574, %mul3A_573 : i32
        %broadcast_in_dim3A_576 = vector.broadcast %add3A_575 : i32 to vector<16xi32>
        %gather3A = tpu.vector_load_idx %arg12[%broadcast_in_dim3A_335, %broadcast_in_dim3A_576] : memref<2x125xf32, #tpu.memory_space<vmem>>[vector<16xi32>, vector<16xi32>], vector<16xf32>,
        %get3A = arith.index_cast %add3A_575 : i32 to index
        %get3A_577 = arith.constant 0 : index
        %get3A_578 = tpu.vector_load %arg8[%get3A, %get3A_577] {strides = array<i32>} : memref<125x128xf32, #tpu.memory_space<vmem>>, vector<16xf32>,
        %mul3A_579 = arith.mulf %get3A_578, %gather3A : vector<16xf32>
        %swap3A = arith.index_cast %add3A_575 : i32 to index
        %swap3A_580 = arith.constant 0 : index
        %swap3A_581 = tpu.vector_load %arg8[%swap3A, %swap3A_580] {strides = array<i32>} : memref<125x128xf32, #tpu.memory_space<vmem>>, vector<16xf32>,
        tpu.vector_store %arg8[%swap3A, %swap3A_580], %mul3A_579 {strides = array<i32>} : memref<125x128xf32, #tpu.memory_space<vmem>>, vector<16xf32>,
        %get3A_582 = arith.index_cast %add3A_575 : i32 to index
        %get3A_583 = arith.constant 16 : index
        %get3A_584 = tpu.vector_load %arg8[%get3A_582, %get3A_583] {strides = array<i32>} : memref<125x128xf32, #tpu.memory_space<vmem>>, vector<16xf32>,
        %mul3A_585 = arith.mulf %get3A_584, %gather3A : vector<16xf32>
        %swap3A_586 = arith.index_cast %add3A_575 : i32 to index
        %swap3A_587 = arith.constant 16 : index
        %swap3A_588 = tpu.vector_load %arg8[%swap3A_586, %swap3A_587] {strides = array<i32>} : memref<125x128xf32, #tpu.memory_space<vmem>>, vector<16xf32>,
        tpu.vector_store %arg8[%swap3A_586, %swap3A_587], %mul3A_585 {strides = array<i32>} : memref<125x128xf32, #tpu.memory_space<vmem>>, vector<16xf32>,
        %get3A_589 = arith.index_cast %add3A_575 : i32 to index
        %get3A_590 = arith.constant 32 : index
        %get3A_591 = tpu.vector_load %arg8[%get3A_589, %get3A_590] {strides = array<i32>} : memref<125x128xf32, #tpu.memory_space<vmem>>, vector<16xf32>,
        %mul3A_592 = arith.mulf %get3A_591, %gather3A : vector<16xf32>
        %swap3A_593 = arith.index_cast %add3A_575 : i32 to index
        %swap3A_594 = arith.constant 32 : index
        %swap3A_595 = tpu.vector_load %arg8[%swap3A_593, %swap3A_594] {strides = array<i32>} : memref<125x128xf32, #tpu.memory_space<vmem>>, vector<16xf32>,
        tpu.vector_store %arg8[%swap3A_593, %swap3A_594], %mul3A_592 {strides = array<i32>} : memref<125x128xf32, #tpu.memory_space<vmem>>, vector<16xf32>,
        %get3A_596 = arith.index_cast %add3A_575 : i32 to index
        %get3A_597 = arith.constant 48 : index
        %get3A_598 = tpu.vector_load %arg8[%get3A_596, %get3A_597] {strides = array<i32>} : memref<125x128xf32, #tpu.memory_space<vmem>>, vector<16xf32>,
        %mul3A_599 = arith.mulf %get3A_598, %gather3A : vector<16xf32>
        %swap3A_600 = arith.index_cast %add3A_575 : i32 to index
        %swap3A_601 = arith.constant 48 : index
        %swap3A_602 = tpu.vector_load %arg8[%swap3A_600, %swap3A_601] {strides = array<i32>} : memref<125x128xf32, #tpu.memory_space<vmem>>, vector<16xf32>,
        tpu.vector_store %arg8[%swap3A_600, %swap3A_601], %mul3A_599 {strides = array<i32>} : memref<125x128xf32, #tpu.memory_space<vmem>>, vector<16xf32>,
        %get3A_603 = arith.index_cast %add3A_575 : i32 to index
        %get3A_604 = arith.constant 64 : index
        %get3A_605 = tpu.vector_load %arg8[%get3A_603, %get3A_604] {strides = array<i32>} : memref<125x128xf32, #tpu.memory_space<vmem>>, vector<16xf32>,
        %mul3A_606 = arith.mulf %get3A_605, %gather3A : vector<16xf32>
        %swap3A_607 = arith.index_cast %add3A_575 : i32 to index
        %swap3A_608 = arith.constant 64 : index
        %swap3A_609 = tpu.vector_load %arg8[%swap3A_607, %swap3A_608] {strides = array<i32>} : memref<125x128xf32, #tpu.memory_space<vmem>>, vector<16xf32>,
        tpu.vector_store %arg8[%swap3A_607, %swap3A_608], %mul3A_606 {strides = array<i32>} : memref<125x128xf32, #tpu.memory_space<vmem>>, vector<16xf32>,
        %get3A_610 = arith.index_cast %add3A_575 : i32 to index
        %get3A_611 = arith.constant 80 : index
        %get3A_612 = tpu.vector_load %arg8[%get3A_610, %get3A_611] {strides = array<i32>} : memref<125x128xf32, #tpu.memory_space<vmem>>, vector<16xf32>,
        %mul3A_613 = arith.mulf %get3A_612, %gather3A : vector<16xf32>
        %swap3A_614 = arith.index_cast %add3A_575 : i32 to index
        %swap3A_615 = arith.constant 80 : index
        %swap3A_616 = tpu.vector_load %arg8[%swap3A_614, %swap3A_615] {strides = array<i32>} : memref<125x128xf32, #tpu.memory_space<vmem>>, vector<16xf32>,
        tpu.vector_store %arg8[%swap3A_614, %swap3A_615], %mul3A_613 {strides = array<i32>} : memref<125x128xf32, #tpu.memory_space<vmem>>, vector<16xf32>,
        %get3A_617 = arith.index_cast %add3A_575 : i32 to index
        %get3A_618 = arith.constant 96 : index
        %get3A_619 = tpu.vector_load %arg8[%get3A_617, %get3A_618] {strides = array<i32>} : memref<125x128xf32, #tpu.memory_space<vmem>>, vector<16xf32>,
        %mul3A_620 = arith.mulf %get3A_619, %gather3A : vector<16xf32>
        %swap3A_621 = arith.index_cast %add3A_575 : i32 to index
        %swap3A_622 = arith.constant 96 : index
        %swap3A_623 = tpu.vector_load %arg8[%swap3A_621, %swap3A_622] {strides = array<i32>} : memref<125x128xf32, #tpu.memory_space<vmem>>, vector<16xf32>,
        tpu.vector_store %arg8[%swap3A_621, %swap3A_622], %mul3A_620 {strides = array<i32>} : memref<125x128xf32, #tpu.memory_space<vmem>>, vector<16xf32>,
        %get3A_624 = arith.index_cast %add3A_575 : i32 to index
        %get3A_625 = arith.constant 112 : index
        %get3A_626 = tpu.vector_load %arg8[%get3A_624, %get3A_625] {strides = array<i32>} : memref<125x128xf32, #tpu.memory_space<vmem>>, vector<16xf32>,
        %mul3A_627 = arith.mulf %get3A_626, %gather3A : vector<16xf32>
        %swap3A_628 = arith.index_cast %add3A_575 : i32 to index
        %swap3A_629 = arith.constant 112 : index
        %swap3A_630 = tpu.vector_load %arg8[%swap3A_628, %swap3A_629] {strides = array<i32>} : memref<125x128xf32, #tpu.memory_space<vmem>>, vector<16xf32>,
        tpu.vector_store %arg8[%swap3A_628, %swap3A_629], %mul3A_627 {strides = array<i32>} : memref<125x128xf32, #tpu.memory_space<vmem>>, vector<16xf32>,
        %scan3A_631 = arith.constant 1 : i32
        %scan3A_632 = arith.addi %scan3A_571, %scan3A_631 : i32
        %mul3A_633 = arith.constant 1 : i32
        %mul3A_634 = arith.muli %scan3A_632, %mul3A_633 : i32
        %add3A_635 = arith.constant 0 : i32
        %add3A_636 = arith.addi %add3A_635, %mul3A_634 : i32
        %broadcast_in_dim3A_637 = vector.broadcast %add3A_636 : i32 to vector<16xi32>
        %gather3A_638 = tpu.vector_load_idx %arg12[%broadcast_in_dim3A_335, %broadcast_in_dim3A_637] : memref<2x125xf32, #tpu.memory_space<vmem>>[vector<16xi32>, vector<16xi32>], vector<16xf32>,
        %get3A_639 = arith.index_cast %add3A_636 : i32 to index
        %get3A_640 = arith.constant 0 : index
        %get3A_641 = tpu.vector_load %arg8[%get3A_639, %get3A_640] {strides = array<i32>} : memref<125x128xf32, #tpu.memory_space<vmem>>, vector<16xf32>,
        %mul3A_642 = arith.mulf %get3A_641, %gather3A_638 : vector<16xf32>
        %swap3A_643 = arith.index_cast %add3A_636 : i32 to index
        %swap3A_644 = arith.constant 0 : index
        %swap3A_645 = tpu.vector_load %arg8[%swap3A_643, %swap3A_644] {strides = array<i32>} : memref<125x128xf32, #tpu.memory_space<vmem>>, vector<16xf32>,
        tpu.vector_store %arg8[%swap3A_643, %swap3A_644], %mul3A_642 {strides = array<i32>} : memref<125x128xf32, #tpu.memory_space<vmem>>, vector<16xf32>,
        %get3A_646 = arith.index_cast %add3A_636 : i32 to index
        %get3A_647 = arith.constant 16 : index
        %get3A_648 = tpu.vector_load %arg8[%get3A_646, %get3A_647] {strides = array<i32>} : memref<125x128xf32, #tpu.memory_space<vmem>>, vector<16xf32>,
        %mul3A_649 = arith.mulf %get3A_648, %gather3A_638 : vector<16xf32>
        %swap3A_650 = arith.index_cast %add3A_636 : i32 to index
        %swap3A_651 = arith.constant 16 : index
        %swap3A_652 = tpu.vector_load %arg8[%swap3A_650, %swap3A_651] {strides = array<i32>} : memref<125x128xf32, #tpu.memory_space<vmem>>, vector<16xf32>,
        tpu.vector_store %arg8[%swap3A_650, %swap3A_651], %mul3A_649 {strides = array<i32>} : memref<125x128xf32, #tpu.memory_space<vmem>>, vector<16xf32>,
        %get3A_653 = arith.index_cast %add3A_636 : i32 to index
        %get3A_654 = arith.constant 32 : index
        %get3A_655 = tpu.vector_load %arg8[%get3A_653, %get3A_654] {strides = array<i32>} : memref<125x128xf32, #tpu.memory_space<vmem>>, vector<16xf32>,
        %mul3A_656 = arith.mulf %get3A_655, %gather3A_638 : vector<16xf32>
        %swap3A_657 = arith.index_cast %add3A_636 : i32 to index
        %swap3A_658 = arith.constant 32 : index
        %swap3A_659 = tpu.vector_load %arg8[%swap3A_657, %swap3A_658] {strides = array<i32>} : memref<125x128xf32, #tpu.memory_space<vmem>>, vector<16xf32>,
        tpu.vector_store %arg8[%swap3A_657, %swap3A_658], %mul3A_656 {strides = array<i32>} : memref<125x128xf32, #tpu.memory_space<vmem>>, vector<16xf32>,
        %get3A_660 = arith.index_cast %add3A_636 : i32 to index
        %get3A_661 = arith.constant 48 : index
        %get3A_662 = tpu.vector_load %arg8[%get3A_660, %get3A_661] {strides = array<i32>} : memref<125x128xf32, #tpu.memory_space<vmem>>, vector<16xf32>,
        %mul3A_663 = arith.mulf %get3A_662, %gather3A_638 : vector<16xf32>
        %swap3A_664 = arith.index_cast %add3A_636 : i32 to index
        %swap3A_665 = arith.constant 48 : index
        %swap3A_666 = tpu.vector_load %arg8[%swap3A_664, %swap3A_665] {strides = array<i32>} : memref<125x128xf32, #tpu.memory_space<vmem>>, vector<16xf32>,
        tpu.vector_store %arg8[%swap3A_664, %swap3A_665], %mul3A_663 {strides = array<i32>} : memref<125x128xf32, #tpu.memory_space<vmem>>, vector<16xf32>,
        %get3A_667 = arith.index_cast %add3A_636 : i32 to index
        %get3A_668 = arith.constant 64 : index
        %get3A_669 = tpu.vector_load %arg8[%get3A_667, %get3A_668] {strides = array<i32>} : memref<125x128xf32, #tpu.memory_space<vmem>>, vector<16xf32>,
        %mul3A_670 = arith.mulf %get3A_669, %gather3A_638 : vector<16xf32>
        %swap3A_671 = arith.index_cast %add3A_636 : i32 to index
        %swap3A_672 = arith.constant 64 : index
        %swap3A_673 = tpu.vector_load %arg8[%swap3A_671, %swap3A_672] {strides = array<i32>} : memref<125x128xf32, #tpu.memory_space<vmem>>, vector<16xf32>,
        tpu.vector_store %arg8[%swap3A_671, %swap3A_672], %mul3A_670 {strides = array<i32>} : memref<125x128xf32, #tpu.memory_space<vmem>>, vector<16xf32>,
        %get3A_674 = arith.index_cast %add3A_636 : i32 to index
        %get3A_675 = arith.constant 80 : index
        %get3A_676 = tpu.vector_load %arg8[%get3A_674, %get3A_675] {strides = array<i32>} : memref<125x128xf32, #tpu.memory_space<vmem>>, vector<16xf32>,
        %mul3A_677 = arith.mulf %get3A_676, %gather3A_638 : vector<16xf32>
        %swap3A_678 = arith.index_cast %add3A_636 : i32 to index
        %swap3A_679 = arith.constant 80 : index
        %swap3A_680 = tpu.vector_load %arg8[%swap3A_678, %swap3A_679] {strides = array<i32>} : memref<125x128xf32, #tpu.memory_space<vmem>>, vector<16xf32>,
        tpu.vector_store %arg8[%swap3A_678, %swap3A_679], %mul3A_677 {strides = array<i32>} : memref<125x128xf32, #tpu.memory_space<vmem>>, vector<16xf32>,
        %get3A_681 = arith.index_cast %add3A_636 : i32 to index
        %get3A_682 = arith.constant 96 : index
        %get3A_683 = tpu.vector_load %arg8[%get3A_681, %get3A_682] {strides = array<i32>} : memref<125x128xf32, #tpu.memory_space<vmem>>, vector<16xf32>,
        %mul3A_684 = arith.mulf %get3A_683, %gather3A_638 : vector<16xf32>
        %swap3A_685 = arith.index_cast %add3A_636 : i32 to index
        %swap3A_686 = arith.constant 96 : index
        %swap3A_687 = tpu.vector_load %arg8[%swap3A_685, %swap3A_686] {strides = array<i32>} : memref<125x128xf32, #tpu.memory_space<vmem>>, vector<16xf32>,
        tpu.vector_store %arg8[%swap3A_685, %swap3A_686], %mul3A_684 {strides = array<i32>} : memref<125x128xf32, #tpu.memory_space<vmem>>, vector<16xf32>,
        %get3A_688 = arith.index_cast %add3A_636 : i32 to index
        %get3A_689 = arith.constant 112 : index
        %get3A_690 = tpu.vector_load %arg8[%get3A_688, %get3A_689] {strides = array<i32>} : memref<125x128xf32, #tpu.memory_space<vmem>>, vector<16xf32>,
        %mul3A_691 = arith.mulf %get3A_690, %gather3A_638 : vector<16xf32>
        %swap3A_692 = arith.index_cast %add3A_636 : i32 to index
        %swap3A_693 = arith.constant 112 : index
        %swap3A_694 = tpu.vector_load %arg8[%swap3A_692, %swap3A_693] {strides = array<i32>} : memref<125x128xf32, #tpu.memory_space<vmem>>, vector<16xf32>,
        tpu.vector_store %arg8[%swap3A_692, %swap3A_693], %mul3A_691 {strides = array<i32>} : memref<125x128xf32, #tpu.memory_space<vmem>>, vector<16xf32>,
        %scan3A_695 = arith.constant 2 : i32
        %scan3A_696 = arith.addi %scan3A_571, %scan3A_695 : i32
        %mul3A_697 = arith.constant 1 : i32
        %mul3A_698 = arith.muli %scan3A_696, %mul3A_697 : i32
        %add3A_699 = arith.constant 0 : i32
        %add3A_700 = arith.addi %add3A_699, %mul3A_698 : i32
        %broadcast_in_dim3A_701 = vector.broadcast %add3A_700 : i32 to vector<16xi32>
        %gather3A_702 = tpu.vector_load_idx %arg12[%broadcast_in_dim3A_335, %broadcast_in_dim3A_701] : memref<2x125xf32, #tpu.memory_space<vmem>>[vector<16xi32>, vector<16xi32>], vector<16xf32>,
        %get3A_703 = arith.index_cast %add3A_700 : i32 to index
        %get3A_704 = arith.constant 0 : index
        %get3A_705 = tpu.vector_load %arg8[%get3A_703, %get3A_704] {strides = array<i32>} : memref<125x128xf32, #tpu.memory_space<vmem>>, vector<16xf32>,
        %mul3A_706 = arith.mulf %get3A_705, %gather3A_702 : vector<16xf32>
        %swap3A_707 = arith.index_cast %add3A_700 : i32 to index
        %swap3A_708 = arith.constant 0 : index
        %swap3A_709 = tpu.vector_load %arg8[%swap3A_707, %swap3A_708] {strides = array<i32>} : memref<125x128xf32, #tpu.memory_space<vmem>>, vector<16xf32>,
        tpu.vector_store %arg8[%swap3A_707, %swap3A_708], %mul3A_706 {strides = array<i32>} : memref<125x128xf32, #tpu.memory_space<vmem>>, vector<16xf32>,
        %get3A_710 = arith.index_cast %add3A_700 : i32 to index
        %get3A_711 = arith.constant 16 : index
        %get3A_712 = tpu.vector_load %arg8[%get3A_710, %get3A_711] {strides = array<i32>} : memref<125x128xf32, #tpu.memory_space<vmem>>, vector<16xf32>,
        %mul3A_713 = arith.mulf %get3A_712, %gather3A_702 : vector<16xf32>
        %swap3A_714 = arith.index_cast %add3A_700 : i32 to index
        %swap3A_715 = arith.constant 16 : index
        %swap3A_716 = tpu.vector_load %arg8[%swap3A_714, %swap3A_715] {strides = array<i32>} : memref<125x128xf32, #tpu.memory_space<vmem>>, vector<16xf32>,
        tpu.vector_store %arg8[%swap3A_714, %swap3A_715], %mul3A_713 {strides = array<i32>} : memref<125x128xf32, #tpu.memory_space<vmem>>, vector<16xf32>,
        %get3A_717 = arith.index_cast %add3A_700 : i32 to index
        %get3A_718 = arith.constant 32 : index
        %get3A_719 = tpu.vector_load %arg8[%get3A_717, %get3A_718] {strides = array<i32>} : memref<125x128xf32, #tpu.memory_space<vmem>>, vector<16xf32>,
        %mul3A_720 = arith.mulf %get3A_719, %gather3A_702 : vector<16xf32>
        %swap3A_721 = arith.index_cast %add3A_700 : i32 to index
        %swap3A_722 = arith.constant 32 : index
        %swap3A_723 = tpu.vector_load %arg8[%swap3A_721, %swap3A_722] {strides = array<i32>} : memref<125x128xf32, #tpu.memory_space<vmem>>, vector<16xf32>,
        tpu.vector_store %arg8[%swap3A_721, %swap3A_722], %mul3A_720 {strides = array<i32>} : memref<125x128xf32, #tpu.memory_space<vmem>>, vector<16xf32>,
        %get3A_724 = arith.index_cast %add3A_700 : i32 to index
        %get3A_725 = arith.constant 48 : index
        %get3A_726 = tpu.vector_load %arg8[%get3A_724, %get3A_725] {strides = array<i32>} : memref<125x128xf32, #tpu.memory_space<vmem>>, vector<16xf32>,
        %mul3A_727 = arith.mulf %get3A_726, %gather3A_702 : vector<16xf32>
        %swap3A_728 = arith.index_cast %add3A_700 : i32 to index
        %swap3A_729 = arith.constant 48 : index
        %swap3A_730 = tpu.vector_load %arg8[%swap3A_728, %swap3A_729] {strides = array<i32>} : memref<125x128xf32, #tpu.memory_space<vmem>>, vector<16xf32>,
        tpu.vector_store %arg8[%swap3A_728, %swap3A_729], %mul3A_727 {strides = array<i32>} : memref<125x128xf32, #tpu.memory_space<vmem>>, vector<16xf32>,
        %get3A_731 = arith.index_cast %add3A_700 : i32 to index
        %get3A_732 = arith.constant 64 : index
        %get3A_733 = tpu.vector_load %arg8[%get3A_731, %get3A_732] {strides = array<i32>} : memref<125x128xf32, #tpu.memory_space<vmem>>, vector<16xf32>,
        %mul3A_734 = arith.mulf %get3A_733, %gather3A_702 : vector<16xf32>
        %swap3A_735 = arith.index_cast %add3A_700 : i32 to index
        %swap3A_736 = arith.constant 64 : index
        %swap3A_737 = tpu.vector_load %arg8[%swap3A_735, %swap3A_736] {strides = array<i32>} : memref<125x128xf32, #tpu.memory_space<vmem>>, vector<16xf32>,
        tpu.vector_store %arg8[%swap3A_735, %swap3A_736], %mul3A_734 {strides = array<i32>} : memref<125x128xf32, #tpu.memory_space<vmem>>, vector<16xf32>,
        %get3A_738 = arith.index_cast %add3A_700 : i32 to index
        %get3A_739 = arith.constant 80 : index
        %get3A_740 = tpu.vector_load %arg8[%get3A_738, %get3A_739] {strides = array<i32>} : memref<125x128xf32, #tpu.memory_space<vmem>>, vector<16xf32>,
        %mul3A_741 = arith.mulf %get3A_740, %gather3A_702 : vector<16xf32>
        %swap3A_742 = arith.index_cast %add3A_700 : i32 to index
        %swap3A_743 = arith.constant 80 : index
        %swap3A_744 = tpu.vector_load %arg8[%swap3A_742, %swap3A_743] {strides = array<i32>} : memref<125x128xf32, #tpu.memory_space<vmem>>, vector<16xf32>,
        tpu.vector_store %arg8[%swap3A_742, %swap3A_743], %mul3A_741 {strides = array<i32>} : memref<125x128xf32, #tpu.memory_space<vmem>>, vector<16xf32>,
        %get3A_745 = arith.index_cast %add3A_700 : i32 to index
        %get3A_746 = arith.constant 96 : index
        %get3A_747 = tpu.vector_load %arg8[%get3A_745, %get3A_746] {strides = array<i32>} : memref<125x128xf32, #tpu.memory_space<vmem>>, vector<16xf32>,
        %mul3A_748 = arith.mulf %get3A_747, %gather3A_702 : vector<16xf32>
        %swap3A_749 = arith.index_cast %add3A_700 : i32 to index
        %swap3A_750 = arith.constant 96 : index
        %swap3A_751 = tpu.vector_load %arg8[%swap3A_749, %swap3A_750] {strides = array<i32>} : memref<125x128xf32, #tpu.memory_space<vmem>>, vector<16xf32>,
        tpu.vector_store %arg8[%swap3A_749, %swap3A_750], %mul3A_748 {strides = array<i32>} : memref<125x128xf32, #tpu.memory_space<vmem>>, vector<16xf32>,
        %get3A_752 = arith.index_cast %add3A_700 : i32 to index
        %get3A_753 = arith.constant 112 : index
        %get3A_754 = tpu.vector_load %arg8[%get3A_752, %get3A_753] {strides = array<i32>} : memref<125x128xf32, #tpu.memory_space<vmem>>, vector<16xf32>,
        %mul3A_755 = arith.mulf %get3A_754, %gather3A_702 : vector<16xf32>
        %swap3A_756 = arith.index_cast %add3A_700 : i32 to index
        %swap3A_757 = arith.constant 112 : index
        %swap3A_758 = tpu.vector_load %arg8[%swap3A_756, %swap3A_757] {strides = array<i32>} : memref<125x128xf32, #tpu.memory_space<vmem>>, vector<16xf32>,
        tpu.vector_store %arg8[%swap3A_756, %swap3A_757], %mul3A_755 {strides = array<i32>} : memref<125x128xf32, #tpu.memory_space<vmem>>, vector<16xf32>,
        %scan3A_759 = arith.constant 3 : i32
        %scan3A_760 = arith.addi %scan3A_571, %scan3A_759 : i32
        %mul3A_761 = arith.constant 1 : i32
        %mul3A_762 = arith.muli %scan3A_760, %mul3A_761 : i32
        %add3A_763 = arith.constant 0 : i32
        %add3A_764 = arith.addi %add3A_763, %mul3A_762 : i32
        %broadcast_in_dim3A_765 = vector.broadcast %add3A_764 : i32 to vector<16xi32>
        %gather3A_766 = tpu.vector_load_idx %arg12[%broadcast_in_dim3A_335, %broadcast_in_dim3A_765] : memref<2x125xf32, #tpu.memory_space<vmem>>[vector<16xi32>, vector<16xi32>], vector<16xf32>,
        %get3A_767 = arith.index_cast %add3A_764 : i32 to index
        %get3A_768 = arith.constant 0 : index
        %get3A_769 = tpu.vector_load %arg8[%get3A_767, %get3A_768] {strides = array<i32>} : memref<125x128xf32, #tpu.memory_space<vmem>>, vector<16xf32>,
        %mul3A_770 = arith.mulf %get3A_769, %gather3A_766 : vector<16xf32>
        %swap3A_771 = arith.index_cast %add3A_764 : i32 to index
        %swap3A_772 = arith.constant 0 : index
        %swap3A_773 = tpu.vector_load %arg8[%swap3A_771, %swap3A_772] {strides = array<i32>} : memref<125x128xf32, #tpu.memory_space<vmem>>, vector<16xf32>,
        tpu.vector_store %arg8[%swap3A_771, %swap3A_772], %mul3A_770 {strides = array<i32>} : memref<125x128xf32, #tpu.memory_space<vmem>>, vector<16xf32>,
        %get3A_774 = arith.index_cast %add3A_764 : i32 to index
        %get3A_775 = arith.constant 16 : index
        %get3A_776 = tpu.vector_load %arg8[%get3A_774, %get3A_775] {strides = array<i32>} : memref<125x128xf32, #tpu.memory_space<vmem>>, vector<16xf32>,
        %mul3A_777 = arith.mulf %get3A_776, %gather3A_766 : vector<16xf32>
        %swap3A_778 = arith.index_cast %add3A_764 : i32 to index
        %swap3A_779 = arith.constant 16 : index
        %swap3A_780 = tpu.vector_load %arg8[%swap3A_778, %swap3A_779] {strides = array<i32>} : memref<125x128xf32, #tpu.memory_space<vmem>>, vector<16xf32>,
        tpu.vector_store %arg8[%swap3A_778, %swap3A_779], %mul3A_777 {strides = array<i32>} : memref<125x128xf32, #tpu.memory_space<vmem>>, vector<16xf32>,
        %get3A_781 = arith.index_cast %add3A_764 : i32 to index
        %get3A_782 = arith.constant 32 : index
        %get3A_783 = tpu.vector_load %arg8[%get3A_781, %get3A_782] {strides = array<i32>} : memref<125x128xf32, #tpu.memory_space<vmem>>, vector<16xf32>,
        %mul3A_784 = arith.mulf %get3A_783, %gather3A_766 : vector<16xf32>
        %swap3A_785 = arith.index_cast %add3A_764 : i32 to index
        %swap3A_786 = arith.constant 32 : index
        %swap3A_787 = tpu.vector_load %arg8[%swap3A_785, %swap3A_786] {strides = array<i32>} : memref<125x128xf32, #tpu.memory_space<vmem>>, vector<16xf32>,
        tpu.vector_store %arg8[%swap3A_785, %swap3A_786], %mul3A_784 {strides = array<i32>} : memref<125x128xf32, #tpu.memory_space<vmem>>, vector<16xf32>,
        %get3A_788 = arith.index_cast %add3A_764 : i32 to index
        %get3A_789 = arith.constant 48 : index
        %get3A_790 = tpu.vector_load %arg8[%get3A_788, %get3A_789] {strides = array<i32>} : memref<125x128xf32, #tpu.memory_space<vmem>>, vector<16xf32>,
        %mul3A_791 = arith.mulf %get3A_790, %gather3A_766 : vector<16xf32>
        %swap3A_792 = arith.index_cast %add3A_764 : i32 to index
        %swap3A_793 = arith.constant 48 : index
        %swap3A_794 = tpu.vector_load %arg8[%swap3A_792, %swap3A_793] {strides = array<i32>} : memref<125x128xf32, #tpu.memory_space<vmem>>, vector<16xf32>,
        tpu.vector_store %arg8[%swap3A_792, %swap3A_793], %mul3A_791 {strides = array<i32>} : memref<125x128xf32, #tpu.memory_space<vmem>>, vector<16xf32>,
        %get3A_795 = arith.index_cast %add3A_764 : i32 to index
        %get3A_796 = arith.constant 64 : index
        %get3A_797 = tpu.vector_load %arg8[%get3A_795, %get3A_796] {strides = array<i32>} : memref<125x128xf32, #tpu.memory_space<vmem>>, vector<16xf32>,
        %mul3A_798 = arith.mulf %get3A_797, %gather3A_766 : vector<16xf32>
        %swap3A_799 = arith.index_cast %add3A_764 : i32 to index
        %swap3A_800 = arith.constant 64 : index
        %swap3A_801 = tpu.vector_load %arg8[%swap3A_799, %swap3A_800] {strides = array<i32>} : memref<125x128xf32, #tpu.memory_space<vmem>>, vector<16xf32>,
        tpu.vector_store %arg8[%swap3A_799, %swap3A_800], %mul3A_798 {strides = array<i32>} : memref<125x128xf32, #tpu.memory_space<vmem>>, vector<16xf32>,
        %get3A_802 = arith.index_cast %add3A_764 : i32 to index
        %get3A_803 = arith.constant 80 : index
        %get3A_804 = tpu.vector_load %arg8[%get3A_802, %get3A_803] {strides = array<i32>} : memref<125x128xf32, #tpu.memory_space<vmem>>, vector<16xf32>,
        %mul3A_805 = arith.mulf %get3A_804, %gather3A_766 : vector<16xf32>
        %swap3A_806 = arith.index_cast %add3A_764 : i32 to index
        %swap3A_807 = arith.constant 80 : index
        %swap3A_808 = tpu.vector_load %arg8[%swap3A_806, %swap3A_807] {strides = array<i32>} : memref<125x128xf32, #tpu.memory_space<vmem>>, vector<16xf32>,
        tpu.vector_store %arg8[%swap3A_806, %swap3A_807], %mul3A_805 {strides = array<i32>} : memref<125x128xf32, #tpu.memory_space<vmem>>, vector<16xf32>,
        %get3A_809 = arith.index_cast %add3A_764 : i32 to index
        %get3A_810 = arith.constant 96 : index
        %get3A_811 = tpu.vector_load %arg8[%get3A_809, %get3A_810] {strides = array<i32>} : memref<125x128xf32, #tpu.memory_space<vmem>>, vector<16xf32>,
        %mul3A_812 = arith.mulf %get3A_811, %gather3A_766 : vector<16xf32>
        %swap3A_813 = arith.index_cast %add3A_764 : i32 to index
        %swap3A_814 = arith.constant 96 : index
        %swap3A_815 = tpu.vector_load %arg8[%swap3A_813, %swap3A_814] {strides = array<i32>} : memref<125x128xf32, #tpu.memory_space<vmem>>, vector<16xf32>,
        tpu.vector_store %arg8[%swap3A_813, %swap3A_814], %mul3A_812 {strides = array<i32>} : memref<125x128xf32, #tpu.memory_space<vmem>>, vector<16xf32>,
        %get3A_816 = arith.index_cast %add3A_764 : i32 to index
        %get3A_817 = arith.constant 112 : index
        %get3A_818 = tpu.vector_load %arg8[%get3A_816, %get3A_817] {strides = array<i32>} : memref<125x128xf32, #tpu.memory_space<vmem>>, vector<16xf32>,
        %mul3A_819 = arith.mulf %get3A_818, %gather3A_766 : vector<16xf32>
        %swap3A_820 = arith.index_cast %add3A_764 : i32 to index
        %swap3A_821 = arith.constant 112 : index
        %swap3A_822 = tpu.vector_load %arg8[%swap3A_820, %swap3A_821] {strides = array<i32>} : memref<125x128xf32, #tpu.memory_space<vmem>>, vector<16xf32>,
        tpu.vector_store %arg8[%swap3A_820, %swap3A_821], %mul3A_819 {strides = array<i32>} : memref<125x128xf32, #tpu.memory_space<vmem>>, vector<16xf32>,
        %scan3A_823 = arith.constant 4 : i32
        %scan3A_824 = arith.addi %scan3A_571, %scan3A_823 : i32
        %mul3A_825 = arith.constant 1 : i32
        %mul3A_826 = arith.muli %scan3A_824, %mul3A_825 : i32
        %add3A_827 = arith.constant 0 : i32
        %add3A_828 = arith.addi %add3A_827, %mul3A_826 : i32
        %broadcast_in_dim3A_829 = vector.broadcast %add3A_828 : i32 to vector<16xi32>
        %gather3A_830 = tpu.vector_load_idx %arg12[%broadcast_in_dim3A_335, %broadcast_in_dim3A_829] : memref<2x125xf32, #tpu.memory_space<vmem>>[vector<16xi32>, vector<16xi32>], vector<16xf32>,
        %get3A_831 = arith.index_cast %add3A_828 : i32 to index
        %get3A_832 = arith.constant 0 : index
        %get3A_833 = tpu.vector_load %arg8[%get3A_831, %get3A_832] {strides = array<i32>} : memref<125x128xf32, #tpu.memory_space<vmem>>, vector<16xf32>,
        %mul3A_834 = arith.mulf %get3A_833, %gather3A_830 : vector<16xf32>
        %swap3A_835 = arith.index_cast %add3A_828 : i32 to index
        %swap3A_836 = arith.constant 0 : index
        %swap3A_837 = tpu.vector_load %arg8[%swap3A_835, %swap3A_836] {strides = array<i32>} : memref<125x128xf32, #tpu.memory_space<vmem>>, vector<16xf32>,
        tpu.vector_store %arg8[%swap3A_835, %swap3A_836], %mul3A_834 {strides = array<i32>} : memref<125x128xf32, #tpu.memory_space<vmem>>, vector<16xf32>,
        %get3A_838 = arith.index_cast %add3A_828 : i32 to index
        %get3A_839 = arith.constant 16 : index
        %get3A_840 = tpu.vector_load %arg8[%get3A_838, %get3A_839] {strides = array<i32>} : memref<125x128xf32, #tpu.memory_space<vmem>>, vector<16xf32>,
        %mul3A_841 = arith.mulf %get3A_840, %gather3A_830 : vector<16xf32>
        %swap3A_842 = arith.index_cast %add3A_828 : i32 to index
        %swap3A_843 = arith.constant 16 : index
        %swap3A_844 = tpu.vector_load %arg8[%swap3A_842, %swap3A_843] {strides = array<i32>} : memref<125x128xf32, #tpu.memory_space<vmem>>, vector<16xf32>,
        tpu.vector_store %arg8[%swap3A_842, %swap3A_843], %mul3A_841 {strides = array<i32>} : memref<125x128xf32, #tpu.memory_space<vmem>>, vector<16xf32>,
        %get3A_845 = arith.index_cast %add3A_828 : i32 to index
        %get3A_846 = arith.constant 32 : index
        %get3A_847 = tpu.vector_load %arg8[%get3A_845, %get3A_846] {strides = array<i32>} : memref<125x128xf32, #tpu.memory_space<vmem>>, vector<16xf32>,
        %mul3A_848 = arith.mulf %get3A_847, %gather3A_830 : vector<16xf32>
        %swap3A_849 = arith.index_cast %add3A_828 : i32 to index
        %swap3A_850 = arith.constant 32 : index
        %swap3A_851 = tpu.vector_load %arg8[%swap3A_849, %swap3A_850] {strides = array<i32>} : memref<125x128xf32, #tpu.memory_space<vmem>>, vector<16xf32>,
        tpu.vector_store %arg8[%swap3A_849, %swap3A_850], %mul3A_848 {strides = array<i32>} : memref<125x128xf32, #tpu.memory_space<vmem>>, vector<16xf32>,
        %get3A_852 = arith.index_cast %add3A_828 : i32 to index
        %get3A_853 = arith.constant 48 : index
        %get3A_854 = tpu.vector_load %arg8[%get3A_852, %get3A_853] {strides = array<i32>} : memref<125x128xf32, #tpu.memory_space<vmem>>, vector<16xf32>,
        %mul3A_855 = arith.mulf %get3A_854, %gather3A_830 : vector<16xf32>
        %swap3A_856 = arith.index_cast %add3A_828 : i32 to index
        %swap3A_857 = arith.constant 48 : index
        %swap3A_858 = tpu.vector_load %arg8[%swap3A_856, %swap3A_857] {strides = array<i32>} : memref<125x128xf32, #tpu.memory_space<vmem>>, vector<16xf32>,
        tpu.vector_store %arg8[%swap3A_856, %swap3A_857], %mul3A_855 {strides = array<i32>} : memref<125x128xf32, #tpu.memory_space<vmem>>, vector<16xf32>,
        %get3A_859 = arith.index_cast %add3A_828 : i32 to index
        %get3A_860 = arith.constant 64 : index
        %get3A_861 = tpu.vector_load %arg8[%get3A_859, %get3A_860] {strides = array<i32>} : memref<125x128xf32, #tpu.memory_space<vmem>>, vector<16xf32>,
        %mul3A_862 = arith.mulf %get3A_861, %gather3A_830 : vector<16xf32>
        %swap3A_863 = arith.index_cast %add3A_828 : i32 to index
        %swap3A_864 = arith.constant 64 : index
        %swap3A_865 = tpu.vector_load %arg8[%swap3A_863, %swap3A_864] {strides = array<i32>} : memref<125x128xf32, #tpu.memory_space<vmem>>, vector<16xf32>,
        tpu.vector_store %arg8[%swap3A_863, %swap3A_864], %mul3A_862 {strides = array<i32>} : memref<125x128xf32, #tpu.memory_space<vmem>>, vector<16xf32>,
        %get3A_866 = arith.index_cast %add3A_828 : i32 to index
        %get3A_867 = arith.constant 80 : index
        %get3A_868 = tpu.vector_load %arg8[%get3A_866, %get3A_867] {strides = array<i32>} : memref<125x128xf32, #tpu.memory_space<vmem>>, vector<16xf32>,
        %mul3A_869 = arith.mulf %get3A_868, %gather3A_830 : vector<16xf32>
        %swap3A_870 = arith.index_cast %add3A_828 : i32 to index
        %swap3A_871 = arith.constant 80 : index
        %swap3A_872 = tpu.vector_load %arg8[%swap3A_870, %swap3A_871] {strides = array<i32>} : memref<125x128xf32, #tpu.memory_space<vmem>>, vector<16xf32>,
        tpu.vector_store %arg8[%swap3A_870, %swap3A_871], %mul3A_869 {strides = array<i32>} : memref<125x128xf32, #tpu.memory_space<vmem>>, vector<16xf32>,
        %get3A_873 = arith.index_cast %add3A_828 : i32 to index
        %get3A_874 = arith.constant 96 : index
        %get3A_875 = tpu.vector_load %arg8[%get3A_873, %get3A_874] {strides = array<i32>} : memref<125x128xf32, #tpu.memory_space<vmem>>, vector<16xf32>,
        %mul3A_876 = arith.mulf %get3A_875, %gather3A_830 : vector<16xf32>
        %swap3A_877 = arith.index_cast %add3A_828 : i32 to index
        %swap3A_878 = arith.constant 96 : index
        %swap3A_879 = tpu.vector_load %arg8[%swap3A_877, %swap3A_878] {strides = array<i32>} : memref<125x128xf32, #tpu.memory_space<vmem>>, vector<16xf32>,
        tpu.vector_store %arg8[%swap3A_877, %swap3A_878], %mul3A_876 {strides = array<i32>} : memref<125x128xf32, #tpu.memory_space<vmem>>, vector<16xf32>,
        %get3A_880 = arith.index_cast %add3A_828 : i32 to index
        %get3A_881 = arith.constant 112 : index
        %get3A_882 = tpu.vector_load %arg8[%get3A_880, %get3A_881] {strides = array<i32>} : memref<125x128xf32, #tpu.memory_space<vmem>>, vector<16xf32>,
        %mul3A_883 = arith.mulf %get3A_882, %gather3A_830 : vector<16xf32>
        %swap3A_884 = arith.index_cast %add3A_828 : i32 to index
        %swap3A_885 = arith.constant 112 : index
        %swap3A_886 = tpu.vector_load %arg8[%swap3A_884, %swap3A_885] {strides = array<i32>} : memref<125x128xf32, #tpu.memory_space<vmem>>, vector<16xf32>,
        tpu.vector_store %arg8[%swap3A_884, %swap3A_885], %mul3A_883 {strides = array<i32>} : memref<125x128xf32, #tpu.memory_space<vmem>>, vector<16xf32>,
      }
      %scan3A_340 = arith.constant 125 : i32
      %dma_start3A_341 = arith.constant 1 : i32
      %dma_start3A_342 = arith.constant 0 : i32
      %dma_start3A_343 = tpu.memref_slice %arg10[%dma_start3A_341, %dma_start3A_342] : memref<2x125xi32, #tpu.memory_space<vmem>> -> memref<1x125xi32, #tpu.memory_space<vmem>>
      %dma_start3A_344 = tpu.memref_squeeze %dma_start3A_343 : memref<1x125xi32, #tpu.memory_space<vmem>> -> memref<125xi32, #tpu.memory_space<vmem>>
      %dma_start3A_345 = arith.constant 0 : i32
      %dma_start3A_346 = arith.constant 0 : i32
      %dma_start3A_347 = tpu.memref_slice %arg14[%dma_start3A_345, %dma_start3A_346] : memref<10000x128xf32, #tpu.memory_space<vmem_shared>> -> memref<10000x128xf32, #tpu.memory_space<vmem_shared>>
      tpu.enqueue_indirect_dma source(%arg8 : memref<125x128xf32, #tpu.memory_space<vmem>>) target(%dma_start3A_347 : memref<10000x128xf32, #tpu.memory_space<vmem_shared>>) offsets(%dma_start3A_344 : memref<125xi32, #tpu.memory_space<vmem>>) semaphore(%arg18 : memref<!tpu.dma_semaphore, #tpu.memory_space<semaphore_mem>>) {add = true}
      %dma_wait3A_348 = arith.constant 0 : i32
      %dma_wait3A_349 = arith.constant 0 : i32
      %dma_wait3A_350 = tpu.memref_slice %arg10[%dma_wait3A_348, %dma_wait3A_349] : memref<2x125xi32, #tpu.memory_space<vmem>> -> memref<1x125xi32, #tpu.memory_space<vmem>>
      %dma_wait3A_351 = tpu.memref_squeeze %dma_wait3A_350 : memref<1x125xi32, #tpu.memory_space<vmem>> -> memref<125xi32, #tpu.memory_space<vmem>>
      %dma_wait3A_352 = arith.constant 0 : i32
      %dma_wait3A_353 = arith.constant 0 : i32
      %dma_wait3A_354 = tpu.memref_slice %arg14[%dma_wait3A_352, %dma_wait3A_353] : memref<10000x128xf32, #tpu.memory_space<vmem_shared>> -> memref<10000x128xf32, #tpu.memory_space<vmem_shared>>
      tpu.wait_indirect_dma semaphore(%arg17 : memref<!tpu.dma_semaphore, #tpu.memory_space<semaphore_mem>>) src(%arg7 : memref<125x128xf32, #tpu.memory_space<vmem>>) dst(%dma_wait3A_354 : memref<10000x128xf32, #tpu.memory_space<vmem_shared>>)
      %add3A_355 = arith.constant 2 : i32
      %add3A_356 = arith.addi %mul3A_265, %add3A_355 : i32
      %dma_start3A_357 = arith.constant 0 : i32
      %dma_start3A_358 = tpu.memref_slice %arg9[%add3A_356, %dma_start3A_357] : memref<80x125xi32, #tpu.memory_space<vmem>> -> memref<1x125xi32, #tpu.memory_space<vmem>>
      %dma_start3A_359 = tpu.memref_squeeze %dma_start3A_358 : memref<1x125xi32, #tpu.memory_space<vmem>> -> memref<125xi32, #tpu.memory_space<vmem>>
      %dma_start3A_360 = arith.constant 0 : i32
      %dma_start3A_361 = arith.constant 0 : i32
      %dma_start3A_362 = tpu.memref_slice %arg2[%dma_start3A_360, %dma_start3A_361] : memref<10000x128xf32, #tpu.memory_space<hbm>> -> memref<10000x128xf32, #tpu.memory_space<hbm>>
      tpu.enqueue_indirect_dma source(%dma_start3A_362 : memref<10000x128xf32, #tpu.memory_space<hbm>>) target(%arg7 : memref<125x128xf32, #tpu.memory_space<vmem>>) offsets(%dma_start3A_359 : memref<125xi32, #tpu.memory_space<vmem>>) semaphore(%arg15 : memref<!tpu.dma_semaphore, #tpu.memory_space<semaphore_mem>>)
      %dma_wait3A_363 = arith.constant 1 : i32
      %dma_wait3A_364 = arith.constant 0 : i32
      %dma_wait3A_365 = tpu.memref_slice %arg10[%dma_wait3A_363, %dma_wait3A_364] : memref<2x125xi32, #tpu.memory_space<vmem>> -> memref<1x125xi32, #tpu.memory_space<vmem>>
      %dma_wait3A_366 = tpu.memref_squeeze %dma_wait3A_365 : memref<1x125xi32, #tpu.memory_space<vmem>> -> memref<125xi32, #tpu.memory_space<vmem>>
      %dma_wait3A_367 = arith.constant 0 : i32
      %dma_wait3A_368 = arith.constant 0 : i32
      %dma_wait3A_369 = tpu.memref_slice %arg14[%dma_wait3A_367, %dma_wait3A_368] : memref<10000x128xf32, #tpu.memory_space<vmem_shared>> -> memref<10000x128xf32, #tpu.memory_space<vmem_shared>>
      tpu.wait_indirect_dma semaphore(%arg18 : memref<!tpu.dma_semaphore, #tpu.memory_space<semaphore_mem>>) src(%arg8 : memref<125x128xf32, #tpu.memory_space<vmem>>) dst(%dma_wait3A_369 : memref<10000x128xf32, #tpu.memory_space<vmem_shared>>)
      %add3A_370 = arith.constant 3 : i32
      %add3A_371 = arith.addi %mul3A_265, %add3A_370 : i32
      %dma_start3A_372 = arith.constant 0 : i32
      %dma_start3A_373 = tpu.memref_slice %arg9[%add3A_371, %dma_start3A_372] : memref<80x125xi32, #tpu.memory_space<vmem>> -> memref<1x125xi32, #tpu.memory_space<vmem>>
      %dma_start3A_374 = tpu.memref_squeeze %dma_start3A_373 : memref<1x125xi32, #tpu.memory_space<vmem>> -> memref<125xi32, #tpu.memory_space<vmem>>
      %dma_start3A_375 = arith.constant 0 : i32
      %dma_start3A_376 = arith.constant 0 : i32
      %dma_start3A_377 = tpu.memref_slice %arg2[%dma_start3A_375, %dma_start3A_376] : memref<10000x128xf32, #tpu.memory_space<hbm>> -> memref<10000x128xf32, #tpu.memory_space<hbm>>
      tpu.enqueue_indirect_dma source(%dma_start3A_377 : memref<10000x128xf32, #tpu.memory_space<hbm>>) target(%arg8 : memref<125x128xf32, #tpu.memory_space<vmem>>) offsets(%dma_start3A_374 : memref<125xi32, #tpu.memory_space<vmem>>) semaphore(%arg16 : memref<!tpu.dma_semaphore, #tpu.memory_space<semaphore_mem>>)
      %add3A_378 = arith.constant 2 : i32
      %add3A_379 = arith.addi %mul3A_267, %add3A_378 : i32
      %min3A = arith.constant 38 : i32
      %min3A_380 = arith.minsi %add3A_379, %min3A : i32
      %dma_start3A_381 = arith.constant 0 : i32
      %dma_start3A_382 = arith.constant 0 : i32
      %dma_start3A_383 = arith.constant 0 : i32
      %dma_start3A_384 = tpu.memref_slice %arg4[%add3A, %dma_start3A_381, %dma_start3A_382, %dma_start3A_383] : memref<32x40x2x125xi32, #tpu.memory_space<hbm>> -> memref<1x40x2x125xi32, #tpu.memory_space<hbm>>
      %dma_start3A_385 = tpu.memref_squeeze %dma_start3A_384 : memref<1x40x2x125xi32, #tpu.memory_space<hbm>> -> memref<40x2x125xi32, #tpu.memory_space<hbm>>
      %dma_start3A_386 = arith.constant 0 : i32
      %dma_start3A_387 = arith.constant 0 : i32
      %dma_start3A_388 = tpu.memref_slice %dma_start3A_385[%min3A_380, %dma_start3A_386, %dma_start3A_387] : memref<40x2x125xi32, #tpu.memory_space<hbm>> -> memref<1x2x125xi32, #tpu.memory_space<hbm>>
      %dma_start3A_389 = tpu.memref_squeeze %dma_start3A_388 : memref<1x2x125xi32, #tpu.memory_space<hbm>> -> memref<2x125xi32, #tpu.memory_space<hbm>>
      %dma_start3A_390 = arith.constant 0 : i32
      %dma_start3A_391 = arith.constant 0 : i32
      %dma_start3A_392 = arith.constant 0 : i32
      %dma_start3A_393 = tpu.memref_slice %arg4[%add3A, %dma_start3A_390, %dma_start3A_391, %dma_start3A_392] : memref<32x40x2x125xi32, #tpu.memory_space<hbm>> -> memref<1x40x2x125xi32, #tpu.memory_space<hbm>>
      %dma_start3A_394 = tpu.memref_squeeze %dma_start3A_393 : memref<1x40x2x125xi32, #tpu.memory_space<hbm>> -> memref<40x2x125xi32, #tpu.memory_space<hbm>>
      %dma_start3A_395 = arith.constant 0 : i32
      %dma_start3A_396 = arith.constant 0 : i32
      %dma_start3A_397 = tpu.memref_slice %dma_start3A_394[%min3A_380, %dma_start3A_395, %dma_start3A_396] : memref<40x2x125xi32, #tpu.memory_space<hbm>> -> memref<1x2x125xi32, #tpu.memory_space<hbm>>
      %dma_start3A_398 = tpu.memref_squeeze %dma_start3A_397 : memref<1x2x125xi32, #tpu.memory_space<hbm>> -> memref<2x125xi32, #tpu.memory_space<hbm>>
      tpu.enqueue_dma source(%dma_start3A_398 : memref<2x125xi32, #tpu.memory_space<hbm>>) target(%arg10 : memref<2x125xi32, #tpu.memory_space<vmem>>) target_semaphore(%arg19 : memref<!tpu.dma_semaphore, #tpu.memory_space<semaphore_mem>>)
      %dma_start3A_399 = arith.constant 0 : i32
      %dma_start3A_400 = arith.constant 0 : i32
      %dma_start3A_401 = arith.constant 0 : i32
      %dma_start3A_402 = tpu.memref_slice %arg5[%add3A, %dma_start3A_399, %dma_start3A_400, %dma_start3A_401] : memref<32x40x2x125xf32, #tpu.memory_space<hbm>> -> memref<1x40x2x125xf32, #tpu.memory_space<hbm>>
      %dma_start3A_403 = tpu.memref_squeeze %dma_start3A_402 : memref<1x40x2x125xf32, #tpu.memory_space<hbm>> -> memref<40x2x125xf32, #tpu.memory_space<hbm>>
      %dma_start3A_404 = arith.constant 0 : i32
      %dma_start3A_405 = arith.constant 0 : i32
      %dma_start3A_406 = tpu.memref_slice %dma_start3A_403[%min3A_380, %dma_start3A_404, %dma_start3A_405] : memref<40x2x125xf32, #tpu.memory_space<hbm>> -> memref<1x2x125xf32, #tpu.memory_space<hbm>>
      %dma_start3A_407 = tpu.memref_squeeze %dma_start3A_406 : memref<1x2x125xf32, #tpu.memory_space<hbm>> -> memref<2x125xf32, #tpu.memory_space<hbm>>
      %dma_start3A_408 = arith.constant 0 : i32
      %dma_start3A_409 = arith.constant 0 : i32
      %dma_start3A_410 = arith.constant 0 : i32
      %dma_start3A_411 = tpu.memref_slice %arg5[%add3A, %dma_start3A_408, %dma_start3A_409, %dma_start3A_410] : memref<32x40x2x125xf32, #tpu.memory_space<hbm>> -> memref<1x40x2x125xf32, #tpu.memory_space<hbm>>
      %dma_start3A_412 = tpu.memref_squeeze %dma_start3A_411 : memref<1x40x2x125xf32, #tpu.memory_space<hbm>> -> memref<40x2x125xf32, #tpu.memory_space<hbm>>
      %dma_start3A_413 = arith.constant 0 : i32
      %dma_start3A_414 = arith.constant 0 : i32
      %dma_start3A_415 = tpu.memref_slice %dma_start3A_412[%min3A_380, %dma_start3A_413, %dma_start3A_414] : memref<40x2x125xf32, #tpu.memory_space<hbm>> -> memref<1x2x125xf32, #tpu.memory_space<hbm>>
      %dma_start3A_416 = tpu.memref_squeeze %dma_start3A_415 : memref<1x2x125xf32, #tpu.memory_space<hbm>> -> memref<2x125xf32, #tpu.memory_space<hbm>>
      tpu.enqueue_dma source(%dma_start3A_416 : memref<2x125xf32, #tpu.memory_space<hbm>>) target(%arg12 : memref<2x125xf32, #tpu.memory_space<vmem>>) target_semaphore(%arg19 : memref<!tpu.dma_semaphore, #tpu.memory_space<semaphore_mem>>)
      %dma_wait3A_417 = arith.constant 0 : i32
      %dma_wait3A_418 = arith.constant 0 : i32
      %dma_wait3A_419 = arith.constant 0 : i32
      %dma_wait3A_420 = arith.constant 0 : i32
      %dma_wait3A_421 = tpu.memref_slice %arg4[%add3A, %dma_wait3A_418, %dma_wait3A_419, %dma_wait3A_420] : memref<32x40x2x125xi32, #tpu.memory_space<hbm>> -> memref<1x40x2x125xi32, #tpu.memory_space<hbm>>
      %dma_wait3A_422 = tpu.memref_squeeze %dma_wait3A_421 : memref<1x40x2x125xi32, #tpu.memory_space<hbm>> -> memref<40x2x125xi32, #tpu.memory_space<hbm>>
      %dma_wait3A_423 = arith.constant 0 : i32
      %dma_wait3A_424 = arith.constant 0 : i32
      %dma_wait3A_425 = tpu.memref_slice %dma_wait3A_422[%dma_wait3A_417, %dma_wait3A_423, %dma_wait3A_424] : memref<40x2x125xi32, #tpu.memory_space<hbm>> -> memref<1x2x125xi32, #tpu.memory_space<hbm>>
      %dma_wait3A_426 = tpu.memref_squeeze %dma_wait3A_425 : memref<1x2x125xi32, #tpu.memory_space<hbm>> -> memref<2x125xi32, #tpu.memory_space<hbm>>
      %dma_wait3A_427 = arith.constant 0 : i32
      %dma_wait3A_428 = arith.constant 0 : i32
      %dma_wait3A_429 = arith.constant 0 : i32
      %dma_wait3A_430 = tpu.memref_slice %arg4[%add3A, %dma_wait3A_427, %dma_wait3A_428, %dma_wait3A_429] : memref<32x40x2x125xi32, #tpu.memory_space<hbm>> -> memref<1x40x2x125xi32, #tpu.memory_space<hbm>>
      %dma_wait3A_431 = tpu.memref_squeeze %dma_wait3A_430 : memref<1x40x2x125xi32, #tpu.memory_space<hbm>> -> memref<40x2x125xi32, #tpu.memory_space<hbm>>
      %dma_wait3A_432 = arith.constant 0 : i32
      %dma_wait3A_433 = arith.constant 0 : i32
      %dma_wait3A_434 = tpu.memref_slice %dma_wait3A_431[%dma_wait3A_417, %dma_wait3A_432, %dma_wait3A_433] : memref<40x2x125xi32, #tpu.memory_space<hbm>> -> memref<1x2x125xi32, #tpu.memory_space<hbm>>
      %dma_wait3A_435 = tpu.memref_squeeze %dma_wait3A_434 : memref<1x2x125xi32, #tpu.memory_space<hbm>> -> memref<2x125xi32, #tpu.memory_space<hbm>>
      tpu.wait_dma2 semaphore(%arg20 : memref<!tpu.dma_semaphore, #tpu.memory_space<semaphore_mem>>) src(%dma_wait3A_435 : memref<2x125xi32, #tpu.memory_space<hbm>>) dst(%arg11 : memref<2x125xi32, #tpu.memory_space<vmem>>)
      %dma_wait3A_436 = arith.constant 0 : i32
      %dma_wait3A_437 = arith.constant 0 : i32
      %dma_wait3A_438 = arith.constant 0 : i32
      %dma_wait3A_439 = arith.constant 0 : i32
      %dma_wait3A_440 = tpu.memref_slice %arg5[%add3A, %dma_wait3A_437, %dma_wait3A_438, %dma_wait3A_439] : memref<32x40x2x125xf32, #tpu.memory_space<hbm>> -> memref<1x40x2x125xf32, #tpu.memory_space<hbm>>
      %dma_wait3A_441 = tpu.memref_squeeze %dma_wait3A_440 : memref<1x40x2x125xf32, #tpu.memory_space<hbm>> -> memref<40x2x125xf32, #tpu.memory_space<hbm>>
      %dma_wait3A_442 = arith.constant 0 : i32
      %dma_wait3A_443 = arith.constant 0 : i32
      %dma_wait3A_444 = tpu.memref_slice %dma_wait3A_441[%dma_wait3A_436, %dma_wait3A_442, %dma_wait3A_443] : memref<40x2x125xf32, #tpu.memory_space<hbm>> -> memref<1x2x125xf32, #tpu.memory_space<hbm>>
      %dma_wait3A_445 = tpu.memref_squeeze %dma_wait3A_444 : memref<1x2x125xf32, #tpu.memory_space<hbm>> -> memref<2x125xf32, #tpu.memory_space<hbm>>
      %dma_wait3A_446 = arith.constant 0 : i32
      %dma_wait3A_447 = arith.constant 0 : i32
      %dma_wait3A_448 = arith.constant 0 : i32
      %dma_wait3A_449 = tpu.memref_slice %arg5[%add3A, %dma_wait3A_446, %dma_wait3A_447, %dma_wait3A_448] : memref<32x40x2x125xf32, #tpu.memory_space<hbm>> -> memref<1x40x2x125xf32, #tpu.memory_space<hbm>>
      %dma_wait3A_450 = tpu.memref_squeeze %dma_wait3A_449 : memref<1x40x2x125xf32, #tpu.memory_space<hbm>> -> memref<40x2x125xf32, #tpu.memory_space<hbm>>
      %dma_wait3A_451 = arith.constant 0 : i32
      %dma_wait3A_452 = arith.constant 0 : i32
      %dma_wait3A_453 = tpu.memref_slice %dma_wait3A_450[%dma_wait3A_436, %dma_wait3A_451, %dma_wait3A_452] : memref<40x2x125xf32, #tpu.memory_space<hbm>> -> memref<1x2x125xf32, #tpu.memory_space<hbm>>
      %dma_wait3A_454 = tpu.memref_squeeze %dma_wait3A_453 : memref<1x2x125xf32, #tpu.memory_space<hbm>> -> memref<2x125xf32, #tpu.memory_space<hbm>>
      tpu.wait_dma2 semaphore(%arg20 : memref<!tpu.dma_semaphore, #tpu.memory_space<semaphore_mem>>) src(%dma_wait3A_454 : memref<2x125xf32, #tpu.memory_space<hbm>>) dst(%arg13 : memref<2x125xf32, #tpu.memory_space<vmem>>)
      %dma_wait3A_455 = arith.constant 0 : i32
      %dma_wait3A_456 = arith.constant 0 : i32
      %dma_wait3A_457 = tpu.memref_slice %arg9[%dma_wait3A_455, %dma_wait3A_456] : memref<80x125xi32, #tpu.memory_space<vmem>> -> memref<1x125xi32, #tpu.memory_space<vmem>>
      %dma_wait3A_458 = tpu.memref_squeeze %dma_wait3A_457 : memref<1x125xi32, #tpu.memory_space<vmem>> -> memref<125xi32, #tpu.memory_space<vmem>>
      %dma_wait3A_459 = arith.constant 0 : i32
      %dma_wait3A_460 = arith.constant 0 : i32
      %dma_wait3A_461 = tpu.memref_slice %arg2[%dma_wait3A_459, %dma_wait3A_460] : memref<10000x128xf32, #tpu.memory_space<hbm>> -> memref<10000x128xf32, #tpu.memory_space<hbm>>
      tpu.wait_indirect_dma semaphore(%arg15 : memref<!tpu.dma_semaphore, #tpu.memory_space<semaphore_mem>>) src(%dma_wait3A_461 : memref<10000x128xf32, #tpu.memory_space<hbm>>) dst(%arg7 : memref<125x128xf32, #tpu.memory_space<vmem>>)
      %broadcast_in_dim3A_462 = arith.constant 0 : i32
      %broadcast_in_dim3A_463 = vector.broadcast %broadcast_in_dim3A_462 : i32 to vector<16xi32>
      %scan3A_464 = arith.constant 0 : i32
      %scan3A_465 = arith.constant 125 : i32
      %scan3A_466 = arith.addi %scan3A_464, %scan3A_465 : i32
      %scan3A_467 = arith.constant 5 : i32
      scf.for %scan3A_571 = %scan3A_464 to %scan3A_466 step %scan3A_467  : i32 {
        %mul3A_572 = arith.constant 1 : i32
        %mul3A_573 = arith.muli %scan3A_571, %mul3A_572 : i32
        %add3A_574 = arith.constant 0 : i32
        %add3A_575 = arith.addi %add3A_574, %mul3A_573 : i32
        %broadcast_in_dim3A_576 = vector.broadcast %add3A_575 : i32 to vector<16xi32>
        %gather3A = tpu.vector_load_idx %arg13[%broadcast_in_dim3A_463, %broadcast_in_dim3A_576] : memref<2x125xf32, #tpu.memory_space<vmem>>[vector<16xi32>, vector<16xi32>], vector<16xf32>,
        %get3A = arith.index_cast %add3A_575 : i32 to index
        %get3A_577 = arith.constant 0 : index
        %get3A_578 = tpu.vector_load %arg7[%get3A, %get3A_577] {strides = array<i32>} : memref<125x128xf32, #tpu.memory_space<vmem>>, vector<16xf32>,
        %mul3A_579 = arith.mulf %get3A_578, %gather3A : vector<16xf32>
        %swap3A = arith.index_cast %add3A_575 : i32 to index
        %swap3A_580 = arith.constant 0 : index
        %swap3A_581 = tpu.vector_load %arg7[%swap3A, %swap3A_580] {strides = array<i32>} : memref<125x128xf32, #tpu.memory_space<vmem>>, vector<16xf32>,
        tpu.vector_store %arg7[%swap3A, %swap3A_580], %mul3A_579 {strides = array<i32>} : memref<125x128xf32, #tpu.memory_space<vmem>>, vector<16xf32>,
        %get3A_582 = arith.index_cast %add3A_575 : i32 to index
        %get3A_583 = arith.constant 16 : index
        %get3A_584 = tpu.vector_load %arg7[%get3A_582, %get3A_583] {strides = array<i32>} : memref<125x128xf32, #tpu.memory_space<vmem>>, vector<16xf32>,
        %mul3A_585 = arith.mulf %get3A_584, %gather3A : vector<16xf32>
        %swap3A_586 = arith.index_cast %add3A_575 : i32 to index
        %swap3A_587 = arith.constant 16 : index
        %swap3A_588 = tpu.vector_load %arg7[%swap3A_586, %swap3A_587] {strides = array<i32>} : memref<125x128xf32, #tpu.memory_space<vmem>>, vector<16xf32>,
        tpu.vector_store %arg7[%swap3A_586, %swap3A_587], %mul3A_585 {strides = array<i32>} : memref<125x128xf32, #tpu.memory_space<vmem>>, vector<16xf32>,
        %get3A_589 = arith.index_cast %add3A_575 : i32 to index
        %get3A_590 = arith.constant 32 : index
        %get3A_591 = tpu.vector_load %arg7[%get3A_589, %get3A_590] {strides = array<i32>} : memref<125x128xf32, #tpu.memory_space<vmem>>, vector<16xf32>,
        %mul3A_592 = arith.mulf %get3A_591, %gather3A : vector<16xf32>
        %swap3A_593 = arith.index_cast %add3A_575 : i32 to index
        %swap3A_594 = arith.constant 32 : index
        %swap3A_595 = tpu.vector_load %arg7[%swap3A_593, %swap3A_594] {strides = array<i32>} : memref<125x128xf32, #tpu.memory_space<vmem>>, vector<16xf32>,
        tpu.vector_store %arg7[%swap3A_593, %swap3A_594], %mul3A_592 {strides = array<i32>} : memref<125x128xf32, #tpu.memory_space<vmem>>, vector<16xf32>,
        %get3A_596 = arith.index_cast %add3A_575 : i32 to index
        %get3A_597 = arith.constant 48 : index
        %get3A_598 = tpu.vector_load %arg7[%get3A_596, %get3A_597] {strides = array<i32>} : memref<125x128xf32, #tpu.memory_space<vmem>>, vector<16xf32>,
        %mul3A_599 = arith.mulf %get3A_598, %gather3A : vector<16xf32>
        %swap3A_600 = arith.index_cast %add3A_575 : i32 to index
        %swap3A_601 = arith.constant 48 : index
        %swap3A_602 = tpu.vector_load %arg7[%swap3A_600, %swap3A_601] {strides = array<i32>} : memref<125x128xf32, #tpu.memory_space<vmem>>, vector<16xf32>,
        tpu.vector_store %arg7[%swap3A_600, %swap3A_601], %mul3A_599 {strides = array<i32>} : memref<125x128xf32, #tpu.memory_space<vmem>>, vector<16xf32>,
        %get3A_603 = arith.index_cast %add3A_575 : i32 to index
        %get3A_604 = arith.constant 64 : index
        %get3A_605 = tpu.vector_load %arg7[%get3A_603, %get3A_604] {strides = array<i32>} : memref<125x128xf32, #tpu.memory_space<vmem>>, vector<16xf32>,
        %mul3A_606 = arith.mulf %get3A_605, %gather3A : vector<16xf32>
        %swap3A_607 = arith.index_cast %add3A_575 : i32 to index
        %swap3A_608 = arith.constant 64 : index
        %swap3A_609 = tpu.vector_load %arg7[%swap3A_607, %swap3A_608] {strides = array<i32>} : memref<125x128xf32, #tpu.memory_space<vmem>>, vector<16xf32>,
        tpu.vector_store %arg7[%swap3A_607, %swap3A_608], %mul3A_606 {strides = array<i32>} : memref<125x128xf32, #tpu.memory_space<vmem>>, vector<16xf32>,
        %get3A_610 = arith.index_cast %add3A_575 : i32 to index
        %get3A_611 = arith.constant 80 : index
        %get3A_612 = tpu.vector_load %arg7[%get3A_610, %get3A_611] {strides = array<i32>} : memref<125x128xf32, #tpu.memory_space<vmem>>, vector<16xf32>,
        %mul3A_613 = arith.mulf %get3A_612, %gather3A : vector<16xf32>
        %swap3A_614 = arith.index_cast %add3A_575 : i32 to index
        %swap3A_615 = arith.constant 80 : index
        %swap3A_616 = tpu.vector_load %arg7[%swap3A_614, %swap3A_615] {strides = array<i32>} : memref<125x128xf32, #tpu.memory_space<vmem>>, vector<16xf32>,
        tpu.vector_store %arg7[%swap3A_614, %swap3A_615], %mul3A_613 {strides = array<i32>} : memref<125x128xf32, #tpu.memory_space<vmem>>, vector<16xf32>,
        %get3A_617 = arith.index_cast %add3A_575 : i32 to index
        %get3A_618 = arith.constant 96 : index
        %get3A_619 = tpu.vector_load %arg7[%get3A_617, %get3A_618] {strides = array<i32>} : memref<125x128xf32, #tpu.memory_space<vmem>>, vector<16xf32>,
        %mul3A_620 = arith.mulf %get3A_619, %gather3A : vector<16xf32>
        %swap3A_621 = arith.index_cast %add3A_575 : i32 to index
        %swap3A_622 = arith.constant 96 : index
        %swap3A_623 = tpu.vector_load %arg7[%swap3A_621, %swap3A_622] {strides = array<i32>} : memref<125x128xf32, #tpu.memory_space<vmem>>, vector<16xf32>,
        tpu.vector_store %arg7[%swap3A_621, %swap3A_622], %mul3A_620 {strides = array<i32>} : memref<125x128xf32, #tpu.memory_space<vmem>>, vector<16xf32>,
        %get3A_624 = arith.index_cast %add3A_575 : i32 to index
        %get3A_625 = arith.constant 112 : index
        %get3A_626 = tpu.vector_load %arg7[%get3A_624, %get3A_625] {strides = array<i32>} : memref<125x128xf32, #tpu.memory_space<vmem>>, vector<16xf32>,
        %mul3A_627 = arith.mulf %get3A_626, %gather3A : vector<16xf32>
        %swap3A_628 = arith.index_cast %add3A_575 : i32 to index
        %swap3A_629 = arith.constant 112 : index
        %swap3A_630 = tpu.vector_load %arg7[%swap3A_628, %swap3A_629] {strides = array<i32>} : memref<125x128xf32, #tpu.memory_space<vmem>>, vector<16xf32>,
        tpu.vector_store %arg7[%swap3A_628, %swap3A_629], %mul3A_627 {strides = array<i32>} : memref<125x128xf32, #tpu.memory_space<vmem>>, vector<16xf32>,
        %scan3A_631 = arith.constant 1 : i32
        %scan3A_632 = arith.addi %scan3A_571, %scan3A_631 : i32
        %mul3A_633 = arith.constant 1 : i32
        %mul3A_634 = arith.muli %scan3A_632, %mul3A_633 : i32
        %add3A_635 = arith.constant 0 : i32
        %add3A_636 = arith.addi %add3A_635, %mul3A_634 : i32
        %broadcast_in_dim3A_637 = vector.broadcast %add3A_636 : i32 to vector<16xi32>
        %gather3A_638 = tpu.vector_load_idx %arg13[%broadcast_in_dim3A_463, %broadcast_in_dim3A_637] : memref<2x125xf32, #tpu.memory_space<vmem>>[vector<16xi32>, vector<16xi32>], vector<16xf32>,
        %get3A_639 = arith.index_cast %add3A_636 : i32 to index
        %get3A_640 = arith.constant 0 : index
        %get3A_641 = tpu.vector_load %arg7[%get3A_639, %get3A_640] {strides = array<i32>} : memref<125x128xf32, #tpu.memory_space<vmem>>, vector<16xf32>,
        %mul3A_642 = arith.mulf %get3A_641, %gather3A_638 : vector<16xf32>
        %swap3A_643 = arith.index_cast %add3A_636 : i32 to index
        %swap3A_644 = arith.constant 0 : index
        %swap3A_645 = tpu.vector_load %arg7[%swap3A_643, %swap3A_644] {strides = array<i32>} : memref<125x128xf32, #tpu.memory_space<vmem>>, vector<16xf32>,
        tpu.vector_store %arg7[%swap3A_643, %swap3A_644], %mul3A_642 {strides = array<i32>} : memref<125x128xf32, #tpu.memory_space<vmem>>, vector<16xf32>,
        %get3A_646 = arith.index_cast %add3A_636 : i32 to index
        %get3A_647 = arith.constant 16 : index
        %get3A_648 = tpu.vector_load %arg7[%get3A_646, %get3A_647] {strides = array<i32>} : memref<125x128xf32, #tpu.memory_space<vmem>>, vector<16xf32>,
        %mul3A_649 = arith.mulf %get3A_648, %gather3A_638 : vector<16xf32>
        %swap3A_650 = arith.index_cast %add3A_636 : i32 to index
        %swap3A_651 = arith.constant 16 : index
        %swap3A_652 = tpu.vector_load %arg7[%swap3A_650, %swap3A_651] {strides = array<i32>} : memref<125x128xf32, #tpu.memory_space<vmem>>, vector<16xf32>,
        tpu.vector_store %arg7[%swap3A_650, %swap3A_651], %mul3A_649 {strides = array<i32>} : memref<125x128xf32, #tpu.memory_space<vmem>>, vector<16xf32>,
        %get3A_653 = arith.index_cast %add3A_636 : i32 to index
        %get3A_654 = arith.constant 32 : index
        %get3A_655 = tpu.vector_load %arg7[%get3A_653, %get3A_654] {strides = array<i32>} : memref<125x128xf32, #tpu.memory_space<vmem>>, vector<16xf32>,
        %mul3A_656 = arith.mulf %get3A_655, %gather3A_638 : vector<16xf32>
        %swap3A_657 = arith.index_cast %add3A_636 : i32 to index
        %swap3A_658 = arith.constant 32 : index
        %swap3A_659 = tpu.vector_load %arg7[%swap3A_657, %swap3A_658] {strides = array<i32>} : memref<125x128xf32, #tpu.memory_space<vmem>>, vector<16xf32>,
        tpu.vector_store %arg7[%swap3A_657, %swap3A_658], %mul3A_656 {strides = array<i32>} : memref<125x128xf32, #tpu.memory_space<vmem>>, vector<16xf32>,
        %get3A_660 = arith.index_cast %add3A_636 : i32 to index
        %get3A_661 = arith.constant 48 : index
        %get3A_662 = tpu.vector_load %arg7[%get3A_660, %get3A_661] {strides = array<i32>} : memref<125x128xf32, #tpu.memory_space<vmem>>, vector<16xf32>,
        %mul3A_663 = arith.mulf %get3A_662, %gather3A_638 : vector<16xf32>
        %swap3A_664 = arith.index_cast %add3A_636 : i32 to index
        %swap3A_665 = arith.constant 48 : index
        %swap3A_666 = tpu.vector_load %arg7[%swap3A_664, %swap3A_665] {strides = array<i32>} : memref<125x128xf32, #tpu.memory_space<vmem>>, vector<16xf32>,
        tpu.vector_store %arg7[%swap3A_664, %swap3A_665], %mul3A_663 {strides = array<i32>} : memref<125x128xf32, #tpu.memory_space<vmem>>, vector<16xf32>,
        %get3A_667 = arith.index_cast %add3A_636 : i32 to index
        %get3A_668 = arith.constant 64 : index
        %get3A_669 = tpu.vector_load %arg7[%get3A_667, %get3A_668] {strides = array<i32>} : memref<125x128xf32, #tpu.memory_space<vmem>>, vector<16xf32>,
        %mul3A_670 = arith.mulf %get3A_669, %gather3A_638 : vector<16xf32>
        %swap3A_671 = arith.index_cast %add3A_636 : i32 to index
        %swap3A_672 = arith.constant 64 : index
        %swap3A_673 = tpu.vector_load %arg7[%swap3A_671, %swap3A_672] {strides = array<i32>} : memref<125x128xf32, #tpu.memory_space<vmem>>, vector<16xf32>,
        tpu.vector_store %arg7[%swap3A_671, %swap3A_672], %mul3A_670 {strides = array<i32>} : memref<125x128xf32, #tpu.memory_space<vmem>>, vector<16xf32>,
        %get3A_674 = arith.index_cast %add3A_636 : i32 to index
        %get3A_675 = arith.constant 80 : index
        %get3A_676 = tpu.vector_load %arg7[%get3A_674, %get3A_675] {strides = array<i32>} : memref<125x128xf32, #tpu.memory_space<vmem>>, vector<16xf32>,
        %mul3A_677 = arith.mulf %get3A_676, %gather3A_638 : vector<16xf32>
        %swap3A_678 = arith.index_cast %add3A_636 : i32 to index
        %swap3A_679 = arith.constant 80 : index
        %swap3A_680 = tpu.vector_load %arg7[%swap3A_678, %swap3A_679] {strides = array<i32>} : memref<125x128xf32, #tpu.memory_space<vmem>>, vector<16xf32>,
        tpu.vector_store %arg7[%swap3A_678, %swap3A_679], %mul3A_677 {strides = array<i32>} : memref<125x128xf32, #tpu.memory_space<vmem>>, vector<16xf32>,
        %get3A_681 = arith.index_cast %add3A_636 : i32 to index
        %get3A_682 = arith.constant 96 : index
        %get3A_683 = tpu.vector_load %arg7[%get3A_681, %get3A_682] {strides = array<i32>} : memref<125x128xf32, #tpu.memory_space<vmem>>, vector<16xf32>,
        %mul3A_684 = arith.mulf %get3A_683, %gather3A_638 : vector<16xf32>
        %swap3A_685 = arith.index_cast %add3A_636 : i32 to index
        %swap3A_686 = arith.constant 96 : index
        %swap3A_687 = tpu.vector_load %arg7[%swap3A_685, %swap3A_686] {strides = array<i32>} : memref<125x128xf32, #tpu.memory_space<vmem>>, vector<16xf32>,
        tpu.vector_store %arg7[%swap3A_685, %swap3A_686], %mul3A_684 {strides = array<i32>} : memref<125x128xf32, #tpu.memory_space<vmem>>, vector<16xf32>,
        %get3A_688 = arith.index_cast %add3A_636 : i32 to index
        %get3A_689 = arith.constant 112 : index
        %get3A_690 = tpu.vector_load %arg7[%get3A_688, %get3A_689] {strides = array<i32>} : memref<125x128xf32, #tpu.memory_space<vmem>>, vector<16xf32>,
        %mul3A_691 = arith.mulf %get3A_690, %gather3A_638 : vector<16xf32>
        %swap3A_692 = arith.index_cast %add3A_636 : i32 to index
        %swap3A_693 = arith.constant 112 : index
        %swap3A_694 = tpu.vector_load %arg7[%swap3A_692, %swap3A_693] {strides = array<i32>} : memref<125x128xf32, #tpu.memory_space<vmem>>, vector<16xf32>,
        tpu.vector_store %arg7[%swap3A_692, %swap3A_693], %mul3A_691 {strides = array<i32>} : memref<125x128xf32, #tpu.memory_space<vmem>>, vector<16xf32>,
        %scan3A_695 = arith.constant 2 : i32
        %scan3A_696 = arith.addi %scan3A_571, %scan3A_695 : i32
        %mul3A_697 = arith.constant 1 : i32
        %mul3A_698 = arith.muli %scan3A_696, %mul3A_697 : i32
        %add3A_699 = arith.constant 0 : i32
        %add3A_700 = arith.addi %add3A_699, %mul3A_698 : i32
        %broadcast_in_dim3A_701 = vector.broadcast %add3A_700 : i32 to vector<16xi32>
        %gather3A_702 = tpu.vector_load_idx %arg13[%broadcast_in_dim3A_463, %broadcast_in_dim3A_701] : memref<2x125xf32, #tpu.memory_space<vmem>>[vector<16xi32>, vector<16xi32>], vector<16xf32>,
        %get3A_703 = arith.index_cast %add3A_700 : i32 to index
        %get3A_704 = arith.constant 0 : index
        %get3A_705 = tpu.vector_load %arg7[%get3A_703, %get3A_704] {strides = array<i32>} : memref<125x128xf32, #tpu.memory_space<vmem>>, vector<16xf32>,
        %mul3A_706 = arith.mulf %get3A_705, %gather3A_702 : vector<16xf32>
        %swap3A_707 = arith.index_cast %add3A_700 : i32 to index
        %swap3A_708 = arith.constant 0 : index
        %swap3A_709 = tpu.vector_load %arg7[%swap3A_707, %swap3A_708] {strides = array<i32>} : memref<125x128xf32, #tpu.memory_space<vmem>>, vector<16xf32>,
        tpu.vector_store %arg7[%swap3A_707, %swap3A_708], %mul3A_706 {strides = array<i32>} : memref<125x128xf32, #tpu.memory_space<vmem>>, vector<16xf32>,
        %get3A_710 = arith.index_cast %add3A_700 : i32 to index
        %get3A_711 = arith.constant 16 : index
        %get3A_712 = tpu.vector_load %arg7[%get3A_710, %get3A_711] {strides = array<i32>} : memref<125x128xf32, #tpu.memory_space<vmem>>, vector<16xf32>,
        %mul3A_713 = arith.mulf %get3A_712, %gather3A_702 : vector<16xf32>
        %swap3A_714 = arith.index_cast %add3A_700 : i32 to index
        %swap3A_715 = arith.constant 16 : index
        %swap3A_716 = tpu.vector_load %arg7[%swap3A_714, %swap3A_715] {strides = array<i32>} : memref<125x128xf32, #tpu.memory_space<vmem>>, vector<16xf32>,
        tpu.vector_store %arg7[%swap3A_714, %swap3A_715], %mul3A_713 {strides = array<i32>} : memref<125x128xf32, #tpu.memory_space<vmem>>, vector<16xf32>,
        %get3A_717 = arith.index_cast %add3A_700 : i32 to index
        %get3A_718 = arith.constant 32 : index
        %get3A_719 = tpu.vector_load %arg7[%get3A_717, %get3A_718] {strides = array<i32>} : memref<125x128xf32, #tpu.memory_space<vmem>>, vector<16xf32>,
        %mul3A_720 = arith.mulf %get3A_719, %gather3A_702 : vector<16xf32>
        %swap3A_721 = arith.index_cast %add3A_700 : i32 to index
        %swap3A_722 = arith.constant 32 : index
        %swap3A_723 = tpu.vector_load %arg7[%swap3A_721, %swap3A_722] {strides = array<i32>} : memref<125x128xf32, #tpu.memory_space<vmem>>, vector<16xf32>,
        tpu.vector_store %arg7[%swap3A_721, %swap3A_722], %mul3A_720 {strides = array<i32>} : memref<125x128xf32, #tpu.memory_space<vmem>>, vector<16xf32>,
        %get3A_724 = arith.index_cast %add3A_700 : i32 to index
        %get3A_725 = arith.constant 48 : index
        %get3A_726 = tpu.vector_load %arg7[%get3A_724, %get3A_725] {strides = array<i32>} : memref<125x128xf32, #tpu.memory_space<vmem>>, vector<16xf32>,
        %mul3A_727 = arith.mulf %get3A_726, %gather3A_702 : vector<16xf32>
        %swap3A_728 = arith.index_cast %add3A_700 : i32 to index
        %swap3A_729 = arith.constant 48 : index
        %swap3A_730 = tpu.vector_load %arg7[%swap3A_728, %swap3A_729] {strides = array<i32>} : memref<125x128xf32, #tpu.memory_space<vmem>>, vector<16xf32>,
        tpu.vector_store %arg7[%swap3A_728, %swap3A_729], %mul3A_727 {strides = array<i32>} : memref<125x128xf32, #tpu.memory_space<vmem>>, vector<16xf32>,
        %get3A_731 = arith.index_cast %add3A_700 : i32 to index
        %get3A_732 = arith.constant 64 : index
        %get3A_733 = tpu.vector_load %arg7[%get3A_731, %get3A_732] {strides = array<i32>} : memref<125x128xf32, #tpu.memory_space<vmem>>, vector<16xf32>,
        %mul3A_734 = arith.mulf %get3A_733, %gather3A_702 : vector<16xf32>
        %swap3A_735 = arith.index_cast %add3A_700 : i32 to index
        %swap3A_736 = arith.constant 64 : index
        %swap3A_737 = tpu.vector_load %arg7[%swap3A_735, %swap3A_736] {strides = array<i32>} : memref<125x128xf32, #tpu.memory_space<vmem>>, vector<16xf32>,
        tpu.vector_store %arg7[%swap3A_735, %swap3A_736], %mul3A_734 {strides = array<i32>} : memref<125x128xf32, #tpu.memory_space<vmem>>, vector<16xf32>,
        %get3A_738 = arith.index_cast %add3A_700 : i32 to index
        %get3A_739 = arith.constant 80 : index
        %get3A_740 = tpu.vector_load %arg7[%get3A_738, %get3A_739] {strides = array<i32>} : memref<125x128xf32, #tpu.memory_space<vmem>>, vector<16xf32>,
        %mul3A_741 = arith.mulf %get3A_740, %gather3A_702 : vector<16xf32>
        %swap3A_742 = arith.index_cast %add3A_700 : i32 to index
        %swap3A_743 = arith.constant 80 : index
        %swap3A_744 = tpu.vector_load %arg7[%swap3A_742, %swap3A_743] {strides = array<i32>} : memref<125x128xf32, #tpu.memory_space<vmem>>, vector<16xf32>,
        tpu.vector_store %arg7[%swap3A_742, %swap3A_743], %mul3A_741 {strides = array<i32>} : memref<125x128xf32, #tpu.memory_space<vmem>>, vector<16xf32>,
        %get3A_745 = arith.index_cast %add3A_700 : i32 to index
        %get3A_746 = arith.constant 96 : index
        %get3A_747 = tpu.vector_load %arg7[%get3A_745, %get3A_746] {strides = array<i32>} : memref<125x128xf32, #tpu.memory_space<vmem>>, vector<16xf32>,
        %mul3A_748 = arith.mulf %get3A_747, %gather3A_702 : vector<16xf32>
        %swap3A_749 = arith.index_cast %add3A_700 : i32 to index
        %swap3A_750 = arith.constant 96 : index
        %swap3A_751 = tpu.vector_load %arg7[%swap3A_749, %swap3A_750] {strides = array<i32>} : memref<125x128xf32, #tpu.memory_space<vmem>>, vector<16xf32>,
        tpu.vector_store %arg7[%swap3A_749, %swap3A_750], %mul3A_748 {strides = array<i32>} : memref<125x128xf32, #tpu.memory_space<vmem>>, vector<16xf32>,
        %get3A_752 = arith.index_cast %add3A_700 : i32 to index
        %get3A_753 = arith.constant 112 : index
        %get3A_754 = tpu.vector_load %arg7[%get3A_752, %get3A_753] {strides = array<i32>} : memref<125x128xf32, #tpu.memory_space<vmem>>, vector<16xf32>,
        %mul3A_755 = arith.mulf %get3A_754, %gather3A_702 : vector<16xf32>
        %swap3A_756 = arith.index_cast %add3A_700 : i32 to index
        %swap3A_757 = arith.constant 112 : index
        %swap3A_758 = tpu.vector_load %arg7[%swap3A_756, %swap3A_757] {strides = array<i32>} : memref<125x128xf32, #tpu.memory_space<vmem>>, vector<16xf32>,
        tpu.vector_store %arg7[%swap3A_756, %swap3A_757], %mul3A_755 {strides = array<i32>} : memref<125x128xf32, #tpu.memory_space<vmem>>, vector<16xf32>,
        %scan3A_759 = arith.constant 3 : i32
        %scan3A_760 = arith.addi %scan3A_571, %scan3A_759 : i32
        %mul3A_761 = arith.constant 1 : i32
        %mul3A_762 = arith.muli %scan3A_760, %mul3A_761 : i32
        %add3A_763 = arith.constant 0 : i32
        %add3A_764 = arith.addi %add3A_763, %mul3A_762 : i32
        %broadcast_in_dim3A_765 = vector.broadcast %add3A_764 : i32 to vector<16xi32>
        %gather3A_766 = tpu.vector_load_idx %arg13[%broadcast_in_dim3A_463, %broadcast_in_dim3A_765] : memref<2x125xf32, #tpu.memory_space<vmem>>[vector<16xi32>, vector<16xi32>], vector<16xf32>,
        %get3A_767 = arith.index_cast %add3A_764 : i32 to index
        %get3A_768 = arith.constant 0 : index
        %get3A_769 = tpu.vector_load %arg7[%get3A_767, %get3A_768] {strides = array<i32>} : memref<125x128xf32, #tpu.memory_space<vmem>>, vector<16xf32>,
        %mul3A_770 = arith.mulf %get3A_769, %gather3A_766 : vector<16xf32>
        %swap3A_771 = arith.index_cast %add3A_764 : i32 to index
        %swap3A_772 = arith.constant 0 : index
        %swap3A_773 = tpu.vector_load %arg7[%swap3A_771, %swap3A_772] {strides = array<i32>} : memref<125x128xf32, #tpu.memory_space<vmem>>, vector<16xf32>,
        tpu.vector_store %arg7[%swap3A_771, %swap3A_772], %mul3A_770 {strides = array<i32>} : memref<125x128xf32, #tpu.memory_space<vmem>>, vector<16xf32>,
        %get3A_774 = arith.index_cast %add3A_764 : i32 to index
        %get3A_775 = arith.constant 16 : index
        %get3A_776 = tpu.vector_load %arg7[%get3A_774, %get3A_775] {strides = array<i32>} : memref<125x128xf32, #tpu.memory_space<vmem>>, vector<16xf32>,
        %mul3A_777 = arith.mulf %get3A_776, %gather3A_766 : vector<16xf32>
        %swap3A_778 = arith.index_cast %add3A_764 : i32 to index
        %swap3A_779 = arith.constant 16 : index
        %swap3A_780 = tpu.vector_load %arg7[%swap3A_778, %swap3A_779] {strides = array<i32>} : memref<125x128xf32, #tpu.memory_space<vmem>>, vector<16xf32>,
        tpu.vector_store %arg7[%swap3A_778, %swap3A_779], %mul3A_777 {strides = array<i32>} : memref<125x128xf32, #tpu.memory_space<vmem>>, vector<16xf32>,
        %get3A_781 = arith.index_cast %add3A_764 : i32 to index
        %get3A_782 = arith.constant 32 : index
        %get3A_783 = tpu.vector_load %arg7[%get3A_781, %get3A_782] {strides = array<i32>} : memref<125x128xf32, #tpu.memory_space<vmem>>, vector<16xf32>,
        %mul3A_784 = arith.mulf %get3A_783, %gather3A_766 : vector<16xf32>
        %swap3A_785 = arith.index_cast %add3A_764 : i32 to index
        %swap3A_786 = arith.constant 32 : index
        %swap3A_787 = tpu.vector_load %arg7[%swap3A_785, %swap3A_786] {strides = array<i32>} : memref<125x128xf32, #tpu.memory_space<vmem>>, vector<16xf32>,
        tpu.vector_store %arg7[%swap3A_785, %swap3A_786], %mul3A_784 {strides = array<i32>} : memref<125x128xf32, #tpu.memory_space<vmem>>, vector<16xf32>,
        %get3A_788 = arith.index_cast %add3A_764 : i32 to index
        %get3A_789 = arith.constant 48 : index
        %get3A_790 = tpu.vector_load %arg7[%get3A_788, %get3A_789] {strides = array<i32>} : memref<125x128xf32, #tpu.memory_space<vmem>>, vector<16xf32>,
        %mul3A_791 = arith.mulf %get3A_790, %gather3A_766 : vector<16xf32>
        %swap3A_792 = arith.index_cast %add3A_764 : i32 to index
        %swap3A_793 = arith.constant 48 : index
        %swap3A_794 = tpu.vector_load %arg7[%swap3A_792, %swap3A_793] {strides = array<i32>} : memref<125x128xf32, #tpu.memory_space<vmem>>, vector<16xf32>,
        tpu.vector_store %arg7[%swap3A_792, %swap3A_793], %mul3A_791 {strides = array<i32>} : memref<125x128xf32, #tpu.memory_space<vmem>>, vector<16xf32>,
        %get3A_795 = arith.index_cast %add3A_764 : i32 to index
        %get3A_796 = arith.constant 64 : index
        %get3A_797 = tpu.vector_load %arg7[%get3A_795, %get3A_796] {strides = array<i32>} : memref<125x128xf32, #tpu.memory_space<vmem>>, vector<16xf32>,
        %mul3A_798 = arith.mulf %get3A_797, %gather3A_766 : vector<16xf32>
        %swap3A_799 = arith.index_cast %add3A_764 : i32 to index
        %swap3A_800 = arith.constant 64 : index
        %swap3A_801 = tpu.vector_load %arg7[%swap3A_799, %swap3A_800] {strides = array<i32>} : memref<125x128xf32, #tpu.memory_space<vmem>>, vector<16xf32>,
        tpu.vector_store %arg7[%swap3A_799, %swap3A_800], %mul3A_798 {strides = array<i32>} : memref<125x128xf32, #tpu.memory_space<vmem>>, vector<16xf32>,
        %get3A_802 = arith.index_cast %add3A_764 : i32 to index
        %get3A_803 = arith.constant 80 : index
        %get3A_804 = tpu.vector_load %arg7[%get3A_802, %get3A_803] {strides = array<i32>} : memref<125x128xf32, #tpu.memory_space<vmem>>, vector<16xf32>,
        %mul3A_805 = arith.mulf %get3A_804, %gather3A_766 : vector<16xf32>
        %swap3A_806 = arith.index_cast %add3A_764 : i32 to index
        %swap3A_807 = arith.constant 80 : index
        %swap3A_808 = tpu.vector_load %arg7[%swap3A_806, %swap3A_807] {strides = array<i32>} : memref<125x128xf32, #tpu.memory_space<vmem>>, vector<16xf32>,
        tpu.vector_store %arg7[%swap3A_806, %swap3A_807], %mul3A_805 {strides = array<i32>} : memref<125x128xf32, #tpu.memory_space<vmem>>, vector<16xf32>,
        %get3A_809 = arith.index_cast %add3A_764 : i32 to index
        %get3A_810 = arith.constant 96 : index
        %get3A_811 = tpu.vector_load %arg7[%get3A_809, %get3A_810] {strides = array<i32>} : memref<125x128xf32, #tpu.memory_space<vmem>>, vector<16xf32>,
        %mul3A_812 = arith.mulf %get3A_811, %gather3A_766 : vector<16xf32>
        %swap3A_813 = arith.index_cast %add3A_764 : i32 to index
        %swap3A_814 = arith.constant 96 : index
        %swap3A_815 = tpu.vector_load %arg7[%swap3A_813, %swap3A_814] {strides = array<i32>} : memref<125x128xf32, #tpu.memory_space<vmem>>, vector<16xf32>,
        tpu.vector_store %arg7[%swap3A_813, %swap3A_814], %mul3A_812 {strides = array<i32>} : memref<125x128xf32, #tpu.memory_space<vmem>>, vector<16xf32>,
        %get3A_816 = arith.index_cast %add3A_764 : i32 to index
        %get3A_817 = arith.constant 112 : index
        %get3A_818 = tpu.vector_load %arg7[%get3A_816, %get3A_817] {strides = array<i32>} : memref<125x128xf32, #tpu.memory_space<vmem>>, vector<16xf32>,
        %mul3A_819 = arith.mulf %get3A_818, %gather3A_766 : vector<16xf32>
        %swap3A_820 = arith.index_cast %add3A_764 : i32 to index
        %swap3A_821 = arith.constant 112 : index
        %swap3A_822 = tpu.vector_load %arg7[%swap3A_820, %swap3A_821] {strides = array<i32>} : memref<125x128xf32, #tpu.memory_space<vmem>>, vector<16xf32>,
        tpu.vector_store %arg7[%swap3A_820, %swap3A_821], %mul3A_819 {strides = array<i32>} : memref<125x128xf32, #tpu.memory_space<vmem>>, vector<16xf32>,
        %scan3A_823 = arith.constant 4 : i32
        %scan3A_824 = arith.addi %scan3A_571, %scan3A_823 : i32
        %mul3A_825 = arith.constant 1 : i32
        %mul3A_826 = arith.muli %scan3A_824, %mul3A_825 : i32
        %add3A_827 = arith.constant 0 : i32
        %add3A_828 = arith.addi %add3A_827, %mul3A_826 : i32
        %broadcast_in_dim3A_829 = vector.broadcast %add3A_828 : i32 to vector<16xi32>
        %gather3A_830 = tpu.vector_load_idx %arg13[%broadcast_in_dim3A_463, %broadcast_in_dim3A_829] : memref<2x125xf32, #tpu.memory_space<vmem>>[vector<16xi32>, vector<16xi32>], vector<16xf32>,
        %get3A_831 = arith.index_cast %add3A_828 : i32 to index
        %get3A_832 = arith.constant 0 : index
        %get3A_833 = tpu.vector_load %arg7[%get3A_831, %get3A_832] {strides = array<i32>} : memref<125x128xf32, #tpu.memory_space<vmem>>, vector<16xf32>,
        %mul3A_834 = arith.mulf %get3A_833, %gather3A_830 : vector<16xf32>
        %swap3A_835 = arith.index_cast %add3A_828 : i32 to index
        %swap3A_836 = arith.constant 0 : index
        %swap3A_837 = tpu.vector_load %arg7[%swap3A_835, %swap3A_836] {strides = array<i32>} : memref<125x128xf32, #tpu.memory_space<vmem>>, vector<16xf32>,
        tpu.vector_store %arg7[%swap3A_835, %swap3A_836], %mul3A_834 {strides = array<i32>} : memref<125x128xf32, #tpu.memory_space<vmem>>, vector<16xf32>,
        %get3A_838 = arith.index_cast %add3A_828 : i32 to index
        %get3A_839 = arith.constant 16 : index
        %get3A_840 = tpu.vector_load %arg7[%get3A_838, %get3A_839] {strides = array<i32>} : memref<125x128xf32, #tpu.memory_space<vmem>>, vector<16xf32>,
        %mul3A_841 = arith.mulf %get3A_840, %gather3A_830 : vector<16xf32>
        %swap3A_842 = arith.index_cast %add3A_828 : i32 to index
        %swap3A_843 = arith.constant 16 : index
        %swap3A_844 = tpu.vector_load %arg7[%swap3A_842, %swap3A_843] {strides = array<i32>} : memref<125x128xf32, #tpu.memory_space<vmem>>, vector<16xf32>,
        tpu.vector_store %arg7[%swap3A_842, %swap3A_843], %mul3A_841 {strides = array<i32>} : memref<125x128xf32, #tpu.memory_space<vmem>>, vector<16xf32>,
        %get3A_845 = arith.index_cast %add3A_828 : i32 to index
        %get3A_846 = arith.constant 32 : index
        %get3A_847 = tpu.vector_load %arg7[%get3A_845, %get3A_846] {strides = array<i32>} : memref<125x128xf32, #tpu.memory_space<vmem>>, vector<16xf32>,
        %mul3A_848 = arith.mulf %get3A_847, %gather3A_830 : vector<16xf32>
        %swap3A_849 = arith.index_cast %add3A_828 : i32 to index
        %swap3A_850 = arith.constant 32 : index
        %swap3A_851 = tpu.vector_load %arg7[%swap3A_849, %swap3A_850] {strides = array<i32>} : memref<125x128xf32, #tpu.memory_space<vmem>>, vector<16xf32>,
        tpu.vector_store %arg7[%swap3A_849, %swap3A_850], %mul3A_848 {strides = array<i32>} : memref<125x128xf32, #tpu.memory_space<vmem>>, vector<16xf32>,
        %get3A_852 = arith.index_cast %add3A_828 : i32 to index
        %get3A_853 = arith.constant 48 : index
        %get3A_854 = tpu.vector_load %arg7[%get3A_852, %get3A_853] {strides = array<i32>} : memref<125x128xf32, #tpu.memory_space<vmem>>, vector<16xf32>,
        %mul3A_855 = arith.mulf %get3A_854, %gather3A_830 : vector<16xf32>
        %swap3A_856 = arith.index_cast %add3A_828 : i32 to index
        %swap3A_857 = arith.constant 48 : index
        %swap3A_858 = tpu.vector_load %arg7[%swap3A_856, %swap3A_857] {strides = array<i32>} : memref<125x128xf32, #tpu.memory_space<vmem>>, vector<16xf32>,
        tpu.vector_store %arg7[%swap3A_856, %swap3A_857], %mul3A_855 {strides = array<i32>} : memref<125x128xf32, #tpu.memory_space<vmem>>, vector<16xf32>,
        %get3A_859 = arith.index_cast %add3A_828 : i32 to index
        %get3A_860 = arith.constant 64 : index
        %get3A_861 = tpu.vector_load %arg7[%get3A_859, %get3A_860] {strides = array<i32>} : memref<125x128xf32, #tpu.memory_space<vmem>>, vector<16xf32>,
        %mul3A_862 = arith.mulf %get3A_861, %gather3A_830 : vector<16xf32>
        %swap3A_863 = arith.index_cast %add3A_828 : i32 to index
        %swap3A_864 = arith.constant 64 : index
        %swap3A_865 = tpu.vector_load %arg7[%swap3A_863, %swap3A_864] {strides = array<i32>} : memref<125x128xf32, #tpu.memory_space<vmem>>, vector<16xf32>,
        tpu.vector_store %arg7[%swap3A_863, %swap3A_864], %mul3A_862 {strides = array<i32>} : memref<125x128xf32, #tpu.memory_space<vmem>>, vector<16xf32>,
        %get3A_866 = arith.index_cast %add3A_828 : i32 to index
        %get3A_867 = arith.constant 80 : index
        %get3A_868 = tpu.vector_load %arg7[%get3A_866, %get3A_867] {strides = array<i32>} : memref<125x128xf32, #tpu.memory_space<vmem>>, vector<16xf32>,
        %mul3A_869 = arith.mulf %get3A_868, %gather3A_830 : vector<16xf32>
        %swap3A_870 = arith.index_cast %add3A_828 : i32 to index
        %swap3A_871 = arith.constant 80 : index
        %swap3A_872 = tpu.vector_load %arg7[%swap3A_870, %swap3A_871] {strides = array<i32>} : memref<125x128xf32, #tpu.memory_space<vmem>>, vector<16xf32>,
        tpu.vector_store %arg7[%swap3A_870, %swap3A_871], %mul3A_869 {strides = array<i32>} : memref<125x128xf32, #tpu.memory_space<vmem>>, vector<16xf32>,
        %get3A_873 = arith.index_cast %add3A_828 : i32 to index
        %get3A_874 = arith.constant 96 : index
        %get3A_875 = tpu.vector_load %arg7[%get3A_873, %get3A_874] {strides = array<i32>} : memref<125x128xf32, #tpu.memory_space<vmem>>, vector<16xf32>,
        %mul3A_876 = arith.mulf %get3A_875, %gather3A_830 : vector<16xf32>
        %swap3A_877 = arith.index_cast %add3A_828 : i32 to index
        %swap3A_878 = arith.constant 96 : index
        %swap3A_879 = tpu.vector_load %arg7[%swap3A_877, %swap3A_878] {strides = array<i32>} : memref<125x128xf32, #tpu.memory_space<vmem>>, vector<16xf32>,
        tpu.vector_store %arg7[%swap3A_877, %swap3A_878], %mul3A_876 {strides = array<i32>} : memref<125x128xf32, #tpu.memory_space<vmem>>, vector<16xf32>,
        %get3A_880 = arith.index_cast %add3A_828 : i32 to index
        %get3A_881 = arith.constant 112 : index
        %get3A_882 = tpu.vector_load %arg7[%get3A_880, %get3A_881] {strides = array<i32>} : memref<125x128xf32, #tpu.memory_space<vmem>>, vector<16xf32>,
        %mul3A_883 = arith.mulf %get3A_882, %gather3A_830 : vector<16xf32>
        %swap3A_884 = arith.index_cast %add3A_828 : i32 to index
        %swap3A_885 = arith.constant 112 : index
        %swap3A_886 = tpu.vector_load %arg7[%swap3A_884, %swap3A_885] {strides = array<i32>} : memref<125x128xf32, #tpu.memory_space<vmem>>, vector<16xf32>,
        tpu.vector_store %arg7[%swap3A_884, %swap3A_885], %mul3A_883 {strides = array<i32>} : memref<125x128xf32, #tpu.memory_space<vmem>>, vector<16xf32>,
      }
      %scan3A_468 = arith.constant 125 : i32
      %dma_start3A_469 = arith.constant 0 : i32
      %dma_start3A_470 = arith.constant 0 : i32
      %dma_start3A_471 = tpu.memref_slice %arg11[%dma_start3A_469, %dma_start3A_470] : memref<2x125xi32, #tpu.memory_space<vmem>> -> memref<1x125xi32, #tpu.memory_space<vmem>>
      %dma_start3A_472 = tpu.memref_squeeze %dma_start3A_471 : memref<1x125xi32, #tpu.memory_space<vmem>> -> memref<125xi32, #tpu.memory_space<vmem>>
      %dma_start3A_473 = arith.constant 0 : i32
      %dma_start3A_474 = arith.constant 0 : i32
      %dma_start3A_475 = tpu.memref_slice %arg14[%dma_start3A_473, %dma_start3A_474] : memref<10000x128xf32, #tpu.memory_space<vmem_shared>> -> memref<10000x128xf32, #tpu.memory_space<vmem_shared>>
      tpu.enqueue_indirect_dma source(%arg7 : memref<125x128xf32, #tpu.memory_space<vmem>>) target(%dma_start3A_475 : memref<10000x128xf32, #tpu.memory_space<vmem_shared>>) offsets(%dma_start3A_472 : memref<125xi32, #tpu.memory_space<vmem>>) semaphore(%arg17 : memref<!tpu.dma_semaphore, #tpu.memory_space<semaphore_mem>>) {add = true}
      %dma_wait3A_476 = arith.constant 0 : i32
      %dma_wait3A_477 = arith.constant 0 : i32
      %dma_wait3A_478 = tpu.memref_slice %arg9[%dma_wait3A_476, %dma_wait3A_477] : memref<80x125xi32, #tpu.memory_space<vmem>> -> memref<1x125xi32, #tpu.memory_space<vmem>>
      %dma_wait3A_479 = tpu.memref_squeeze %dma_wait3A_478 : memref<1x125xi32, #tpu.memory_space<vmem>> -> memref<125xi32, #tpu.memory_space<vmem>>
      %dma_wait3A_480 = arith.constant 0 : i32
      %dma_wait3A_481 = arith.constant 0 : i32
      %dma_wait3A_482 = tpu.memref_slice %arg2[%dma_wait3A_480, %dma_wait3A_481] : memref<10000x128xf32, #tpu.memory_space<hbm>> -> memref<10000x128xf32, #tpu.memory_space<hbm>>
      tpu.wait_indirect_dma semaphore(%arg16 : memref<!tpu.dma_semaphore, #tpu.memory_space<semaphore_mem>>) src(%dma_wait3A_482 : memref<10000x128xf32, #tpu.memory_space<hbm>>) dst(%arg8 : memref<125x128xf32, #tpu.memory_space<vmem>>)
      %broadcast_in_dim3A_483 = arith.constant 1 : i32
      %broadcast_in_dim3A_484 = vector.broadcast %broadcast_in_dim3A_483 : i32 to vector<16xi32>
      %scan3A_485 = arith.constant 0 : i32
      %scan3A_486 = arith.constant 125 : i32
      %scan3A_487 = arith.addi %scan3A_485, %scan3A_486 : i32
      %scan3A_488 = arith.constant 5 : i32
      scf.for %scan3A_571 = %scan3A_485 to %scan3A_487 step %scan3A_488  : i32 {
        %mul3A_572 = arith.constant 1 : i32
        %mul3A_573 = arith.muli %scan3A_571, %mul3A_572 : i32
        %add3A_574 = arith.constant 0 : i32
        %add3A_575 = arith.addi %add3A_574, %mul3A_573 : i32
        %broadcast_in_dim3A_576 = vector.broadcast %add3A_575 : i32 to vector<16xi32>
        %gather3A = tpu.vector_load_idx %arg13[%broadcast_in_dim3A_484, %broadcast_in_dim3A_576] : memref<2x125xf32, #tpu.memory_space<vmem>>[vector<16xi32>, vector<16xi32>], vector<16xf32>,
        %get3A = arith.index_cast %add3A_575 : i32 to index
        %get3A_577 = arith.constant 0 : index
        %get3A_578 = tpu.vector_load %arg8[%get3A, %get3A_577] {strides = array<i32>} : memref<125x128xf32, #tpu.memory_space<vmem>>, vector<16xf32>,
        %mul3A_579 = arith.mulf %get3A_578, %gather3A : vector<16xf32>
        %swap3A = arith.index_cast %add3A_575 : i32 to index
        %swap3A_580 = arith.constant 0 : index
        %swap3A_581 = tpu.vector_load %arg8[%swap3A, %swap3A_580] {strides = array<i32>} : memref<125x128xf32, #tpu.memory_space<vmem>>, vector<16xf32>,
        tpu.vector_store %arg8[%swap3A, %swap3A_580], %mul3A_579 {strides = array<i32>} : memref<125x128xf32, #tpu.memory_space<vmem>>, vector<16xf32>,
        %get3A_582 = arith.index_cast %add3A_575 : i32 to index
        %get3A_583 = arith.constant 16 : index
        %get3A_584 = tpu.vector_load %arg8[%get3A_582, %get3A_583] {strides = array<i32>} : memref<125x128xf32, #tpu.memory_space<vmem>>, vector<16xf32>,
        %mul3A_585 = arith.mulf %get3A_584, %gather3A : vector<16xf32>
        %swap3A_586 = arith.index_cast %add3A_575 : i32 to index
        %swap3A_587 = arith.constant 16 : index
        %swap3A_588 = tpu.vector_load %arg8[%swap3A_586, %swap3A_587] {strides = array<i32>} : memref<125x128xf32, #tpu.memory_space<vmem>>, vector<16xf32>,
        tpu.vector_store %arg8[%swap3A_586, %swap3A_587], %mul3A_585 {strides = array<i32>} : memref<125x128xf32, #tpu.memory_space<vmem>>, vector<16xf32>,
        %get3A_589 = arith.index_cast %add3A_575 : i32 to index
        %get3A_590 = arith.constant 32 : index
        %get3A_591 = tpu.vector_load %arg8[%get3A_589, %get3A_590] {strides = array<i32>} : memref<125x128xf32, #tpu.memory_space<vmem>>, vector<16xf32>,
        %mul3A_592 = arith.mulf %get3A_591, %gather3A : vector<16xf32>
        %swap3A_593 = arith.index_cast %add3A_575 : i32 to index
        %swap3A_594 = arith.constant 32 : index
        %swap3A_595 = tpu.vector_load %arg8[%swap3A_593, %swap3A_594] {strides = array<i32>} : memref<125x128xf32, #tpu.memory_space<vmem>>, vector<16xf32>,
        tpu.vector_store %arg8[%swap3A_593, %swap3A_594], %mul3A_592 {strides = array<i32>} : memref<125x128xf32, #tpu.memory_space<vmem>>, vector<16xf32>,
        %get3A_596 = arith.index_cast %add3A_575 : i32 to index
        %get3A_597 = arith.constant 48 : index
        %get3A_598 = tpu.vector_load %arg8[%get3A_596, %get3A_597] {strides = array<i32>} : memref<125x128xf32, #tpu.memory_space<vmem>>, vector<16xf32>,
        %mul3A_599 = arith.mulf %get3A_598, %gather3A : vector<16xf32>
        %swap3A_600 = arith.index_cast %add3A_575 : i32 to index
        %swap3A_601 = arith.constant 48 : index
        %swap3A_602 = tpu.vector_load %arg8[%swap3A_600, %swap3A_601] {strides = array<i32>} : memref<125x128xf32, #tpu.memory_space<vmem>>, vector<16xf32>,
        tpu.vector_store %arg8[%swap3A_600, %swap3A_601], %mul3A_599 {strides = array<i32>} : memref<125x128xf32, #tpu.memory_space<vmem>>, vector<16xf32>,
        %get3A_603 = arith.index_cast %add3A_575 : i32 to index
        %get3A_604 = arith.constant 64 : index
        %get3A_605 = tpu.vector_load %arg8[%get3A_603, %get3A_604] {strides = array<i32>} : memref<125x128xf32, #tpu.memory_space<vmem>>, vector<16xf32>,
        %mul3A_606 = arith.mulf %get3A_605, %gather3A : vector<16xf32>
        %swap3A_607 = arith.index_cast %add3A_575 : i32 to index
        %swap3A_608 = arith.constant 64 : index
        %swap3A_609 = tpu.vector_load %arg8[%swap3A_607, %swap3A_608] {strides = array<i32>} : memref<125x128xf32, #tpu.memory_space<vmem>>, vector<16xf32>,
        tpu.vector_store %arg8[%swap3A_607, %swap3A_608], %mul3A_606 {strides = array<i32>} : memref<125x128xf32, #tpu.memory_space<vmem>>, vector<16xf32>,
        %get3A_610 = arith.index_cast %add3A_575 : i32 to index
        %get3A_611 = arith.constant 80 : index
        %get3A_612 = tpu.vector_load %arg8[%get3A_610, %get3A_611] {strides = array<i32>} : memref<125x128xf32, #tpu.memory_space<vmem>>, vector<16xf32>,
        %mul3A_613 = arith.mulf %get3A_612, %gather3A : vector<16xf32>
        %swap3A_614 = arith.index_cast %add3A_575 : i32 to index
        %swap3A_615 = arith.constant 80 : index
        %swap3A_616 = tpu.vector_load %arg8[%swap3A_614, %swap3A_615] {strides = array<i32>} : memref<125x128xf32, #tpu.memory_space<vmem>>, vector<16xf32>,
        tpu.vector_store %arg8[%swap3A_614, %swap3A_615], %mul3A_613 {strides = array<i32>} : memref<125x128xf32, #tpu.memory_space<vmem>>, vector<16xf32>,
        %get3A_617 = arith.index_cast %add3A_575 : i32 to index
        %get3A_618 = arith.constant 96 : index
        %get3A_619 = tpu.vector_load %arg8[%get3A_617, %get3A_618] {strides = array<i32>} : memref<125x128xf32, #tpu.memory_space<vmem>>, vector<16xf32>,
        %mul3A_620 = arith.mulf %get3A_619, %gather3A : vector<16xf32>
        %swap3A_621 = arith.index_cast %add3A_575 : i32 to index
        %swap3A_622 = arith.constant 96 : index
        %swap3A_623 = tpu.vector_load %arg8[%swap3A_621, %swap3A_622] {strides = array<i32>} : memref<125x128xf32, #tpu.memory_space<vmem>>, vector<16xf32>,
        tpu.vector_store %arg8[%swap3A_621, %swap3A_622], %mul3A_620 {strides = array<i32>} : memref<125x128xf32, #tpu.memory_space<vmem>>, vector<16xf32>,
        %get3A_624 = arith.index_cast %add3A_575 : i32 to index
        %get3A_625 = arith.constant 112 : index
        %get3A_626 = tpu.vector_load %arg8[%get3A_624, %get3A_625] {strides = array<i32>} : memref<125x128xf32, #tpu.memory_space<vmem>>, vector<16xf32>,
        %mul3A_627 = arith.mulf %get3A_626, %gather3A : vector<16xf32>
        %swap3A_628 = arith.index_cast %add3A_575 : i32 to index
        %swap3A_629 = arith.constant 112 : index
        %swap3A_630 = tpu.vector_load %arg8[%swap3A_628, %swap3A_629] {strides = array<i32>} : memref<125x128xf32, #tpu.memory_space<vmem>>, vector<16xf32>,
        tpu.vector_store %arg8[%swap3A_628, %swap3A_629], %mul3A_627 {strides = array<i32>} : memref<125x128xf32, #tpu.memory_space<vmem>>, vector<16xf32>,
        %scan3A_631 = arith.constant 1 : i32
        %scan3A_632 = arith.addi %scan3A_571, %scan3A_631 : i32
        %mul3A_633 = arith.constant 1 : i32
        %mul3A_634 = arith.muli %scan3A_632, %mul3A_633 : i32
        %add3A_635 = arith.constant 0 : i32
        %add3A_636 = arith.addi %add3A_635, %mul3A_634 : i32
        %broadcast_in_dim3A_637 = vector.broadcast %add3A_636 : i32 to vector<16xi32>
        %gather3A_638 = tpu.vector_load_idx %arg13[%broadcast_in_dim3A_484, %broadcast_in_dim3A_637] : memref<2x125xf32, #tpu.memory_space<vmem>>[vector<16xi32>, vector<16xi32>], vector<16xf32>,
        %get3A_639 = arith.index_cast %add3A_636 : i32 to index
        %get3A_640 = arith.constant 0 : index
        %get3A_641 = tpu.vector_load %arg8[%get3A_639, %get3A_640] {strides = array<i32>} : memref<125x128xf32, #tpu.memory_space<vmem>>, vector<16xf32>,
        %mul3A_642 = arith.mulf %get3A_641, %gather3A_638 : vector<16xf32>
        %swap3A_643 = arith.index_cast %add3A_636 : i32 to index
        %swap3A_644 = arith.constant 0 : index
        %swap3A_645 = tpu.vector_load %arg8[%swap3A_643, %swap3A_644] {strides = array<i32>} : memref<125x128xf32, #tpu.memory_space<vmem>>, vector<16xf32>,
        tpu.vector_store %arg8[%swap3A_643, %swap3A_644], %mul3A_642 {strides = array<i32>} : memref<125x128xf32, #tpu.memory_space<vmem>>, vector<16xf32>,
        %get3A_646 = arith.index_cast %add3A_636 : i32 to index
        %get3A_647 = arith.constant 16 : index
        %get3A_648 = tpu.vector_load %arg8[%get3A_646, %get3A_647] {strides = array<i32>} : memref<125x128xf32, #tpu.memory_space<vmem>>, vector<16xf32>,
        %mul3A_649 = arith.mulf %get3A_648, %gather3A_638 : vector<16xf32>
        %swap3A_650 = arith.index_cast %add3A_636 : i32 to index
        %swap3A_651 = arith.constant 16 : index
        %swap3A_652 = tpu.vector_load %arg8[%swap3A_650, %swap3A_651] {strides = array<i32>} : memref<125x128xf32, #tpu.memory_space<vmem>>, vector<16xf32>,
        tpu.vector_store %arg8[%swap3A_650, %swap3A_651], %mul3A_649 {strides = array<i32>} : memref<125x128xf32, #tpu.memory_space<vmem>>, vector<16xf32>,
        %get3A_653 = arith.index_cast %add3A_636 : i32 to index
        %get3A_654 = arith.constant 32 : index
        %get3A_655 = tpu.vector_load %arg8[%get3A_653, %get3A_654] {strides = array<i32>} : memref<125x128xf32, #tpu.memory_space<vmem>>, vector<16xf32>,
        %mul3A_656 = arith.mulf %get3A_655, %gather3A_638 : vector<16xf32>
        %swap3A_657 = arith.index_cast %add3A_636 : i32 to index
        %swap3A_658 = arith.constant 32 : index
        %swap3A_659 = tpu.vector_load %arg8[%swap3A_657, %swap3A_658] {strides = array<i32>} : memref<125x128xf32, #tpu.memory_space<vmem>>, vector<16xf32>,
        tpu.vector_store %arg8[%swap3A_657, %swap3A_658], %mul3A_656 {strides = array<i32>} : memref<125x128xf32, #tpu.memory_space<vmem>>, vector<16xf32>,
        %get3A_660 = arith.index_cast %add3A_636 : i32 to index
        %get3A_661 = arith.constant 48 : index
        %get3A_662 = tpu.vector_load %arg8[%get3A_660, %get3A_661] {strides = array<i32>} : memref<125x128xf32, #tpu.memory_space<vmem>>, vector<16xf32>,
        %mul3A_663 = arith.mulf %get3A_662, %gather3A_638 : vector<16xf32>
        %swap3A_664 = arith.index_cast %add3A_636 : i32 to index
        %swap3A_665 = arith.constant 48 : index
        %swap3A_666 = tpu.vector_load %arg8[%swap3A_664, %swap3A_665] {strides = array<i32>} : memref<125x128xf32, #tpu.memory_space<vmem>>, vector<16xf32>,
        tpu.vector_store %arg8[%swap3A_664, %swap3A_665], %mul3A_663 {strides = array<i32>} : memref<125x128xf32, #tpu.memory_space<vmem>>, vector<16xf32>,
        %get3A_667 = arith.index_cast %add3A_636 : i32 to index
        %get3A_668 = arith.constant 64 : index
        %get3A_669 = tpu.vector_load %arg8[%get3A_667, %get3A_668] {strides = array<i32>} : memref<125x128xf32, #tpu.memory_space<vmem>>, vector<16xf32>,
        %mul3A_670 = arith.mulf %get3A_669, %gather3A_638 : vector<16xf32>
        %swap3A_671 = arith.index_cast %add3A_636 : i32 to index
        %swap3A_672 = arith.constant 64 : index
        %swap3A_673 = tpu.vector_load %arg8[%swap3A_671, %swap3A_672] {strides = array<i32>} : memref<125x128xf32, #tpu.memory_space<vmem>>, vector<16xf32>,
        tpu.vector_store %arg8[%swap3A_671, %swap3A_672], %mul3A_670 {strides = array<i32>} : memref<125x128xf32, #tpu.memory_space<vmem>>, vector<16xf32>,
        %get3A_674 = arith.index_cast %add3A_636 : i32 to index
        %get3A_675 = arith.constant 80 : index
        %get3A_676 = tpu.vector_load %arg8[%get3A_674, %get3A_675] {strides = array<i32>} : memref<125x128xf32, #tpu.memory_space<vmem>>, vector<16xf32>,
        %mul3A_677 = arith.mulf %get3A_676, %gather3A_638 : vector<16xf32>
        %swap3A_678 = arith.index_cast %add3A_636 : i32 to index
        %swap3A_679 = arith.constant 80 : index
        %swap3A_680 = tpu.vector_load %arg8[%swap3A_678, %swap3A_679] {strides = array<i32>} : memref<125x128xf32, #tpu.memory_space<vmem>>, vector<16xf32>,
        tpu.vector_store %arg8[%swap3A_678, %swap3A_679], %mul3A_677 {strides = array<i32>} : memref<125x128xf32, #tpu.memory_space<vmem>>, vector<16xf32>,
        %get3A_681 = arith.index_cast %add3A_636 : i32 to index
        %get3A_682 = arith.constant 96 : index
        %get3A_683 = tpu.vector_load %arg8[%get3A_681, %get3A_682] {strides = array<i32>} : memref<125x128xf32, #tpu.memory_space<vmem>>, vector<16xf32>,
        %mul3A_684 = arith.mulf %get3A_683, %gather3A_638 : vector<16xf32>
        %swap3A_685 = arith.index_cast %add3A_636 : i32 to index
        %swap3A_686 = arith.constant 96 : index
        %swap3A_687 = tpu.vector_load %arg8[%swap3A_685, %swap3A_686] {strides = array<i32>} : memref<125x128xf32, #tpu.memory_space<vmem>>, vector<16xf32>,
        tpu.vector_store %arg8[%swap3A_685, %swap3A_686], %mul3A_684 {strides = array<i32>} : memref<125x128xf32, #tpu.memory_space<vmem>>, vector<16xf32>,
        %get3A_688 = arith.index_cast %add3A_636 : i32 to index
        %get3A_689 = arith.constant 112 : index
        %get3A_690 = tpu.vector_load %arg8[%get3A_688, %get3A_689] {strides = array<i32>} : memref<125x128xf32, #tpu.memory_space<vmem>>, vector<16xf32>,
        %mul3A_691 = arith.mulf %get3A_690, %gather3A_638 : vector<16xf32>
        %swap3A_692 = arith.index_cast %add3A_636 : i32 to index
        %swap3A_693 = arith.constant 112 : index
        %swap3A_694 = tpu.vector_load %arg8[%swap3A_692, %swap3A_693] {strides = array<i32>} : memref<125x128xf32, #tpu.memory_space<vmem>>, vector<16xf32>,
        tpu.vector_store %arg8[%swap3A_692, %swap3A_693], %mul3A_691 {strides = array<i32>} : memref<125x128xf32, #tpu.memory_space<vmem>>, vector<16xf32>,
        %scan3A_695 = arith.constant 2 : i32
        %scan3A_696 = arith.addi %scan3A_571, %scan3A_695 : i32
        %mul3A_697 = arith.constant 1 : i32
        %mul3A_698 = arith.muli %scan3A_696, %mul3A_697 : i32
        %add3A_699 = arith.constant 0 : i32
        %add3A_700 = arith.addi %add3A_699, %mul3A_698 : i32
        %broadcast_in_dim3A_701 = vector.broadcast %add3A_700 : i32 to vector<16xi32>
        %gather3A_702 = tpu.vector_load_idx %arg13[%broadcast_in_dim3A_484, %broadcast_in_dim3A_701] : memref<2x125xf32, #tpu.memory_space<vmem>>[vector<16xi32>, vector<16xi32>], vector<16xf32>,
        %get3A_703 = arith.index_cast %add3A_700 : i32 to index
        %get3A_704 = arith.constant 0 : index
        %get3A_705 = tpu.vector_load %arg8[%get3A_703, %get3A_704] {strides = array<i32>} : memref<125x128xf32, #tpu.memory_space<vmem>>, vector<16xf32>,
        %mul3A_706 = arith.mulf %get3A_705, %gather3A_702 : vector<16xf32>
        %swap3A_707 = arith.index_cast %add3A_700 : i32 to index
        %swap3A_708 = arith.constant 0 : index
        %swap3A_709 = tpu.vector_load %arg8[%swap3A_707, %swap3A_708] {strides = array<i32>} : memref<125x128xf32, #tpu.memory_space<vmem>>, vector<16xf32>,
        tpu.vector_store %arg8[%swap3A_707, %swap3A_708], %mul3A_706 {strides = array<i32>} : memref<125x128xf32, #tpu.memory_space<vmem>>, vector<16xf32>,
        %get3A_710 = arith.index_cast %add3A_700 : i32 to index
        %get3A_711 = arith.constant 16 : index
        %get3A_712 = tpu.vector_load %arg8[%get3A_710, %get3A_711] {strides = array<i32>} : memref<125x128xf32, #tpu.memory_space<vmem>>, vector<16xf32>,
        %mul3A_713 = arith.mulf %get3A_712, %gather3A_702 : vector<16xf32>
        %swap3A_714 = arith.index_cast %add3A_700 : i32 to index
        %swap3A_715 = arith.constant 16 : index
        %swap3A_716 = tpu.vector_load %arg8[%swap3A_714, %swap3A_715] {strides = array<i32>} : memref<125x128xf32, #tpu.memory_space<vmem>>, vector<16xf32>,
        tpu.vector_store %arg8[%swap3A_714, %swap3A_715], %mul3A_713 {strides = array<i32>} : memref<125x128xf32, #tpu.memory_space<vmem>>, vector<16xf32>,
        %get3A_717 = arith.index_cast %add3A_700 : i32 to index
        %get3A_718 = arith.constant 32 : index
        %get3A_719 = tpu.vector_load %arg8[%get3A_717, %get3A_718] {strides = array<i32>} : memref<125x128xf32, #tpu.memory_space<vmem>>, vector<16xf32>,
        %mul3A_720 = arith.mulf %get3A_719, %gather3A_702 : vector<16xf32>
        %swap3A_721 = arith.index_cast %add3A_700 : i32 to index
        %swap3A_722 = arith.constant 32 : index
        %swap3A_723 = tpu.vector_load %arg8[%swap3A_721, %swap3A_722] {strides = array<i32>} : memref<125x128xf32, #tpu.memory_space<vmem>>, vector<16xf32>,
        tpu.vector_store %arg8[%swap3A_721, %swap3A_722], %mul3A_720 {strides = array<i32>} : memref<125x128xf32, #tpu.memory_space<vmem>>, vector<16xf32>,
        %get3A_724 = arith.index_cast %add3A_700 : i32 to index
        %get3A_725 = arith.constant 48 : index
        %get3A_726 = tpu.vector_load %arg8[%get3A_724, %get3A_725] {strides = array<i32>} : memref<125x128xf32, #tpu.memory_space<vmem>>, vector<16xf32>,
        %mul3A_727 = arith.mulf %get3A_726, %gather3A_702 : vector<16xf32>
        %swap3A_728 = arith.index_cast %add3A_700 : i32 to index
        %swap3A_729 = arith.constant 48 : index
        %swap3A_730 = tpu.vector_load %arg8[%swap3A_728, %swap3A_729] {strides = array<i32>} : memref<125x128xf32, #tpu.memory_space<vmem>>, vector<16xf32>,
        tpu.vector_store %arg8[%swap3A_728, %swap3A_729], %mul3A_727 {strides = array<i32>} : memref<125x128xf32, #tpu.memory_space<vmem>>, vector<16xf32>,
        %get3A_731 = arith.index_cast %add3A_700 : i32 to index
        %get3A_732 = arith.constant 64 : index
        %get3A_733 = tpu.vector_load %arg8[%get3A_731, %get3A_732] {strides = array<i32>} : memref<125x128xf32, #tpu.memory_space<vmem>>, vector<16xf32>,
        %mul3A_734 = arith.mulf %get3A_733, %gather3A_702 : vector<16xf32>
        %swap3A_735 = arith.index_cast %add3A_700 : i32 to index
        %swap3A_736 = arith.constant 64 : index
        %swap3A_737 = tpu.vector_load %arg8[%swap3A_735, %swap3A_736] {strides = array<i32>} : memref<125x128xf32, #tpu.memory_space<vmem>>, vector<16xf32>,
        tpu.vector_store %arg8[%swap3A_735, %swap3A_736], %mul3A_734 {strides = array<i32>} : memref<125x128xf32, #tpu.memory_space<vmem>>, vector<16xf32>,
        %get3A_738 = arith.index_cast %add3A_700 : i32 to index
        %get3A_739 = arith.constant 80 : index
        %get3A_740 = tpu.vector_load %arg8[%get3A_738, %get3A_739] {strides = array<i32>} : memref<125x128xf32, #tpu.memory_space<vmem>>, vector<16xf32>,
        %mul3A_741 = arith.mulf %get3A_740, %gather3A_702 : vector<16xf32>
        %swap3A_742 = arith.index_cast %add3A_700 : i32 to index
        %swap3A_743 = arith.constant 80 : index
        %swap3A_744 = tpu.vector_load %arg8[%swap3A_742, %swap3A_743] {strides = array<i32>} : memref<125x128xf32, #tpu.memory_space<vmem>>, vector<16xf32>,
        tpu.vector_store %arg8[%swap3A_742, %swap3A_743], %mul3A_741 {strides = array<i32>} : memref<125x128xf32, #tpu.memory_space<vmem>>, vector<16xf32>,
        %get3A_745 = arith.index_cast %add3A_700 : i32 to index
        %get3A_746 = arith.constant 96 : index
        %get3A_747 = tpu.vector_load %arg8[%get3A_745, %get3A_746] {strides = array<i32>} : memref<125x128xf32, #tpu.memory_space<vmem>>, vector<16xf32>,
        %mul3A_748 = arith.mulf %get3A_747, %gather3A_702 : vector<16xf32>
        %swap3A_749 = arith.index_cast %add3A_700 : i32 to index
        %swap3A_750 = arith.constant 96 : index
        %swap3A_751 = tpu.vector_load %arg8[%swap3A_749, %swap3A_750] {strides = array<i32>} : memref<125x128xf32, #tpu.memory_space<vmem>>, vector<16xf32>,
        tpu.vector_store %arg8[%swap3A_749, %swap3A_750], %mul3A_748 {strides = array<i32>} : memref<125x128xf32, #tpu.memory_space<vmem>>, vector<16xf32>,
        %get3A_752 = arith.index_cast %add3A_700 : i32 to index
        %get3A_753 = arith.constant 112 : index
        %get3A_754 = tpu.vector_load %arg8[%get3A_752, %get3A_753] {strides = array<i32>} : memref<125x128xf32, #tpu.memory_space<vmem>>, vector<16xf32>,
        %mul3A_755 = arith.mulf %get3A_754, %gather3A_702 : vector<16xf32>
        %swap3A_756 = arith.index_cast %add3A_700 : i32 to index
        %swap3A_757 = arith.constant 112 : index
        %swap3A_758 = tpu.vector_load %arg8[%swap3A_756, %swap3A_757] {strides = array<i32>} : memref<125x128xf32, #tpu.memory_space<vmem>>, vector<16xf32>,
        tpu.vector_store %arg8[%swap3A_756, %swap3A_757], %mul3A_755 {strides = array<i32>} : memref<125x128xf32, #tpu.memory_space<vmem>>, vector<16xf32>,
        %scan3A_759 = arith.constant 3 : i32
        %scan3A_760 = arith.addi %scan3A_571, %scan3A_759 : i32
        %mul3A_761 = arith.constant 1 : i32
        %mul3A_762 = arith.muli %scan3A_760, %mul3A_761 : i32
        %add3A_763 = arith.constant 0 : i32
        %add3A_764 = arith.addi %add3A_763, %mul3A_762 : i32
        %broadcast_in_dim3A_765 = vector.broadcast %add3A_764 : i32 to vector<16xi32>
        %gather3A_766 = tpu.vector_load_idx %arg13[%broadcast_in_dim3A_484, %broadcast_in_dim3A_765] : memref<2x125xf32, #tpu.memory_space<vmem>>[vector<16xi32>, vector<16xi32>], vector<16xf32>,
        %get3A_767 = arith.index_cast %add3A_764 : i32 to index
        %get3A_768 = arith.constant 0 : index
        %get3A_769 = tpu.vector_load %arg8[%get3A_767, %get3A_768] {strides = array<i32>} : memref<125x128xf32, #tpu.memory_space<vmem>>, vector<16xf32>,
        %mul3A_770 = arith.mulf %get3A_769, %gather3A_766 : vector<16xf32>
        %swap3A_771 = arith.index_cast %add3A_764 : i32 to index
        %swap3A_772 = arith.constant 0 : index
        %swap3A_773 = tpu.vector_load %arg8[%swap3A_771, %swap3A_772] {strides = array<i32>} : memref<125x128xf32, #tpu.memory_space<vmem>>, vector<16xf32>,
        tpu.vector_store %arg8[%swap3A_771, %swap3A_772], %mul3A_770 {strides = array<i32>} : memref<125x128xf32, #tpu.memory_space<vmem>>, vector<16xf32>,
        %get3A_774 = arith.index_cast %add3A_764 : i32 to index
        %get3A_775 = arith.constant 16 : index
        %get3A_776 = tpu.vector_load %arg8[%get3A_774, %get3A_775] {strides = array<i32>} : memref<125x128xf32, #tpu.memory_space<vmem>>, vector<16xf32>,
        %mul3A_777 = arith.mulf %get3A_776, %gather3A_766 : vector<16xf32>
        %swap3A_778 = arith.index_cast %add3A_764 : i32 to index
        %swap3A_779 = arith.constant 16 : index
        %swap3A_780 = tpu.vector_load %arg8[%swap3A_778, %swap3A_779] {strides = array<i32>} : memref<125x128xf32, #tpu.memory_space<vmem>>, vector<16xf32>,
        tpu.vector_store %arg8[%swap3A_778, %swap3A_779], %mul3A_777 {strides = array<i32>} : memref<125x128xf32, #tpu.memory_space<vmem>>, vector<16xf32>,
        %get3A_781 = arith.index_cast %add3A_764 : i32 to index
        %get3A_782 = arith.constant 32 : index
        %get3A_783 = tpu.vector_load %arg8[%get3A_781, %get3A_782] {strides = array<i32>} : memref<125x128xf32, #tpu.memory_space<vmem>>, vector<16xf32>,
        %mul3A_784 = arith.mulf %get3A_783, %gather3A_766 : vector<16xf32>
        %swap3A_785 = arith.index_cast %add3A_764 : i32 to index
        %swap3A_786 = arith.constant 32 : index
        %swap3A_787 = tpu.vector_load %arg8[%swap3A_785, %swap3A_786] {strides = array<i32>} : memref<125x128xf32, #tpu.memory_space<vmem>>, vector<16xf32>,
        tpu.vector_store %arg8[%swap3A_785, %swap3A_786], %mul3A_784 {strides = array<i32>} : memref<125x128xf32, #tpu.memory_space<vmem>>, vector<16xf32>,
        %get3A_788 = arith.index_cast %add3A_764 : i32 to index
        %get3A_789 = arith.constant 48 : index
        %get3A_790 = tpu.vector_load %arg8[%get3A_788, %get3A_789] {strides = array<i32>} : memref<125x128xf32, #tpu.memory_space<vmem>>, vector<16xf32>,
        %mul3A_791 = arith.mulf %get3A_790, %gather3A_766 : vector<16xf32>
        %swap3A_792 = arith.index_cast %add3A_764 : i32 to index
        %swap3A_793 = arith.constant 48 : index
        %swap3A_794 = tpu.vector_load %arg8[%swap3A_792, %swap3A_793] {strides = array<i32>} : memref<125x128xf32, #tpu.memory_space<vmem>>, vector<16xf32>,
        tpu.vector_store %arg8[%swap3A_792, %swap3A_793], %mul3A_791 {strides = array<i32>} : memref<125x128xf32, #tpu.memory_space<vmem>>, vector<16xf32>,
        %get3A_795 = arith.index_cast %add3A_764 : i32 to index
        %get3A_796 = arith.constant 64 : index
        %get3A_797 = tpu.vector_load %arg8[%get3A_795, %get3A_796] {strides = array<i32>} : memref<125x128xf32, #tpu.memory_space<vmem>>, vector<16xf32>,
        %mul3A_798 = arith.mulf %get3A_797, %gather3A_766 : vector<16xf32>
        %swap3A_799 = arith.index_cast %add3A_764 : i32 to index
        %swap3A_800 = arith.constant 64 : index
        %swap3A_801 = tpu.vector_load %arg8[%swap3A_799, %swap3A_800] {strides = array<i32>} : memref<125x128xf32, #tpu.memory_space<vmem>>, vector<16xf32>,
        tpu.vector_store %arg8[%swap3A_799, %swap3A_800], %mul3A_798 {strides = array<i32>} : memref<125x128xf32, #tpu.memory_space<vmem>>, vector<16xf32>,
        %get3A_802 = arith.index_cast %add3A_764 : i32 to index
        %get3A_803 = arith.constant 80 : index
        %get3A_804 = tpu.vector_load %arg8[%get3A_802, %get3A_803] {strides = array<i32>} : memref<125x128xf32, #tpu.memory_space<vmem>>, vector<16xf32>,
        %mul3A_805 = arith.mulf %get3A_804, %gather3A_766 : vector<16xf32>
        %swap3A_806 = arith.index_cast %add3A_764 : i32 to index
        %swap3A_807 = arith.constant 80 : index
        %swap3A_808 = tpu.vector_load %arg8[%swap3A_806, %swap3A_807] {strides = array<i32>} : memref<125x128xf32, #tpu.memory_space<vmem>>, vector<16xf32>,
        tpu.vector_store %arg8[%swap3A_806, %swap3A_807], %mul3A_805 {strides = array<i32>} : memref<125x128xf32, #tpu.memory_space<vmem>>, vector<16xf32>,
        %get3A_809 = arith.index_cast %add3A_764 : i32 to index
        %get3A_810 = arith.constant 96 : index
        %get3A_811 = tpu.vector_load %arg8[%get3A_809, %get3A_810] {strides = array<i32>} : memref<125x128xf32, #tpu.memory_space<vmem>>, vector<16xf32>,
        %mul3A_812 = arith.mulf %get3A_811, %gather3A_766 : vector<16xf32>
        %swap3A_813 = arith.index_cast %add3A_764 : i32 to index
        %swap3A_814 = arith.constant 96 : index
        %swap3A_815 = tpu.vector_load %arg8[%swap3A_813, %swap3A_814] {strides = array<i32>} : memref<125x128xf32, #tpu.memory_space<vmem>>, vector<16xf32>,
        tpu.vector_store %arg8[%swap3A_813, %swap3A_814], %mul3A_812 {strides = array<i32>} : memref<125x128xf32, #tpu.memory_space<vmem>>, vector<16xf32>,
        %get3A_816 = arith.index_cast %add3A_764 : i32 to index
        %get3A_817 = arith.constant 112 : index
        %get3A_818 = tpu.vector_load %arg8[%get3A_816, %get3A_817] {strides = array<i32>} : memref<125x128xf32, #tpu.memory_space<vmem>>, vector<16xf32>,
        %mul3A_819 = arith.mulf %get3A_818, %gather3A_766 : vector<16xf32>
        %swap3A_820 = arith.index_cast %add3A_764 : i32 to index
        %swap3A_821 = arith.constant 112 : index
        %swap3A_822 = tpu.vector_load %arg8[%swap3A_820, %swap3A_821] {strides = array<i32>} : memref<125x128xf32, #tpu.memory_space<vmem>>, vector<16xf32>,
        tpu.vector_store %arg8[%swap3A_820, %swap3A_821], %mul3A_819 {strides = array<i32>} : memref<125x128xf32, #tpu.memory_space<vmem>>, vector<16xf32>,
        %scan3A_823 = arith.constant 4 : i32
        %scan3A_824 = arith.addi %scan3A_571, %scan3A_823 : i32
        %mul3A_825 = arith.constant 1 : i32
        %mul3A_826 = arith.muli %scan3A_824, %mul3A_825 : i32
        %add3A_827 = arith.constant 0 : i32
        %add3A_828 = arith.addi %add3A_827, %mul3A_826 : i32
        %broadcast_in_dim3A_829 = vector.broadcast %add3A_828 : i32 to vector<16xi32>
        %gather3A_830 = tpu.vector_load_idx %arg13[%broadcast_in_dim3A_484, %broadcast_in_dim3A_829] : memref<2x125xf32, #tpu.memory_space<vmem>>[vector<16xi32>, vector<16xi32>], vector<16xf32>,
        %get3A_831 = arith.index_cast %add3A_828 : i32 to index
        %get3A_832 = arith.constant 0 : index
        %get3A_833 = tpu.vector_load %arg8[%get3A_831, %get3A_832] {strides = array<i32>} : memref<125x128xf32, #tpu.memory_space<vmem>>, vector<16xf32>,
        %mul3A_834 = arith.mulf %get3A_833, %gather3A_830 : vector<16xf32>
        %swap3A_835 = arith.index_cast %add3A_828 : i32 to index
        %swap3A_836 = arith.constant 0 : index
        %swap3A_837 = tpu.vector_load %arg8[%swap3A_835, %swap3A_836] {strides = array<i32>} : memref<125x128xf32, #tpu.memory_space<vmem>>, vector<16xf32>,
        tpu.vector_store %arg8[%swap3A_835, %swap3A_836], %mul3A_834 {strides = array<i32>} : memref<125x128xf32, #tpu.memory_space<vmem>>, vector<16xf32>,
        %get3A_838 = arith.index_cast %add3A_828 : i32 to index
        %get3A_839 = arith.constant 16 : index
        %get3A_840 = tpu.vector_load %arg8[%get3A_838, %get3A_839] {strides = array<i32>} : memref<125x128xf32, #tpu.memory_space<vmem>>, vector<16xf32>,
        %mul3A_841 = arith.mulf %get3A_840, %gather3A_830 : vector<16xf32>
        %swap3A_842 = arith.index_cast %add3A_828 : i32 to index
        %swap3A_843 = arith.constant 16 : index
        %swap3A_844 = tpu.vector_load %arg8[%swap3A_842, %swap3A_843] {strides = array<i32>} : memref<125x128xf32, #tpu.memory_space<vmem>>, vector<16xf32>,
        tpu.vector_store %arg8[%swap3A_842, %swap3A_843], %mul3A_841 {strides = array<i32>} : memref<125x128xf32, #tpu.memory_space<vmem>>, vector<16xf32>,
        %get3A_845 = arith.index_cast %add3A_828 : i32 to index
        %get3A_846 = arith.constant 32 : index
        %get3A_847 = tpu.vector_load %arg8[%get3A_845, %get3A_846] {strides = array<i32>} : memref<125x128xf32, #tpu.memory_space<vmem>>, vector<16xf32>,
        %mul3A_848 = arith.mulf %get3A_847, %gather3A_830 : vector<16xf32>
        %swap3A_849 = arith.index_cast %add3A_828 : i32 to index
        %swap3A_850 = arith.constant 32 : index
        %swap3A_851 = tpu.vector_load %arg8[%swap3A_849, %swap3A_850] {strides = array<i32>} : memref<125x128xf32, #tpu.memory_space<vmem>>, vector<16xf32>,
        tpu.vector_store %arg8[%swap3A_849, %swap3A_850], %mul3A_848 {strides = array<i32>} : memref<125x128xf32, #tpu.memory_space<vmem>>, vector<16xf32>,
        %get3A_852 = arith.index_cast %add3A_828 : i32 to index
        %get3A_853 = arith.constant 48 : index
        %get3A_854 = tpu.vector_load %arg8[%get3A_852, %get3A_853] {strides = array<i32>} : memref<125x128xf32, #tpu.memory_space<vmem>>, vector<16xf32>,
        %mul3A_855 = arith.mulf %get3A_854, %gather3A_830 : vector<16xf32>
        %swap3A_856 = arith.index_cast %add3A_828 : i32 to index
        %swap3A_857 = arith.constant 48 : index
        %swap3A_858 = tpu.vector_load %arg8[%swap3A_856, %swap3A_857] {strides = array<i32>} : memref<125x128xf32, #tpu.memory_space<vmem>>, vector<16xf32>,
        tpu.vector_store %arg8[%swap3A_856, %swap3A_857], %mul3A_855 {strides = array<i32>} : memref<125x128xf32, #tpu.memory_space<vmem>>, vector<16xf32>,
        %get3A_859 = arith.index_cast %add3A_828 : i32 to index
        %get3A_860 = arith.constant 64 : index
        %get3A_861 = tpu.vector_load %arg8[%get3A_859, %get3A_860] {strides = array<i32>} : memref<125x128xf32, #tpu.memory_space<vmem>>, vector<16xf32>,
        %mul3A_862 = arith.mulf %get3A_861, %gather3A_830 : vector<16xf32>
        %swap3A_863 = arith.index_cast %add3A_828 : i32 to index
        %swap3A_864 = arith.constant 64 : index
        %swap3A_865 = tpu.vector_load %arg8[%swap3A_863, %swap3A_864] {strides = array<i32>} : memref<125x128xf32, #tpu.memory_space<vmem>>, vector<16xf32>,
        tpu.vector_store %arg8[%swap3A_863, %swap3A_864], %mul3A_862 {strides = array<i32>} : memref<125x128xf32, #tpu.memory_space<vmem>>, vector<16xf32>,
        %get3A_866 = arith.index_cast %add3A_828 : i32 to index
        %get3A_867 = arith.constant 80 : index
        %get3A_868 = tpu.vector_load %arg8[%get3A_866, %get3A_867] {strides = array<i32>} : memref<125x128xf32, #tpu.memory_space<vmem>>, vector<16xf32>,
        %mul3A_869 = arith.mulf %get3A_868, %gather3A_830 : vector<16xf32>
        %swap3A_870 = arith.index_cast %add3A_828 : i32 to index
        %swap3A_871 = arith.constant 80 : index
        %swap3A_872 = tpu.vector_load %arg8[%swap3A_870, %swap3A_871] {strides = array<i32>} : memref<125x128xf32, #tpu.memory_space<vmem>>, vector<16xf32>,
        tpu.vector_store %arg8[%swap3A_870, %swap3A_871], %mul3A_869 {strides = array<i32>} : memref<125x128xf32, #tpu.memory_space<vmem>>, vector<16xf32>,
        %get3A_873 = arith.index_cast %add3A_828 : i32 to index
        %get3A_874 = arith.constant 96 : index
        %get3A_875 = tpu.vector_load %arg8[%get3A_873, %get3A_874] {strides = array<i32>} : memref<125x128xf32, #tpu.memory_space<vmem>>, vector<16xf32>,
        %mul3A_876 = arith.mulf %get3A_875, %gather3A_830 : vector<16xf32>
        %swap3A_877 = arith.index_cast %add3A_828 : i32 to index
        %swap3A_878 = arith.constant 96 : index
        %swap3A_879 = tpu.vector_load %arg8[%swap3A_877, %swap3A_878] {strides = array<i32>} : memref<125x128xf32, #tpu.memory_space<vmem>>, vector<16xf32>,
        tpu.vector_store %arg8[%swap3A_877, %swap3A_878], %mul3A_876 {strides = array<i32>} : memref<125x128xf32, #tpu.memory_space<vmem>>, vector<16xf32>,
        %get3A_880 = arith.index_cast %add3A_828 : i32 to index
        %get3A_881 = arith.constant 112 : index
        %get3A_882 = tpu.vector_load %arg8[%get3A_880, %get3A_881] {strides = array<i32>} : memref<125x128xf32, #tpu.memory_space<vmem>>, vector<16xf32>,
        %mul3A_883 = arith.mulf %get3A_882, %gather3A_830 : vector<16xf32>
        %swap3A_884 = arith.index_cast %add3A_828 : i32 to index
        %swap3A_885 = arith.constant 112 : index
        %swap3A_886 = tpu.vector_load %arg8[%swap3A_884, %swap3A_885] {strides = array<i32>} : memref<125x128xf32, #tpu.memory_space<vmem>>, vector<16xf32>,
        tpu.vector_store %arg8[%swap3A_884, %swap3A_885], %mul3A_883 {strides = array<i32>} : memref<125x128xf32, #tpu.memory_space<vmem>>, vector<16xf32>,
      }
      %scan3A_489 = arith.constant 125 : i32
      %dma_start3A_490 = arith.constant 1 : i32
      %dma_start3A_491 = arith.constant 0 : i32
      %dma_start3A_492 = tpu.memref_slice %arg11[%dma_start3A_490, %dma_start3A_491] : memref<2x125xi32, #tpu.memory_space<vmem>> -> memref<1x125xi32, #tpu.memory_space<vmem>>
      %dma_start3A_493 = tpu.memref_squeeze %dma_start3A_492 : memref<1x125xi32, #tpu.memory_space<vmem>> -> memref<125xi32, #tpu.memory_space<vmem>>
      %dma_start3A_494 = arith.constant 0 : i32
      %dma_start3A_495 = arith.constant 0 : i32
      %dma_start3A_496 = tpu.memref_slice %arg14[%dma_start3A_494, %dma_start3A_495] : memref<10000x128xf32, #tpu.memory_space<vmem_shared>> -> memref<10000x128xf32, #tpu.memory_space<vmem_shared>>
      tpu.enqueue_indirect_dma source(%arg8 : memref<125x128xf32, #tpu.memory_space<vmem>>) target(%dma_start3A_496 : memref<10000x128xf32, #tpu.memory_space<vmem_shared>>) offsets(%dma_start3A_493 : memref<125xi32, #tpu.memory_space<vmem>>) semaphore(%arg18 : memref<!tpu.dma_semaphore, #tpu.memory_space<semaphore_mem>>) {add = true}
      %dma_wait3A_497 = arith.constant 0 : i32
      %dma_wait3A_498 = arith.constant 0 : i32
      %dma_wait3A_499 = tpu.memref_slice %arg11[%dma_wait3A_497, %dma_wait3A_498] : memref<2x125xi32, #tpu.memory_space<vmem>> -> memref<1x125xi32, #tpu.memory_space<vmem>>
      %dma_wait3A_500 = tpu.memref_squeeze %dma_wait3A_499 : memref<1x125xi32, #tpu.memory_space<vmem>> -> memref<125xi32, #tpu.memory_space<vmem>>
      %dma_wait3A_501 = arith.constant 0 : i32
      %dma_wait3A_502 = arith.constant 0 : i32
      %dma_wait3A_503 = tpu.memref_slice %arg14[%dma_wait3A_501, %dma_wait3A_502] : memref<10000x128xf32, #tpu.memory_space<vmem_shared>> -> memref<10000x128xf32, #tpu.memory_space<vmem_shared>>
      tpu.wait_indirect_dma semaphore(%arg17 : memref<!tpu.dma_semaphore, #tpu.memory_space<semaphore_mem>>) src(%arg7 : memref<125x128xf32, #tpu.memory_space<vmem>>) dst(%dma_wait3A_503 : memref<10000x128xf32, #tpu.memory_space<vmem_shared>>)
      %add3A_504 = arith.constant 4 : i32
      %add3A_505 = arith.addi %mul3A_265, %add3A_504 : i32
      %min3A_506 = arith.constant 76 : i32
      %min3A_507 = arith.minsi %add3A_505, %min3A_506 : i32
      %dma_start3A_508 = arith.constant 0 : i32
      %dma_start3A_509 = tpu.memref_slice %arg9[%min3A_507, %dma_start3A_508] : memref<80x125xi32, #tpu.memory_space<vmem>> -> memref<1x125xi32, #tpu.memory_space<vmem>>
      %dma_start3A_510 = tpu.memref_squeeze %dma_start3A_509 : memref<1x125xi32, #tpu.memory_space<vmem>> -> memref<125xi32, #tpu.memory_space<vmem>>
      %dma_start3A_511 = arith.constant 0 : i32
      %dma_start3A_512 = arith.constant 0 : i32
      %dma_start3A_513 = tpu.memref_slice %arg2[%dma_start3A_511, %dma_start3A_512] : memref<10000x128xf32, #tpu.memory_space<hbm>> -> memref<10000x128xf32, #tpu.memory_space<hbm>>
      tpu.enqueue_indirect_dma source(%dma_start3A_513 : memref<10000x128xf32, #tpu.memory_space<hbm>>) target(%arg7 : memref<125x128xf32, #tpu.memory_space<vmem>>) offsets(%dma_start3A_510 : memref<125xi32, #tpu.memory_space<vmem>>) semaphore(%arg15 : memref<!tpu.dma_semaphore, #tpu.memory_space<semaphore_mem>>)
      %dma_wait3A_514 = arith.constant 1 : i32
      %dma_wait3A_515 = arith.constant 0 : i32
      %dma_wait3A_516 = tpu.memref_slice %arg11[%dma_wait3A_514, %dma_wait3A_515] : memref<2x125xi32, #tpu.memory_space<vmem>> -> memref<1x125xi32, #tpu.memory_space<vmem>>
      %dma_wait3A_517 = tpu.memref_squeeze %dma_wait3A_516 : memref<1x125xi32, #tpu.memory_space<vmem>> -> memref<125xi32, #tpu.memory_space<vmem>>
      %dma_wait3A_518 = arith.constant 0 : i32
      %dma_wait3A_519 = arith.constant 0 : i32
      %dma_wait3A_520 = tpu.memref_slice %arg14[%dma_wait3A_518, %dma_wait3A_519] : memref<10000x128xf32, #tpu.memory_space<vmem_shared>> -> memref<10000x128xf32, #tpu.memory_space<vmem_shared>>
      tpu.wait_indirect_dma semaphore(%arg18 : memref<!tpu.dma_semaphore, #tpu.memory_space<semaphore_mem>>) src(%arg8 : memref<125x128xf32, #tpu.memory_space<vmem>>) dst(%dma_wait3A_520 : memref<10000x128xf32, #tpu.memory_space<vmem_shared>>)
      %add3A_521 = arith.constant 5 : i32
      %add3A_522 = arith.addi %mul3A_265, %add3A_521 : i32
      %min3A_523 = arith.constant 77 : i32
      %min3A_524 = arith.minsi %add3A_522, %min3A_523 : i32
      %dma_start3A_525 = arith.constant 0 : i32
      %dma_start3A_526 = tpu.memref_slice %arg9[%min3A_524, %dma_start3A_525] : memref<80x125xi32, #tpu.memory_space<vmem>> -> memref<1x125xi32, #tpu.memory_space<vmem>>
      %dma_start3A_527 = tpu.memref_squeeze %dma_start3A_526 : memref<1x125xi32, #tpu.memory_space<vmem>> -> memref<125xi32, #tpu.memory_space<vmem>>
      %dma_start3A_528 = arith.constant 0 : i32
      %dma_start3A_529 = arith.constant 0 : i32
      %dma_start3A_530 = tpu.memref_slice %arg2[%dma_start3A_528, %dma_start3A_529] : memref<10000x128xf32, #tpu.memory_space<hbm>> -> memref<10000x128xf32, #tpu.memory_space<hbm>>
      tpu.enqueue_indirect_dma source(%dma_start3A_530 : memref<10000x128xf32, #tpu.memory_space<hbm>>) target(%arg8 : memref<125x128xf32, #tpu.memory_space<vmem>>) offsets(%dma_start3A_527 : memref<125xi32, #tpu.memory_space<vmem>>) semaphore(%arg16 : memref<!tpu.dma_semaphore, #tpu.memory_space<semaphore_mem>>)
      %add3A_531 = arith.constant 3 : i32
      %add3A_532 = arith.addi %mul3A_267, %add3A_531 : i32
      %min3A_533 = arith.constant 39 : i32
      %min3A_534 = arith.minsi %add3A_532, %min3A_533 : i32
      %dma_start3A_535 = arith.constant 0 : i32
      %dma_start3A_536 = arith.constant 0 : i32
      %dma_start3A_537 = arith.constant 0 : i32
      %dma_start3A_538 = tpu.memref_slice %arg4[%add3A, %dma_start3A_535, %dma_start3A_536, %dma_start3A_537] : memref<32x40x2x125xi32, #tpu.memory_space<hbm>> -> memref<1x40x2x125xi32, #tpu.memory_space<hbm>>
      %dma_start3A_539 = tpu.memref_squeeze %dma_start3A_538 : memref<1x40x2x125xi32, #tpu.memory_space<hbm>> -> memref<40x2x125xi32, #tpu.memory_space<hbm>>
      %dma_start3A_540 = arith.constant 0 : i32
      %dma_start3A_541 = arith.constant 0 : i32
      %dma_start3A_542 = tpu.memref_slice %dma_start3A_539[%min3A_534, %dma_start3A_540, %dma_start3A_541] : memref<40x2x125xi32, #tpu.memory_space<hbm>> -> memref<1x2x125xi32, #tpu.memory_space<hbm>>
      %dma_start3A_543 = tpu.memref_squeeze %dma_start3A_542 : memref<1x2x125xi32, #tpu.memory_space<hbm>> -> memref<2x125xi32, #tpu.memory_space<hbm>>
      %dma_start3A_544 = arith.constant 0 : i32
      %dma_start3A_545 = arith.constant 0 : i32
      %dma_start3A_546 = arith.constant 0 : i32
      %dma_start3A_547 = tpu.memref_slice %arg4[%add3A, %dma_start3A_544, %dma_start3A_545, %dma_start3A_546] : memref<32x40x2x125xi32, #tpu.memory_space<hbm>> -> memref<1x40x2x125xi32, #tpu.memory_space<hbm>>
      %dma_start3A_548 = tpu.memref_squeeze %dma_start3A_547 : memref<1x40x2x125xi32, #tpu.memory_space<hbm>> -> memref<40x2x125xi32, #tpu.memory_space<hbm>>
      %dma_start3A_549 = arith.constant 0 : i32
      %dma_start3A_550 = arith.constant 0 : i32
      %dma_start3A_551 = tpu.memref_slice %dma_start3A_548[%min3A_534, %dma_start3A_549, %dma_start3A_550] : memref<40x2x125xi32, #tpu.memory_space<hbm>> -> memref<1x2x125xi32, #tpu.memory_space<hbm>>
      %dma_start3A_552 = tpu.memref_squeeze %dma_start3A_551 : memref<1x2x125xi32, #tpu.memory_space<hbm>> -> memref<2x125xi32, #tpu.memory_space<hbm>>
      tpu.enqueue_dma source(%dma_start3A_552 : memref<2x125xi32, #tpu.memory_space<hbm>>) target(%arg11 : memref<2x125xi32, #tpu.memory_space<vmem>>) target_semaphore(%arg20 : memref<!tpu.dma_semaphore, #tpu.memory_space<semaphore_mem>>)
      %dma_start3A_553 = arith.constant 0 : i32
      %dma_start3A_554 = arith.constant 0 : i32
      %dma_start3A_555 = arith.constant 0 : i32
      %dma_start3A_556 = tpu.memref_slice %arg5[%add3A, %dma_start3A_553, %dma_start3A_554, %dma_start3A_555] : memref<32x40x2x125xf32, #tpu.memory_space<hbm>> -> memref<1x40x2x125xf32, #tpu.memory_space<hbm>>
      %dma_start3A_557 = tpu.memref_squeeze %dma_start3A_556 : memref<1x40x2x125xf32, #tpu.memory_space<hbm>> -> memref<40x2x125xf32, #tpu.memory_space<hbm>>
      %dma_start3A_558 = arith.constant 0 : i32
      %dma_start3A_559 = arith.constant 0 : i32
      %dma_start3A_560 = tpu.memref_slice %dma_start3A_557[%min3A_534, %dma_start3A_558, %dma_start3A_559] : memref<40x2x125xf32, #tpu.memory_space<hbm>> -> memref<1x2x125xf32, #tpu.memory_space<hbm>>
      %dma_start3A_561 = tpu.memref_squeeze %dma_start3A_560 : memref<1x2x125xf32, #tpu.memory_space<hbm>> -> memref<2x125xf32, #tpu.memory_space<hbm>>
      %dma_start3A_562 = arith.constant 0 : i32
      %dma_start3A_563 = arith.constant 0 : i32
      %dma_start3A_564 = arith.constant 0 : i32
      %dma_start3A_565 = tpu.memref_slice %arg5[%add3A, %dma_start3A_562, %dma_start3A_563, %dma_start3A_564] : memref<32x40x2x125xf32, #tpu.memory_space<hbm>> -> memref<1x40x2x125xf32, #tpu.memory_space<hbm>>
      %dma_start3A_566 = tpu.memref_squeeze %dma_start3A_565 : memref<1x40x2x125xf32, #tpu.memory_space<hbm>> -> memref<40x2x125xf32, #tpu.memory_space<hbm>>
      %dma_start3A_567 = arith.constant 0 : i32
      %dma_start3A_568 = arith.constant 0 : i32
      %dma_start3A_569 = tpu.memref_slice %dma_start3A_566[%min3A_534, %dma_start3A_567, %dma_start3A_568] : memref<40x2x125xf32, #tpu.memory_space<hbm>> -> memref<1x2x125xf32, #tpu.memory_space<hbm>>
      %dma_start3A_570 = tpu.memref_squeeze %dma_start3A_569 : memref<1x2x125xf32, #tpu.memory_space<hbm>> -> memref<2x125xf32, #tpu.memory_space<hbm>>
      tpu.enqueue_dma source(%dma_start3A_570 : memref<2x125xf32, #tpu.memory_space<hbm>>) target(%arg13 : memref<2x125xf32, #tpu.memory_space<vmem>>) target_semaphore(%arg20 : memref<!tpu.dma_semaphore, #tpu.memory_space<semaphore_mem>>)
    }
    %scan3A_132 = arith.constant 20 : i32
    %dma_wait3A = arith.constant 0 : i32
    %dma_wait3A_133 = arith.constant 0 : i32
    %dma_wait3A_134 = tpu.memref_slice %arg9[%dma_wait3A, %dma_wait3A_133] : memref<80x125xi32, #tpu.memory_space<vmem>> -> memref<1x125xi32, #tpu.memory_space<vmem>>
    %dma_wait3A_135 = tpu.memref_squeeze %dma_wait3A_134 : memref<1x125xi32, #tpu.memory_space<vmem>> -> memref<125xi32, #tpu.memory_space<vmem>>
    %dma_wait3A_136 = arith.constant 0 : i32
    %dma_wait3A_137 = arith.constant 0 : i32
    %dma_wait3A_138 = tpu.memref_slice %arg2[%dma_wait3A_136, %dma_wait3A_137] : memref<10000x128xf32, #tpu.memory_space<hbm>> -> memref<10000x128xf32, #tpu.memory_space<hbm>>
    tpu.wait_indirect_dma semaphore(%arg15 : memref<!tpu.dma_semaphore, #tpu.memory_space<semaphore_mem>>) src(%dma_wait3A_138 : memref<10000x128xf32, #tpu.memory_space<hbm>>) dst(%arg7 : memref<125x128xf32, #tpu.memory_space<vmem>>)
    %dma_wait3A_139 = arith.constant 0 : i32
    %dma_wait3A_140 = arith.constant 0 : i32
    %dma_wait3A_141 = tpu.memref_slice %arg9[%dma_wait3A_139, %dma_wait3A_140] : memref<80x125xi32, #tpu.memory_space<vmem>> -> memref<1x125xi32, #tpu.memory_space<vmem>>
    %dma_wait3A_142 = tpu.memref_squeeze %dma_wait3A_141 : memref<1x125xi32, #tpu.memory_space<vmem>> -> memref<125xi32, #tpu.memory_space<vmem>>
    %dma_wait3A_143 = arith.constant 0 : i32
    %dma_wait3A_144 = arith.constant 0 : i32
    %dma_wait3A_145 = tpu.memref_slice %arg2[%dma_wait3A_143, %dma_wait3A_144] : memref<10000x128xf32, #tpu.memory_space<hbm>> -> memref<10000x128xf32, #tpu.memory_space<hbm>>
    tpu.wait_indirect_dma semaphore(%arg16 : memref<!tpu.dma_semaphore, #tpu.memory_space<semaphore_mem>>) src(%dma_wait3A_145 : memref<10000x128xf32, #tpu.memory_space<hbm>>) dst(%arg8 : memref<125x128xf32, #tpu.memory_space<vmem>>)
    %dma_wait3A_146 = arith.constant 0 : i32
    %dma_wait3A_147 = arith.constant 0 : i32
    %dma_wait3A_148 = arith.constant 0 : i32
    %dma_wait3A_149 = arith.constant 0 : i32
    %dma_wait3A_150 = tpu.memref_slice %arg4[%add3A, %dma_wait3A_147, %dma_wait3A_148, %dma_wait3A_149] : memref<32x40x2x125xi32, #tpu.memory_space<hbm>> -> memref<1x40x2x125xi32, #tpu.memory_space<hbm>>
    %dma_wait3A_151 = tpu.memref_squeeze %dma_wait3A_150 : memref<1x40x2x125xi32, #tpu.memory_space<hbm>> -> memref<40x2x125xi32, #tpu.memory_space<hbm>>
    %dma_wait3A_152 = arith.constant 0 : i32
    %dma_wait3A_153 = arith.constant 0 : i32
    %dma_wait3A_154 = tpu.memref_slice %dma_wait3A_151[%dma_wait3A_146, %dma_wait3A_152, %dma_wait3A_153] : memref<40x2x125xi32, #tpu.memory_space<hbm>> -> memref<1x2x125xi32, #tpu.memory_space<hbm>>
    %dma_wait3A_155 = tpu.memref_squeeze %dma_wait3A_154 : memref<1x2x125xi32, #tpu.memory_space<hbm>> -> memref<2x125xi32, #tpu.memory_space<hbm>>
    %dma_wait3A_156 = arith.constant 0 : i32
    %dma_wait3A_157 = arith.constant 0 : i32
    %dma_wait3A_158 = arith.constant 0 : i32
    %dma_wait3A_159 = tpu.memref_slice %arg4[%add3A, %dma_wait3A_156, %dma_wait3A_157, %dma_wait3A_158] : memref<32x40x2x125xi32, #tpu.memory_space<hbm>> -> memref<1x40x2x125xi32, #tpu.memory_space<hbm>>
    %dma_wait3A_160 = tpu.memref_squeeze %dma_wait3A_159 : memref<1x40x2x125xi32, #tpu.memory_space<hbm>> -> memref<40x2x125xi32, #tpu.memory_space<hbm>>
    %dma_wait3A_161 = arith.constant 0 : i32
    %dma_wait3A_162 = arith.constant 0 : i32
    %dma_wait3A_163 = tpu.memref_slice %dma_wait3A_160[%dma_wait3A_146, %dma_wait3A_161, %dma_wait3A_162] : memref<40x2x125xi32, #tpu.memory_space<hbm>> -> memref<1x2x125xi32, #tpu.memory_space<hbm>>
    %dma_wait3A_164 = tpu.memref_squeeze %dma_wait3A_163 : memref<1x2x125xi32, #tpu.memory_space<hbm>> -> memref<2x125xi32, #tpu.memory_space<hbm>>
    tpu.wait_dma2 semaphore(%arg19 : memref<!tpu.dma_semaphore, #tpu.memory_space<semaphore_mem>>) src(%dma_wait3A_164 : memref<2x125xi32, #tpu.memory_space<hbm>>) dst(%arg10 : memref<2x125xi32, #tpu.memory_space<vmem>>)
    %dma_wait3A_165 = arith.constant 0 : i32
    %dma_wait3A_166 = arith.constant 0 : i32
    %dma_wait3A_167 = arith.constant 0 : i32
    %dma_wait3A_168 = arith.constant 0 : i32
    %dma_wait3A_169 = tpu.memref_slice %arg5[%add3A, %dma_wait3A_166, %dma_wait3A_167, %dma_wait3A_168] : memref<32x40x2x125xf32, #tpu.memory_space<hbm>> -> memref<1x40x2x125xf32, #tpu.memory_space<hbm>>
    %dma_wait3A_170 = tpu.memref_squeeze %dma_wait3A_169 : memref<1x40x2x125xf32, #tpu.memory_space<hbm>> -> memref<40x2x125xf32, #tpu.memory_space<hbm>>
    %dma_wait3A_171 = arith.constant 0 : i32
    %dma_wait3A_172 = arith.constant 0 : i32
    %dma_wait3A_173 = tpu.memref_slice %dma_wait3A_170[%dma_wait3A_165, %dma_wait3A_171, %dma_wait3A_172] : memref<40x2x125xf32, #tpu.memory_space<hbm>> -> memref<1x2x125xf32, #tpu.memory_space<hbm>>
    %dma_wait3A_174 = tpu.memref_squeeze %dma_wait3A_173 : memref<1x2x125xf32, #tpu.memory_space<hbm>> -> memref<2x125xf32, #tpu.memory_space<hbm>>
    %dma_wait3A_175 = arith.constant 0 : i32
    %dma_wait3A_176 = arith.constant 0 : i32
    %dma_wait3A_177 = arith.constant 0 : i32
    %dma_wait3A_178 = tpu.memref_slice %arg5[%add3A, %dma_wait3A_175, %dma_wait3A_176, %dma_wait3A_177] : memref<32x40x2x125xf32, #tpu.memory_space<hbm>> -> memref<1x40x2x125xf32, #tpu.memory_space<hbm>>
    %dma_wait3A_179 = tpu.memref_squeeze %dma_wait3A_178 : memref<1x40x2x125xf32, #tpu.memory_space<hbm>> -> memref<40x2x125xf32, #tpu.memory_space<hbm>>
    %dma_wait3A_180 = arith.constant 0 : i32
    %dma_wait3A_181 = arith.constant 0 : i32
    %dma_wait3A_182 = tpu.memref_slice %dma_wait3A_179[%dma_wait3A_165, %dma_wait3A_180, %dma_wait3A_181] : memref<40x2x125xf32, #tpu.memory_space<hbm>> -> memref<1x2x125xf32, #tpu.memory_space<hbm>>
    %dma_wait3A_183 = tpu.memref_squeeze %dma_wait3A_182 : memref<1x2x125xf32, #tpu.memory_space<hbm>> -> memref<2x125xf32, #tpu.memory_space<hbm>>
    tpu.wait_dma2 semaphore(%arg19 : memref<!tpu.dma_semaphore, #tpu.memory_space<semaphore_mem>>) src(%dma_wait3A_183 : memref<2x125xf32, #tpu.memory_space<hbm>>) dst(%arg12 : memref<2x125xf32, #tpu.memory_space<vmem>>)
    %dma_wait3A_184 = arith.constant 0 : i32
    %dma_wait3A_185 = arith.constant 0 : i32
    %dma_wait3A_186 = arith.constant 0 : i32
    %dma_wait3A_187 = arith.constant 0 : i32
    %dma_wait3A_188 = tpu.memref_slice %arg4[%add3A, %dma_wait3A_185, %dma_wait3A_186, %dma_wait3A_187] : memref<32x40x2x125xi32, #tpu.memory_space<hbm>> -> memref<1x40x2x125xi32, #tpu.memory_space<hbm>>
    %dma_wait3A_189 = tpu.memref_squeeze %dma_wait3A_188 : memref<1x40x2x125xi32, #tpu.memory_space<hbm>> -> memref<40x2x125xi32, #tpu.memory_space<hbm>>
    %dma_wait3A_190 = arith.constant 0 : i32
    %dma_wait3A_191 = arith.constant 0 : i32
    %dma_wait3A_192 = tpu.memref_slice %dma_wait3A_189[%dma_wait3A_184, %dma_wait3A_190, %dma_wait3A_191] : memref<40x2x125xi32, #tpu.memory_space<hbm>> -> memref<1x2x125xi32, #tpu.memory_space<hbm>>
    %dma_wait3A_193 = tpu.memref_squeeze %dma_wait3A_192 : memref<1x2x125xi32, #tpu.memory_space<hbm>> -> memref<2x125xi32, #tpu.memory_space<hbm>>
    %dma_wait3A_194 = arith.constant 0 : i32
    %dma_wait3A_195 = arith.constant 0 : i32
    %dma_wait3A_196 = arith.constant 0 : i32
    %dma_wait3A_197 = tpu.memref_slice %arg4[%add3A, %dma_wait3A_194, %dma_wait3A_195, %dma_wait3A_196] : memref<32x40x2x125xi32, #tpu.memory_space<hbm>> -> memref<1x40x2x125xi32, #tpu.memory_space<hbm>>
    %dma_wait3A_198 = tpu.memref_squeeze %dma_wait3A_197 : memref<1x40x2x125xi32, #tpu.memory_space<hbm>> -> memref<40x2x125xi32, #tpu.memory_space<hbm>>
    %dma_wait3A_199 = arith.constant 0 : i32
    %dma_wait3A_200 = arith.constant 0 : i32
    %dma_wait3A_201 = tpu.memref_slice %dma_wait3A_198[%dma_wait3A_184, %dma_wait3A_199, %dma_wait3A_200] : memref<40x2x125xi32, #tpu.memory_space<hbm>> -> memref<1x2x125xi32, #tpu.memory_space<hbm>>
    %dma_wait3A_202 = tpu.memref_squeeze %dma_wait3A_201 : memref<1x2x125xi32, #tpu.memory_space<hbm>> -> memref<2x125xi32, #tpu.memory_space<hbm>>
    tpu.wait_dma2 semaphore(%arg20 : memref<!tpu.dma_semaphore, #tpu.memory_space<semaphore_mem>>) src(%dma_wait3A_202 : memref<2x125xi32, #tpu.memory_space<hbm>>) dst(%arg11 : memref<2x125xi32, #tpu.memory_space<vmem>>)
    %dma_wait3A_203 = arith.constant 0 : i32
    %dma_wait3A_204 = arith.constant 0 : i32
    %dma_wait3A_205 = arith.constant 0 : i32
    %dma_wait3A_206 = arith.constant 0 : i32
    %dma_wait3A_207 = tpu.memref_slice %arg5[%add3A, %dma_wait3A_204, %dma_wait3A_205, %dma_wait3A_206] : memref<32x40x2x125xf32, #tpu.memory_space<hbm>> -> memref<1x40x2x125xf32, #tpu.memory_space<hbm>>
    %dma_wait3A_208 = tpu.memref_squeeze %dma_wait3A_207 : memref<1x40x2x125xf32, #tpu.memory_space<hbm>> -> memref<40x2x125xf32, #tpu.memory_space<hbm>>
    %dma_wait3A_209 = arith.constant 0 : i32
    %dma_wait3A_210 = arith.constant 0 : i32
    %dma_wait3A_211 = tpu.memref_slice %dma_wait3A_208[%dma_wait3A_203, %dma_wait3A_209, %dma_wait3A_210] : memref<40x2x125xf32, #tpu.memory_space<hbm>> -> memref<1x2x125xf32, #tpu.memory_space<hbm>>
    %dma_wait3A_212 = tpu.memref_squeeze %dma_wait3A_211 : memref<1x2x125xf32, #tpu.memory_space<hbm>> -> memref<2x125xf32, #tpu.memory_space<hbm>>
    %dma_wait3A_213 = arith.constant 0 : i32
    %dma_wait3A_214 = arith.constant 0 : i32
    %dma_wait3A_215 = arith.constant 0 : i32
    %dma_wait3A_216 = tpu.memref_slice %arg5[%add3A, %dma_wait3A_213, %dma_wait3A_214, %dma_wait3A_215] : memref<32x40x2x125xf32, #tpu.memory_space<hbm>> -> memref<1x40x2x125xf32, #tpu.memory_space<hbm>>
    %dma_wait3A_217 = tpu.memref_squeeze %dma_wait3A_216 : memref<1x40x2x125xf32, #tpu.memory_space<hbm>> -> memref<40x2x125xf32, #tpu.memory_space<hbm>>
    %dma_wait3A_218 = arith.constant 0 : i32
    %dma_wait3A_219 = arith.constant 0 : i32
    %dma_wait3A_220 = tpu.memref_slice %dma_wait3A_217[%dma_wait3A_203, %dma_wait3A_218, %dma_wait3A_219] : memref<40x2x125xf32, #tpu.memory_space<hbm>> -> memref<1x2x125xf32, #tpu.memory_space<hbm>>
    %dma_wait3A_221 = tpu.memref_squeeze %dma_wait3A_220 : memref<1x2x125xf32, #tpu.memory_space<hbm>> -> memref<2x125xf32, #tpu.memory_space<hbm>>
    tpu.wait_dma2 semaphore(%arg20 : memref<!tpu.dma_semaphore, #tpu.memory_space<semaphore_mem>>) src(%dma_wait3A_221 : memref<2x125xf32, #tpu.memory_space<hbm>>) dst(%arg13 : memref<2x125xf32, #tpu.memory_space<vmem>>)
    %barrier3A_222 = arith.constant 0 : index
    tpu.barrier barrier_id(%barrier3A_222)
    %sub3A_223 = arith.constant 125 : i32
    %sub3A_224 = arith.subi %sub3A_223, %arg1 : i32
    %sub3A_225 = arith.constant 16 : i32
    %sub3A_226 = arith.constant 1 : i32
    %sub3A_227 = arith.subi %sub3A_225, %sub3A_226 : i32
    %add3A_228 = arith.addi %sub3A_224, %sub3A_227 : i32
    %div3A_229 = arith.constant 16 : i32
    %div3A_230 = arith.divsi %add3A_228, %div3A_229 : i32
    %while3A_231 = arith.constant 16 : i32
    %while3A_232 = arith.constant 0 : i32
    %while3A_233 = arith.subi %div3A_230, %while3A_232 : i32
    %while3A_234 = arith.addi %while3A_232, %while3A_233 : i32
    %while3A_235 = arith.constant 1 : i32
    %while3A_236 = arith.divsi %while3A_233, %while3A_235 : i32
    %while3A_237 = arith.muli %while3A_236, %while3A_235 : i32
    %while3A_238 = arith.addi %while3A_232, %while3A_237 : i32
    %while3A_239 = arith.constant 1 : i32
    scf.for %while3A_259 = %while3A_232 to %while3A_238 step %while3A_239  : i32 {
      %mul3A_260 = arith.muli %while3A_259, %while3A_231 : i32
      %add3A_261 = arith.addi %arg1, %mul3A_260 : i32
      %mul3A_262 = arith.constant 80 : i32
      %mul3A_263 = arith.muli %add3A_261, %mul3A_262 : i32
      %mul3A_264 = arith.constant 80 : i32
      %mul3A_265 = arith.muli %add3A_261, %mul3A_264 : i32
      %dma_start3A_266 = arith.constant 0 : i32
      %dma_start3A_267 = arith.constant 0 : i32
      %dma_start3A_268 = tpu.memref_slice %arg6[%arg0, %dma_start3A_266, %dma_start3A_267] : memref<2x10000x128xf32, #tpu.memory_space<hbm>> -> memref<1x10000x128xf32, #tpu.memory_space<hbm>>
      %dma_start3A_269 = tpu.memref_squeeze %dma_start3A_268 : memref<1x10000x128xf32, #tpu.memory_space<hbm>> -> memref<10000x128xf32, #tpu.memory_space<hbm>>
      %dma_start3A_270 = arith.constant 0 : i32
      %dma_start3A_271 = tpu.memref_slice %dma_start3A_269[%mul3A_265, %dma_start3A_270] : memref<10000x128xf32, #tpu.memory_space<hbm>> -> memref<80x128xf32, #tpu.memory_space<hbm>>
      %dma_start3A_272 = arith.constant 0 : i32
      %dma_start3A_273 = tpu.memref_slice %arg14[%mul3A_263, %dma_start3A_272] : memref<10000x128xf32, #tpu.memory_space<vmem_shared>> -> memref<80x128xf32, #tpu.memory_space<vmem_shared>>
      tpu.enqueue_dma source(%dma_start3A_273 : memref<80x128xf32, #tpu.memory_space<vmem_shared>>) target(%dma_start3A_271 : memref<80x128xf32, #tpu.memory_space<hbm>>) target_semaphore(%arg15 : memref<!tpu.dma_semaphore, #tpu.memory_space<semaphore_mem>>)
    }
    %while3A_240 = arith.constant 1 : i32
    scf.for %while3A_259 = %while3A_238 to %while3A_234 step %while3A_240  : i32 {
      %mul3A_260 = arith.muli %while3A_259, %while3A_231 : i32
      %add3A_261 = arith.addi %arg1, %mul3A_260 : i32
      %mul3A_262 = arith.constant 80 : i32
      %mul3A_263 = arith.muli %add3A_261, %mul3A_262 : i32
      %mul3A_264 = arith.constant 80 : i32
      %mul3A_265 = arith.muli %add3A_261, %mul3A_264 : i32
      %dma_start3A_266 = arith.constant 0 : i32
      %dma_start3A_267 = arith.constant 0 : i32
      %dma_start3A_268 = tpu.memref_slice %arg6[%arg0, %dma_start3A_266, %dma_start3A_267] : memref<2x10000x128xf32, #tpu.memory_space<hbm>> -> memref<1x10000x128xf32, #tpu.memory_space<hbm>>
      %dma_start3A_269 = tpu.memref_squeeze %dma_start3A_268 : memref<1x10000x128xf32, #tpu.memory_space<hbm>> -> memref<10000x128xf32, #tpu.memory_space<hbm>>
      %dma_start3A_270 = arith.constant 0 : i32
      %dma_start3A_271 = tpu.memref_slice %dma_start3A_269[%mul3A_265, %dma_start3A_270] : memref<10000x128xf32, #tpu.memory_space<hbm>> -> memref<80x128xf32, #tpu.memory_space<hbm>>
      %dma_start3A_272 = arith.constant 0 : i32
      %dma_start3A_273 = tpu.memref_slice %arg14[%mul3A_263, %dma_start3A_272] : memref<10000x128xf32, #tpu.memory_space<vmem_shared>> -> memref<80x128xf32, #tpu.memory_space<vmem_shared>>
      tpu.enqueue_dma source(%dma_start3A_273 : memref<80x128xf32, #tpu.memory_space<vmem_shared>>) target(%dma_start3A_271 : memref<80x128xf32, #tpu.memory_space<hbm>>) target_semaphore(%arg15 : memref<!tpu.dma_semaphore, #tpu.memory_space<semaphore_mem>>)
    }
    %sub3A_241 = arith.constant 125 : i32
    %sub3A_242 = arith.subi %sub3A_241, %arg1 : i32
    %sub3A_243 = arith.constant 16 : i32
    %sub3A_244 = arith.constant 1 : i32
    %sub3A_245 = arith.subi %sub3A_243, %sub3A_244 : i32
    %add3A_246 = arith.addi %sub3A_242, %sub3A_245 : i32
    %div3A_247 = arith.constant 16 : i32
    %div3A_248 = arith.divsi %add3A_246, %div3A_247 : i32
    %while3A_249 = arith.constant 16 : i32
    %while3A_250 = arith.constant 0 : i32
    %while3A_251 = arith.subi %div3A_248, %while3A_250 : i32
    %while3A_252 = arith.addi %while3A_250, %while3A_251 : i32
    %while3A_253 = arith.constant 1 : i32
    %while3A_254 = arith.divsi %while3A_251, %while3A_253 : i32
    %while3A_255 = arith.muli %while3A_254, %while3A_253 : i32
    %while3A_256 = arith.addi %while3A_250, %while3A_255 : i32
    %while3A_257 = arith.constant 1 : i32
    scf.for %while3A_259 = %while3A_250 to %while3A_256 step %while3A_257  : i32 {
      %mul3A_260 = arith.muli %while3A_259, %while3A_249 : i32
      %add3A_261 = arith.addi %arg1, %mul3A_260 : i32
      %mul3A_262 = arith.constant 80 : i32
      %mul3A_263 = arith.muli %add3A_261, %mul3A_262 : i32
      %mul3A_264 = arith.constant 80 : i32
      %mul3A_265 = arith.muli %add3A_261, %mul3A_264 : i32
      %dma_wait3A_266 = arith.constant 0 : i32
      %dma_wait3A_267 = arith.constant 0 : i32
      %dma_wait3A_268 = tpu.memref_slice %arg6[%arg0, %dma_wait3A_266, %dma_wait3A_267] : memref<2x10000x128xf32, #tpu.memory_space<hbm>> -> memref<1x10000x128xf32, #tpu.memory_space<hbm>>
      %dma_wait3A_269 = tpu.memref_squeeze %dma_wait3A_268 : memref<1x10000x128xf32, #tpu.memory_space<hbm>> -> memref<10000x128xf32, #tpu.memory_space<hbm>>
      %dma_wait3A_270 = arith.constant 0 : i32
      %dma_wait3A_271 = tpu.memref_slice %dma_wait3A_269[%mul3A_265, %dma_wait3A_270] : memref<10000x128xf32, #tpu.memory_space<hbm>> -> memref<80x128xf32, #tpu.memory_space<hbm>>
      %dma_wait3A_272 = arith.constant 0 : i32
      %dma_wait3A_273 = tpu.memref_slice %arg14[%mul3A_263, %dma_wait3A_272] : memref<10000x128xf32, #tpu.memory_space<vmem_shared>> -> memref<80x128xf32, #tpu.memory_space<vmem_shared>>
      tpu.wait_dma2 semaphore(%arg15 : memref<!tpu.dma_semaphore, #tpu.memory_space<semaphore_mem>>) src(%dma_wait3A_273 : memref<80x128xf32, #tpu.memory_space<vmem_shared>>) dst(%dma_wait3A_271 : memref<80x128xf32, #tpu.memory_space<hbm>>)
    }
    %while3A_258 = arith.constant 1 : i32
    scf.for %while3A_259 = %while3A_256 to %while3A_252 step %while3A_258  : i32 {
      %mul3A_260 = arith.muli %while3A_259, %while3A_249 : i32
      %add3A_261 = arith.addi %arg1, %mul3A_260 : i32
      %mul3A_262 = arith.constant 80 : i32
      %mul3A_263 = arith.muli %add3A_261, %mul3A_262 : i32
      %mul3A_264 = arith.constant 80 : i32
      %mul3A_265 = arith.muli %add3A_261, %mul3A_264 : i32
      %dma_wait3A_266 = arith.constant 0 : i32
      %dma_wait3A_267 = arith.constant 0 : i32
      %dma_wait3A_268 = tpu.memref_slice %arg6[%arg0, %dma_wait3A_266, %dma_wait3A_267] : memref<2x10000x128xf32, #tpu.memory_space<hbm>> -> memref<1x10000x128xf32, #tpu.memory_space<hbm>>
      %dma_wait3A_269 = tpu.memref_squeeze %dma_wait3A_268 : memref<1x10000x128xf32, #tpu.memory_space<hbm>> -> memref<10000x128xf32, #tpu.memory_space<hbm>>
      %dma_wait3A_270 = arith.constant 0 : i32
      %dma_wait3A_271 = tpu.memref_slice %dma_wait3A_269[%mul3A_265, %dma_wait3A_270] : memref<10000x128xf32, #tpu.memory_space<hbm>> -> memref<80x128xf32, #tpu.memory_space<hbm>>
      %dma_wait3A_272 = arith.constant 0 : i32
      %dma_wait3A_273 = tpu.memref_slice %arg14[%mul3A_263, %dma_wait3A_272] : memref<10000x128xf32, #tpu.memory_space<vmem_shared>> -> memref<80x128xf32, #tpu.memory_space<vmem_shared>>
      tpu.wait_dma2 semaphore(%arg15 : memref<!tpu.dma_semaphore, #tpu.memory_space<semaphore_mem>>) src(%dma_wait3A_273 : memref<80x128xf32, #tpu.memory_space<vmem_shared>>) dst(%dma_wait3A_271 : memref<80x128xf32, #tpu.memory_space<hbm>>)
    }
    return
  }
}

module attributes {stable_mosaic.version = 14 : i64} {
  func.func @_tc_prep_body(%arg0: memref<32x10000xf32, #tpu.memory_space<vmem>>, %arg1: memref<32x10000xf32, #tpu.memory_space<vmem>>, %arg2: memref<10000x128xf32, #tpu.memory_space<vmem>>, %arg3: memref<128x128xf32, #tpu.memory_space<vmem>>, %arg4: memref<10000x128xf32, #tpu.memory_space<vmem>>, %arg5: memref<10000x128xf32, #tpu.memory_space<vmem>>, %arg6: memref<10000x1xf32, #tpu.memory_space<vmem>>) attributes {dimension_semantics = [], scalar_prefetch = 0 : i64, scratch_operands = 0 : i64, tpu.core_type = #tpu.core_type<tc>} {
    %get3A = arith.constant 0 : index
    %get3A_0 = arith.constant 0 : index
    %get3A_1 = vector.load %arg0[%get3A, %get3A_0] : memref<32x10000xf32, #tpu.memory_space<vmem>>, vector<32x10000xf32>
    %reduce_sum3A = arith.constant dense<0.000000e+00> : vector<10000xf32>
    %reduce_sum3A_2 = vector.multi_reduction <add>, %get3A_1, %reduce_sum3A [0] : vector<32x10000xf32> to vector<10000xf32>
    %max3A = arith.constant 1.000000e+00 : f32
    %max3A_3 = vector.broadcast %max3A : f32 to vector<10000xf32>
    %max3A_4 = arith.maximumf %reduce_sum3A_2, %max3A_3 : vector<10000xf32>
    %get3A_5 = arith.constant 0 : index
    %get3A_6 = arith.constant 0 : index
    %get3A_7 = vector.load %arg1[%get3A_5, %get3A_6] : memref<32x10000xf32, #tpu.memory_space<vmem>>, vector<32x10000xf32>
    %reduce_sum3A_8 = arith.constant dense<0.000000e+00> : vector<10000xf32>
    %reduce_sum3A_9 = vector.multi_reduction <add>, %get3A_7, %reduce_sum3A_8 [0] : vector<32x10000xf32> to vector<10000xf32>
    %max3A_10 = arith.constant 1.000000e+00 : f32
    %max3A_11 = vector.broadcast %max3A_10 : f32 to vector<10000xf32>
    %max3A_12 = arith.maximumf %reduce_sum3A_9, %max3A_11 : vector<10000xf32>
    %get3A_13 = arith.constant 0 : index
    %get3A_14 = arith.constant 0 : index
    %get3A_15 = vector.load %arg2[%get3A_13, %get3A_14] : memref<10000x128xf32, #tpu.memory_space<vmem>>, vector<10000x128xf32>
    %rsqrt3A = math.rsqrt %max3A_4 : vector<10000xf32>
    %broadcast_in_dim3A = vector.shape_cast %rsqrt3A : vector<10000xf32> to vector<10000x1xf32>
    %mul3A = vector.broadcast %broadcast_in_dim3A : vector<10000x1xf32> to vector<10000x128xf32>
    %mul3A_16 = arith.mulf %get3A_15, %mul3A : vector<10000x128xf32>
    %swap3A = arith.constant 0 : index
    %swap3A_17 = arith.constant 0 : index
    %swap3A_18 = vector.load %arg4[%swap3A, %swap3A_17] : memref<10000x128xf32, #tpu.memory_space<vmem>>, vector<10000x128xf32>
    tpu.vector_store %arg4[%swap3A, %swap3A_17], %mul3A_16 {strides = array<i32>} : memref<10000x128xf32, #tpu.memory_space<vmem>>, vector<10000x128xf32>,
    %get3A_19 = arith.constant 0 : index
    %get3A_20 = arith.constant 0 : index
    %get3A_21 = vector.load %arg3[%get3A_19, %get3A_20] : memref<128x128xf32, #tpu.memory_space<vmem>>, vector<128x128xf32>
    %dot_general3A = arith.constant dense<0.000000e+00> : vector<10000x128xf32>
    %dot_general3A_22 = tpu.matmul %get3A_15, %get3A_21, %dot_general3A {dimension_numbers = #tpu.dot_dimension_numbers<[1], [1], [0], [0], [0, 0, 1, 0], [], []>, precision = #tpu.contract_precision<fp32>, transpose_lhs_hint = false} : vector<10000x128xf32>, vector<128x128xf32>, vector<10000x128xf32> -> vector<10000x128xf32>
    %swap3A_23 = arith.constant 0 : index
    %swap3A_24 = arith.constant 0 : index
    %swap3A_25 = vector.load %arg5[%swap3A_23, %swap3A_24] : memref<10000x128xf32, #tpu.memory_space<vmem>>, vector<10000x128xf32>
    tpu.vector_store %arg5[%swap3A_23, %swap3A_24], %dot_general3A_22 {strides = array<i32>} : memref<10000x128xf32, #tpu.memory_space<vmem>>, vector<10000x128xf32>,
    %rsqrt3A_26 = math.rsqrt %max3A_12 : vector<10000xf32>
    %broadcast_in_dim3A_27 = vector.shape_cast %rsqrt3A_26 : vector<10000xf32> to vector<10000x1xf32>
    %swap3A_28 = arith.constant 0 : index
    %swap3A_29 = arith.constant 0 : index
    %swap3A_30 = vector.load %arg6[%swap3A_28, %swap3A_29] : memref<10000x1xf32, #tpu.memory_space<vmem>>, vector<10000x1xf32>
    tpu.vector_store %arg6[%swap3A_28, %swap3A_29], %broadcast_in_dim3A_27 {strides = array<i32>} : memref<10000x1xf32, #tpu.memory_space<vmem>>, vector<10000x1xf32>,
    return
  }
}

module attributes {stable_mosaic.version = 14 : i64} {
  func.func @_tc_final_body(%arg0: memref<10000x128xf32, #tpu.memory_space<vmem>>, %arg1: memref<2x10000x128xf32, #tpu.memory_space<vmem>>, %arg2: memref<128x128xf32, #tpu.memory_space<vmem>>, %arg3: memref<1x128xf32, #tpu.memory_space<vmem>>, %arg4: memref<10000x1xf32, #tpu.memory_space<vmem>>, %arg5: memref<10000x128xf32, #tpu.memory_space<vmem>>) attributes {dimension_semantics = [], scalar_prefetch = 0 : i64, scratch_operands = 0 : i64, tpu.core_type = #tpu.core_type<tc>} {
    %get3A = arith.constant 0 : index
    %get3A_0 = arith.constant 0 : index
    %get3A_1 = arith.constant 0 : index
    %get3A_2 = vector.load %arg1[%get3A, %get3A_0, %get3A_1] : memref<2x10000x128xf32, #tpu.memory_space<vmem>>, vector<1x10000x128xf32>
    %get3A_3 = vector.shape_cast %get3A_2 : vector<1x10000x128xf32> to vector<10000x128xf32>
    %get3A_4 = arith.constant 1 : index
    %get3A_5 = arith.constant 0 : index
    %get3A_6 = arith.constant 0 : index
    %get3A_7 = vector.load %arg1[%get3A_4, %get3A_5, %get3A_6] : memref<2x10000x128xf32, #tpu.memory_space<vmem>>, vector<1x10000x128xf32>
    %get3A_8 = vector.shape_cast %get3A_7 : vector<1x10000x128xf32> to vector<10000x128xf32>
    %add3A = arith.addf %get3A_3, %get3A_8 : vector<10000x128xf32>
    %get3A_9 = arith.constant 0 : index
    %get3A_10 = arith.constant 0 : index
    %get3A_11 = vector.load %arg2[%get3A_9, %get3A_10] : memref<128x128xf32, #tpu.memory_space<vmem>>, vector<128x128xf32>
    %dot_general3A = arith.constant dense<0.000000e+00> : vector<10000x128xf32>
    %dot_general3A_12 = tpu.matmul %add3A, %get3A_11, %dot_general3A {dimension_numbers = #tpu.dot_dimension_numbers<[1], [1], [0], [0], [0, 0, 1, 0], [], []>, precision = #tpu.contract_precision<fp32>, transpose_lhs_hint = false} : vector<10000x128xf32>, vector<128x128xf32>, vector<10000x128xf32> -> vector<10000x128xf32>
    %get3A_13 = arith.constant 0 : index
    %get3A_14 = arith.constant 0 : index
    %get3A_15 = vector.load %arg3[%get3A_13, %get3A_14] : memref<1x128xf32, #tpu.memory_space<vmem>>, vector<1x128xf32>
    %add3A_16 = vector.broadcast %get3A_15 : vector<1x128xf32> to vector<10000x128xf32>
    %add3A_17 = arith.addf %dot_general3A_12, %add3A_16 : vector<10000x128xf32>
    %get3A_18 = arith.constant 0 : index
    %get3A_19 = arith.constant 0 : index
    %get3A_20 = vector.load %arg0[%get3A_18, %get3A_19] : memref<10000x128xf32, #tpu.memory_space<vmem>>, vector<10000x128xf32>
    %get3A_21 = arith.constant 0 : index
    %get3A_22 = arith.constant 0 : index
    %get3A_23 = vector.load %arg4[%get3A_21, %get3A_22] : memref<10000x1xf32, #tpu.memory_space<vmem>>, vector<10000x1xf32>
    %mul3A = vector.broadcast %get3A_23 : vector<10000x1xf32> to vector<10000x128xf32>
    %mul3A_24 = arith.mulf %add3A_17, %mul3A : vector<10000x128xf32>
    %add3A_25 = arith.addf %get3A_20, %mul3A_24 : vector<10000x128xf32>
    %swap3A = arith.constant 0 : index
    %swap3A_26 = arith.constant 0 : index
    %swap3A_27 = vector.load %arg5[%swap3A, %swap3A_26] : memref<10000x128xf32, #tpu.memory_space<vmem>>, vector<10000x128xf32>
    tpu.vector_store %arg5[%swap3A, %swap3A_26], %add3A_25 {strides = array<i32>} : memref<10000x128xf32, #tpu.memory_space<vmem>>, vector<10000x128xf32>,
    return
  }
}

</mosaic_0001>

<sc_bundles>
// kernel: kernel.6.cloned.1.call-start
scs
__scs_entry_jumppad:
0x0: {  	(pc) =	sbr.rel $0x88, $3  }
0x1: {  	(tag) =	ssettag $0x0;
	lr =	simm.s32 $0x1  }
0x2: {  	[smem:$0x3F9B] =	sst lr;
	_ =	strace $0xD0000000  }
0x3: {  	_ = 	snop  }
0x4: {  	_ = 	snop  }
0x5: {  	_ = 	snop  }
0x6: {  	_ = 	snop  }
0x7: {  	_ = 	snop  }
__scs_overlays_trampoline_lowered:
0x8: {  	[smem:$0x3FAA] =	sst s0  }
0x9: {  	[smem:$0x3FAB] =	sst s1  }
0xa: {  	[smem:$0x3FAC] =	sst s2  }
0xb: {  	[smem:$0x3FAD] =	sst s3  }
0xc: {  	[smem:$0x3FAE] =	sst s4  }
0xd: {  	[smem:$0x3FAF] =	sst s5  }
0xe: {  	[smem:$0x3FB0] =	sst s6  }
0xf: {  	[smem:$0x3FB1] =	sst s7  }
0x10: {  	[smem:$0x3FB2] =	sst s8  }
0x11: {  	[smem:$0x3FB3] =	sst s9;
	s0 =	simm.s32 @!p0 $0x0  }
0x12: {  	s1 =	sld [smem:$0x3F99];
	s0 =	simm.s32 @p0 $0x1  }
0x13: {  	[smem:$0x3FB4] =	sst s0;
	s0 =	simm.s32 @!p1 $0x0  }
0x14: {  	s2 =	sld [smem:$0x3F98];
	s0 =	simm.s32 @p1 $0x1  }
0x15: {  	[smem:$0x3FB5] =	sst s0;
	s0 =	simm.s32 @!p2 $0x0  }
0x16: {  	s3 =	sld [smem:$0x3FDB];
	s0 =	simm.s32 @p2 $0x1  }
0x17: {  	s4 =	simm.s32 $0x1BF5;
	[smem:$0x3FB7] =	sst s0  }
0x18: {  	s0 =	sld [smem:$0x3F9A];
	_ =	swait.ge [sflag:s4], $0x0  }
0x19: {  	s7 =	sld [smem:$0x3F9B]  }
0x1a: {  	s8 =	sadd.s32 $0xFFFFE003, lr  }
0x1b: {  	s9 =	sadd.s32 $0xFFFFFEF7, lr;
	s5 =	simm.s32 $0xFFFFFFFF;
	p2 =	slt.u32 s8, $0xFFFFF086  }
0x1c: {  	p1 =	slt.u32 s9, $0xF7A;
	s5 =	simm.s32 @!p2 $0x0  }
0x1d: {  	s5 =	simm.s32 @p1 $0x1;
	p0 =	seq.s32 s7, s2  }
0x1e: {  	s7 =	smul.u32 @!p0 $0xF7A, s2;
	p2 =	seq.s32 @!p0 s5, $0x0  }
0x1f: {  	s9 =	smul.u32 $0xF7A, s1;
	s8 =	simm.s32 @!p0 $0x1BF5;
	p2 =	por !p2, p0  }
0x20: {  	[sflag:s8] =	ssyncset.s32 @!p0 $0xFFFFF086;
	s6 =	sadd.s32 @!p0 s3, s7;
	s7 =	simm.s32 @!p0 $0x108  }
0x21: {  	s3 =	sadd.s32 s3, s9;
	s6 =	sadd.s32 @!p0 $0x88, s6;
	s7 =	simm.s32 @p2 $0x1082  }
0x22: {  	[simem:s7], [sflag:s8] =	dma.local @!p0 [hbm:s6], $0xF7A  }
0x23: {  	s9 =	sor.u32 $0xD0000000, s2;
	s6 =	simm.s32 $0x108;
	_ =	swait.ge @!p0 [sflag:s8], $0x0  }
0x24: {  	s3 =	sadd.s32 $0x88, s3;
	s6 =	simm.s32 @!p1 $0x1082;
	[sflag:s4] =	ssyncset.s32 $0xFFFFF086  }
0x25: {  	[simem:s6], [sflag:s4] =	dma.local [hbm:s3], $0xF7A  }
0x26: {  	[smem:$0x3F9B] =	sst s1;
	(tag) =	ssettag s2;
	_ =	strace s9  }
0x27: {  	s1 =	sld [smem:$0x3FAB]  }
0x28: {  	s2 =	sld [smem:$0x3FAC]  }
0x29: {  	s4 =	sld [smem:$0x3FAE]  }
0x2a: {  	p0 =	seq.s32 s5, $0x0;
	s5 =	sld [smem:$0x3FAF]  }
0x2b: {  	s6 =	sld [smem:$0x3FB0]  }
0x2c: {  	s7 =	sld [smem:$0x3FB1]  }
0x2d: {  	s3 =	simm.s32 $0x108;
	s8 =	sld [smem:$0x3FB2]  }
0x2e: {  	s3 =	simm.s32 @!p0 $0x1082;
	s9 =	sld [smem:$0x3FB3]  }
0x2f: {  	lr =	sadd.s32 s0, s3;
	s0 =	sld [smem:$0x3FAA]  }
0x30: {  	s3 =	sld [smem:$0x3FAD]  }
0x31: {  	[smem:$0x3FB6] =	sst s10  }
0x32: {  	s10 =	sld [smem:$0x3FB4];
	_ =	sdelay $0x3  }
0x33: {  	p0 =	seq.s32 s10, $0x1;
	s10 =	sld [smem:$0x3FB6];
	_ =	sdelay $0x3  }
0x34: {  	[smem:$0x3FB6] =	sst s10  }
0x35: {  	s10 =	sld [smem:$0x3FB5];
	_ =	sdelay $0x3  }
0x36: {  	p1 =	seq.s32 s10, $0x1;
	s10 =	sld [smem:$0x3FB6];
	_ =	sdelay $0x3  }
0x37: {  	[smem:$0x3FB6] =	sst s10  }
0x38: {  	s10 =	sld [smem:$0x3FB7]  }
0x39: {  	_ = 	snop;
	(pc) =	sbr.ind lr, $3  }
0x3a: {  	_ = 	snop  }
0x3b: {  	_ = 	snop  }
0x3c: {  	p2 =	seq.s32 s10, $0x1;
	s10 =	sld [smem:$0x3FB6]  }
0x3d: {  	_ =	shalt  }
0x3e: {  	_ =	shalt  }
0x3f: {  	_ =	shalt  }
0x40: {  	_ =	shalt  }
0x41: {  	_ =	shalt  }
0x42: {  	_ =	shalt  }
0x43: {  	_ =	shalt  }
0x44: {  	_ =	shalt  }
0x45: {  	_ =	shalt  }
0x46: {  	_ =	shalt  }
0x47: {  	_ =	shalt  }
0x48: {  	_ =	shalt  }
0x49: {  	_ =	shalt  }
0x4a: {  	_ =	shalt  }
0x4b: {  	_ =	shalt  }
0x4c: {  	_ =	shalt  }
0x4d: {  	_ =	shalt  }
0x4e: {  	_ =	shalt  }
0x4f: {  	_ =	shalt  }
0x50: {  	_ =	shalt  }
0x51: {  	_ =	shalt  }
0x52: {  	_ =	shalt  }
0x53: {  	_ =	shalt  }
0x54: {  	_ =	shalt  }
0x55: {  	_ =	shalt  }
0x56: {  	_ =	shalt  }
0x57: {  	_ =	shalt  }
0x58: {  	_ =	shalt  }
0x59: {  	_ =	shalt  }
0x5a: {  	_ =	shalt  }
0x5b: {  	_ =	shalt  }
0x5c: {  	_ =	shalt  }
0x5d: {  	_ =	shalt  }
0x5e: {  	_ =	shalt  }
0x5f: {  	_ =	shalt  }
0x60: {  	_ =	shalt  }
0x61: {  	_ =	shalt  }
0x62: {  	_ =	shalt  }
0x63: {  	_ =	shalt  }
0x64: {  	_ =	shalt  }
0x65: {  	_ =	shalt  }
0x66: {  	_ =	shalt  }
0x67: {  	_ =	shalt  }
0x68: {  	_ =	shalt  }
0x69: {  	_ =	shalt  }
0x6a: {  	_ =	shalt  }
0x6b: {  	_ =	shalt  }
0x6c: {  	_ =	shalt  }
0x6d: {  	_ =	shalt  }
0x6e: {  	_ =	shalt  }
0x6f: {  	_ =	shalt  }
0x70: {  	_ =	shalt  }
0x71: {  	_ =	shalt  }
0x72: {  	_ =	shalt  }
0x73: {  	_ =	shalt  }
0x74: {  	_ =	shalt  }
0x75: {  	_ =	shalt  }
0x76: {  	_ =	shalt  }
0x77: {  	_ =	shalt  }
0x78: {  	_ =	shalt  }
0x79: {  	_ =	shalt  }
0x7a: {  	_ =	shalt  }
0x7b: {  	_ =	shalt  }
0x7c: {  	_ =	shalt  }
0x7d: {  	_ =	shalt  }
0x7e: {  	_ =	shalt  }
0x7f: {  	_ =	shalt  }
0x80: {  	_ =	shalt  }
0x81: {  	_ =	shalt  }
0x82: {  	_ =	shalt  }
0x83: {  	_ =	shalt  }
0x84: {  	_ =	shalt  }
0x85: {  	_ =	shalt  }
0x86: {  	_ =	shalt  }
0x87: {  	_ =	shalt  }
.Lfunc_end0:
.L_simem_size_0:
called_computation_lowered:
.L_overlay_start_0:
0x88: {  	s2 =	sld [smem:$0x3FD9]  }
0x89: {  	s3 =	sld [smem:$0x3FFE];
	_ =	sdelay $0x1  }
0x8a: {  	s1 =	srdreg.scid  }
0x8b: {  	s0 =	sand.u32 $0x1, s1  }
0x8c: {  	s14 =	sshll.u32 s0, $0xA;
	s2 =	sadd.s32 s3, s2  }
0x8d: {  	s2 =	sadd.s32 s2, s14  }
0x8e: {  	[smem:$0x3FC2] =	sst s2  }
0x8f: {  	_ = 	snop  }
0x90: {  	s2 =	sld [smem:$0x3FD0];
	_ =	sdelay $0x2  }
0x91: {  	s15 =	simm.s32 $0xA;
	s4 =	simm.s32 $0x10  }
0x92: {  	[smem:s4], [sflag:s15] =	dma.local [hbm:s2], $0x1  }
0x93: {  	_ =	swait.eq [sflag:s15], $0x1  }
0x94: {  	[sflag:s15] =	ssyncset.done $0x0  }
0x95: {  	[sflag:s15] =	ssyncadd.s32 $0xFFFFFFFF  }
0x96: {  	s16 =	sld [smem:$0x10];
	(tm) =	ssettm $0x1  }
0x97: {  	s17 =	sld [smem:$0x3FFB];
	_ =	sdelay $0x3  }
0x98: {  	_ =	strace s17  }
0x99: {  	s3 =	sld [smem:$0x3FFC];
	_ =	sdelay $0x3  }
0x9a: {  	_ =	strace s3  }
0x9b: {  	s3 =	sld [smem:$0x3FFD];
	_ =	sdelay $0x3  }
0x9c: {  	_ =	strace s3  }
0x9d: {  	_ =	strace $0x8FFFFFFF  }
0x9e: {  	s18 =	sld [smem:$0x3FDB];
	_ =	sdelay $0x1  }
0x9f: {  	s19 =	simm.s32 $_scs_section_size  }
0xa0: {  	s5 =	simm.s32 $_size__tile_overlayer_lowered;
	s6 =	simm.s32 $_tile_overlayer_lowered  }
0xa1: {  	s22 =	simm.s32 $0x1BFF;
	s21 =	sshll.u32 s6, $0x1;
	s3 =	sadd.s32 s19, s18  }
0xa2: {  	s7 =	simm.s32 $0x0;
	s20 =	sshll.u32 s5, $0x1;
	s5 =	sadd.s32 s21, s3  }
0xa3: {  	[timem:s7], [sflag:s22] =	dma.local [hbm:s5], s20  }
0xa4: {  	_ =	swait.ge [sflag:s22], s20  }
0xa5: {  	s4 =	ssub.s32 $0x0, s20;
	[sflag:s22] =	ssyncset.done $0x0  }
0xa6: {  	[sflag:s22] =	ssyncadd.s32 s4;
	_ =	sdelay $0x1  }
0xa7: {  	s23 =	simm.s32 $0x1B8B  }
0xa8: {  	_ =	swait.ge [sflag:s23], $0x1  }
0xa9: {  	[sflag:s23] =	ssyncset.done $0x0  }
0xaa: {  	s25 =	simm.s32 $0x1B8E;
	s24 =	sld [smem:$0x3FFE];
	[sflag:s23] =	ssyncadd.s32 $0xFFFFFFFF  }
0xab: {  	s26 =	simm.s32 $execute0_lowered;
	[smem:$0x3FD2] =	sst s25  }
0xac: {  	s5 =	sshll.u32 s26, $0x1;
	_ =	strace $0x80000046;
	[dreg:$0x1] =	wrdreg $0xFFFFFFFF  }
0xad: {  	s28 =	simm.s32 $_size_execute0_lowered;
	s3 =	sadd.s32 s3, s5;
	[dreg:$0x0] =	wrdreg $0x0  }
0xae: {  	s5 =	sshll.u32 s28, $0x1;
	[dreg:$0x2] =	wrdreg s3  }
0xaf: {  	[dreg:$0x3] =	wrdreg s5  }
0xb0: {  	[dreg:$0x4] =	wrdreg $0xC0  }
0xb1: {  	_ =	task [dreg:s7], $0x5FFFF  }
0xb2: {  	[dreg:$0x1] =	wrdreg $0xFFFFFFFF  }
0xb3: {  	[dreg:$0x0] =	wrdreg $0x60  }
0xb4: {  	[dreg:$0x2] =	wrdreg s16  }
0xb5: {  	[dreg:$0x3] =	wrdreg s24  }
0xb6: {  	[dreg:$0x4] =	wrdreg $0x9  }
0xb7: {  	_ =	task.clear_ibuf [dreg:s7], $0x5FFFF;
	_ =	strace $0x90000046  }
0xb8: {  	s29 =	simm.s32 $0x9;
	_ =	strace $0x80000048  }
0xb9: {  	_ =	swait.ge [sflag:s29], $0x1  }
0xba: {  	[sflag:s29] =	ssyncadd.s32 $0xFFFFFFFF  }
0xbb: {  	_ =	strace $0x90000048  }
0xbc: {  	_ =	sfence  }
0xbd: {  	s30 =	sld [smem:$0x0];
	_ =	sdelay $0x2  }
0xbe: {  	s31 =	sshll.u32 s1, $0xD;
	s1 =	sshrl.u32 s1, $0x2  }
0xbf: {  	s3 =	sand.u32 $0x4000, s31;
	s1 =	sadd.s32 s1, s30  }
0xc0: {  	s0 =	sor.u32 s3, s0;
	s1 =	sshll.u32 s1, $0x11  }
0xc1: {  	s0 =	sor.u32 s1, s0  }
0xc2: {  	s0 =	sadd.s32 $0x8F2B, s0  }
0xc3: {  	[sflag:s0] =	ssyncadd.remote.s32 $0x1  }
0xc4: {  	_ =	sfence.sel $0xFFFF  }
0xc5: {  	[dreg:$0x0] =	wrdreg $0xFFFFFFFF;
	(pc) =	sbr.abs _section_cstart, $3  }
0xc6: {  	[dreg:$0x1] =	wrdreg $0xFFFFFFFF  }
0xc7: {  	_ =	task.clear_ibuf [dreg:s7], $0x2FFFF;
	_ =	strace $0x9FFFFFFF  }
0xc8: {  	(tm) =	ssettm $0x7FFFFFFF  }
0xc9: {  	_ =	shalt  }
tec
execute0_lowered:
.L_overlay_start_1:
0x0: {  	(tag) =	ssettag $0x1  }
0x1: {  	s3 =	rddreg [dreg:$0x0]  }
0x2: {  	s0 =	srdreg.scid;
	s5 =	rddreg [dreg:$0x1]  }
0x3: {  	s1 =	stileid.u32;
	s2 =	simm.s32 $0x0;
	s4 =	sand.u32 $0x1, s0  }
0x4: {  	s10 =	simm.s32 $0x2780;
	s11 =	simm.s32 $0x0;
	s6 =	sshll.u32 s4, $0x4  }
0x5: {  	s0 =	rddreg [dreg:$0x2];
	s4 =	ssub.s32 $0x2, s4;
	s6 =	sor.u32 s1, s6  }
0x6: {  	[smem:$0x7FF] =	sst s2;
	s8 =	sshrl.u32 s4, $0x1;
	s7 =	smul.u32 $0x4F0, s6  }
0x7: {  	_ =	strace $0x80000047;
	s6 =	sshll.u32 s6, $0xB;
	s8 =	ssub.s32 s4, s8  }
0x8: {  	s9 =	sadd.s32 s6, s5;
	s3 =	sadd.s32 s3, s6;
	s7 =	sadd.s32 s7, s5  }
0x9: {  	s4 =	sadd.s32 $0xE00, s9;
	s9 =	simm.s32 $0x1;
	s5 =	sadd.s32 $0x10E00, s7  }
0xa: {  	v0 =	vimm.f32 $0.0e+00;
	v1 =	vimm.f32 $1.000000000e+00;
	s6 =	sadd.s32 $0x1AC00, s7;
	s7 =	smax.u32 s8, $0x1;
	s8 =	simm.s32 $0x4F00  }
.LBB2_1:
0xb: {  	s12 =	simm.s32 $0x40;
	s13 =	simm.s32 $0x0  }
.LBB2_2:
0xc: {  	p0 =	sne.s32 s12, $0x9C00;
	[tilespmem:s13+$0x0] =	vst v0;
	s14 =	smov.u32 s12;
	s12 =	sadd.s32 $0x40, s12  }
.Ltmp0:
0xd: {  	[tilespmem:s13+$0x2780] =	vst v0;
	(pc) =	sbr.rel @p0 .LBB2_2-.Ltmp0, $2  }
0xe: {  	_ =	sdelay $0x2  }
0xf: {  	s13 =	sshra.s32 s14, $0x2  }
0x10: {  	[tilespmem:s13+$0x0] =	vst v0  }
0x11: {  	[tilespmem:s13+$0x2780] =	vst v0;
	s12 =	simm.s32 $0x0  }
0x12: {  	[tilespmem:s8], [sflag:$0x1] =	stream.linear.gather [hbm4b:s3+s12], $0x3E80, $0x38;
	[tilespmem:$0x8F00] =	vst v63  }
0x13: {  	_ =	swait.ge [sflag:s9], $0x3E80  }
0x14: {  	[sflag:s9] =	ssyncset.done $0x0  }
0x15: {  	[sflag:s9] =	ssyncadd.s32 $0xFFFFC180  }
.LBB2_4:
0x16: {  	s13 =	sshra.s32 s12, $0x2  }
0x17: {  	v2 =	vld [tilespmem:s13+$0x4F00];
	_ =	sdelay $0x7  }
0x18: {  	[tilespmem:v2+s2+$0x0] =	vst.idx.add.f32.msk $0xffff, v1  }
0x19: {  	v2 =	vld [tilespmem:s13+$0x4F10];
	_ =	sdelay $0x7  }
0x1a: {  	[tilespmem:v2+s2+$0x0] =	vst.idx.add.f32.msk $0xffff, v1  }
0x1b: {  	v2 =	vld [tilespmem:s13+$0x4F20];
	_ =	sdelay $0x7  }
0x1c: {  	[tilespmem:v2+s2+$0x0] =	vst.idx.add.f32.msk $0xffff, v1  }
0x1d: {  	v2 =	vld [tilespmem:s13+$0x4F30];
	_ =	sdelay $0x7  }
0x1e: {  	[tilespmem:v2+s2+$0x0] =	vst.idx.add.f32.msk $0xffff, v1  }
0x1f: {  	v2 =	vld [tilespmem:s13+$0x4F40];
	_ =	sdelay $0x2  }
0x20: {  	p0 =	sne.s32 s12, $0xF800  }
.Ltmp1:
0x21: {  	_ = 	snop;
	(pc) =	sbr.rel @p0 .LBB2_4-.Ltmp1, $2  }
0x22: {  	_ =	sdelay $0x2  }
0x23: {  	s12 =	sadd.s32 $0x200, s12;
	[tilespmem:v2+s2+$0x0] =	vst.idx.add.f32.msk $0xffff, v1  }
0x24: {  	s12 =	simm.s32 $0x0  }
0x25: {  	[tilespmem:s8], [sflag:$0x1] =	stream.linear.gather [hbm4b:s4+s12], $0x3E80, $0x38;
	[tilespmem:$0x8F00] =	vst v63  }
0x26: {  	_ =	swait.ge [sflag:s9], $0x3E80  }
0x27: {  	[sflag:s9] =	ssyncset.done $0x0  }
0x28: {  	[sflag:s9] =	ssyncadd.s32 $0xFFFFC180  }
.LBB2_6:
0x29: {  	s13 =	sshra.s32 s12, $0x2  }
0x2a: {  	v2 =	vld [tilespmem:s13+$0x4F00];
	_ =	sdelay $0x7  }
0x2b: {  	[tilespmem:v2+s10+$0x0] =	vst.idx.add.f32.msk $0xffff, v1  }
0x2c: {  	v2 =	vld [tilespmem:s13+$0x4F10];
	_ =	sdelay $0x7  }
0x2d: {  	[tilespmem:v2+s10+$0x0] =	vst.idx.add.f32.msk $0xffff, v1  }
0x2e: {  	v2 =	vld [tilespmem:s13+$0x4F20];
	_ =	sdelay $0x7  }
0x2f: {  	[tilespmem:v2+s10+$0x0] =	vst.idx.add.f32.msk $0xffff, v1  }
0x30: {  	v2 =	vld [tilespmem:s13+$0x4F30];
	_ =	sdelay $0x7  }
0x31: {  	[tilespmem:v2+s10+$0x0] =	vst.idx.add.f32.msk $0xffff, v1  }
0x32: {  	v2 =	vld [tilespmem:s13+$0x4F40];
	_ =	sdelay $0x2  }
0x33: {  	p0 =	sne.s32 s12, $0xF800  }
.Ltmp2:
0x34: {  	_ = 	snop;
	(pc) =	sbr.rel @p0 .LBB2_6-.Ltmp2, $2  }
0x35: {  	_ =	sdelay $0x2  }
0x36: {  	s12 =	sadd.s32 $0x200, s12;
	[tilespmem:v2+s10+$0x0] =	vst.idx.add.f32.msk $0xffff, v1  }
0x37: {  	[hbm4b:s5+s2] =	stream.linear.scatter [tilespmem:s2], [sflag:$0x1], $0x2780, $0x38;
	[tilespmem:$0x8F00] =	vst v63  }
0x38: {  	s11 =	sadd.s32 $0x1, s11;
	_ =	swait.ge [sflag:s9], $0x2780  }
0x39: {  	p0 =	sne.s32 s11, s7;
	[sflag:s9] =	ssyncset.done $0x0  }
.Ltmp3:
0x3a: {  	[sflag:s9] =	ssyncadd.s32 $0xFFFFD880;
	(pc) =	sbr.rel @p0 .LBB2_1-.Ltmp3, $4  }
0x3b: {  	[hbm4b:s6+s2] =	stream.linear.scatter [tilespmem:s10], [sflag:$0x1], $0x2780, $0x38;
	[tilespmem:$0x8F00] =	vst v63  }
0x3c: {  	_ =	swait.ge [sflag:s9], $0x2780  }
0x3d: {  	[sflag:s9] =	ssyncset.done $0x0  }
0x3e: {  	[sflag:s9] =	ssyncadd.s32 $0xFFFFD880  }
0x3f: {  	_ =	sfence.sel $0x180000  }
0x40: {  	[bflag:$0x0] =	sbarrier.arrive $0xFFFF  }
0x41: {  	p0 =	sne.s32 s1, $0x0;
	_ =	strace $0x90000047  }
0x42: {  	s0 =	sadd.s32 @!p0 $0x100000, s0;
	[bflag:$0x2] =	sbarrier.arrive $0xFFFF  }
0x43: {  	[sflag:s0] =	ssyncadd.tile.s32 @!p0 $0x1;
	_ =	shalt  }
.Lfunc_end2:
_tile_overlayer_lowered:
.L_overlay_start_2:
0x44: {  	(tag) =	ssettag $0x2  }
0x45: {  	s0 =	rddreg [dreg:$0x0];
	s2 =	stileid.u32  }
0x46: {  	s1 =	rddreg [dreg:$0x1];
	p0 =	sne.s32 s2, $0x0  }
0x47: {  	s3 =	rddreg [dreg:$0x2];
	[bflag:$0x3] =	sbarrier.arrive $0xFFFF;
	s2 =	simm.s32 @!p0 $0x1C01  }
0x48: {  	[timem:s3], [sflag:s2] =	dma.local @!p0 [hbm:s0], s1  }
0x49: {  	s0 =	simm.s32 @!p0 $0x1  }
0x4a: {  	_ =	swait.ge @!p0 [sflag:s0], s1  }
0x4b: {  	s1 =	ssub.s32 @!p0 $0x0, s1;
	[sflag:s0] =	ssyncset.done @!p0 $0x0  }
0x4c: {  	[sflag:s0] =	ssyncadd.s32 @!p0 s1  }
0x4d: {  	[bflag:$0x3] =	sbarrier.arrive $0xFFFF  }
0x4e: {  	_ =	shalt  }

// kernel: kernel.9.cloned.1.call-start
scs
__scs_entry_jumppad:
0x0: {  	(pc) =	sbr.rel $0x88, $3  }
0x1: {  	(tag) =	ssettag $0x0;
	lr =	simm.s32 $0x1  }
0x2: {  	[smem:$0x3F9B] =	sst lr;
	_ =	strace $0xD0000000  }
0x3: {  	_ = 	snop  }
0x4: {  	_ = 	snop  }
0x5: {  	_ = 	snop  }
0x6: {  	_ = 	snop  }
0x7: {  	_ = 	snop  }
__scs_overlays_trampoline_lowered:
0x8: {  	[smem:$0x3FAA] =	sst s0  }
0x9: {  	[smem:$0x3FAB] =	sst s1  }
0xa: {  	[smem:$0x3FAC] =	sst s2  }
0xb: {  	[smem:$0x3FAD] =	sst s3  }
0xc: {  	[smem:$0x3FAE] =	sst s4  }
0xd: {  	[smem:$0x3FAF] =	sst s5  }
0xe: {  	[smem:$0x3FB0] =	sst s6  }
0xf: {  	[smem:$0x3FB1] =	sst s7  }
0x10: {  	[smem:$0x3FB2] =	sst s8  }
0x11: {  	[smem:$0x3FB3] =	sst s9;
	s0 =	simm.s32 @!p0 $0x0  }
0x12: {  	s1 =	sld [smem:$0x3F99];
	s0 =	simm.s32 @p0 $0x1  }
0x13: {  	[smem:$0x3FB4] =	sst s0;
	s0 =	simm.s32 @!p1 $0x0  }
0x14: {  	s2 =	sld [smem:$0x3F98];
	s0 =	simm.s32 @p1 $0x1  }
0x15: {  	[smem:$0x3FB5] =	sst s0;
	s0 =	simm.s32 @!p2 $0x0  }
0x16: {  	s3 =	sld [smem:$0x3FDB];
	s0 =	simm.s32 @p2 $0x1  }
0x17: {  	s4 =	simm.s32 $0x1BF5;
	[smem:$0x3FB7] =	sst s0  }
0x18: {  	s0 =	sld [smem:$0x3F9A];
	_ =	swait.ge [sflag:s4], $0x0  }
0x19: {  	s7 =	sld [smem:$0x3F9B]  }
0x1a: {  	s8 =	sadd.s32 $0xFFFFE003, lr  }
0x1b: {  	s9 =	sadd.s32 $0xFFFFFEF7, lr;
	s5 =	simm.s32 $0xFFFFFFFF;
	p2 =	slt.u32 s8, $0xFFFFF086  }
0x1c: {  	p1 =	slt.u32 s9, $0xF7A;
	s5 =	simm.s32 @!p2 $0x0  }
0x1d: {  	s5 =	simm.s32 @p1 $0x1;
	p0 =	seq.s32 s7, s2  }
0x1e: {  	s7 =	smul.u32 @!p0 $0xF7A, s2;
	p2 =	seq.s32 @!p0 s5, $0x0  }
0x1f: {  	s9 =	smul.u32 $0xF7A, s1;
	s8 =	simm.s32 @!p0 $0x1BF5;
	p2 =	por !p2, p0  }
0x20: {  	[sflag:s8] =	ssyncset.s32 @!p0 $0xFFFFF086;
	s6 =	sadd.s32 @!p0 s3, s7;
	s7 =	simm.s32 @!p0 $0x108  }
0x21: {  	s3 =	sadd.s32 s3, s9;
	s6 =	sadd.s32 @!p0 $0x88, s6;
	s7 =	simm.s32 @p2 $0x1082  }
0x22: {  	[simem:s7], [sflag:s8] =	dma.local @!p0 [hbm:s6], $0xF7A  }
0x23: {  	s9 =	sor.u32 $0xD0000000, s2;
	s6 =	simm.s32 $0x108;
	_ =	swait.ge @!p0 [sflag:s8], $0x0  }
0x24: {  	s3 =	sadd.s32 $0x88, s3;
	s6 =	simm.s32 @!p1 $0x1082;
	[sflag:s4] =	ssyncset.s32 $0xFFFFF086  }
0x25: {  	[simem:s6], [sflag:s4] =	dma.local [hbm:s3], $0xF7A  }
0x26: {  	[smem:$0x3F9B] =	sst s1;
	(tag) =	ssettag s2;
	_ =	strace s9  }
0x27: {  	s1 =	sld [smem:$0x3FAB]  }
0x28: {  	s2 =	sld [smem:$0x3FAC]  }
0x29: {  	s4 =	sld [smem:$0x3FAE]  }
0x2a: {  	p0 =	seq.s32 s5, $0x0;
	s5 =	sld [smem:$0x3FAF]  }
0x2b: {  	s6 =	sld [smem:$0x3FB0]  }
0x2c: {  	s7 =	sld [smem:$0x3FB1]  }
0x2d: {  	s3 =	simm.s32 $0x108;
	s8 =	sld [smem:$0x3FB2]  }
0x2e: {  	s3 =	simm.s32 @!p0 $0x1082;
	s9 =	sld [smem:$0x3FB3]  }
0x2f: {  	lr =	sadd.s32 s0, s3;
	s0 =	sld [smem:$0x3FAA]  }
0x30: {  	s3 =	sld [smem:$0x3FAD]  }
0x31: {  	[smem:$0x3FB6] =	sst s10  }
0x32: {  	s10 =	sld [smem:$0x3FB4];
	_ =	sdelay $0x3  }
0x33: {  	p0 =	seq.s32 s10, $0x1;
	s10 =	sld [smem:$0x3FB6];
	_ =	sdelay $0x3  }
0x34: {  	[smem:$0x3FB6] =	sst s10  }
0x35: {  	s10 =	sld [smem:$0x3FB5];
	_ =	sdelay $0x3  }
0x36: {  	p1 =	seq.s32 s10, $0x1;
	s10 =	sld [smem:$0x3FB6];
	_ =	sdelay $0x3  }
0x37: {  	[smem:$0x3FB6] =	sst s10  }
0x38: {  	s10 =	sld [smem:$0x3FB7]  }
0x39: {  	_ = 	snop;
	(pc) =	sbr.ind lr, $3  }
0x3a: {  	_ = 	snop  }
0x3b: {  	_ = 	snop  }
0x3c: {  	p2 =	seq.s32 s10, $0x1;
	s10 =	sld [smem:$0x3FB6]  }
0x3d: {  	_ =	shalt  }
0x3e: {  	_ =	shalt  }
0x3f: {  	_ =	shalt  }
0x40: {  	_ =	shalt  }
0x41: {  	_ =	shalt  }
0x42: {  	_ =	shalt  }
0x43: {  	_ =	shalt  }
0x44: {  	_ =	shalt  }
0x45: {  	_ =	shalt  }
0x46: {  	_ =	shalt  }
0x47: {  	_ =	shalt  }
0x48: {  	_ =	shalt  }
0x49: {  	_ =	shalt  }
0x4a: {  	_ =	shalt  }
0x4b: {  	_ =	shalt  }
0x4c: {  	_ =	shalt  }
0x4d: {  	_ =	shalt  }
0x4e: {  	_ =	shalt  }
0x4f: {  	_ =	shalt  }
0x50: {  	_ =	shalt  }
0x51: {  	_ =	shalt  }
0x52: {  	_ =	shalt  }
0x53: {  	_ =	shalt  }
0x54: {  	_ =	shalt  }
0x55: {  	_ =	shalt  }
0x56: {  	_ =	shalt  }
0x57: {  	_ =	shalt  }
0x58: {  	_ =	shalt  }
0x59: {  	_ =	shalt  }
0x5a: {  	_ =	shalt  }
0x5b: {  	_ =	shalt  }
0x5c: {  	_ =	shalt  }
0x5d: {  	_ =	shalt  }
0x5e: {  	_ =	shalt  }
0x5f: {  	_ =	shalt  }
0x60: {  	_ =	shalt  }
0x61: {  	_ =	shalt  }
0x62: {  	_ =	shalt  }
0x63: {  	_ =	shalt  }
0x64: {  	_ =	shalt  }
0x65: {  	_ =	shalt  }
0x66: {  	_ =	shalt  }
0x67: {  	_ =	shalt  }
0x68: {  	_ =	shalt  }
0x69: {  	_ =	shalt  }
0x6a: {  	_ =	shalt  }
0x6b: {  	_ =	shalt  }
0x6c: {  	_ =	shalt  }
0x6d: {  	_ =	shalt  }
0x6e: {  	_ =	shalt  }
0x6f: {  	_ =	shalt  }
0x70: {  	_ =	shalt  }
0x71: {  	_ =	shalt  }
0x72: {  	_ =	shalt  }
0x73: {  	_ =	shalt  }
0x74: {  	_ =	shalt  }
0x75: {  	_ =	shalt  }
0x76: {  	_ =	shalt  }
0x77: {  	_ =	shalt  }
0x78: {  	_ =	shalt  }
0x79: {  	_ =	shalt  }
0x7a: {  	_ =	shalt  }
0x7b: {  	_ =	shalt  }
0x7c: {  	_ =	shalt  }
0x7d: {  	_ =	shalt  }
0x7e: {  	_ =	shalt  }
0x7f: {  	_ =	shalt  }
0x80: {  	_ =	shalt  }
0x81: {  	_ =	shalt  }
0x82: {  	_ =	shalt  }
0x83: {  	_ =	shalt  }
0x84: {  	_ =	shalt  }
0x85: {  	_ =	shalt  }
0x86: {  	_ =	shalt  }
0x87: {  	_ =	shalt  }
.Lfunc_end0:
.L_simem_size_0:
called_computation.1_lowered:
.L_overlay_start_0:
0x88: {  	s2 =	sld [smem:$0x3FD9]  }
0x89: {  	s3 =	sld [smem:$0x3FFE];
	_ =	sdelay $0x1  }
0x8a: {  	s1 =	srdreg.scid  }
0x8b: {  	s0 =	sand.u32 $0x1, s1  }
0x8c: {  	s14 =	sshll.u32 s0, $0xA;
	s2 =	sadd.s32 s3, s2  }
0x8d: {  	s2 =	sadd.s32 s2, s14  }
0x8e: {  	[smem:$0x3FC2] =	sst s2  }
0x8f: {  	_ = 	snop  }
0x90: {  	s2 =	sld [smem:$0x3FD0];
	_ =	sdelay $0x2  }
0x91: {  	s15 =	simm.s32 $0xA;
	s4 =	simm.s32 $0x10  }
0x92: {  	[smem:s4], [sflag:s15] =	dma.local [hbm:s2], $0x1  }
0x93: {  	_ =	swait.eq [sflag:s15], $0x1  }
0x94: {  	[sflag:s15] =	ssyncset.done $0x0  }
0x95: {  	[sflag:s15] =	ssyncadd.s32 $0xFFFFFFFF  }
0x96: {  	s16 =	sld [smem:$0x10];
	(tm) =	ssettm $0x1  }
0x97: {  	s17 =	sld [smem:$0x3FFB];
	_ =	sdelay $0x3  }
0x98: {  	_ =	strace s17  }
0x99: {  	s3 =	sld [smem:$0x3FFC];
	_ =	sdelay $0x3  }
0x9a: {  	_ =	strace s3  }
0x9b: {  	s3 =	sld [smem:$0x3FFD];
	_ =	sdelay $0x3  }
0x9c: {  	_ =	strace s3  }
0x9d: {  	_ =	strace $0x8FFFFFFF  }
0x9e: {  	s18 =	sld [smem:$0x3FDB];
	_ =	sdelay $0x1  }
0x9f: {  	s19 =	simm.s32 $_scs_section_size  }
0xa0: {  	s5 =	simm.s32 $_size__tile_overlayer_lowered;
	s6 =	simm.s32 $_tile_overlayer_lowered  }
0xa1: {  	s22 =	simm.s32 $0x1BFF;
	s21 =	sshll.u32 s6, $0x1;
	s3 =	sadd.s32 s19, s18  }
0xa2: {  	s7 =	simm.s32 $0x0;
	s20 =	sshll.u32 s5, $0x1;
	s5 =	sadd.s32 s21, s3  }
0xa3: {  	[timem:s7], [sflag:s22] =	dma.local [hbm:s5], s20  }
0xa4: {  	_ =	swait.ge [sflag:s22], s20  }
0xa5: {  	s4 =	ssub.s32 $0x0, s20;
	[sflag:s22] =	ssyncset.done $0x0  }
0xa6: {  	[sflag:s22] =	ssyncadd.s32 s4;
	_ =	sdelay $0x1  }
0xa7: {  	s23 =	simm.s32 $0x1B8B  }
0xa8: {  	_ =	swait.ge [sflag:s23], $0x1  }
0xa9: {  	[sflag:s23] =	ssyncset.done $0x0  }
0xaa: {  	s25 =	simm.s32 $0x1B8E;
	s24 =	sld [smem:$0x3FFE];
	[sflag:s23] =	ssyncadd.s32 $0xFFFFFFFF  }
0xab: {  	s26 =	simm.s32 $execute0_lowered;
	[smem:$0x3FD2] =	sst s25  }
0xac: {  	s5 =	sshll.u32 s26, $0x1;
	_ =	strace $0x80000049;
	[dreg:$0x1] =	wrdreg $0xFFFFFFFF  }
0xad: {  	s28 =	simm.s32 $_size_execute0_lowered;
	s3 =	sadd.s32 s3, s5;
	[dreg:$0x0] =	wrdreg $0x0  }
0xae: {  	s5 =	sshll.u32 s28, $0x1;
	[dreg:$0x2] =	wrdreg s3  }
0xaf: {  	[dreg:$0x3] =	wrdreg s5  }
0xb0: {  	[dreg:$0x4] =	wrdreg $0xC0  }
0xb1: {  	_ =	task [dreg:s7], $0x5FFFF  }
0xb2: {  	[dreg:$0x1] =	wrdreg $0xFFFFFFFF  }
0xb3: {  	[dreg:$0x0] =	wrdreg $0x60  }
0xb4: {  	[dreg:$0x2] =	wrdreg s16  }
0xb5: {  	[dreg:$0x3] =	wrdreg s24  }
0xb6: {  	[dreg:$0x4] =	wrdreg $0xAC000  }
0xb7: {  	[dreg:$0x5] =	wrdreg $0x9  }
0xb8: {  	_ =	task.clear_ibuf [dreg:s7], $0x6FFFF;
	_ =	strace $0x90000049  }
0xb9: {  	s29 =	simm.s32 $0x9;
	_ =	strace $0x8000004B  }
0xba: {  	_ =	swait.ge [sflag:s29], $0x1  }
0xbb: {  	[sflag:s29] =	ssyncadd.s32 $0xFFFFFFFF  }
0xbc: {  	_ =	strace $0x9000004B  }
0xbd: {  	_ =	sfence  }
0xbe: {  	s30 =	sld [smem:$0x0];
	_ =	sdelay $0x2  }
0xbf: {  	s31 =	sshll.u32 s1, $0xD;
	s1 =	sshrl.u32 s1, $0x2  }
0xc0: {  	s3 =	sand.u32 $0x4000, s31;
	s1 =	sadd.s32 s1, s30  }
0xc1: {  	s0 =	sor.u32 s3, s0;
	s1 =	sshll.u32 s1, $0x11  }
0xc2: {  	s0 =	sor.u32 s1, s0  }
0xc3: {  	s0 =	sadd.s32 $0x8F2B, s0  }
0xc4: {  	[sflag:s0] =	ssyncadd.remote.s32 $0x1  }
0xc5: {  	_ =	sfence.sel $0xFFFF  }
0xc6: {  	[dreg:$0x0] =	wrdreg $0xFFFFFFFF;
	(pc) =	sbr.abs _section_cstart, $3  }
0xc7: {  	[dreg:$0x1] =	wrdreg $0xFFFFFFFF  }
0xc8: {  	_ =	task.clear_ibuf [dreg:s7], $0x2FFFF;
	_ =	strace $0x9FFFFFFF  }
0xc9: {  	(tm) =	ssettm $0x7FFFFFFF  }
tec
execute0_lowered:
.L_overlay_start_1:
0x0: {  	(tag) =	ssettag $0x1  }
0x1: {  	s0 =	srdreg.scid;
	s1 =	rddreg [dreg:$0x0]  }
0x2: {  	s2 =	rddreg [dreg:$0x1];
	s9 =	stileid.u32  }
0x3: {  	s3 =	rddreg [dreg:$0x2];
	s11 =	simm.s32 $0x1;
	s14 =	simm.s32 $0xA800  }
0x4: {  	s15 =	simm.s32 $0xAA00;
	s16 =	simm.s32 $0xA900;
	s17 =	simm.s32 $0xAB00  }
0x5: {  	s18 =	simm.s32 $0x7D;
	s20 =	simm.s32 $0x4000;
	s21 =	simm.s32 $0x5  }
0x6: {  	s28 =	simm.s32 $0x6;
	s29 =	simm.s32 $0xA980;
	s30 =	simm.s32 $0x0  }
0x7: {  	s31 =	simm.s32 $0x0;
	s0 =	sand.u32 $0x1, s0;
	s24 =	smul.u32 $0xA000, s9  }
0x8: {  	s23 =	ssub.s32 $0x8C, s9;
	s26 =	smul.u32 $0x500, s9;
	s4 =	sshll.u32 s0, $0x4  }
0x9: {  	s6 =	smul.u32 $0x27100, s0;
	s0 =	ssub.s32 $0x2, s0;
	s5 =	sor.u32 s9, s4  }
0xa: {  	s4 =	simm.s32 $0x0;
	s22 =	sshrl.u32 s0, $0x1;
	s25 =	sshrl.u32 s24, $0x2  }
0xb: {  	s5 =	smul.u32 $0x500, s5;
	[smem:$0x7FF] =	sst s4;
	s0 =	ssub.s32 s0, s22  }
0xc: {  	s10 =	sadd.s32 s25, s3;
	s22 =	simm.s32 $0x2;
	s25 =	simm.s32 $0x3  }
0xd: {  	_ =	strace $0x8000004A;
	s0 =	smax.u32 s0, $0x1;
	s8 =	sadd.s32 s5, s2  }
0xe: {  	s2 =	sadd.s32 s6, s2;
	s5 =	sshrl.u32 s23, $0x4;
	[dreg:$0x5] =	wrdreg s0  }
0xf: {  	s23 =	simm.s32 $0xA880;
	s7 =	sadd.s32 $0x24A00, s8;
	s2 =	sadd.s32 $0x42A00, s2  }
0x10: {  	[dreg:$0x4] =	wrdreg s7;
	s7 =	sadd.s32 $0x2EA00, s8;
	s0 =	sadd.s32 s2, s26  }
0x11: {  	v0 =	vimm.f32 $0.0e+00;
	s8 =	sadd.s32 $0x38A00, s8;
	s26 =	simm.s32 $0x4;
	[dreg:$0x6] =	wrdreg s0  }
.LBB2_1:
0x12: {  	s0 =	simm.s32 $0x0;
	s2 =	simm.s32 $0x200  }
.LBB2_2:
0x13: {  	p0 =	sne.s32 s2, $0xF800;
	[tilespmem:s0+$0x70] =	vst v0  }
0x14: {  	[tilespmem:s0+$0x0] =	vst v0  }
0x15: {  	[tilespmem:s0+$0x10] =	vst v0  }
.Ltmp0:
0x16: {  	[tilespmem:s0+$0x20] =	vst v0;
	(pc) =	sbr.rel @p0 .LBB2_2-.Ltmp0, $4  }
0x17: {  	[tilespmem:s0+$0x30] =	vst v0  }
0x18: {  	[tilespmem:s0+$0x40] =	vst v0  }
0x19: {  	[tilespmem:s0+$0x50] =	vst v0  }
0x1a: {  	[tilespmem:s0+$0x60] =	vst v0;
	s0 =	sshra.s32 s2, $0x2;
	s2 =	sadd.s32 $0x200, s2  }
0x1b: {  	[tilespmem:s0+$0x70] =	vst v0  }
0x1c: {  	[tilespmem:s0+$0x0] =	vst v0  }
0x1d: {  	[tilespmem:s0+$0x10] =	vst v0  }
0x1e: {  	[tilespmem:s0+$0x20] =	vst v0;
	p0 =	sne.s32 s5, $0x1  }
.Ltmp1:
0x1f: {  	[tilespmem:s0+$0x30] =	vst v0;
	(pc) =	sbr.rel @!p0 .LBB2_5-.Ltmp1, $4  }
0x20: {  	[tilespmem:s0+$0x40] =	vst v0  }
0x21: {  	[tilespmem:s0+$0x50] =	vst v0  }
0x22: {  	[tilespmem:s0+$0x60] =	vst v0;
	s0 =	sadd.s32 $0xFFFFFFFF, s5;
	s2 =	smov.u32 s10  }
0x23: {  	[spmem:s10] =	stream.linear.scatter [tilespmem:s4], [sflag:$0x1], $0x2800, $0x38;
	[tilespmem:$0x1E480] =	vst v63  }
.LBB2_4:
0x24: {  	p1 =	sne.s32 s0, $0x1  }
.Ltmp2:
0x25: {  	_ = 	snop;
	(pc) =	sbr.rel @p1 .LBB2_4-.Ltmp2, $3  }
0x26: {  	_ = 	snop  }
0x27: {  	s0 =	sadd.s32 $0xFFFFFFFF, s0;
	s2 =	sadd.s32 $0x28000, s2;
	_ =	sdelay $0x1  }
0x28: {  	[spmem:s2] =	stream.linear.scatter [tilespmem:s4], [sflag:$0x1], $0x2800, $0x38;
	[tilespmem:$0x1E480] =	vst v63  }
.LBB2_5:
.Ltmp3:
0x29: {  	(pc) =	sbr.rel @!p0 .LBB2_7-.Ltmp3, $3  }
0x2a: {  	_ =	sdelay $0x1  }
0x2b: {  	_ =	swait.ge [sflag:s11], $0x2800  }
0x2c: {  	s0 =	sadd.s32 $0xFFFFFFFF, s5;
	[sflag:s11] =	ssyncset.done $0x0  }
.LBB2_6:
0x2d: {  	p1 =	sne.s32 s0, $0x1;
	s0 =	sadd.s32 $0xFFFFFFFF, s0;
	[sflag:s11] =	ssyncadd.s32 $0xFFFFD800  }
.Ltmp4:
0x2e: {  	(pc) =	sbr.rel @p1 .LBB2_6-.Ltmp4, $3  }
0x2f: {  	_ =	sdelay $0x1  }
0x30: {  	_ =	swait.ge [sflag:s11], $0x2800  }
0x31: {  	[sflag:s11] =	ssyncset.done $0x0  }
.LBB2_7:
0x32: {  	[sflag:s11] =	ssyncadd.s32 $0xFFFFD800  }
0x33: {  	[bflag:$0x0] =	sbarrier.arrive $0xFFFF  }
0x34: {  	s2 =	simm.s32 $0x8000;
	s12 =	simm.s32 $0x7;
	s0 =	rddreg [dreg:$0x4]  }
0x35: {  	[tilespmem:s2], [sflag:$0x7] =	stream.linear.gather [hbm4b:s0+s31], $0x2800, $0x38;
	[tilespmem:$0x1E480] =	vst v63  }
0x36: {  	_ =	swait.ge [sflag:s12], $0x2800  }
0x37: {  	[sflag:s12] =	ssyncset.done $0x0  }
0x38: {  	[sflag:s12] =	ssyncadd.s32 $0xFFFFD800  }
0x39: {  	[tilespmem:s14], [sflag:$0x5] =	stream.linear.gather [hbm4b:s7+s31], $0x100, $0x38;
	[tilespmem:$0x1E480] =	vst v63  }
0x3a: {  	_ = 	snop  }
0x3b: {  	[tilespmem:s15], [sflag:$0x5] =	stream.linear.gather [hbm4b:s8+s31], $0x100, $0x38;
	[tilespmem:$0x1E480] =	vst v63  }
0x3c: {  	s13 =	sadd.s32 $0x20, s7  }
0x3d: {  	[tilespmem:s16], [sflag:$0x6] =	stream.linear.gather [hbm4b:s13+s31], $0x100, $0x38;
	[tilespmem:$0x1E480] =	vst v63  }
0x3e: {  	s19 =	sadd.s32 $0x20, s8  }
0x3f: {  	[tilespmem:s17], [sflag:$0x6] =	stream.linear.gather [hbm4b:s19+s31], $0x100, $0x38;
	[tilespmem:$0x1E480] =	vst v63  }
0x40: {  	_ = 	snop  }
0x41: {  	[tilespmem:s31], [sflag:$0x1] =	stream.indirect.gather [hbm4b:s1+s18], $0x80, s2, s18, $0xb8;
	[tilespmem:$0x1E480] =	vst v63  }
0x42: {  	s24 =	simm.s32 $0x8080;
	s2 =	simm.s32 $0x0  }
0x43: {  	[tilespmem:s20], [sflag:$0x2] =	stream.indirect.gather [hbm4b:s1+s18], $0x80, s24, s18, $0xb8;
	[tilespmem:$0x1E480] =	vst v63  }
.LBB2_8:
0x44: {  	_ =	swait.ge [sflag:s21], $0x100  }
0x45: {  	[sflag:s21] =	ssyncset.done $0x0  }
0x46: {  	[sflag:s21] =	ssyncadd.s32 $0xFFFFFF00  }
0x47: {  	_ =	swait.ge [sflag:s21], $0x100  }
0x48: {  	[sflag:s21] =	ssyncset.done $0x0  }
0x49: {  	v1 =	vmov s31;
	[sflag:s21] =	ssyncadd.s32 $0xFFFFFF00  }
0x4a: {  	_ =	swait.ge [sflag:s11], $0x3E80  }
0x4b: {  	[sflag:s11] =	ssyncset.done $0x0  }
0x4c: {  	s0 =	simm.s32 $0x140;
	[sflag:s11] =	ssyncadd.s32 $0xFFFFC180  }
0x4d: {  	v3 =	vld [tilespmem:s0+$0xFFFFFF30]  }
0x4e: {  	v1 =	vld.idx.msk [tilespmem:v1+s15+$0x0], $0xffff  }
0x4f: {  	v4 =	vld [tilespmem:s0+$0xFFFFFEC0]  }
0x50: {  	v5 =	vld [tilespmem:s0+$0xFFFFFEE0]  }
0x51: {  	v6 =	vld [tilespmem:s0+$0xFFFFFEF0]  }
0x52: {  	v2 =	vld [tilespmem:s0+$0xFFFFFF10]  }
0x53: {  	v8 =	vld [tilespmem:s0+$0xFFFFFED0];
	v3 =	vmul.f32 v3, v1  }
0x54: {  	v7 =	vld [tilespmem:s0+$0xFFFFFF20];
	v4 =	vmul.f32 v4, v1  }
0x55: {  	v9 =	vld [tilespmem:s0+$0xFFFFFF00];
	v5 =	vmul.f32 v5, v1;
	[tilespmem:s0+$0xFFFFFF30] =	vst v3  }
0x56: {  	v3 =	vmul.f32 v6, v1;
	[tilespmem:s0+$0xFFFFFEC0] =	vst v4  }
0x57: {  	s6 =	simm.s32 $0x1;
	v2 =	vmul.f32 v2, v1;
	[tilespmem:s0+$0xFFFFFEE0] =	vst v5  }
0x58: {  	v4 =	vmul.f32 v8, v1;
	[tilespmem:s0+$0xFFFFFEF0] =	vst v3;
	v3 =	vmov s6  }
0x59: {  	v5 =	vmul.f32 v7, v1;
	[tilespmem:s0+$0xFFFFFF10] =	vst v2  }
0x5a: {  	v1 =	vmul.f32 v9, v1;
	[tilespmem:s0+$0xFFFFFED0] =	vst v4  }
0x5b: {  	[tilespmem:s0+$0xFFFFFF20] =	vst v5  }
0x5c: {  	v2 =	vld [tilespmem:s0+$0xFFFFFF40];
	[tilespmem:s0+$0xFFFFFF00] =	vst v1  }
0x5d: {  	v1 =	vld.idx.msk [tilespmem:v3+s15+$0x0], $0xffff  }
0x5e: {  	v3 =	vld [tilespmem:s0+$0xFFFFFF60]  }
0x5f: {  	v4 =	vld [tilespmem:s0+$0xFFFFFF90]  }
0x60: {  	v5 =	vld [tilespmem:s0+$0xFFFFFF80]  }
0x61: {  	v6 =	vld [tilespmem:s0+$0xFFFFFF50]  }
0x62: {  	v60 =	vld [tilespmem:s0+$0xFFFFFFB0];
	v2 =	vmul.f32 v2, v1  }
0x63: {  	v7 =	vld [tilespmem:s0+$0xFFFFFF70];
	v3 =	vmul.f32 v3, v1  }
0x64: {  	v61 =	vld [tilespmem:s0+$0xFFFFFFA0];
	[tilespmem:s0+$0xFFFFFF40] =	vst v2;
	v2 =	vmul.f32 v4, v1  }
0x65: {  	v4 =	vmul.f32 v5, v1;
	[tilespmem:s0+$0xFFFFFF60] =	vst v3  }
0x66: {  	s24 =	simm.s32 $0x2;
	v3 =	vmul.f32 v6, v1;
	[tilespmem:s0+$0xFFFFFF90] =	vst v2  }
0x67: {  	v5 =	vmul.f32 v60, v1;
	[tilespmem:s0+$0xFFFFFF80] =	vst v4;
	v4 =	vmov s24  }
0x68: {  	v2 =	vmul.f32 v7, v1;
	[tilespmem:s0+$0xFFFFFF50] =	vst v3  }
0x69: {  	v62 =	vld [tilespmem:s0+$0x0];
	v1 =	vmul.f32 v61, v1;
	[tilespmem:s0+$0xFFFFFFB0] =	vst v5  }
0x6a: {  	v63 =	vld [tilespmem:s0+$0x20];
	[tilespmem:s0+$0xFFFFFF70] =	vst v2  }
0x6b: {  	[tilespmem:s0+$0xFFFFFFA0] =	vst v1;
	v1 =	vld [tilespmem:s0+$0xFFFFFFC0]  }
0x6c: {  	v4 =	vld.idx.msk [tilespmem:v4+s15+$0x0], $0xffff  }
0x6d: {  	v2 =	vld [tilespmem:s0+$0xFFFFFFF0]  }
0x6e: {  	v3 =	vld [tilespmem:s0+$0xFFFFFFE0]  }
0x6f: {  	v5 =	vld [tilespmem:s0+$0xFFFFFFD0]  }
0x70: {  	v6 =	vld [tilespmem:s0+$0x30]  }
0x71: {  	v7 =	vld [tilespmem:s0+$0x10];
	v1 =	vmul.f32 v1, v4  }
0x72: {  	v2 =	vmul.f32 v2, v4  }
0x73: {  	v3 =	vmul.f32 v3, v4;
	[tilespmem:s0+$0xFFFFFFC0] =	vst v1  }
0x74: {  	v10 =	vmul.f32 v5, v4;
	[tilespmem:s0+$0xFFFFFFF0] =	vst v2  }
0x75: {  	s9 =	simm.s32 $0x3;
	v5 =	vmul.f32 v6, v4;
	v1 =	vmul.f32 v62, v4;
	[tilespmem:s0+$0xFFFFFFE0] =	vst v3  }
0x76: {  	s12 =	simm.s32 $0x0;
	s6 =	simm.s32 $0x5;
	v2 =	vmul.f32 v7, v4;
	v3 =	vmul.f32 v63, v4;
	[tilespmem:s0+$0xFFFFFFD0] =	vst v10;
	v4 =	vmov s9;
	s9 =	simm.s32 $0x140  }
.LBB2_9:
0x77: {  	p1 =	slt.u32 s6, $0x78  }
0x78: {  	[tilespmem:s0+$0x30] =	vst v5;
	v5 =	vld [tilespmem:s0+$0xB0];
	s9 =	sadd.s32 $0x280, s9;
	s19 =	smov.u32 s6;
	s6 =	sadd.s32 $0x5, s6  }
0x79: {  	[tilespmem:s0+$0x10] =	vst v2;
	v2 =	vld [tilespmem:s0+$0x60]  }
0x7a: {  	[tilespmem:s0+$0x20] =	vst v3;
	v3 =	vld [tilespmem:s0+$0x40]  }
0x7b: {  	[tilespmem:s0+$0x0] =	vst v1;
	v1 =	vld [tilespmem:s0+$0x70]  }
0x7c: {  	v4 =	vld.idx.msk [tilespmem:v4+s15+$0x0], $0xffff  }
0x7d: {  	v6 =	vld [tilespmem:s0+$0x50]  }
0x7e: {  	v7 =	vld [tilespmem:s0+$0xA0]  }
0x7f: {  	v8 =	vld [tilespmem:s0+$0x80]  }
0x80: {  	v9 =	vld [tilespmem:s0+$0x90];
	_ =	sdelay $0x1  }
0x81: {  	v3 =	vmul.f32 v3, v4;
	v6 =	vmul.f32 v6, v4  }
0x82: {  	v2 =	vmul.f32 v2, v4;
	v1 =	vmul.f32 v1, v4  }
0x83: {  	v5 =	vmul.f32 v5, v4;
	[tilespmem:s0+$0x40] =	vst v3;
	v3 =	vmul.f32 v8, v4  }
0x84: {  	[tilespmem:s0+$0x60] =	vst v2;
	v2 =	vmul.f32 v9, v4;
	v4 =	vmul.f32 v7, v4  }
0x85: {  	s13 =	sadd.s32 $0x4, s12;
	s12 =	smov.u32 s19;
	[tilespmem:s0+$0xB0] =	vst v5  }
0x86: {  	[tilespmem:s0+$0x90] =	vst v2;
	v2 =	vmov s13  }
0x87: {  	[tilespmem:s0+$0x70] =	vst v1;
	v1 =	vld [tilespmem:s0+$0xF0]  }
0x88: {  	[tilespmem:s0+$0x50] =	vst v6;
	v5 =	vld [tilespmem:s0+$0xC0]  }
0x89: {  	[tilespmem:s0+$0x80] =	vst v3;
	v3 =	vld [tilespmem:s0+$0x120]  }
0x8a: {  	[tilespmem:s0+$0xA0] =	vst v4;
	v4 =	vld [tilespmem:s0+$0xE0]  }
0x8b: {  	v2 =	vld.idx.msk [tilespmem:v2+s15+$0x0], $0xffff  }
0x8c: {  	v6 =	vld [tilespmem:s0+$0xD0]  }
0x8d: {  	v7 =	vld [tilespmem:s0+$0x110]  }
0x8e: {  	v8 =	vld [tilespmem:s0+$0x100]  }
0x8f: {  	v9 =	vld [tilespmem:s0+$0x130];
	_ =	sdelay $0x1  }
0x90: {  	v5 =	vmul.f32 v5, v2;
	v6 =	vmul.f32 v6, v2  }
0x91: {  	v4 =	vmul.f32 v4, v2;
	v1 =	vmul.f32 v1, v2  }
0x92: {  	v7 =	vmul.f32 v7, v2;
	[tilespmem:s0+$0xC0] =	vst v5;
	v5 =	vmul.f32 v8, v2  }
0x93: {  	v3 =	vmul.f32 v3, v2;
	[tilespmem:s0+$0xE0] =	vst v4;
	v2 =	vmul.f32 v9, v2  }
0x94: {  	[tilespmem:s0+$0xF0] =	vst v1  }
0x95: {  	v1 =	vmov s12;
	[tilespmem:s0+$0x100] =	vst v5  }
0x96: {  	v4 =	vld [tilespmem:s9+$0xFFFFFF10];
	[tilespmem:s0+$0x110] =	vst v7  }
0x97: {  	v5 =	vld [tilespmem:s9+$0xFFFFFEF0];
	[tilespmem:s0+$0x120] =	vst v3  }
0x98: {  	v3 =	vld [tilespmem:s9+$0xFFFFFF20];
	[tilespmem:s0+$0x130] =	vst v2  }
0x99: {  	v2 =	vld [tilespmem:s9+$0xFFFFFF30];
	[tilespmem:s0+$0xD0] =	vst v6;
	s0 =	smov.u32 s9  }
0x9a: {  	v1 =	vld.idx.msk [tilespmem:v1+s15+$0x0], $0xffff  }
0x9b: {  	v6 =	vld [tilespmem:s9+$0xFFFFFEC0]  }
0x9c: {  	v7 =	vld [tilespmem:s9+$0xFFFFFEE0]  }
0x9d: {  	v8 =	vld [tilespmem:s9+$0xFFFFFED0]  }
0x9e: {  	v9 =	vld [tilespmem:s9+$0xFFFFFF00];
	_ =	sdelay $0x1  }
0x9f: {  	v2 =	vmul.f32 v2, v1;
	v6 =	vmul.f32 v6, v1  }
0xa0: {  	v3 =	vmul.f32 v3, v1;
	v7 =	vmul.f32 v7, v1  }
0xa1: {  	v5 =	vmul.f32 v5, v1;
	v8 =	vmul.f32 v8, v1;
	[tilespmem:s9+$0xFFFFFF30] =	vst v2  }
0xa2: {  	[tilespmem:s9+$0xFFFFFEC0] =	vst v6;
	v2 =	vmul.f32 v9, v1;
	v1 =	vmul.f32 v4, v1  }
0xa3: {  	s13 =	sadd.s32 $0x1, s12;
	[tilespmem:s9+$0xFFFFFEE0] =	vst v7  }
0xa4: {  	v4 =	vmov s13;
	[tilespmem:s9+$0xFFFFFEF0] =	vst v5  }
0xa5: {  	[tilespmem:s9+$0xFFFFFF10] =	vst v1;
	v1 =	vld [tilespmem:s9+$0xFFFFFFB0]  }
0xa6: {  	[tilespmem:s9+$0xFFFFFED0] =	vst v8;
	v5 =	vld [tilespmem:s9+$0xFFFFFF90]  }
0xa7: {  	[tilespmem:s9+$0xFFFFFF20] =	vst v3;
	v3 =	vld [tilespmem:s9+$0xFFFFFF70]  }
0xa8: {  	[tilespmem:s9+$0xFFFFFF00] =	vst v2;
	v2 =	vld [tilespmem:s9+$0xFFFFFF50]  }
0xa9: {  	v4 =	vld.idx.msk [tilespmem:v4+s15+$0x0], $0xffff  }
0xaa: {  	v6 =	vld [tilespmem:s9+$0xFFFFFF40]  }
0xab: {  	v7 =	vld [tilespmem:s9+$0xFFFFFF60]  }
0xac: {  	v8 =	vld [tilespmem:s9+$0xFFFFFF80]  }
0xad: {  	v9 =	vld [tilespmem:s9+$0xFFFFFFA0];
	_ =	sdelay $0x1  }
0xae: {  	v2 =	vmul.f32 v2, v4;
	v6 =	vmul.f32 v6, v4  }
0xaf: {  	v3 =	vmul.f32 v3, v4;
	v7 =	vmul.f32 v7, v4  }
0xb0: {  	v5 =	vmul.f32 v5, v4;
	[tilespmem:s9+$0xFFFFFF40] =	vst v6;
	v6 =	vmul.f32 v8, v4  }
0xb1: {  	v1 =	vmul.f32 v1, v4;
	[tilespmem:s9+$0xFFFFFF60] =	vst v7;
	v7 =	vmul.f32 v9, v4  }
0xb2: {  	s13 =	sadd.s32 $0x2, s12;
	[tilespmem:s9+$0xFFFFFF90] =	vst v5  }
0xb3: {  	v4 =	vmov s13;
	[tilespmem:s9+$0xFFFFFF80] =	vst v6  }
0xb4: {  	[tilespmem:s9+$0xFFFFFF50] =	vst v2;
	v5 =	vld [tilespmem:s9+$0x30]  }
0xb5: {  	[tilespmem:s9+$0xFFFFFF70] =	vst v3;
	v2 =	vld [tilespmem:s9+$0xFFFFFFF0]  }
0xb6: {  	[tilespmem:s9+$0xFFFFFFB0] =	vst v1;
	v1 =	vld [tilespmem:s9+$0xFFFFFFE0]  }
0xb7: {  	[tilespmem:s9+$0xFFFFFFA0] =	vst v7;
	v3 =	vld [tilespmem:s9+$0xFFFFFFD0]  }
0xb8: {  	v4 =	vld.idx.msk [tilespmem:v4+s15+$0x0], $0xffff  }
0xb9: {  	v6 =	vld [tilespmem:s9+$0xFFFFFFC0]  }
0xba: {  	v7 =	vld [tilespmem:s9+$0x10]  }
0xbb: {  	v8 =	vld [tilespmem:s9+$0x0]  }
0xbc: {  	v9 =	vld [tilespmem:s9+$0x20];
	_ =	sdelay $0x1  }
0xbd: {  	v10 =	vmul.f32 v3, v4;
	v6 =	vmul.f32 v6, v4  }
.Ltmp5:
0xbe: {  	v11 =	vmul.f32 v1, v4;
	v3 =	vmul.f32 v2, v4;
	(pc) =	sbr.rel @p1 .LBB2_9-.Ltmp5, $4  }
0xbf: {  	v2 =	vmul.f32 v7, v4;
	[tilespmem:s9+$0xFFFFFFC0] =	vst v6;
	v1 =	vmul.f32 v8, v4  }
0xc0: {  	v5 =	vmul.f32 v5, v4;
	[tilespmem:s9+$0xFFFFFFF0] =	vst v3;
	v3 =	vmul.f32 v9, v4  }
0xc1: {  	s13 =	sadd.s32 $0x3, s12;
	[tilespmem:s9+$0xFFFFFFE0] =	vst v11  }
0xc2: {  	v4 =	vmov s13;
	[tilespmem:s9+$0xFFFFFFD0] =	vst v10  }
0xc3: {  	[tilespmem:s0+$0x30] =	vst v5  }
0xc4: {  	[tilespmem:s0+$0x10] =	vst v2  }
0xc5: {  	[tilespmem:s0+$0x20] =	vst v3  }
0xc6: {  	v2 =	vld [tilespmem:s0+$0x40];
	[tilespmem:s0+$0x0] =	vst v1  }
0xc7: {  	v1 =	vld.idx.msk [tilespmem:v4+s15+$0x0], $0xffff  }
0xc8: {  	v3 =	vld [tilespmem:s0+$0x60]  }
0xc9: {  	v4 =	vld [tilespmem:s0+$0xB0]  }
0xca: {  	v5 =	vld [tilespmem:s0+$0x90]  }
0xcb: {  	v6 =	vld [tilespmem:s0+$0x70]  }
0xcc: {  	v8 =	vld [tilespmem:s0+$0x80];
	v2 =	vmul.f32 v2, v1  }
0xcd: {  	v7 =	vld [tilespmem:s0+$0x50];
	v3 =	vmul.f32 v3, v1  }
0xce: {  	v9 =	vld [tilespmem:s0+$0xA0];
	[tilespmem:s0+$0x40] =	vst v2;
	v2 =	vmul.f32 v4, v1  }
0xcf: {  	[tilespmem:s0+$0x60] =	vst v3;
	v3 =	vmul.f32 v5, v1  }
0xd0: {  	s6 =	sadd.s32 $0x4, s12;
	v4 =	vmul.f32 v6, v1;
	[tilespmem:s0+$0xB0] =	vst v2  }
0xd1: {  	v5 =	vmul.f32 v8, v1;
	[tilespmem:s0+$0x90] =	vst v3;
	v3 =	vmov s6  }
0xd2: {  	v2 =	vmul.f32 v7, v1;
	[tilespmem:s0+$0x70] =	vst v4  }
0xd3: {  	v1 =	vmul.f32 v9, v1;
	[tilespmem:s0+$0x80] =	vst v5  }
0xd4: {  	[tilespmem:s0+$0x50] =	vst v2  }
0xd5: {  	v2 =	vld [tilespmem:s0+$0xC0];
	[tilespmem:s0+$0xA0] =	vst v1  }
0xd6: {  	v1 =	vld.idx.msk [tilespmem:v3+s15+$0x0], $0xffff  }
0xd7: {  	v3 =	vld [tilespmem:s0+$0xE0]  }
0xd8: {  	v4 =	vld [tilespmem:s0+$0xF0]  }
0xd9: {  	v6 =	vld [tilespmem:s0+$0x100]  }
0xda: {  	v7 =	vld [tilespmem:s0+$0x110]  }
0xdb: {  	v5 =	vld [tilespmem:s0+$0x120];
	v2 =	vmul.f32 v2, v1  }
0xdc: {  	v60 =	vld [tilespmem:s0+$0x130];
	v3 =	vmul.f32 v3, v1  }
0xdd: {  	v8 =	vld [tilespmem:s0+$0xD0];
	v4 =	vmul.f32 v4, v1;
	[tilespmem:s0+$0xC0] =	vst v2  }
0xde: {  	v2 =	vmul.f32 v6, v1;
	[tilespmem:s0+$0xE0] =	vst v3  }
0xdf: {  	s12 =	simm.s32 $0x0;
	v3 =	vmul.f32 v7, v1;
	[tilespmem:s0+$0xF0] =	vst v4  }
0xe0: {  	v4 =	vmul.f32 v5, v1;
	[tilespmem:s0+$0x100] =	vst v2;
	v2 =	vmov s12  }
0xe1: {  	v5 =	vmul.f32 v60, v1;
	[tilespmem:s0+$0x110] =	vst v3;
	v2 =	vand.u32 $0x7F, v2  }
0xe2: {  	v1 =	vmul.f32 v8, v1;
	[tilespmem:s0+$0x120] =	vst v4;
	v2 =	vor.u32 $0x80, v2  }
0xe3: {  	[tilespmem:s0+$0x130] =	vst v5;
	v2 =	vbroadcast v2, $0x0  }
0xe4: {  	[tilespmem:s0+$0xD0] =	vst v1  }
0xe5: {  	[spmem:s3] =	stream.indirect.scatter.add.f32 [tilespmem:s12], [sflag:$0x3], $0x80, s14, s18, $0xb8;
	[tilespmem:$0x1E480] =	vst v63  }
0xe6: {  	_ =	swait.ge [sflag:s22], $0x3E80  }
0xe7: {  	[sflag:s22] =	ssyncset.done $0x0  }
0xe8: {  	[sflag:s22] =	ssyncadd.s32 $0xFFFFC180  }
0xe9: {  	s19 =	simm.s32 $0x4140;
	v1 =	vld.idx.msk [tilespmem:v2+s15+$0x0], $0xffff  }
0xea: {  	v2 =	vld [tilespmem:s19+$0xFFFFFEC0]  }
0xeb: {  	v3 =	vld [tilespmem:s19+$0xFFFFFEE0]  }
0xec: {  	v4 =	vld [tilespmem:s19+$0xFFFFFEF0]  }
0xed: {  	v5 =	vld [tilespmem:s19+$0xFFFFFF30]  }
0xee: {  	v6 =	vld [tilespmem:s19+$0xFFFFFF10]  }
0xef: {  	v7 =	vld [tilespmem:s19+$0xFFFFFED0];
	v2 =	vmul.f32 v2, v1  }
0xf0: {  	v8 =	vld [tilespmem:s19+$0xFFFFFF20];
	v3 =	vmul.f32 v3, v1  }
0xf1: {  	s9 =	simm.s32 $0x1;
	v61 =	vld [tilespmem:s19+$0xFFFFFF00];
	v4 =	vmul.f32 v4, v1;
	[tilespmem:s19+$0xFFFFFEC0] =	vst v2  }
0xf2: {  	[tilespmem:s19+$0xFFFFFEE0] =	vst v3;
	v2 =	vmul.f32 v5, v1;
	v3 =	vmov s9  }
0xf3: {  	v5 =	vmul.f32 v6, v1;
	[tilespmem:s19+$0xFFFFFEF0] =	vst v4;
	v3 =	vand.u32 $0xFF, v3  }
0xf4: {  	v4 =	vmul.f32 v7, v1;
	[tilespmem:s19+$0xFFFFFF30] =	vst v2;
	v2 =	vadd.s32 $0x80, v3  }
0xf5: {  	v3 =	vmul.f32 v8, v1;
	[tilespmem:s19+$0xFFFFFF10] =	vst v5  }
0xf6: {  	v1 =	vmul.f32 v61, v1;
	[tilespmem:s19+$0xFFFFFED0] =	vst v4  }
0xf7: {  	[tilespmem:s19+$0xFFFFFF20] =	vst v3  }
0xf8: {  	[tilespmem:s19+$0xFFFFFF00] =	vst v1  }
0xf9: {  	v1 =	vld.idx.msk [tilespmem:v2+s15+$0x0], $0xffff  }
0xfa: {  	v2 =	vld [tilespmem:s19+$0xFFFFFF40]  }
0xfb: {  	v4 =	vld [tilespmem:s19+$0xFFFFFF70]  }
0xfc: {  	v5 =	vld [tilespmem:s19+$0xFFFFFF90]  }
0xfd: {  	v3 =	vld [tilespmem:s19+$0xFFFFFFB0]  }
0xfe: {  	v6 =	vld [tilespmem:s19+$0xFFFFFF80]  }
0xff: {  	v7 =	vld [tilespmem:s19+$0xFFFFFF50];
	v2 =	vmul.f32 v2, v1  }
0x100: {  	v62 =	vld [tilespmem:s19+$0xFFFFFFA0];
	v4 =	vmul.f32 v4, v1  }
0x101: {  	s13 =	simm.s32 $0x2;
	v8 =	vld [tilespmem:s19+$0xFFFFFF60];
	[tilespmem:s19+$0xFFFFFF40] =	vst v2;
	v2 =	vmul.f32 v5, v1  }
0x102: {  	v3 =	vmul.f32 v3, v1;
	[tilespmem:s19+$0xFFFFFF70] =	vst v4;
	v4 =	vmov s13  }
0x103: {  	v5 =	vmul.f32 v6, v1;
	[tilespmem:s19+$0xFFFFFF90] =	vst v2;
	v2 =	vand.u32 $0xFF, v4  }
0x104: {  	[tilespmem:s19+$0xFFFFFFB0] =	vst v3;
	v4 =	vmul.f32 v7, v1;
	v2 =	vadd.s32 $0x80, v2  }
0x105: {  	v63 =	vld [tilespmem:s19+$0x20];
	[tilespmem:s19+$0xFFFFFF80] =	vst v5;
	v5 =	vmul.f32 v62, v1  }
0x106: {  	v3 =	vld [tilespmem:s19+$0xFFFFFFF0];
	v1 =	vmul.f32 v8, v1;
	[tilespmem:s19+$0xFFFFFF50] =	vst v4  }
0x107: {  	v7 =	vld [tilespmem:s19+$0xFFFFFFE0];
	[tilespmem:s19+$0xFFFFFFA0] =	vst v5  }
0x108: {  	[tilespmem:s19+$0xFFFFFF60] =	vst v1;
	v1 =	vld [tilespmem:s19+$0xFFFFFFD0]  }
0x109: {  	v5 =	vld.idx.msk [tilespmem:v2+s15+$0x0], $0xffff  }
0x10a: {  	v2 =	vld [tilespmem:s19+$0xFFFFFFC0]  }
0x10b: {  	v8 =	vld [tilespmem:s19+$0x10]  }
0x10c: {  	v4 =	vld [tilespmem:s19+$0x0]  }
0x10d: {  	v6 =	vld [tilespmem:s19+$0x30]  }
0x10e: {  	v1 =	vmul.f32 v1, v5  }
0x10f: {  	v10 =	vmul.f32 v2, v5  }
0x110: {  	s24 =	simm.s32 $0x3;
	v2 =	vmul.f32 v7, v5;
	v7 =	vmul.f32 v3, v5;
	[tilespmem:s19+$0xFFFFFFD0] =	vst v1  }
0x111: {  	v3 =	vmul.f32 v4, v5;
	v1 =	vmul.f32 v8, v5;
	[tilespmem:s19+$0xFFFFFFC0] =	vst v10;
	v8 =	vmov s24  }
0x112: {  	s6 =	simm.s32 $0x4140;
	s0 =	simm.s32 $0x5;
	v4 =	vmul.f32 v63, v5;
	v5 =	vmul.f32 v6, v5;
	[tilespmem:s19+$0xFFFFFFF0] =	vst v7;
	v6 =	vand.u32 $0xFF, v8  }
.LBB2_11:
0x113: {  	p1 =	slt.u32 s0, $0x78  }
0x114: {  	[tilespmem:s19+$0xFFFFFFE0] =	vst v2;
	v2 =	vadd.s32 $0x80, v6;
	s6 =	sadd.s32 $0x280, s6;
	s9 =	smov.u32 s0;
	s0 =	sadd.s32 $0x5, s0  }
0x115: {  	[tilespmem:s19+$0x0] =	vst v3;
	v3 =	vld [tilespmem:s19+$0x40]  }
0x116: {  	[tilespmem:s19+$0x30] =	vst v5;
	v5 =	vld [tilespmem:s19+$0xB0]  }
0x117: {  	[tilespmem:s19+$0x20] =	vst v4;
	v4 =	vld [tilespmem:s19+$0x70]  }
0x118: {  	[tilespmem:s19+$0x10] =	vst v1;
	v1 =	vld [tilespmem:s19+$0x90]  }
0x119: {  	v2 =	vld.idx.msk [tilespmem:v2+s15+$0x0], $0xffff  }
0x11a: {  	v6 =	vld [tilespmem:s19+$0x50]  }
0x11b: {  	v7 =	vld [tilespmem:s19+$0x60]  }
0x11c: {  	v8 =	vld [tilespmem:s19+$0x80]  }
0x11d: {  	v9 =	vld [tilespmem:s19+$0xA0];
	_ =	sdelay $0x1  }
0x11e: {  	v3 =	vmul.f32 v3, v2;
	v6 =	vmul.f32 v6, v2  }
0x11f: {  	v4 =	vmul.f32 v4, v2;
	v7 =	vmul.f32 v7, v2  }
0x120: {  	s13 =	sadd.s32 $0x4, s12;
	s12 =	smov.u32 s9;
	v1 =	vmul.f32 v1, v2;
	[tilespmem:s19+$0x40] =	vst v3;
	v3 =	vmul.f32 v8, v2  }
0x121: {  	[tilespmem:s19+$0x70] =	vst v4;
	v4 =	vmul.f32 v9, v2;
	v2 =	vmul.f32 v5, v2;
	v5 =	vmov s13  }
0x122: {  	[tilespmem:s19+$0x80] =	vst v3;
	v3 =	vand.u32 $0xFF, v5  }
0x123: {  	[tilespmem:s19+$0xB0] =	vst v2;
	v2 =	vadd.s32 $0x80, v3  }
0x124: {  	[tilespmem:s19+$0xA0] =	vst v4  }
0x125: {  	[tilespmem:s19+$0x50] =	vst v6;
	v3 =	vld [tilespmem:s19+$0xC0]  }
0x126: {  	[tilespmem:s19+$0x60] =	vst v7;
	v4 =	vld [tilespmem:s19+$0x100]  }
0x127: {  	[tilespmem:s19+$0x90] =	vst v1;
	v1 =	vld [tilespmem:s19+$0xD0]  }
0x128: {  	v2 =	vld.idx.msk [tilespmem:v2+s15+$0x0], $0xffff  }
0x129: {  	v5 =	vld [tilespmem:s19+$0xE0]  }
0x12a: {  	v6 =	vld [tilespmem:s19+$0xF0]  }
0x12b: {  	v7 =	vld [tilespmem:s19+$0x110]  }
0x12c: {  	v8 =	vld [tilespmem:s19+$0x120]  }
0x12d: {  	v9 =	vld [tilespmem:s19+$0x130]  }
0x12e: {  	v10 =	vmov s12;
	v3 =	vmul.f32 v3, v2;
	v1 =	vmul.f32 v1, v2  }
0x12f: {  	v10 =	vand.u32 $0x7F, v10;
	v5 =	vmul.f32 v5, v2;
	v6 =	vmul.f32 v6, v2  }
0x130: {  	v10 =	vor.u32 $0x80, v10;
	[tilespmem:s19+$0xC0] =	vst v3;
	v3 =	vmul.f32 v4, v2;
	v4 =	vmul.f32 v7, v2  }
0x131: {  	v7 =	vbroadcast v10, $0x0;
	[tilespmem:s19+$0xD0] =	vst v1;
	v1 =	vmul.f32 v8, v2  }
0x132: {  	[tilespmem:s19+$0x100] =	vst v3;
	v2 =	vmul.f32 v9, v2  }
0x133: {  	[tilespmem:s19+$0x110] =	vst v4  }
0x134: {  	[tilespmem:s19+$0x120] =	vst v1  }
0x135: {  	v1 =	vld [tilespmem:s6+$0xFFFFFF10];
	[tilespmem:s19+$0x130] =	vst v2  }
0x136: {  	v2 =	vld [tilespmem:s6+$0xFFFFFEF0];
	[tilespmem:s19+$0xE0] =	vst v5  }
0x137: {  	v3 =	vld [tilespmem:s6+$0xFFFFFEE0];
	[tilespmem:s19+$0xF0] =	vst v6;
	s19 =	smov.u32 s6  }
0x138: {  	v4 =	vld.idx.msk [tilespmem:v7+s15+$0x0], $0xffff  }
0x139: {  	v5 =	vld [tilespmem:s6+$0xFFFFFEC0]  }
0x13a: {  	v6 =	vld [tilespmem:s6+$0xFFFFFED0]  }
0x13b: {  	v7 =	vld [tilespmem:s6+$0xFFFFFF00]  }
0x13c: {  	v8 =	vld [tilespmem:s6+$0xFFFFFF30];
	_ =	sdelay $0x1  }
0x13d: {  	v3 =	vmul.f32 v3, v4;
	v5 =	vmul.f32 v5, v4;
	v9 =	vld [tilespmem:s6+$0xFFFFFF20]  }
0x13e: {  	v2 =	vmul.f32 v2, v4;
	v6 =	vmul.f32 v6, v4  }
0x13f: {  	s9 =	sadd.s32 $0x1, s12;
	v1 =	vmul.f32 v1, v4;
	[tilespmem:s6+$0xFFFFFEC0] =	vst v5;
	v5 =	vmul.f32 v7, v4  }
0x140: {  	v7 =	vmov s9;
	[tilespmem:s6+$0xFFFFFEE0] =	vst v3;
	v3 =	vmul.f32 v8, v4  }
0x141: {  	[tilespmem:s6+$0xFFFFFEF0] =	vst v2;
	v2 =	vand.u32 $0xFF, v7  }
0x142: {  	v4 =	vmul.f32 v9, v4;
	[tilespmem:s6+$0xFFFFFF30] =	vst v3;
	v2 =	vadd.s32 $0x80, v2  }
0x143: {  	[tilespmem:s6+$0xFFFFFF10] =	vst v1;
	v1 =	vld [tilespmem:s6+$0xFFFFFFB0]  }
0x144: {  	[tilespmem:s6+$0xFFFFFED0] =	vst v6;
	v3 =	vld [tilespmem:s6+$0xFFFFFF90]  }
0x145: {  	[tilespmem:s6+$0xFFFFFF20] =	vst v4;
	v4 =	vld [tilespmem:s6+$0xFFFFFF70]  }
0x146: {  	[tilespmem:s6+$0xFFFFFF00] =	vst v5;
	v5 =	vld [tilespmem:s6+$0xFFFFFF50]  }
0x147: {  	v2 =	vld.idx.msk [tilespmem:v2+s15+$0x0], $0xffff  }
0x148: {  	v6 =	vld [tilespmem:s6+$0xFFFFFF40]  }
0x149: {  	v7 =	vld [tilespmem:s6+$0xFFFFFF60]  }
0x14a: {  	v8 =	vld [tilespmem:s6+$0xFFFFFF80]  }
0x14b: {  	v9 =	vld [tilespmem:s6+$0xFFFFFFA0];
	_ =	sdelay $0x1  }
0x14c: {  	v5 =	vmul.f32 v5, v2;
	v6 =	vmul.f32 v6, v2  }
0x14d: {  	v4 =	vmul.f32 v4, v2;
	v7 =	vmul.f32 v7, v2  }
0x14e: {  	s9 =	sadd.s32 $0x2, s12;
	v3 =	vmul.f32 v3, v2;
	[tilespmem:s6+$0xFFFFFF40] =	vst v6;
	v6 =	vmul.f32 v8, v2  }
0x14f: {  	v1 =	vmul.f32 v1, v2;
	[tilespmem:s6+$0xFFFFFF70] =	vst v4;
	v4 =	vmul.f32 v9, v2;
	v2 =	vmov s9  }
0x150: {  	[tilespmem:s6+$0xFFFFFF90] =	vst v3;
	v2 =	vand.u32 $0xFF, v2  }
0x151: {  	[tilespmem:s6+$0xFFFFFF80] =	vst v6;
	v2 =	vadd.s32 $0x80, v2  }
0x152: {  	[tilespmem:s6+$0xFFFFFFB0] =	vst v1;
	v1 =	vld [tilespmem:s6+$0xFFFFFFF0]  }
0x153: {  	[tilespmem:s6+$0xFFFFFF50] =	vst v5;
	v5 =	vld [tilespmem:s6+$0x30]  }
0x154: {  	[tilespmem:s6+$0xFFFFFFA0] =	vst v4;
	v3 =	vld [tilespmem:s6+$0x0]  }
0x155: {  	[tilespmem:s6+$0xFFFFFF60] =	vst v7;
	v4 =	vld [tilespmem:s6+$0xFFFFFFD0]  }
0x156: {  	v6 =	vld.idx.msk [tilespmem:v2+s15+$0x0], $0xffff  }
0x157: {  	v2 =	vld [tilespmem:s6+$0xFFFFFFC0]  }
0x158: {  	v7 =	vld [tilespmem:s6+$0xFFFFFFE0]  }
0x159: {  	v8 =	vld [tilespmem:s6+$0x10]  }
0x15a: {  	v9 =	vld [tilespmem:s6+$0x20];
	_ =	sdelay $0x1  }
.Ltmp6:
0x15b: {  	v4 =	vmul.f32 v4, v6;
	v10 =	vmul.f32 v2, v6;
	(pc) =	sbr.rel @p1 .LBB2_11-.Ltmp6, $4  }
0x15c: {  	v2 =	vmul.f32 v7, v6;
	v7 =	vmul.f32 v1, v6  }
0x15d: {  	s9 =	sadd.s32 $0x3, s12;
	v3 =	vmul.f32 v3, v6;
	[tilespmem:s6+$0xFFFFFFD0] =	vst v4;
	v1 =	vmul.f32 v8, v6  }
0x15e: {  	v5 =	vmul.f32 v5, v6;
	[tilespmem:s6+$0xFFFFFFC0] =	vst v10;
	v4 =	vmul.f32 v9, v6;
	v6 =	vmov s9  }
0x15f: {  	[tilespmem:s6+$0xFFFFFFF0] =	vst v7;
	v6 =	vand.u32 $0xFF, v6  }
0x160: {  	[tilespmem:s19+$0xFFFFFFE0] =	vst v2;
	v2 =	vadd.s32 $0x80, v6  }
0x161: {  	[tilespmem:s19+$0x0] =	vst v3  }
0x162: {  	[tilespmem:s19+$0x30] =	vst v5  }
0x163: {  	[tilespmem:s19+$0x20] =	vst v4  }
0x164: {  	v3 =	vld [tilespmem:s19+$0x40];
	[tilespmem:s19+$0x10] =	vst v1  }
0x165: {  	v1 =	vld.idx.msk [tilespmem:v2+s15+$0x0], $0xffff  }
0x166: {  	v2 =	vld [tilespmem:s19+$0x70]  }
0x167: {  	v4 =	vld [tilespmem:s19+$0x80]  }
0x168: {  	v5 =	vld [tilespmem:s19+$0xB0]  }
0x169: {  	v6 =	vld [tilespmem:s19+$0xA0]  }
0x16a: {  	v7 =	vld [tilespmem:s19+$0x50];
	v3 =	vmul.f32 v3, v1  }
0x16b: {  	v8 =	vld [tilespmem:s19+$0x60];
	v2 =	vmul.f32 v2, v1  }
0x16c: {  	v9 =	vld [tilespmem:s19+$0x90];
	s0 =	sadd.s32 $0x4, s12;
	[tilespmem:s19+$0x40] =	vst v3;
	v3 =	vmul.f32 v4, v1  }
0x16d: {  	[tilespmem:s19+$0x70] =	vst v2;
	v2 =	vmul.f32 v5, v1;
	v4 =	vmov s0  }
0x16e: {  	v5 =	vmul.f32 v6, v1;
	[tilespmem:s19+$0x80] =	vst v3;
	v3 =	vand.u32 $0xFF, v4  }
0x16f: {  	v4 =	vmul.f32 v7, v1;
	[tilespmem:s19+$0xB0] =	vst v2;
	v2 =	vadd.s32 $0x80, v3  }
0x170: {  	[tilespmem:s19+$0xA0] =	vst v5;
	v3 =	vmul.f32 v8, v1  }
0x171: {  	v1 =	vmul.f32 v9, v1;
	[tilespmem:s19+$0x50] =	vst v4  }
0x172: {  	[tilespmem:s19+$0x60] =	vst v3  }
0x173: {  	v4 =	vld [tilespmem:s19+$0xC0];
	[tilespmem:s19+$0x90] =	vst v1  }
0x174: {  	v1 =	vld.idx.msk [tilespmem:v2+s15+$0x0], $0xffff  }
0x175: {  	v2 =	vld [tilespmem:s19+$0xD0]  }
0x176: {  	v3 =	vld [tilespmem:s19+$0x100]  }
0x177: {  	v6 =	vld [tilespmem:s19+$0x110]  }
0x178: {  	v7 =	vld [tilespmem:s19+$0x120]  }
0x179: {  	v56 =	vld [tilespmem:s19+$0x130];
	v4 =	vmul.f32 v4, v1  }
0x17a: {  	v5 =	vld [tilespmem:s19+$0xE0];
	v2 =	vmul.f32 v2, v1  }
0x17b: {  	v57 =	vld [tilespmem:s19+$0xF0];
	v3 =	vmul.f32 v3, v1;
	[tilespmem:s19+$0xC0] =	vst v4  }
0x17c: {  	v4 =	vmul.f32 v6, v1;
	[tilespmem:s19+$0xD0] =	vst v2  }
0x17d: {  	v2 =	vmul.f32 v7, v1;
	[tilespmem:s19+$0x100] =	vst v3  }
0x17e: {  	v3 =	vmul.f32 v56, v1;
	[tilespmem:s19+$0x110] =	vst v4  }
0x17f: {  	v4 =	vmul.f32 v5, v1;
	[tilespmem:s19+$0x120] =	vst v2  }
0x180: {  	v1 =	vmul.f32 v57, v1;
	[tilespmem:s19+$0x130] =	vst v3  }
0x181: {  	[tilespmem:s19+$0xE0] =	vst v4  }
0x182: {  	[tilespmem:s19+$0xF0] =	vst v1  }
0x183: {  	[spmem:s3] =	stream.indirect.scatter.add.f32 [tilespmem:s20], [sflag:$0x4], $0x80, s23, s18, $0xb8;
	[tilespmem:$0x1E480] =	vst v63  }
0x184: {  	s19 =	sshll.u32 s2, $0x9;
	_ =	swait.ge [sflag:s25], $0x3E80  }
0x185: {  	s0 =	sand.u32 $0x3FFFFE00, s19;
	[sflag:s25] =	ssyncset.done $0x0  }
0x186: {  	s12 =	simm.s32 $0x0;
	s6 =	sadd.s32 $0x8100, s0;
	[sflag:s25] =	ssyncadd.s32 $0xFFFFC180  }
0x187: {  	[tilespmem:s12], [sflag:$0x1] =	stream.indirect.gather [hbm4b:s1+s18], $0x80, s6, s18, $0xb8;
	[tilespmem:$0x1E480] =	vst v63  }
0x188: {  	s24 =	sshll.u32 s2, $0x1;
	_ =	swait.ge [sflag:s26], $0x3E80  }
0x189: {  	s6 =	smin.u32 s24, $0x24;
	[sflag:s26] =	ssyncset.done $0x0  }
0x18a: {  	s0 =	sadd.s32 $0x8180, s0;
	s19 =	sshll.u32 s6, $0x5;
	[sflag:s26] =	ssyncadd.s32 $0xFFFFC180  }
0x18b: {  	[tilespmem:s20], [sflag:$0x2] =	stream.indirect.gather [hbm4b:s1+s18], $0x80, s0, s18, $0xb8;
	[tilespmem:$0x1E480] =	vst v63  }
0x18c: {  	s0 =	sadd.s32 $0x40, s19  }
0x18d: {  	s9 =	sadd.s32 s7, s0  }
0x18e: {  	[tilespmem:s14], [sflag:$0x5] =	stream.linear.gather [hbm4b:s9+s12], $0x100, $0x38;
	[tilespmem:$0x1E480] =	vst v63  }
0x18f: {  	s0 =	sadd.s32 s8, s0  }
0x190: {  	[tilespmem:s15], [sflag:$0x5] =	stream.linear.gather [hbm4b:s0+s12], $0x100, $0x38;
	[tilespmem:$0x1E480] =	vst v63  }
0x191: {  	_ =	swait.ge [sflag:s28], $0x100  }
0x192: {  	[sflag:s28] =	ssyncset.done $0x0  }
0x193: {  	[sflag:s28] =	ssyncadd.s32 $0xFFFFFF00  }
0x194: {  	_ =	swait.ge [sflag:s28], $0x100  }
0x195: {  	[sflag:s28] =	ssyncset.done $0x0  }
0x196: {  	v1 =	vmov s12;
	[sflag:s28] =	ssyncadd.s32 $0xFFFFFF00  }
0x197: {  	_ =	swait.ge [sflag:s11], $0x3E80  }
0x198: {  	[sflag:s11] =	ssyncset.done $0x0  }
0x199: {  	s0 =	simm.s32 $0x140;
	[sflag:s11] =	ssyncadd.s32 $0xFFFFC180  }
0x19a: {  	v3 =	vld [tilespmem:s0+$0xFFFFFF30]  }
0x19b: {  	v1 =	vld.idx.msk [tilespmem:v1+s17+$0x0], $0xffff  }
0x19c: {  	v4 =	vld [tilespmem:s0+$0xFFFFFEC0]  }
0x19d: {  	v5 =	vld [tilespmem:s0+$0xFFFFFEE0]  }
0x19e: {  	v6 =	vld [tilespmem:s0+$0xFFFFFEF0]  }
0x19f: {  	v2 =	vld [tilespmem:s0+$0xFFFFFF10]  }
0x1a0: {  	v58 =	vld [tilespmem:s0+$0xFFFFFED0];
	v3 =	vmul.f32 v3, v1  }
0x1a1: {  	v7 =	vld [tilespmem:s0+$0xFFFFFF20];
	v4 =	vmul.f32 v4, v1  }
0x1a2: {  	v59 =	vld [tilespmem:s0+$0xFFFFFF00];
	v5 =	vmul.f32 v5, v1;
	[tilespmem:s0+$0xFFFFFF30] =	vst v3  }
0x1a3: {  	v3 =	vmul.f32 v6, v1;
	[tilespmem:s0+$0xFFFFFEC0] =	vst v4  }
0x1a4: {  	s13 =	simm.s32 $0x1;
	v2 =	vmul.f32 v2, v1;
	[tilespmem:s0+$0xFFFFFEE0] =	vst v5  }
0x1a5: {  	v4 =	vmul.f32 v58, v1;
	[tilespmem:s0+$0xFFFFFEF0] =	vst v3;
	v3 =	vmov s13  }
0x1a6: {  	v5 =	vmul.f32 v7, v1;
	[tilespmem:s0+$0xFFFFFF10] =	vst v2  }
0x1a7: {  	v1 =	vmul.f32 v59, v1;
	[tilespmem:s0+$0xFFFFFED0] =	vst v4  }
0x1a8: {  	[tilespmem:s0+$0xFFFFFF20] =	vst v5  }
0x1a9: {  	v2 =	vld [tilespmem:s0+$0xFFFFFF40];
	[tilespmem:s0+$0xFFFFFF00] =	vst v1  }
0x1aa: {  	v1 =	vld.idx.msk [tilespmem:v3+s17+$0x0], $0xffff  }
0x1ab: {  	v3 =	vld [tilespmem:s0+$0xFFFFFF60]  }
0x1ac: {  	v4 =	vld [tilespmem:s0+$0xFFFFFF90]  }
0x1ad: {  	v5 =	vld [tilespmem:s0+$0xFFFFFF80]  }
0x1ae: {  	v6 =	vld [tilespmem:s0+$0xFFFFFF50]  }
0x1af: {  	v60 =	vld [tilespmem:s0+$0xFFFFFFB0];
	v2 =	vmul.f32 v2, v1  }
0x1b0: {  	v7 =	vld [tilespmem:s0+$0xFFFFFF70];
	v3 =	vmul.f32 v3, v1  }
0x1b1: {  	v61 =	vld [tilespmem:s0+$0xFFFFFFA0];
	[tilespmem:s0+$0xFFFFFF40] =	vst v2;
	v2 =	vmul.f32 v4, v1  }
0x1b2: {  	v4 =	vmul.f32 v5, v1;
	[tilespmem:s0+$0xFFFFFF60] =	vst v3  }
0x1b3: {  	s24 =	simm.s32 $0x2;
	v3 =	vmul.f32 v6, v1;
	[tilespmem:s0+$0xFFFFFF90] =	vst v2  }
0x1b4: {  	v5 =	vmul.f32 v60, v1;
	[tilespmem:s0+$0xFFFFFF80] =	vst v4;
	v4 =	vmov s24  }
0x1b5: {  	v2 =	vmul.f32 v7, v1;
	[tilespmem:s0+$0xFFFFFF50] =	vst v3  }
0x1b6: {  	v62 =	vld [tilespmem:s0+$0x0];
	v1 =	vmul.f32 v61, v1;
	[tilespmem:s0+$0xFFFFFFB0] =	vst v5  }
0x1b7: {  	v63 =	vld [tilespmem:s0+$0x20];
	[tilespmem:s0+$0xFFFFFF70] =	vst v2  }
0x1b8: {  	[tilespmem:s0+$0xFFFFFFA0] =	vst v1;
	v1 =	vld [tilespmem:s0+$0xFFFFFFC0]  }
0x1b9: {  	v4 =	vld.idx.msk [tilespmem:v4+s17+$0x0], $0xffff  }
0x1ba: {  	v2 =	vld [tilespmem:s0+$0xFFFFFFF0]  }
0x1bb: {  	v3 =	vld [tilespmem:s0+$0xFFFFFFE0]  }
0x1bc: {  	v5 =	vld [tilespmem:s0+$0xFFFFFFD0]  }
0x1bd: {  	v6 =	vld [tilespmem:s0+$0x30]  }
0x1be: {  	v7 =	vld [tilespmem:s0+$0x10];
	v1 =	vmul.f32 v1, v4  }
0x1bf: {  	v2 =	vmul.f32 v2, v4  }
0x1c0: {  	v3 =	vmul.f32 v3, v4;
	[tilespmem:s0+$0xFFFFFFC0] =	vst v1  }
0x1c1: {  	v10 =	vmul.f32 v5, v4;
	[tilespmem:s0+$0xFFFFFFF0] =	vst v2  }
0x1c2: {  	s9 =	simm.s32 $0x3;
	v5 =	vmul.f32 v6, v4;
	v1 =	vmul.f32 v62, v4;
	[tilespmem:s0+$0xFFFFFFE0] =	vst v3  }
0x1c3: {  	s6 =	simm.s32 $0x5;
	v2 =	vmul.f32 v7, v4;
	v3 =	vmul.f32 v63, v4;
	[tilespmem:s0+$0xFFFFFFD0] =	vst v10;
	v4 =	vmov s9;
	s9 =	simm.s32 $0x140  }
.LBB2_13:
0x1c4: {  	p1 =	slt.u32 s6, $0x78  }
0x1c5: {  	[tilespmem:s0+$0x30] =	vst v5;
	v5 =	vld [tilespmem:s0+$0xB0];
	s9 =	sadd.s32 $0x280, s9;
	s13 =	smov.u32 s6;
	s6 =	sadd.s32 $0x5, s6  }
0x1c6: {  	[tilespmem:s0+$0x10] =	vst v2;
	v2 =	vld [tilespmem:s0+$0x60]  }
0x1c7: {  	[tilespmem:s0+$0x20] =	vst v3;
	v3 =	vld [tilespmem:s0+$0x40]  }
0x1c8: {  	[tilespmem:s0+$0x0] =	vst v1;
	v1 =	vld [tilespmem:s0+$0x70]  }
0x1c9: {  	v4 =	vld.idx.msk [tilespmem:v4+s17+$0x0], $0xffff  }
0x1ca: {  	v6 =	vld [tilespmem:s0+$0x50]  }
0x1cb: {  	v7 =	vld [tilespmem:s0+$0xA0]  }
0x1cc: {  	v8 =	vld [tilespmem:s0+$0x80]  }
0x1cd: {  	v9 =	vld [tilespmem:s0+$0x90];
	_ =	sdelay $0x1  }
0x1ce: {  	v3 =	vmul.f32 v3, v4;
	v6 =	vmul.f32 v6, v4  }
0x1cf: {  	v2 =	vmul.f32 v2, v4;
	v1 =	vmul.f32 v1, v4  }
0x1d0: {  	v5 =	vmul.f32 v5, v4;
	[tilespmem:s0+$0x40] =	vst v3;
	v3 =	vmul.f32 v8, v4  }
0x1d1: {  	[tilespmem:s0+$0x60] =	vst v2;
	v2 =	vmul.f32 v9, v4;
	v4 =	vmul.f32 v7, v4  }
0x1d2: {  	s24 =	sadd.s32 $0x4, s12;
	s12 =	smov.u32 s13;
	[tilespmem:s0+$0xB0] =	vst v5  }
0x1d3: {  	[tilespmem:s0+$0x90] =	vst v2;
	v2 =	vmov s24  }
0x1d4: {  	[tilespmem:s0+$0x70] =	vst v1;
	v1 =	vld [tilespmem:s0+$0xF0]  }
0x1d5: {  	[tilespmem:s0+$0x50] =	vst v6;
	v5 =	vld [tilespmem:s0+$0xC0]  }
0x1d6: {  	[tilespmem:s0+$0x80] =	vst v3;
	v3 =	vld [tilespmem:s0+$0x120]  }
0x1d7: {  	[tilespmem:s0+$0xA0] =	vst v4;
	v4 =	vld [tilespmem:s0+$0xE0]  }
0x1d8: {  	v2 =	vld.idx.msk [tilespmem:v2+s17+$0x0], $0xffff  }
0x1d9: {  	v6 =	vld [tilespmem:s0+$0xD0]  }
0x1da: {  	v7 =	vld [tilespmem:s0+$0x110]  }
0x1db: {  	v8 =	vld [tilespmem:s0+$0x100]  }
0x1dc: {  	v9 =	vld [tilespmem:s0+$0x130];
	_ =	sdelay $0x1  }
0x1dd: {  	v5 =	vmul.f32 v5, v2;
	v6 =	vmul.f32 v6, v2  }
0x1de: {  	v4 =	vmul.f32 v4, v2;
	v1 =	vmul.f32 v1, v2  }
0x1df: {  	v7 =	vmul.f32 v7, v2;
	[tilespmem:s0+$0xC0] =	vst v5;
	v5 =	vmul.f32 v8, v2  }
0x1e0: {  	v3 =	vmul.f32 v3, v2;
	[tilespmem:s0+$0xE0] =	vst v4;
	v2 =	vmul.f32 v9, v2  }
0x1e1: {  	[tilespmem:s0+$0xF0] =	vst v1  }
0x1e2: {  	v1 =	vmov s12;
	[tilespmem:s0+$0x100] =	vst v5  }
0x1e3: {  	v4 =	vld [tilespmem:s9+$0xFFFFFF10];
	[tilespmem:s0+$0x110] =	vst v7  }
0x1e4: {  	v5 =	vld [tilespmem:s9+$0xFFFFFEF0];
	[tilespmem:s0+$0x120] =	vst v3  }
0x1e5: {  	v3 =	vld [tilespmem:s9+$0xFFFFFF20];
	[tilespmem:s0+$0x130] =	vst v2  }
0x1e6: {  	v2 =	vld [tilespmem:s9+$0xFFFFFF30];
	[tilespmem:s0+$0xD0] =	vst v6;
	s0 =	smov.u32 s9  }
0x1e7: {  	v1 =	vld.idx.msk [tilespmem:v1+s17+$0x0], $0xffff  }
0x1e8: {  	v6 =	vld [tilespmem:s9+$0xFFFFFEC0]  }
0x1e9: {  	v7 =	vld [tilespmem:s9+$0xFFFFFEE0]  }
0x1ea: {  	v8 =	vld [tilespmem:s9+$0xFFFFFED0]  }
0x1eb: {  	v9 =	vld [tilespmem:s9+$0xFFFFFF00];
	_ =	sdelay $0x1  }
0x1ec: {  	v2 =	vmul.f32 v2, v1;
	v6 =	vmul.f32 v6, v1  }
0x1ed: {  	v3 =	vmul.f32 v3, v1;
	v7 =	vmul.f32 v7, v1  }
0x1ee: {  	v5 =	vmul.f32 v5, v1;
	v8 =	vmul.f32 v8, v1;
	[tilespmem:s9+$0xFFFFFF30] =	vst v2  }
0x1ef: {  	[tilespmem:s9+$0xFFFFFEC0] =	vst v6;
	v2 =	vmul.f32 v9, v1;
	v1 =	vmul.f32 v4, v1  }
0x1f0: {  	s13 =	sadd.s32 $0x1, s12;
	[tilespmem:s9+$0xFFFFFEE0] =	vst v7  }
0x1f1: {  	v4 =	vmov s13;
	[tilespmem:s9+$0xFFFFFEF0] =	vst v5  }
0x1f2: {  	[tilespmem:s9+$0xFFFFFF10] =	vst v1;
	v1 =	vld [tilespmem:s9+$0xFFFFFFB0]  }
0x1f3: {  	[tilespmem:s9+$0xFFFFFED0] =	vst v8;
	v5 =	vld [tilespmem:s9+$0xFFFFFF90]  }
0x1f4: {  	[tilespmem:s9+$0xFFFFFF20] =	vst v3;
	v3 =	vld [tilespmem:s9+$0xFFFFFF70]  }
0x1f5: {  	[tilespmem:s9+$0xFFFFFF00] =	vst v2;
	v2 =	vld [tilespmem:s9+$0xFFFFFF50]  }
0x1f6: {  	v4 =	vld.idx.msk [tilespmem:v4+s17+$0x0], $0xffff  }
0x1f7: {  	v6 =	vld [tilespmem:s9+$0xFFFFFF40]  }
0x1f8: {  	v7 =	vld [tilespmem:s9+$0xFFFFFF60]  }
0x1f9: {  	v8 =	vld [tilespmem:s9+$0xFFFFFF80]  }
0x1fa: {  	v9 =	vld [tilespmem:s9+$0xFFFFFFA0];
	_ =	sdelay $0x1  }
0x1fb: {  	v2 =	vmul.f32 v2, v4;
	v6 =	vmul.f32 v6, v4  }
0x1fc: {  	v3 =	vmul.f32 v3, v4;
	v7 =	vmul.f32 v7, v4  }
0x1fd: {  	v5 =	vmul.f32 v5, v4;
	[tilespmem:s9+$0xFFFFFF40] =	vst v6;
	v6 =	vmul.f32 v8, v4  }
0x1fe: {  	v1 =	vmul.f32 v1, v4;
	[tilespmem:s9+$0xFFFFFF60] =	vst v7;
	v7 =	vmul.f32 v9, v4  }
0x1ff: {  	s13 =	sadd.s32 $0x2, s12;
	[tilespmem:s9+$0xFFFFFF90] =	vst v5  }
0x200: {  	v4 =	vmov s13;
	[tilespmem:s9+$0xFFFFFF80] =	vst v6  }
0x201: {  	[tilespmem:s9+$0xFFFFFF50] =	vst v2;
	v5 =	vld [tilespmem:s9+$0x30]  }
0x202: {  	[tilespmem:s9+$0xFFFFFF70] =	vst v3;
	v2 =	vld [tilespmem:s9+$0xFFFFFFF0]  }
0x203: {  	[tilespmem:s9+$0xFFFFFFB0] =	vst v1;
	v1 =	vld [tilespmem:s9+$0xFFFFFFE0]  }
0x204: {  	[tilespmem:s9+$0xFFFFFFA0] =	vst v7;
	v3 =	vld [tilespmem:s9+$0xFFFFFFD0]  }
0x205: {  	v4 =	vld.idx.msk [tilespmem:v4+s17+$0x0], $0xffff  }
0x206: {  	v6 =	vld [tilespmem:s9+$0xFFFFFFC0]  }
0x207: {  	v7 =	vld [tilespmem:s9+$0x10]  }
0x208: {  	v8 =	vld [tilespmem:s9+$0x0]  }
0x209: {  	v9 =	vld [tilespmem:s9+$0x20];
	_ =	sdelay $0x1  }
0x20a: {  	v10 =	vmul.f32 v3, v4;
	v6 =	vmul.f32 v6, v4  }
.Ltmp7:
0x20b: {  	v11 =	vmul.f32 v1, v4;
	v3 =	vmul.f32 v2, v4;
	(pc) =	sbr.rel @p1 .LBB2_13-.Ltmp7, $4  }
0x20c: {  	v2 =	vmul.f32 v7, v4;
	[tilespmem:s9+$0xFFFFFFC0] =	vst v6;
	v1 =	vmul.f32 v8, v4  }
0x20d: {  	v5 =	vmul.f32 v5, v4;
	[tilespmem:s9+$0xFFFFFFF0] =	vst v3;
	v3 =	vmul.f32 v9, v4  }
0x20e: {  	s13 =	sadd.s32 $0x3, s12;
	[tilespmem:s9+$0xFFFFFFE0] =	vst v11  }
0x20f: {  	v4 =	vmov s13;
	[tilespmem:s9+$0xFFFFFFD0] =	vst v10  }
0x210: {  	[tilespmem:s0+$0x30] =	vst v5  }
0x211: {  	[tilespmem:s0+$0x10] =	vst v2  }
0x212: {  	[tilespmem:s0+$0x20] =	vst v3  }
0x213: {  	v2 =	vld [tilespmem:s0+$0x40];
	[tilespmem:s0+$0x0] =	vst v1  }
0x214: {  	v1 =	vld.idx.msk [tilespmem:v4+s17+$0x0], $0xffff  }
0x215: {  	v3 =	vld [tilespmem:s0+$0x60]  }
0x216: {  	v4 =	vld [tilespmem:s0+$0xB0]  }
0x217: {  	v5 =	vld [tilespmem:s0+$0x90]  }
0x218: {  	v6 =	vld [tilespmem:s0+$0x70]  }
0x219: {  	v8 =	vld [tilespmem:s0+$0x80];
	v2 =	vmul.f32 v2, v1  }
0x21a: {  	v7 =	vld [tilespmem:s0+$0x50];
	v3 =	vmul.f32 v3, v1  }
0x21b: {  	v9 =	vld [tilespmem:s0+$0xA0];
	[tilespmem:s0+$0x40] =	vst v2;
	v2 =	vmul.f32 v4, v1  }
0x21c: {  	[tilespmem:s0+$0x60] =	vst v3;
	v3 =	vmul.f32 v5, v1  }
0x21d: {  	s6 =	sadd.s32 $0x4, s12;
	v4 =	vmul.f32 v6, v1;
	[tilespmem:s0+$0xB0] =	vst v2  }
0x21e: {  	v5 =	vmul.f32 v8, v1;
	[tilespmem:s0+$0x90] =	vst v3;
	v3 =	vmov s6  }
0x21f: {  	v2 =	vmul.f32 v7, v1;
	[tilespmem:s0+$0x70] =	vst v4  }
0x220: {  	v1 =	vmul.f32 v9, v1;
	[tilespmem:s0+$0x80] =	vst v5  }
0x221: {  	[tilespmem:s0+$0x50] =	vst v2  }
0x222: {  	v2 =	vld [tilespmem:s0+$0xC0];
	[tilespmem:s0+$0xA0] =	vst v1  }
0x223: {  	v1 =	vld.idx.msk [tilespmem:v3+s17+$0x0], $0xffff  }
0x224: {  	v3 =	vld [tilespmem:s0+$0xE0]  }
0x225: {  	v4 =	vld [tilespmem:s0+$0xF0]  }
0x226: {  	v6 =	vld [tilespmem:s0+$0x100]  }
0x227: {  	v7 =	vld [tilespmem:s0+$0x110]  }
0x228: {  	v5 =	vld [tilespmem:s0+$0x120];
	v2 =	vmul.f32 v2, v1  }
0x229: {  	v60 =	vld [tilespmem:s0+$0x130];
	v3 =	vmul.f32 v3, v1  }
0x22a: {  	v8 =	vld [tilespmem:s0+$0xD0];
	v4 =	vmul.f32 v4, v1;
	[tilespmem:s0+$0xC0] =	vst v2  }
0x22b: {  	v2 =	vmul.f32 v6, v1;
	[tilespmem:s0+$0xE0] =	vst v3  }
0x22c: {  	s12 =	simm.s32 $0x0;
	v3 =	vmul.f32 v7, v1;
	[tilespmem:s0+$0xF0] =	vst v4  }
0x22d: {  	v4 =	vmul.f32 v5, v1;
	[tilespmem:s0+$0x100] =	vst v2;
	v2 =	vmov s12  }
0x22e: {  	v5 =	vmul.f32 v60, v1;
	[tilespmem:s0+$0x110] =	vst v3;
	v2 =	vand.u32 $0x7F, v2  }
0x22f: {  	v1 =	vmul.f32 v8, v1;
	[tilespmem:s0+$0x120] =	vst v4;
	v2 =	vor.u32 $0x80, v2  }
0x230: {  	[tilespmem:s0+$0x130] =	vst v5;
	v2 =	vbroadcast v2, $0x0  }
0x231: {  	[tilespmem:s0+$0xD0] =	vst v1  }
0x232: {  	[spmem:s3] =	stream.indirect.scatter.add.f32 [tilespmem:s12], [sflag:$0x3], $0x80, s16, s18, $0xb8;
	[tilespmem:$0x1E480] =	vst v63  }
0x233: {  	_ =	swait.ge [sflag:s22], $0x3E80  }
0x234: {  	[sflag:s22] =	ssyncset.done $0x0  }
0x235: {  	[sflag:s22] =	ssyncadd.s32 $0xFFFFC180  }
0x236: {  	s0 =	simm.s32 $0x4140;
	v1 =	vld.idx.msk [tilespmem:v2+s17+$0x0], $0xffff  }
0x237: {  	v2 =	vld [tilespmem:s0+$0xFFFFFEC0]  }
0x238: {  	v3 =	vld [tilespmem:s0+$0xFFFFFEE0]  }
0x239: {  	v4 =	vld [tilespmem:s0+$0xFFFFFEF0]  }
0x23a: {  	v5 =	vld [tilespmem:s0+$0xFFFFFF30]  }
0x23b: {  	v6 =	vld [tilespmem:s0+$0xFFFFFF10]  }
0x23c: {  	v7 =	vld [tilespmem:s0+$0xFFFFFED0];
	v2 =	vmul.f32 v2, v1  }
0x23d: {  	v8 =	vld [tilespmem:s0+$0xFFFFFF20];
	v3 =	vmul.f32 v3, v1  }
0x23e: {  	s9 =	simm.s32 $0x1;
	v61 =	vld [tilespmem:s0+$0xFFFFFF00];
	v4 =	vmul.f32 v4, v1;
	[tilespmem:s0+$0xFFFFFEC0] =	vst v2  }
0x23f: {  	[tilespmem:s0+$0xFFFFFEE0] =	vst v3;
	v2 =	vmul.f32 v5, v1;
	v3 =	vmov s9  }
0x240: {  	v5 =	vmul.f32 v6, v1;
	[tilespmem:s0+$0xFFFFFEF0] =	vst v4;
	v3 =	vand.u32 $0xFF, v3  }
0x241: {  	v4 =	vmul.f32 v7, v1;
	[tilespmem:s0+$0xFFFFFF30] =	vst v2;
	v2 =	vadd.s32 $0x80, v3  }
0x242: {  	v3 =	vmul.f32 v8, v1;
	[tilespmem:s0+$0xFFFFFF10] =	vst v5  }
0x243: {  	v1 =	vmul.f32 v61, v1;
	[tilespmem:s0+$0xFFFFFED0] =	vst v4  }
0x244: {  	[tilespmem:s0+$0xFFFFFF20] =	vst v3  }
0x245: {  	[tilespmem:s0+$0xFFFFFF00] =	vst v1  }
0x246: {  	v1 =	vld.idx.msk [tilespmem:v2+s17+$0x0], $0xffff  }
0x247: {  	v2 =	vld [tilespmem:s0+$0xFFFFFF40]  }
0x248: {  	v4 =	vld [tilespmem:s0+$0xFFFFFF70]  }
0x249: {  	v5 =	vld [tilespmem:s0+$0xFFFFFF90]  }
0x24a: {  	v3 =	vld [tilespmem:s0+$0xFFFFFFB0]  }
0x24b: {  	v6 =	vld [tilespmem:s0+$0xFFFFFF80]  }
0x24c: {  	v7 =	vld [tilespmem:s0+$0xFFFFFF50];
	v2 =	vmul.f32 v2, v1  }
0x24d: {  	v62 =	vld [tilespmem:s0+$0xFFFFFFA0];
	v4 =	vmul.f32 v4, v1  }
0x24e: {  	s13 =	simm.s32 $0x2;
	v8 =	vld [tilespmem:s0+$0xFFFFFF60];
	[tilespmem:s0+$0xFFFFFF40] =	vst v2;
	v2 =	vmul.f32 v5, v1  }
0x24f: {  	v3 =	vmul.f32 v3, v1;
	[tilespmem:s0+$0xFFFFFF70] =	vst v4;
	v4 =	vmov s13  }
0x250: {  	v5 =	vmul.f32 v6, v1;
	[tilespmem:s0+$0xFFFFFF90] =	vst v2;
	v2 =	vand.u32 $0xFF, v4  }
0x251: {  	[tilespmem:s0+$0xFFFFFFB0] =	vst v3;
	v4 =	vmul.f32 v7, v1;
	v2 =	vadd.s32 $0x80, v2  }
0x252: {  	v63 =	vld [tilespmem:s0+$0x20];
	[tilespmem:s0+$0xFFFFFF80] =	vst v5;
	v5 =	vmul.f32 v62, v1  }
0x253: {  	v3 =	vld [tilespmem:s0+$0xFFFFFFF0];
	v1 =	vmul.f32 v8, v1;
	[tilespmem:s0+$0xFFFFFF50] =	vst v4  }
0x254: {  	v7 =	vld [tilespmem:s0+$0xFFFFFFE0];
	[tilespmem:s0+$0xFFFFFFA0] =	vst v5  }
0x255: {  	[tilespmem:s0+$0xFFFFFF60] =	vst v1;
	v1 =	vld [tilespmem:s0+$0xFFFFFFD0]  }
0x256: {  	v5 =	vld.idx.msk [tilespmem:v2+s17+$0x0], $0xffff  }
0x257: {  	v2 =	vld [tilespmem:s0+$0xFFFFFFC0]  }
0x258: {  	v8 =	vld [tilespmem:s0+$0x10]  }
0x259: {  	v4 =	vld [tilespmem:s0+$0x0]  }
0x25a: {  	v6 =	vld [tilespmem:s0+$0x30]  }
0x25b: {  	v1 =	vmul.f32 v1, v5  }
0x25c: {  	v10 =	vmul.f32 v2, v5  }
0x25d: {  	s24 =	simm.s32 $0x3;
	v2 =	vmul.f32 v7, v5;
	v7 =	vmul.f32 v3, v5;
	[tilespmem:s0+$0xFFFFFFD0] =	vst v1  }
0x25e: {  	v3 =	vmul.f32 v4, v5;
	v1 =	vmul.f32 v8, v5;
	[tilespmem:s0+$0xFFFFFFC0] =	vst v10;
	v8 =	vmov s24  }
0x25f: {  	s6 =	simm.s32 $0x5;
	s9 =	simm.s32 $0x4140;
	v4 =	vmul.f32 v63, v5;
	v5 =	vmul.f32 v6, v5;
	[tilespmem:s0+$0xFFFFFFF0] =	vst v7;
	v6 =	vand.u32 $0xFF, v8  }
.LBB2_15:
0x260: {  	p1 =	slt.u32 s6, $0x78  }
0x261: {  	[tilespmem:s0+$0xFFFFFFE0] =	vst v2;
	v2 =	vadd.s32 $0x80, v6;
	s9 =	sadd.s32 $0x280, s9;
	s13 =	smov.u32 s6;
	s6 =	sadd.s32 $0x5, s6  }
0x262: {  	[tilespmem:s0+$0x0] =	vst v3;
	v3 =	vld [tilespmem:s0+$0x40]  }
0x263: {  	[tilespmem:s0+$0x30] =	vst v5;
	v5 =	vld [tilespmem:s0+$0xB0]  }
0x264: {  	[tilespmem:s0+$0x20] =	vst v4;
	v4 =	vld [tilespmem:s0+$0x70]  }
0x265: {  	[tilespmem:s0+$0x10] =	vst v1;
	v1 =	vld [tilespmem:s0+$0x90]  }
0x266: {  	v2 =	vld.idx.msk [tilespmem:v2+s17+$0x0], $0xffff  }
0x267: {  	v6 =	vld [tilespmem:s0+$0x50]  }
0x268: {  	v7 =	vld [tilespmem:s0+$0x60]  }
0x269: {  	v8 =	vld [tilespmem:s0+$0x80]  }
0x26a: {  	v9 =	vld [tilespmem:s0+$0xA0];
	_ =	sdelay $0x1  }
0x26b: {  	v3 =	vmul.f32 v3, v2;
	v6 =	vmul.f32 v6, v2  }
0x26c: {  	v4 =	vmul.f32 v4, v2;
	v7 =	vmul.f32 v7, v2  }
0x26d: {  	s24 =	sadd.s32 $0x4, s12;
	s12 =	smov.u32 s13;
	v1 =	vmul.f32 v1, v2;
	[tilespmem:s0+$0x40] =	vst v3;
	v3 =	vmul.f32 v8, v2  }
0x26e: {  	[tilespmem:s0+$0x70] =	vst v4;
	v4 =	vmul.f32 v9, v2;
	v2 =	vmul.f32 v5, v2;
	v5 =	vmov s24  }
0x26f: {  	[tilespmem:s0+$0x80] =	vst v3;
	v3 =	vand.u32 $0xFF, v5  }
0x270: {  	[tilespmem:s0+$0xB0] =	vst v2;
	v2 =	vadd.s32 $0x80, v3  }
0x271: {  	[tilespmem:s0+$0xA0] =	vst v4  }
0x272: {  	[tilespmem:s0+$0x50] =	vst v6;
	v3 =	vld [tilespmem:s0+$0xC0]  }
0x273: {  	[tilespmem:s0+$0x60] =	vst v7;
	v4 =	vld [tilespmem:s0+$0x100]  }
0x274: {  	[tilespmem:s0+$0x90] =	vst v1;
	v1 =	vld [tilespmem:s0+$0xD0]  }
0x275: {  	v2 =	vld.idx.msk [tilespmem:v2+s17+$0x0], $0xffff  }
0x276: {  	v5 =	vld [tilespmem:s0+$0xE0]  }
0x277: {  	v6 =	vld [tilespmem:s0+$0xF0]  }
0x278: {  	v7 =	vld [tilespmem:s0+$0x110]  }
0x279: {  	v8 =	vld [tilespmem:s0+$0x120]  }
0x27a: {  	v9 =	vld [tilespmem:s0+$0x130]  }
0x27b: {  	v10 =	vmov s12;
	v3 =	vmul.f32 v3, v2;
	v1 =	vmul.f32 v1, v2  }
0x27c: {  	v10 =	vand.u32 $0x7F, v10;
	v5 =	vmul.f32 v5, v2;
	v6 =	vmul.f32 v6, v2  }
0x27d: {  	v10 =	vor.u32 $0x80, v10;
	[tilespmem:s0+$0xC0] =	vst v3;
	v3 =	vmul.f32 v4, v2;
	v4 =	vmul.f32 v7, v2  }
0x27e: {  	v7 =	vbroadcast v10, $0x0;
	[tilespmem:s0+$0xD0] =	vst v1;
	v1 =	vmul.f32 v8, v2  }
0x27f: {  	[tilespmem:s0+$0x100] =	vst v3;
	v2 =	vmul.f32 v9, v2  }
0x280: {  	[tilespmem:s0+$0x110] =	vst v4  }
0x281: {  	[tilespmem:s0+$0x120] =	vst v1  }
0x282: {  	v1 =	vld [tilespmem:s9+$0xFFFFFF10];
	[tilespmem:s0+$0x130] =	vst v2  }
0x283: {  	v2 =	vld [tilespmem:s9+$0xFFFFFEF0];
	[tilespmem:s0+$0xE0] =	vst v5  }
0x284: {  	v3 =	vld [tilespmem:s9+$0xFFFFFEE0];
	[tilespmem:s0+$0xF0] =	vst v6;
	s0 =	smov.u32 s9  }
0x285: {  	v4 =	vld.idx.msk [tilespmem:v7+s17+$0x0], $0xffff  }
0x286: {  	v5 =	vld [tilespmem:s9+$0xFFFFFEC0]  }
0x287: {  	v6 =	vld [tilespmem:s9+$0xFFFFFED0]  }
0x288: {  	v7 =	vld [tilespmem:s9+$0xFFFFFF00]  }
0x289: {  	v8 =	vld [tilespmem:s9+$0xFFFFFF30];
	_ =	sdelay $0x1  }
0x28a: {  	v3 =	vmul.f32 v3, v4;
	v5 =	vmul.f32 v5, v4;
	v9 =	vld [tilespmem:s9+$0xFFFFFF20]  }
0x28b: {  	v2 =	vmul.f32 v2, v4;
	v6 =	vmul.f32 v6, v4  }
0x28c: {  	s13 =	sadd.s32 $0x1, s12;
	v1 =	vmul.f32 v1, v4;
	[tilespmem:s9+$0xFFFFFEC0] =	vst v5;
	v5 =	vmul.f32 v7, v4  }
0x28d: {  	v7 =	vmov s13;
	[tilespmem:s9+$0xFFFFFEE0] =	vst v3;
	v3 =	vmul.f32 v8, v4  }
0x28e: {  	[tilespmem:s9+$0xFFFFFEF0] =	vst v2;
	v2 =	vand.u32 $0xFF, v7  }
0x28f: {  	v4 =	vmul.f32 v9, v4;
	[tilespmem:s9+$0xFFFFFF30] =	vst v3;
	v2 =	vadd.s32 $0x80, v2  }
0x290: {  	[tilespmem:s9+$0xFFFFFF10] =	vst v1;
	v1 =	vld [tilespmem:s9+$0xFFFFFFB0]  }
0x291: {  	[tilespmem:s9+$0xFFFFFED0] =	vst v6;
	v3 =	vld [tilespmem:s9+$0xFFFFFF90]  }
0x292: {  	[tilespmem:s9+$0xFFFFFF20] =	vst v4;
	v4 =	vld [tilespmem:s9+$0xFFFFFF70]  }
0x293: {  	[tilespmem:s9+$0xFFFFFF00] =	vst v5;
	v5 =	vld [tilespmem:s9+$0xFFFFFF50]  }
0x294: {  	v2 =	vld.idx.msk [tilespmem:v2+s17+$0x0], $0xffff  }
0x295: {  	v6 =	vld [tilespmem:s9+$0xFFFFFF40]  }
0x296: {  	v7 =	vld [tilespmem:s9+$0xFFFFFF60]  }
0x297: {  	v8 =	vld [tilespmem:s9+$0xFFFFFF80]  }
0x298: {  	v9 =	vld [tilespmem:s9+$0xFFFFFFA0];
	_ =	sdelay $0x1  }
0x299: {  	v5 =	vmul.f32 v5, v2;
	v6 =	vmul.f32 v6, v2  }
0x29a: {  	v4 =	vmul.f32 v4, v2;
	v7 =	vmul.f32 v7, v2  }
0x29b: {  	s13 =	sadd.s32 $0x2, s12;
	v3 =	vmul.f32 v3, v2;
	[tilespmem:s9+$0xFFFFFF40] =	vst v6;
	v6 =	vmul.f32 v8, v2  }
0x29c: {  	v1 =	vmul.f32 v1, v2;
	[tilespmem:s9+$0xFFFFFF70] =	vst v4;
	v4 =	vmul.f32 v9, v2;
	v2 =	vmov s13  }
0x29d: {  	[tilespmem:s9+$0xFFFFFF90] =	vst v3;
	v2 =	vand.u32 $0xFF, v2  }
0x29e: {  	[tilespmem:s9+$0xFFFFFF80] =	vst v6;
	v2 =	vadd.s32 $0x80, v2  }
0x29f: {  	[tilespmem:s9+$0xFFFFFFB0] =	vst v1;
	v1 =	vld [tilespmem:s9+$0xFFFFFFF0]  }
0x2a0: {  	[tilespmem:s9+$0xFFFFFF50] =	vst v5;
	v5 =	vld [tilespmem:s9+$0x30]  }
0x2a1: {  	[tilespmem:s9+$0xFFFFFFA0] =	vst v4;
	v3 =	vld [tilespmem:s9+$0x0]  }
0x2a2: {  	[tilespmem:s9+$0xFFFFFF60] =	vst v7;
	v4 =	vld [tilespmem:s9+$0xFFFFFFD0]  }
0x2a3: {  	v6 =	vld.idx.msk [tilespmem:v2+s17+$0x0], $0xffff  }
0x2a4: {  	v2 =	vld [tilespmem:s9+$0xFFFFFFC0]  }
0x2a5: {  	v7 =	vld [tilespmem:s9+$0xFFFFFFE0]  }
0x2a6: {  	v8 =	vld [tilespmem:s9+$0x10]  }
0x2a7: {  	v9 =	vld [tilespmem:s9+$0x20];
	_ =	sdelay $0x1  }
.Ltmp8:
0x2a8: {  	v4 =	vmul.f32 v4, v6;
	v10 =	vmul.f32 v2, v6;
	(pc) =	sbr.rel @p1 .LBB2_15-.Ltmp8, $4  }
0x2a9: {  	v2 =	vmul.f32 v7, v6;
	v7 =	vmul.f32 v1, v6  }
0x2aa: {  	s13 =	sadd.s32 $0x3, s12;
	v3 =	vmul.f32 v3, v6;
	[tilespmem:s9+$0xFFFFFFD0] =	vst v4;
	v1 =	vmul.f32 v8, v6  }
0x2ab: {  	v5 =	vmul.f32 v5, v6;
	[tilespmem:s9+$0xFFFFFFC0] =	vst v10;
	v4 =	vmul.f32 v9, v6;
	v6 =	vmov s13  }
0x2ac: {  	[tilespmem:s9+$0xFFFFFFF0] =	vst v7;
	v6 =	vand.u32 $0xFF, v6  }
0x2ad: {  	[tilespmem:s0+$0xFFFFFFE0] =	vst v2;
	v2 =	vadd.s32 $0x80, v6  }
0x2ae: {  	[tilespmem:s0+$0x0] =	vst v3  }
0x2af: {  	[tilespmem:s0+$0x30] =	vst v5  }
0x2b0: {  	[tilespmem:s0+$0x20] =	vst v4  }
0x2b1: {  	v3 =	vld [tilespmem:s0+$0x40];
	[tilespmem:s0+$0x10] =	vst v1  }
0x2b2: {  	v1 =	vld.idx.msk [tilespmem:v2+s17+$0x0], $0xffff  }
0x2b3: {  	v2 =	vld [tilespmem:s0+$0x70]  }
0x2b4: {  	v50 =	vld [tilespmem:s0+$0x80]  }
0x2b5: {  	v51 =	vld [tilespmem:s0+$0xB0]  }
0x2b6: {  	v52 =	vld [tilespmem:s0+$0xA0]  }
0x2b7: {  	v7 =	vld [tilespmem:s0+$0x50];
	v3 =	vmul.f32 v3, v1  }
0x2b8: {  	v8 =	vld [tilespmem:s0+$0x60];
	v2 =	vmul.f32 v2, v1  }
0x2b9: {  	v9 =	vld [tilespmem:s0+$0x90];
	s6 =	sadd.s32 $0x4, s12;
	[tilespmem:s0+$0x40] =	vst v3;
	v3 =	vmul.f32 v50, v1  }
0x2ba: {  	v53 =	vmov s6;
	[tilespmem:s0+$0x70] =	vst v2;
	v2 =	vmul.f32 v51, v1  }
0x2bb: {  	v54 =	vmul.f32 v52, v1;
	[tilespmem:s0+$0x80] =	vst v3;
	v3 =	vand.u32 $0xFF, v53  }
0x2bc: {  	v55 =	vmul.f32 v7, v1;
	[tilespmem:s0+$0xB0] =	vst v2;
	v2 =	vadd.s32 $0x80, v3  }
0x2bd: {  	[tilespmem:s0+$0xA0] =	vst v54;
	v3 =	vmul.f32 v8, v1  }
0x2be: {  	[tilespmem:s0+$0x50] =	vst v55;
	v1 =	vmul.f32 v9, v1  }
0x2bf: {  	[tilespmem:s0+$0x60] =	vst v3  }
0x2c0: {  	v56 =	vld [tilespmem:s0+$0xC0];
	[tilespmem:s0+$0x90] =	vst v1  }
0x2c1: {  	v1 =	vld.idx.msk [tilespmem:v2+s17+$0x0], $0xffff  }
0x2c2: {  	v2 =	vld [tilespmem:s0+$0xD0]  }
0x2c3: {  	v3 =	vld [tilespmem:s0+$0x100]  }
0x2c4: {  	v58 =	vld [tilespmem:s0+$0x110]  }
0x2c5: {  	v57 =	vld [tilespmem:s0+$0xE0]  }
0x2c6: {  	v59 =	vld [tilespmem:s0+$0x120];
	v4 =	vmul.f32 v56, v1  }
0x2c7: {  	v60 =	vld [tilespmem:s0+$0x130];
	v2 =	vmul.f32 v2, v1  }
0x2c8: {  	v61 =	vld [tilespmem:s0+$0xF0];
	v3 =	vmul.f32 v3, v1;
	[tilespmem:s0+$0xC0] =	vst v4  }
0x2c9: {  	v62 =	vmul.f32 v58, v1;
	[tilespmem:s0+$0xD0] =	vst v2  }
0x2ca: {  	v63 =	vmul.f32 v57, v1;
	[tilespmem:s0+$0x100] =	vst v3  }
0x2cb: {  	v2 =	vmul.f32 v59, v1;
	[tilespmem:s0+$0x110] =	vst v62  }
0x2cc: {  	v3 =	vmul.f32 v60, v1;
	[tilespmem:s0+$0xE0] =	vst v63  }
0x2cd: {  	v1 =	vmul.f32 v61, v1;
	[tilespmem:s0+$0x120] =	vst v2  }
0x2ce: {  	[tilespmem:s0+$0x130] =	vst v3  }
0x2cf: {  	s12 =	sshll.u32 s2, $0x2;
	[tilespmem:s0+$0xF0] =	vst v1  }
0x2d0: {  	[spmem:s3] =	stream.indirect.scatter.add.f32 [tilespmem:s20], [sflag:$0x4], $0x80, s29, s18, $0xb8;
	[tilespmem:$0x1E480] =	vst v63  }
0x2d1: {  	s0 =	smin.u32 s12, $0x48;
	_ =	swait.ge [sflag:s25], $0x3E80  }
0x2d2: {  	s0 =	sshll.u32 s0, $0x7;
	[sflag:s25] =	ssyncset.done $0x0  }
0x2d3: {  	s13 =	sadd.s32 $0x8200, s0;
	[sflag:s25] =	ssyncadd.s32 $0xFFFFC180  }
0x2d4: {  	[tilespmem:s4], [sflag:$0x1] =	stream.indirect.gather [hbm4b:s1+s18], $0x80, s13, s18, $0xb8;
	[tilespmem:$0x1E480] =	vst v63  }
0x2d5: {  	_ =	swait.ge [sflag:s26], $0x3E80  }
0x2d6: {  	s2 =	sadd.s32 $0x1, s2;
	[sflag:s26] =	ssyncset.done $0x0  }
0x2d7: {  	p1 =	sne.s32 s2, $0x14;
	s0 =	sadd.s32 $0x8280, s0;
	[sflag:s26] =	ssyncadd.s32 $0xFFFFC180  }
0x2d8: {  	[tilespmem:s20], [sflag:$0x2] =	stream.indirect.gather [hbm4b:s1+s18], $0x80, s0, s18, $0xb8;
	[tilespmem:$0x1E480] =	vst v63  }
.Ltmp9:
0x2d9: {  	s19 =	sadd.s32 $0x60, s19;
	(pc) =	sbr.rel @p1 .LBB2_8-.Ltmp9, $4  }
0x2da: {  	s24 =	sadd.s32 s7, s19  }
0x2db: {  	[tilespmem:s16], [sflag:$0x6] =	stream.linear.gather [hbm4b:s24+s4], $0x100, $0x38;
	[tilespmem:$0x1E480] =	vst v63  }
0x2dc: {  	s0 =	sadd.s32 s8, s19  }
0x2dd: {  	[tilespmem:s17], [sflag:$0x6] =	stream.linear.gather [hbm4b:s0+s4], $0x100, $0x38;
	[tilespmem:$0x1E480] =	vst v63  }
0x2de: {  	_ =	swait.ge [sflag:s11], $0x3E80  }
0x2df: {  	[sflag:s11] =	ssyncset.done $0x0  }
0x2e0: {  	[sflag:s11] =	ssyncadd.s32 $0xFFFFC180  }
0x2e1: {  	_ =	swait.ge [sflag:s22], $0x3E80  }
0x2e2: {  	[sflag:s22] =	ssyncset.done $0x0  }
0x2e3: {  	[sflag:s22] =	ssyncadd.s32 $0xFFFFC180  }
0x2e4: {  	_ =	swait.ge [sflag:s21], $0x100  }
0x2e5: {  	[sflag:s21] =	ssyncset.done $0x0  }
0x2e6: {  	[sflag:s21] =	ssyncadd.s32 $0xFFFFFF00  }
0x2e7: {  	_ =	swait.ge [sflag:s21], $0x100  }
0x2e8: {  	[sflag:s21] =	ssyncset.done $0x0  }
0x2e9: {  	[sflag:s21] =	ssyncadd.s32 $0xFFFFFF00  }
0x2ea: {  	_ =	swait.ge [sflag:s28], $0x100  }
0x2eb: {  	[sflag:s28] =	ssyncset.done $0x0  }
0x2ec: {  	[sflag:s28] =	ssyncadd.s32 $0xFFFFFF00  }
0x2ed: {  	_ =	swait.ge [sflag:s28], $0x100  }
0x2ee: {  	[sflag:s28] =	ssyncset.done $0x0  }
.Ltmp10:
0x2ef: {  	s0 =	stileid.u32;
	[sflag:s28] =	ssyncadd.s32 $0xFFFFFF00;
	(pc) =	sbr.rel @!p0 .LBB2_19-.Ltmp10, $4  }
0x2f0: {  	s0 =	sshll.u32 s0, $0x6;
	[bflag:$0x0] =	sbarrier.arrive $0xFFFF  }
0x2f1: {  	s2 =	sshrl.u32 s10, $0x3;
	s0 =	sor.u32 $0x1C01, s0;
	s9 =	rddreg [dreg:$0x6]  }
0x2f2: {  	[hbm:s9], [sflag:s0] =	dma.local [spmem:s2], $0x500  }
0x2f3: {  	s6 =	sadd.s32 $0x28000, s10;
	s2 =	sadd.s32 $0xFFFFFFFF, s5  }
.LBB2_18:
0x2f4: {  	p1 =	sne.s32 s2, $0x1;
	s2 =	sadd.s32 $0xFFFFFFFF, s2  }
.Ltmp11:
0x2f5: {  	s12 =	sshrl.u32 s6, $0x3;
	s9 =	sadd.s32 $0x5000, s9;
	(pc) =	sbr.rel @p1 .LBB2_18-.Ltmp11, $3  }
0x2f6: {  	[hbm:s9], [sflag:s0] =	dma.local [spmem:s12], $0x500  }
0x2f7: {  	_ =	sdelay $0x1  }
0x2f8: {  	s6 =	sadd.s32 $0x28000, s6  }
.LBB2_19:
.Ltmp12:
0x2f9: {  	(pc) =	sbr.rel @!p0 .LBB2_21-.Ltmp12, $3  }
0x2fa: {  	_ =	sdelay $0x1  }
0x2fb: {  	_ =	swait.ge [sflag:s11], $0x500  }
0x2fc: {  	s0 =	sadd.s32 $0xFFFFFFFF, s5;
	[sflag:s11] =	ssyncset.done $0x0  }
.LBB2_20:
0x2fd: {  	p0 =	sne.s32 s0, $0x1;
	s0 =	sadd.s32 $0xFFFFFFFF, s0;
	[sflag:s11] =	ssyncadd.s32 $0xFFFFFB00  }
.Ltmp13:
0x2fe: {  	(pc) =	sbr.rel @p0 .LBB2_20-.Ltmp13, $3  }
0x2ff: {  	_ =	sdelay $0x1  }
0x300: {  	_ =	swait.ge [sflag:s11], $0x500  }
0x301: {  	[sflag:s11] =	ssyncset.done $0x0  }
.LBB2_21:
0x302: {  	s30 =	sadd.s32 $0x1, s30;
	s0 =	rddreg [dreg:$0x5]  }
0x303: {  	p0 =	sne.s32 s30, s0  }
.Ltmp14:
0x304: {  	_ = 	snop;
	(pc) =	sbr.rel @p0 .LBB2_1-.Ltmp14, $2  }
0x305: {  	_ =	sdelay $0x2  }
0x306: {  	[sflag:s11] =	ssyncadd.s32 $0xFFFFFB00  }
0x307: {  	_ =	sfence.sel $0x180000  }
0x308: {  	[bflag:$0x0] =	sbarrier.arrive $0xFFFF  }
0x309: {  	_ =	strace $0x9000004A  }
0x30a: {  	s0 =	stileid.u32;
	[bflag:$0x2] =	sbarrier.arrive $0xFFFF  }
0x30b: {  	p0 =	sne.s32 s0, $0x0;
	s0 =	rddreg [dreg:$0x3]  }
0x30c: {  	s0 =	sadd.s32 @!p0 $0x100000, s0  }
0x30d: {  	[sflag:s0] =	ssyncadd.tile.s32 @!p0 $0x1;
	_ =	shalt  }
.Lfunc_end2:
_tile_overlayer_lowered:
.L_overlay_start_2:
0x30e: {  	(tag) =	ssettag $0x2  }
0x30f: {  	s0 =	rddreg [dreg:$0x0];
	s2 =	stileid.u32  }
0x310: {  	s1 =	rddreg [dreg:$0x1];
	p0 =	sne.s32 s2, $0x0  }
0x311: {  	s3 =	rddreg [dreg:$0x2];
	[bflag:$0x3] =	sbarrier.arrive $0xFFFF;
	s2 =	simm.s32 @!p0 $0x1C07  }
0x312: {  	[timem:s3], [sflag:s2] =	dma.local @!p0 [hbm:s0], s1  }
0x313: {  	s0 =	simm.s32 @!p0 $0x7  }
0x314: {  	_ =	swait.ge @!p0 [sflag:s0], s1  }
0x315: {  	s1 =	ssub.s32 @!p0 $0x0, s1;
	[sflag:s0] =	ssyncset.done @!p0 $0x0  }
0x316: {  	[sflag:s0] =	ssyncadd.s32 @!p0 s1  }
0x317: {  	[bflag:$0x3] =	sbarrier.arrive $0xFFFF  }
0x318: {  	_ =	shalt  }

</sc_bundles>
